<compile_context>
chip_gen: v7x
topology: tpu7x:2x2x1
jax: 0.10.2.dev20260603
libtpu: 0.0.44.dev20260713+nightly
codegen_flags: <defaults>
</compile_context>

<pallas_src>
import jax
import jax.numpy as jnp
from jax import lax
from jax.experimental import pallas as pl
from jax.experimental.pallas import tpu as pltpu
from jax.experimental.pallas import tpu_sc as plsc

NUM_E = 64
TOPK = 8
LANES = 16
NC = 2
NS = 16
NW = NC * NS


def _fold_sum(vals):
    vals = list(vals)
    p = 1
    while p < len(vals):
        p *= 2
    while p > 1:
        p //= 2
        nxt = []
        for i in range(p):
            if i + p < len(vals):
                nxt.append(vals[i] + vals[i + p])
            elif i < len(vals):
                nxt.append(vals[i])
        vals = nxt
    return vals[0]


def _sc_body(conf_hbm, wealth_hbm, sel_hbm, rw_hbm, pay_hbm,
             conf_v, wealth_v, bids_v, sel_v, rw_v, pay_v):
    tpw = conf_v.shape[0]
    wid = lax.axis_index("s") * NC + lax.axis_index("c")
    base = wid * tpw
    pltpu.sync_copy(conf_hbm.at[pl.ds(base, tpw)], conf_v)
    pltpu.sync_copy(wealth_hbm, wealth_v)

    iota = lax.broadcasted_iota(jnp.int32, (LANES,), 0)
    ninf = jnp.full((LANES,), -jnp.inf, jnp.float32)

    def group(g, _):
        tok = g * LANES + iota

        def combine(a, b):
            (va, ia), (vb, ib) = a, b
            p = vb > va
            return jnp.where(p, vb, va), jnp.where(p, ib, ia)

        def tourney(entries):
            while len(entries) > 1:
                entries = [combine(entries[i], entries[i + 1])
                           for i in range(0, len(entries), 2)]
            return entries[0]

        bw = []
        for blk in range(0, NUM_E, 8):
            leaves = []
            for e in range(blk, blk + 8):
                col = plsc.load_gather(conf_v, [tok, jnp.full((LANES,), e, jnp.int32)])
                b = col * wealth_v[pl.ds(e * LANES, LANES)]
                bids_v[pl.ds(e * LANES, LANES)] = b
                leaves.append((b, jnp.full((LANES,), e, jnp.int32)))
            bw.append(tourney(leaves))

        ms = []
        idxs = []
        for j in range(TOPK):
            m, midx = tourney(list(bw))
            ms.append(m)
            idxs.append(midx)
            if j == TOPK - 1:
                break
            plsc.store_scatter(bids_v, [midx * LANES + iota], ninf)
            blkid = jnp.right_shift(midx, 3)
            blkbase = jnp.left_shift(blkid, 3)
            cand = []
            for s in range(8):
                eidx = blkbase + s
                v = plsc.load_gather(bids_v, [jnp.left_shift(eidx, 4) + iota])
                cand.append((v, eidx))
            nv, ni = tourney(cand)
            for b in range(8):
                pb = blkid == b
                bw[b] = (jnp.where(pb, nv, bw[b][0]),
                         jnp.where(pb, ni, bw[b][1]))

        m0 = ms[0]
        zacc = [jnp.zeros((LANES,), jnp.float32) for _ in range(4)]
        for e in range(NUM_E):
            zacc[e % 4] = zacc[e % 4] + jnp.exp(
                bids_v[pl.ds(e * LANES, LANES)] - m0)
        z = (zacc[0] + zacc[1]) + (zacc[2] + zacc[3])
        es = [jnp.exp(mj - m0) for mj in ms]
        z = z + ((es[0] + es[1]) + (es[2] + es[3])) + (
            (es[4] + es[5]) + (es[6] + es[7]))
        s = [ej / z for ej in es]
        denom = _fold_sum(s) + 1e-8
        rws = [sj / denom for sj in s]

        s8 = ms[0]
        for mj in ms[1:]:
            s8 = s8 + mj
        pays = []
        for j in range(TOPK):
            others = ms[:j] + ms[j + 1:]
            s7 = _fold_sum(others)
            pays.append(jnp.maximum(s7 - (s8 - ms[j]), 0.0))

        for j in range(TOPK):
            jcol = jnp.full((LANES,), j, jnp.int32)
            plsc.store_scatter(sel_v, [tok, jcol], idxs[j])
            plsc.store_scatter(rw_v, [tok, jcol], rws[j])
            plsc.store_scatter(pay_v, [tok, jcol], pays[j])
        return ()

    lax.fori_loop(0, tpw // LANES, group, (), unroll=False)

    pltpu.sync_copy(sel_v, sel_hbm.at[pl.ds(base, tpw)])
    pltpu.sync_copy(rw_v, rw_hbm.at[pl.ds(base, tpw)])
    pltpu.sync_copy(pay_v, pay_hbm.at[pl.ds(base, tpw)])


@jax.jit
def _run(confidences, wealth):
    b, s, e = confidences.shape
    t = b * s
    tpw = t // NW
    conf2 = confidences.reshape(t, e)
    wealth_rep = jnp.broadcast_to(wealth[:, None], (e, LANES)).reshape(-1)
    mesh = plsc.VectorSubcoreMesh(core_axis_name="c", subcore_axis_name="s")
    wk = pl.kernel(
        _sc_body,
        out_type=[
            jax.ShapeDtypeStruct((t, TOPK), jnp.int32),
            jax.ShapeDtypeStruct((t, TOPK), jnp.float32),
            jax.ShapeDtypeStruct((t, TOPK), jnp.float32),
        ],
        mesh=mesh,
        compiler_params=pltpu.CompilerParams(needs_layout_passes=False, use_tc_tiling_on_sc=False),
        scratch_types=[
            pltpu.VMEM((tpw, e), jnp.float32),
            pltpu.VMEM((e * LANES,), jnp.float32),
            pltpu.VMEM((NUM_E * LANES,), jnp.float32),
            pltpu.VMEM((tpw, TOPK), jnp.int32),
            pltpu.VMEM((tpw, TOPK), jnp.float32),
            pltpu.VMEM((tpw, TOPK), jnp.float32),
        ],
    )
    sel, rw, pay = wk(conf2, wealth_rep)
    return (sel.reshape(b, s, TOPK), rw.reshape(b, s, TOPK),
            pay.reshape(b, s, TOPK))


def kernel(confidences, wealth):
    return _run(confidences, wealth)

# --- scband reference (transcript-rebuilt; emitter-appended) ---
"""Pipeline reference for scband-vcgauctioneer-7533372637968 (READ-ONLY COPY).

The authoritative reference and input builder live on the scoring server;
editing this copy changes nothing except your own understanding.
"""

import jax, jax.numpy as jnp
import numpy as np

NUM_EXPERTS = 64
TOP_K = 8


def setup_inputs(seed: int = 0) -> dict:
    key = jax.random.key(seed)
    k1, k2 = jax.random.split(key)
    confidences = jax.random.uniform(k1, (4, 8192, NUM_EXPERTS), dtype=jnp.float32)
    wealth = jax.random.uniform(k2, (NUM_EXPERTS,), dtype=jnp.float32)
    return {"confidences": confidences, "wealth": wealth}


def _vcg_payments(bids, selected_experts):
    B, S, E = bids.shape
    k = TOP_K
    if k >= E:
        return jnp.zeros((B, S, k), dtype=bids.dtype)
    winner_bids = jnp.take_along_axis(bids, selected_experts, axis=-1)
    other_winner_welfare = jnp.sum(winner_bids, axis=-1, keepdims=True) - winner_bids
    pays = []
    for j in range(k):
        oh = jax.nn.one_hot(selected_experts[:, :, j], E, dtype=bool)
        masked_bids = jnp.where(oh, -jnp.inf, bids)
        if k > 1:
            top_without_j, _ = jax.lax.top_k(masked_bids, k - 1)
        else:
            top_without_j = jnp.zeros((B, S, 0), dtype=bids.dtype)
        welfare_without_j = jnp.sum(top_without_j, axis=-1)
        pays.append(jnp.maximum(welfare_without_j - other_winner_welfare[:, :, j], 0.0))
    return jnp.stack(pays, axis=-1)


def _differentiable_routing(bids, selected_experts):
    E = bids.shape[-1]
    soft_weights = jax.nn.softmax(bids, axis=-1)
    hard_mask = jnp.sum(jax.nn.one_hot(selected_experts, E, dtype=bids.dtype), axis=-2)
    differentiable_mask = hard_mask + (soft_weights - jax.lax.stop_gradient(soft_weights))
    routing_weights_full = differentiable_mask * soft_weights
    routing_weights = jnp.take_along_axis(routing_weights_full, selected_experts, axis=-1)
    return routing_weights / (jnp.sum(routing_weights, axis=-1, keepdims=True) + 1e-08)


def reference(confidences, wealth):
    # bids = confidences * wealth (broadcast over batch, seq)
    bids = confidences * wealth[None, None, :]
    top_bids, selected_experts = jax.lax.top_k(bids, TOP_K)
    payments = _vcg_payments(bids, selected_experts)
    # module default: training=True, differentiable=True -> straight-through routing
    routing_weights = _differentiable_routing(bids, selected_experts)
    return (selected_experts, routing_weights, payments)

if __name__ == "__main__":
    import jax
    _d = setup_inputs()
    print(jax.jit(kernel)(*tuple(_d.values())))

</pallas_src>

<mosaic_0001>
#map = affine_map<(d0, d1) -> (0, 0)>
#map1 = affine_map<(d0, d1) -> (0)>
module attributes {stable_mosaic.version = 14 : i64} {
  func.func @_sc_body(%arg0: i32, %arg1: i32, %arg2: memref<32768x64xf32, #tpu.memory_space<hbm>>, %arg3: memref<1024xf32, #tpu.memory_space<hbm>>, %arg4: memref<32768x8xi32, #tpu.memory_space<hbm>>, %arg5: memref<32768x8xf32, #tpu.memory_space<hbm>>, %arg6: memref<32768x8xf32, #tpu.memory_space<hbm>>, %arg7: memref<1024x64xf32, #tpu.memory_space<vmem>>, %arg8: memref<1024xf32, #tpu.memory_space<vmem>>, %arg9: memref<1024xf32, #tpu.memory_space<vmem>>, %arg10: memref<1024x8xi32, #tpu.memory_space<vmem>>, %arg11: memref<1024x8xf32, #tpu.memory_space<vmem>>, %arg12: memref<1024x8xf32, #tpu.memory_space<vmem>>) attributes {dimension_semantics = [#tpu.dimension_semantics<core_parallel>, #tpu.dimension_semantics<subcore_parallel>], iteration_bounds = array<i64: 2, 16>, scalar_prefetch = 0 : i64, scratch_operands = 6 : i64, tpu.core_type = #tpu.core_type<sc_vector_subcore>, window_params = [{transform_indices = #map}, {transform_indices = #map1}, {transform_indices = #map}, {transform_indices = #map}, {transform_indices = #map}]} {
    %mul3A = arith.constant 2 : i32
    %mul3A_0 = arith.muli %arg1, %mul3A : i32
    %add3A = arith.addi %mul3A_0, %arg0 : i32
    %mul3A_1 = arith.constant 1024 : i32
    %mul3A_2 = arith.muli %add3A, %mul3A_1 : i32
    "tpu.region"() ({
      %run_scoped3A = tpu.sem_alloc : memref<!tpu.dma_semaphore, #tpu.memory_space<semaphore_mem>>
      %dma_start3A = arith.constant 0 : i32
      %dma_start3A_8 = tpu.memref_slice %arg2[%mul3A_2, %dma_start3A] : memref<32768x64xf32, #tpu.memory_space<hbm>> -> memref<1024x64xf32, #tpu.memory_space<hbm>>
      %dma_start3A_9 = arith.constant 0 : i32
      %dma_start3A_10 = tpu.memref_slice %arg2[%mul3A_2, %dma_start3A_9] : memref<32768x64xf32, #tpu.memory_space<hbm>> -> memref<1024x64xf32, #tpu.memory_space<hbm>>
      tpu.enqueue_dma source(%dma_start3A_10 : memref<1024x64xf32, #tpu.memory_space<hbm>>) target(%arg7 : memref<1024x64xf32, #tpu.memory_space<vmem>>) target_semaphore(%run_scoped3A : memref<!tpu.dma_semaphore, #tpu.memory_space<semaphore_mem>>)
      %dma_wait3A = arith.constant 0 : i32
      %dma_wait3A_11 = tpu.memref_slice %arg2[%mul3A_2, %dma_wait3A] : memref<32768x64xf32, #tpu.memory_space<hbm>> -> memref<1024x64xf32, #tpu.memory_space<hbm>>
      %dma_wait3A_12 = arith.constant 0 : i32
      %dma_wait3A_13 = tpu.memref_slice %arg2[%mul3A_2, %dma_wait3A_12] : memref<32768x64xf32, #tpu.memory_space<hbm>> -> memref<1024x64xf32, #tpu.memory_space<hbm>>
      tpu.wait_dma2 semaphore(%run_scoped3A : memref<!tpu.dma_semaphore, #tpu.memory_space<semaphore_mem>>) src(%dma_wait3A_13 : memref<1024x64xf32, #tpu.memory_space<hbm>>) dst(%arg7 : memref<1024x64xf32, #tpu.memory_space<vmem>>)
      tpu.yield
    }) : () -> ()
    "tpu.region"() ({
      %run_scoped3A = tpu.sem_alloc : memref<!tpu.dma_semaphore, #tpu.memory_space<semaphore_mem>>
      tpu.enqueue_dma source(%arg3 : memref<1024xf32, #tpu.memory_space<hbm>>) target(%arg8 : memref<1024xf32, #tpu.memory_space<vmem>>) target_semaphore(%run_scoped3A : memref<!tpu.dma_semaphore, #tpu.memory_space<semaphore_mem>>)
      tpu.wait_dma2 semaphore(%run_scoped3A : memref<!tpu.dma_semaphore, #tpu.memory_space<semaphore_mem>>) src(%arg3 : memref<1024xf32, #tpu.memory_space<hbm>>) dst(%arg8 : memref<1024xf32, #tpu.memory_space<vmem>>)
      tpu.yield
    }) : () -> ()
    %iota3A = tpu.iota {dimensions = array<i32: 0>} : vector<16xi32>
    %broadcast_in_dim3A = arith.constant 0xFF800000 : f32
    %broadcast_in_dim3A_3 = vector.broadcast %broadcast_in_dim3A : f32 to vector<16xf32>
    %scan3A = arith.constant 0 : i32
    %scan3A_4 = arith.constant 64 : i32
    %scan3A_5 = arith.addi %scan3A, %scan3A_4 : i32
    %scan3A_6 = arith.constant 1 : i32
    scf.for %scan3A_8 = %scan3A to %scan3A_5 step %scan3A_6  : i32 {
      %mul3A_9 = arith.constant 16 : i32
      %mul3A_10 = arith.muli %scan3A_8, %mul3A_9 : i32
      %add3A_11 = vector.broadcast %mul3A_10 : i32 to vector<16xi32>
      %add3A_12 = arith.addi %add3A_11, %iota3A : vector<16xi32>
      %broadcast_in_dim3A_13 = arith.constant 0 : i32
      %broadcast_in_dim3A_14 = vector.broadcast %broadcast_in_dim3A_13 : i32 to vector<16xi32>
      %gather3A = tpu.vector_load_idx %arg7[%add3A_12, %broadcast_in_dim3A_14] : memref<1024x64xf32, #tpu.memory_space<vmem>>[vector<16xi32>, vector<16xi32>], vector<16xf32>,
      %get3A = arith.constant 0 : index
      %get3A_15 = tpu.vector_load %arg8[%get3A] {strides = array<i32>} : memref<1024xf32, #tpu.memory_space<vmem>>, vector<16xf32>,
      %mul3A_16 = arith.mulf %gather3A, %get3A_15 : vector<16xf32>
      %swap3A = arith.constant 0 : index
      %swap3A_17 = tpu.vector_load %arg9[%swap3A] {strides = array<i32>} : memref<1024xf32, #tpu.memory_space<vmem>>, vector<16xf32>,
      tpu.vector_store %arg9[%swap3A], %mul3A_16 {strides = array<i32>} : memref<1024xf32, #tpu.memory_space<vmem>>, vector<16xf32>,
      %broadcast_in_dim3A_18 = arith.constant 0 : i32
      %broadcast_in_dim3A_19 = vector.broadcast %broadcast_in_dim3A_18 : i32 to vector<16xi32>
      %broadcast_in_dim3A_20 = arith.constant 1 : i32
      %broadcast_in_dim3A_21 = vector.broadcast %broadcast_in_dim3A_20 : i32 to vector<16xi32>
      %gather3A_22 = tpu.vector_load_idx %arg7[%add3A_12, %broadcast_in_dim3A_21] : memref<1024x64xf32, #tpu.memory_space<vmem>>[vector<16xi32>, vector<16xi32>], vector<16xf32>,
      %get3A_23 = arith.constant 16 : index
      %get3A_24 = tpu.vector_load %arg8[%get3A_23] {strides = array<i32>} : memref<1024xf32, #tpu.memory_space<vmem>>, vector<16xf32>,
      %mul3A_25 = arith.mulf %gather3A_22, %get3A_24 : vector<16xf32>
      %swap3A_26 = arith.constant 16 : index
      %swap3A_27 = tpu.vector_load %arg9[%swap3A_26] {strides = array<i32>} : memref<1024xf32, #tpu.memory_space<vmem>>, vector<16xf32>,
      tpu.vector_store %arg9[%swap3A_26], %mul3A_25 {strides = array<i32>} : memref<1024xf32, #tpu.memory_space<vmem>>, vector<16xf32>,
      %broadcast_in_dim3A_28 = arith.constant 1 : i32
      %broadcast_in_dim3A_29 = vector.broadcast %broadcast_in_dim3A_28 : i32 to vector<16xi32>
      %broadcast_in_dim3A_30 = arith.constant 2 : i32
      %broadcast_in_dim3A_31 = vector.broadcast %broadcast_in_dim3A_30 : i32 to vector<16xi32>
      %gather3A_32 = tpu.vector_load_idx %arg7[%add3A_12, %broadcast_in_dim3A_31] : memref<1024x64xf32, #tpu.memory_space<vmem>>[vector<16xi32>, vector<16xi32>], vector<16xf32>,
      %get3A_33 = arith.constant 32 : index
      %get3A_34 = tpu.vector_load %arg8[%get3A_33] {strides = array<i32>} : memref<1024xf32, #tpu.memory_space<vmem>>, vector<16xf32>,
      %mul3A_35 = arith.mulf %gather3A_32, %get3A_34 : vector<16xf32>
      %swap3A_36 = arith.constant 32 : index
      %swap3A_37 = tpu.vector_load %arg9[%swap3A_36] {strides = array<i32>} : memref<1024xf32, #tpu.memory_space<vmem>>, vector<16xf32>,
      tpu.vector_store %arg9[%swap3A_36], %mul3A_35 {strides = array<i32>} : memref<1024xf32, #tpu.memory_space<vmem>>, vector<16xf32>,
      %broadcast_in_dim3A_38 = arith.constant 2 : i32
      %broadcast_in_dim3A_39 = vector.broadcast %broadcast_in_dim3A_38 : i32 to vector<16xi32>
      %broadcast_in_dim3A_40 = arith.constant 3 : i32
      %broadcast_in_dim3A_41 = vector.broadcast %broadcast_in_dim3A_40 : i32 to vector<16xi32>
      %gather3A_42 = tpu.vector_load_idx %arg7[%add3A_12, %broadcast_in_dim3A_41] : memref<1024x64xf32, #tpu.memory_space<vmem>>[vector<16xi32>, vector<16xi32>], vector<16xf32>,
      %get3A_43 = arith.constant 48 : index
      %get3A_44 = tpu.vector_load %arg8[%get3A_43] {strides = array<i32>} : memref<1024xf32, #tpu.memory_space<vmem>>, vector<16xf32>,
      %mul3A_45 = arith.mulf %gather3A_42, %get3A_44 : vector<16xf32>
      %swap3A_46 = arith.constant 48 : index
      %swap3A_47 = tpu.vector_load %arg9[%swap3A_46] {strides = array<i32>} : memref<1024xf32, #tpu.memory_space<vmem>>, vector<16xf32>,
      tpu.vector_store %arg9[%swap3A_46], %mul3A_45 {strides = array<i32>} : memref<1024xf32, #tpu.memory_space<vmem>>, vector<16xf32>,
      %broadcast_in_dim3A_48 = arith.constant 3 : i32
      %broadcast_in_dim3A_49 = vector.broadcast %broadcast_in_dim3A_48 : i32 to vector<16xi32>
      %broadcast_in_dim3A_50 = arith.constant 4 : i32
      %broadcast_in_dim3A_51 = vector.broadcast %broadcast_in_dim3A_50 : i32 to vector<16xi32>
      %gather3A_52 = tpu.vector_load_idx %arg7[%add3A_12, %broadcast_in_dim3A_51] : memref<1024x64xf32, #tpu.memory_space<vmem>>[vector<16xi32>, vector<16xi32>], vector<16xf32>,
      %get3A_53 = arith.constant 64 : index
      %get3A_54 = tpu.vector_load %arg8[%get3A_53] {strides = array<i32>} : memref<1024xf32, #tpu.memory_space<vmem>>, vector<16xf32>,
      %mul3A_55 = arith.mulf %gather3A_52, %get3A_54 : vector<16xf32>
      %swap3A_56 = arith.constant 64 : index
      %swap3A_57 = tpu.vector_load %arg9[%swap3A_56] {strides = array<i32>} : memref<1024xf32, #tpu.memory_space<vmem>>, vector<16xf32>,
      tpu.vector_store %arg9[%swap3A_56], %mul3A_55 {strides = array<i32>} : memref<1024xf32, #tpu.memory_space<vmem>>, vector<16xf32>,
      %broadcast_in_dim3A_58 = arith.constant 4 : i32
      %broadcast_in_dim3A_59 = vector.broadcast %broadcast_in_dim3A_58 : i32 to vector<16xi32>
      %broadcast_in_dim3A_60 = arith.constant 5 : i32
      %broadcast_in_dim3A_61 = vector.broadcast %broadcast_in_dim3A_60 : i32 to vector<16xi32>
      %gather3A_62 = tpu.vector_load_idx %arg7[%add3A_12, %broadcast_in_dim3A_61] : memref<1024x64xf32, #tpu.memory_space<vmem>>[vector<16xi32>, vector<16xi32>], vector<16xf32>,
      %get3A_63 = arith.constant 80 : index
      %get3A_64 = tpu.vector_load %arg8[%get3A_63] {strides = array<i32>} : memref<1024xf32, #tpu.memory_space<vmem>>, vector<16xf32>,
      %mul3A_65 = arith.mulf %gather3A_62, %get3A_64 : vector<16xf32>
      %swap3A_66 = arith.constant 80 : index
      %swap3A_67 = tpu.vector_load %arg9[%swap3A_66] {strides = array<i32>} : memref<1024xf32, #tpu.memory_space<vmem>>, vector<16xf32>,
      tpu.vector_store %arg9[%swap3A_66], %mul3A_65 {strides = array<i32>} : memref<1024xf32, #tpu.memory_space<vmem>>, vector<16xf32>,
      %broadcast_in_dim3A_68 = arith.constant 5 : i32
      %broadcast_in_dim3A_69 = vector.broadcast %broadcast_in_dim3A_68 : i32 to vector<16xi32>
      %broadcast_in_dim3A_70 = arith.constant 6 : i32
      %broadcast_in_dim3A_71 = vector.broadcast %broadcast_in_dim3A_70 : i32 to vector<16xi32>
      %gather3A_72 = tpu.vector_load_idx %arg7[%add3A_12, %broadcast_in_dim3A_71] : memref<1024x64xf32, #tpu.memory_space<vmem>>[vector<16xi32>, vector<16xi32>], vector<16xf32>,
      %get3A_73 = arith.constant 96 : index
      %get3A_74 = tpu.vector_load %arg8[%get3A_73] {strides = array<i32>} : memref<1024xf32, #tpu.memory_space<vmem>>, vector<16xf32>,
      %mul3A_75 = arith.mulf %gather3A_72, %get3A_74 : vector<16xf32>
      %swap3A_76 = arith.constant 96 : index
      %swap3A_77 = tpu.vector_load %arg9[%swap3A_76] {strides = array<i32>} : memref<1024xf32, #tpu.memory_space<vmem>>, vector<16xf32>,
      tpu.vector_store %arg9[%swap3A_76], %mul3A_75 {strides = array<i32>} : memref<1024xf32, #tpu.memory_space<vmem>>, vector<16xf32>,
      %broadcast_in_dim3A_78 = arith.constant 6 : i32
      %broadcast_in_dim3A_79 = vector.broadcast %broadcast_in_dim3A_78 : i32 to vector<16xi32>
      %broadcast_in_dim3A_80 = arith.constant 7 : i32
      %broadcast_in_dim3A_81 = vector.broadcast %broadcast_in_dim3A_80 : i32 to vector<16xi32>
      %gather3A_82 = tpu.vector_load_idx %arg7[%add3A_12, %broadcast_in_dim3A_81] : memref<1024x64xf32, #tpu.memory_space<vmem>>[vector<16xi32>, vector<16xi32>], vector<16xf32>,
      %get3A_83 = arith.constant 112 : index
      %get3A_84 = tpu.vector_load %arg8[%get3A_83] {strides = array<i32>} : memref<1024xf32, #tpu.memory_space<vmem>>, vector<16xf32>,
      %mul3A_85 = arith.mulf %gather3A_82, %get3A_84 : vector<16xf32>
      %swap3A_86 = arith.constant 112 : index
      %swap3A_87 = tpu.vector_load %arg9[%swap3A_86] {strides = array<i32>} : memref<1024xf32, #tpu.memory_space<vmem>>, vector<16xf32>,
      tpu.vector_store %arg9[%swap3A_86], %mul3A_85 {strides = array<i32>} : memref<1024xf32, #tpu.memory_space<vmem>>, vector<16xf32>,
      %broadcast_in_dim3A_88 = arith.constant 7 : i32
      %broadcast_in_dim3A_89 = vector.broadcast %broadcast_in_dim3A_88 : i32 to vector<16xi32>
      %gt3A = arith.cmpf ogt, %mul3A_25, %mul3A_16 : vector<16xf32>
      %select_n3A = arith.select %gt3A, %mul3A_25, %mul3A_16 : vector<16xi1>, vector<16xf32>
      %select_n3A_90 = arith.select %gt3A, %broadcast_in_dim3A_29, %broadcast_in_dim3A_19 : vector<16xi1>, vector<16xi32>
      %gt3A_91 = arith.cmpf ogt, %mul3A_45, %mul3A_35 : vector<16xf32>
      %select_n3A_92 = arith.select %gt3A_91, %mul3A_45, %mul3A_35 : vector<16xi1>, vector<16xf32>
      %select_n3A_93 = arith.select %gt3A_91, %broadcast_in_dim3A_49, %broadcast_in_dim3A_39 : vector<16xi1>, vector<16xi32>
      %gt3A_94 = arith.cmpf ogt, %mul3A_65, %mul3A_55 : vector<16xf32>
      %select_n3A_95 = arith.select %gt3A_94, %mul3A_65, %mul3A_55 : vector<16xi1>, vector<16xf32>
      %select_n3A_96 = arith.select %gt3A_94, %broadcast_in_dim3A_69, %broadcast_in_dim3A_59 : vector<16xi1>, vector<16xi32>
      %gt3A_97 = arith.cmpf ogt, %mul3A_85, %mul3A_75 : vector<16xf32>
      %select_n3A_98 = arith.select %gt3A_97, %mul3A_85, %mul3A_75 : vector<16xi1>, vector<16xf32>
      %select_n3A_99 = arith.select %gt3A_97, %broadcast_in_dim3A_89, %broadcast_in_dim3A_79 : vector<16xi1>, vector<16xi32>
      %gt3A_100 = arith.cmpf ogt, %select_n3A_92, %select_n3A : vector<16xf32>
      %select_n3A_101 = arith.select %gt3A_100, %select_n3A_92, %select_n3A : vector<16xi1>, vector<16xf32>
      %select_n3A_102 = arith.select %gt3A_100, %select_n3A_93, %select_n3A_90 : vector<16xi1>, vector<16xi32>
      %gt3A_103 = arith.cmpf ogt, %select_n3A_98, %select_n3A_95 : vector<16xf32>
      %select_n3A_104 = arith.select %gt3A_103, %select_n3A_98, %select_n3A_95 : vector<16xi1>, vector<16xf32>
      %select_n3A_105 = arith.select %gt3A_103, %select_n3A_99, %select_n3A_96 : vector<16xi1>, vector<16xi32>
      %gt3A_106 = arith.cmpf ogt, %select_n3A_104, %select_n3A_101 : vector<16xf32>
      %select_n3A_107 = arith.select %gt3A_106, %select_n3A_104, %select_n3A_101 : vector<16xi1>, vector<16xf32>
      %select_n3A_108 = arith.select %gt3A_106, %select_n3A_105, %select_n3A_102 : vector<16xi1>, vector<16xi32>
      %broadcast_in_dim3A_109 = arith.constant 8 : i32
      %broadcast_in_dim3A_110 = vector.broadcast %broadcast_in_dim3A_109 : i32 to vector<16xi32>
      %gather3A_111 = tpu.vector_load_idx %arg7[%add3A_12, %broadcast_in_dim3A_110] : memref<1024x64xf32, #tpu.memory_space<vmem>>[vector<16xi32>, vector<16xi32>], vector<16xf32>,
      %get3A_112 = arith.constant 128 : index
      %get3A_113 = tpu.vector_load %arg8[%get3A_112] {strides = array<i32>} : memref<1024xf32, #tpu.memory_space<vmem>>, vector<16xf32>,
      %mul3A_114 = arith.mulf %gather3A_111, %get3A_113 : vector<16xf32>
      %swap3A_115 = arith.constant 128 : index
      %swap3A_116 = tpu.vector_load %arg9[%swap3A_115] {strides = array<i32>} : memref<1024xf32, #tpu.memory_space<vmem>>, vector<16xf32>,
      tpu.vector_store %arg9[%swap3A_115], %mul3A_114 {strides = array<i32>} : memref<1024xf32, #tpu.memory_space<vmem>>, vector<16xf32>,
      %broadcast_in_dim3A_117 = arith.constant 8 : i32
      %broadcast_in_dim3A_118 = vector.broadcast %broadcast_in_dim3A_117 : i32 to vector<16xi32>
      %broadcast_in_dim3A_119 = arith.constant 9 : i32
      %broadcast_in_dim3A_120 = vector.broadcast %broadcast_in_dim3A_119 : i32 to vector<16xi32>
      %gather3A_121 = tpu.vector_load_idx %arg7[%add3A_12, %broadcast_in_dim3A_120] : memref<1024x64xf32, #tpu.memory_space<vmem>>[vector<16xi32>, vector<16xi32>], vector<16xf32>,
      %get3A_122 = arith.constant 144 : index
      %get3A_123 = tpu.vector_load %arg8[%get3A_122] {strides = array<i32>} : memref<1024xf32, #tpu.memory_space<vmem>>, vector<16xf32>,
      %mul3A_124 = arith.mulf %gather3A_121, %get3A_123 : vector<16xf32>
      %swap3A_125 = arith.constant 144 : index
      %swap3A_126 = tpu.vector_load %arg9[%swap3A_125] {strides = array<i32>} : memref<1024xf32, #tpu.memory_space<vmem>>, vector<16xf32>,
      tpu.vector_store %arg9[%swap3A_125], %mul3A_124 {strides = array<i32>} : memref<1024xf32, #tpu.memory_space<vmem>>, vector<16xf32>,
      %broadcast_in_dim3A_127 = arith.constant 9 : i32
      %broadcast_in_dim3A_128 = vector.broadcast %broadcast_in_dim3A_127 : i32 to vector<16xi32>
      %broadcast_in_dim3A_129 = arith.constant 10 : i32
      %broadcast_in_dim3A_130 = vector.broadcast %broadcast_in_dim3A_129 : i32 to vector<16xi32>
      %gather3A_131 = tpu.vector_load_idx %arg7[%add3A_12, %broadcast_in_dim3A_130] : memref<1024x64xf32, #tpu.memory_space<vmem>>[vector<16xi32>, vector<16xi32>], vector<16xf32>,
      %get3A_132 = arith.constant 160 : index
      %get3A_133 = tpu.vector_load %arg8[%get3A_132] {strides = array<i32>} : memref<1024xf32, #tpu.memory_space<vmem>>, vector<16xf32>,
      %mul3A_134 = arith.mulf %gather3A_131, %get3A_133 : vector<16xf32>
      %swap3A_135 = arith.constant 160 : index
      %swap3A_136 = tpu.vector_load %arg9[%swap3A_135] {strides = array<i32>} : memref<1024xf32, #tpu.memory_space<vmem>>, vector<16xf32>,
      tpu.vector_store %arg9[%swap3A_135], %mul3A_134 {strides = array<i32>} : memref<1024xf32, #tpu.memory_space<vmem>>, vector<16xf32>,
      %broadcast_in_dim3A_137 = arith.constant 10 : i32
      %broadcast_in_dim3A_138 = vector.broadcast %broadcast_in_dim3A_137 : i32 to vector<16xi32>
      %broadcast_in_dim3A_139 = arith.constant 11 : i32
      %broadcast_in_dim3A_140 = vector.broadcast %broadcast_in_dim3A_139 : i32 to vector<16xi32>
      %gather3A_141 = tpu.vector_load_idx %arg7[%add3A_12, %broadcast_in_dim3A_140] : memref<1024x64xf32, #tpu.memory_space<vmem>>[vector<16xi32>, vector<16xi32>], vector<16xf32>,
      %get3A_142 = arith.constant 176 : index
      %get3A_143 = tpu.vector_load %arg8[%get3A_142] {strides = array<i32>} : memref<1024xf32, #tpu.memory_space<vmem>>, vector<16xf32>,
      %mul3A_144 = arith.mulf %gather3A_141, %get3A_143 : vector<16xf32>
      %swap3A_145 = arith.constant 176 : index
      %swap3A_146 = tpu.vector_load %arg9[%swap3A_145] {strides = array<i32>} : memref<1024xf32, #tpu.memory_space<vmem>>, vector<16xf32>,
      tpu.vector_store %arg9[%swap3A_145], %mul3A_144 {strides = array<i32>} : memref<1024xf32, #tpu.memory_space<vmem>>, vector<16xf32>,
      %broadcast_in_dim3A_147 = arith.constant 11 : i32
      %broadcast_in_dim3A_148 = vector.broadcast %broadcast_in_dim3A_147 : i32 to vector<16xi32>
      %broadcast_in_dim3A_149 = arith.constant 12 : i32
      %broadcast_in_dim3A_150 = vector.broadcast %broadcast_in_dim3A_149 : i32 to vector<16xi32>
      %gather3A_151 = tpu.vector_load_idx %arg7[%add3A_12, %broadcast_in_dim3A_150] : memref<1024x64xf32, #tpu.memory_space<vmem>>[vector<16xi32>, vector<16xi32>], vector<16xf32>,
      %get3A_152 = arith.constant 192 : index
      %get3A_153 = tpu.vector_load %arg8[%get3A_152] {strides = array<i32>} : memref<1024xf32, #tpu.memory_space<vmem>>, vector<16xf32>,
      %mul3A_154 = arith.mulf %gather3A_151, %get3A_153 : vector<16xf32>
      %swap3A_155 = arith.constant 192 : index
      %swap3A_156 = tpu.vector_load %arg9[%swap3A_155] {strides = array<i32>} : memref<1024xf32, #tpu.memory_space<vmem>>, vector<16xf32>,
      tpu.vector_store %arg9[%swap3A_155], %mul3A_154 {strides = array<i32>} : memref<1024xf32, #tpu.memory_space<vmem>>, vector<16xf32>,
      %broadcast_in_dim3A_157 = arith.constant 12 : i32
      %broadcast_in_dim3A_158 = vector.broadcast %broadcast_in_dim3A_157 : i32 to vector<16xi32>
      %broadcast_in_dim3A_159 = arith.constant 13 : i32
      %broadcast_in_dim3A_160 = vector.broadcast %broadcast_in_dim3A_159 : i32 to vector<16xi32>
      %gather3A_161 = tpu.vector_load_idx %arg7[%add3A_12, %broadcast_in_dim3A_160] : memref<1024x64xf32, #tpu.memory_space<vmem>>[vector<16xi32>, vector<16xi32>], vector<16xf32>,
      %get3A_162 = arith.constant 208 : index
      %get3A_163 = tpu.vector_load %arg8[%get3A_162] {strides = array<i32>} : memref<1024xf32, #tpu.memory_space<vmem>>, vector<16xf32>,
      %mul3A_164 = arith.mulf %gather3A_161, %get3A_163 : vector<16xf32>
      %swap3A_165 = arith.constant 208 : index
      %swap3A_166 = tpu.vector_load %arg9[%swap3A_165] {strides = array<i32>} : memref<1024xf32, #tpu.memory_space<vmem>>, vector<16xf32>,
      tpu.vector_store %arg9[%swap3A_165], %mul3A_164 {strides = array<i32>} : memref<1024xf32, #tpu.memory_space<vmem>>, vector<16xf32>,
      %broadcast_in_dim3A_167 = arith.constant 13 : i32
      %broadcast_in_dim3A_168 = vector.broadcast %broadcast_in_dim3A_167 : i32 to vector<16xi32>
      %broadcast_in_dim3A_169 = arith.constant 14 : i32
      %broadcast_in_dim3A_170 = vector.broadcast %broadcast_in_dim3A_169 : i32 to vector<16xi32>
      %gather3A_171 = tpu.vector_load_idx %arg7[%add3A_12, %broadcast_in_dim3A_170] : memref<1024x64xf32, #tpu.memory_space<vmem>>[vector<16xi32>, vector<16xi32>], vector<16xf32>,
      %get3A_172 = arith.constant 224 : index
      %get3A_173 = tpu.vector_load %arg8[%get3A_172] {strides = array<i32>} : memref<1024xf32, #tpu.memory_space<vmem>>, vector<16xf32>,
      %mul3A_174 = arith.mulf %gather3A_171, %get3A_173 : vector<16xf32>
      %swap3A_175 = arith.constant 224 : index
      %swap3A_176 = tpu.vector_load %arg9[%swap3A_175] {strides = array<i32>} : memref<1024xf32, #tpu.memory_space<vmem>>, vector<16xf32>,
      tpu.vector_store %arg9[%swap3A_175], %mul3A_174 {strides = array<i32>} : memref<1024xf32, #tpu.memory_space<vmem>>, vector<16xf32>,
      %broadcast_in_dim3A_177 = arith.constant 14 : i32
      %broadcast_in_dim3A_178 = vector.broadcast %broadcast_in_dim3A_177 : i32 to vector<16xi32>
      %broadcast_in_dim3A_179 = arith.constant 15 : i32
      %broadcast_in_dim3A_180 = vector.broadcast %broadcast_in_dim3A_179 : i32 to vector<16xi32>
      %gather3A_181 = tpu.vector_load_idx %arg7[%add3A_12, %broadcast_in_dim3A_180] : memref<1024x64xf32, #tpu.memory_space<vmem>>[vector<16xi32>, vector<16xi32>], vector<16xf32>,
      %get3A_182 = arith.constant 240 : index
      %get3A_183 = tpu.vector_load %arg8[%get3A_182] {strides = array<i32>} : memref<1024xf32, #tpu.memory_space<vmem>>, vector<16xf32>,
      %mul3A_184 = arith.mulf %gather3A_181, %get3A_183 : vector<16xf32>
      %swap3A_185 = arith.constant 240 : index
      %swap3A_186 = tpu.vector_load %arg9[%swap3A_185] {strides = array<i32>} : memref<1024xf32, #tpu.memory_space<vmem>>, vector<16xf32>,
      tpu.vector_store %arg9[%swap3A_185], %mul3A_184 {strides = array<i32>} : memref<1024xf32, #tpu.memory_space<vmem>>, vector<16xf32>,
      %broadcast_in_dim3A_187 = arith.constant 15 : i32
      %broadcast_in_dim3A_188 = vector.broadcast %broadcast_in_dim3A_187 : i32 to vector<16xi32>
      %gt3A_189 = arith.cmpf ogt, %mul3A_124, %mul3A_114 : vector<16xf32>
      %select_n3A_190 = arith.select %gt3A_189, %mul3A_124, %mul3A_114 : vector<16xi1>, vector<16xf32>
      %select_n3A_191 = arith.select %gt3A_189, %broadcast_in_dim3A_128, %broadcast_in_dim3A_118 : vector<16xi1>, vector<16xi32>
      %gt3A_192 = arith.cmpf ogt, %mul3A_144, %mul3A_134 : vector<16xf32>
      %select_n3A_193 = arith.select %gt3A_192, %mul3A_144, %mul3A_134 : vector<16xi1>, vector<16xf32>
      %select_n3A_194 = arith.select %gt3A_192, %broadcast_in_dim3A_148, %broadcast_in_dim3A_138 : vector<16xi1>, vector<16xi32>
      %gt3A_195 = arith.cmpf ogt, %mul3A_164, %mul3A_154 : vector<16xf32>
      %select_n3A_196 = arith.select %gt3A_195, %mul3A_164, %mul3A_154 : vector<16xi1>, vector<16xf32>
      %select_n3A_197 = arith.select %gt3A_195, %broadcast_in_dim3A_168, %broadcast_in_dim3A_158 : vector<16xi1>, vector<16xi32>
      %gt3A_198 = arith.cmpf ogt, %mul3A_184, %mul3A_174 : vector<16xf32>
      %select_n3A_199 = arith.select %gt3A_198, %mul3A_184, %mul3A_174 : vector<16xi1>, vector<16xf32>
      %select_n3A_200 = arith.select %gt3A_198, %broadcast_in_dim3A_188, %broadcast_in_dim3A_178 : vector<16xi1>, vector<16xi32>
      %gt3A_201 = arith.cmpf ogt, %select_n3A_193, %select_n3A_190 : vector<16xf32>
      %select_n3A_202 = arith.select %gt3A_201, %select_n3A_193, %select_n3A_190 : vector<16xi1>, vector<16xf32>
      %select_n3A_203 = arith.select %gt3A_201, %select_n3A_194, %select_n3A_191 : vector<16xi1>, vector<16xi32>
      %gt3A_204 = arith.cmpf ogt, %select_n3A_199, %select_n3A_196 : vector<16xf32>
      %select_n3A_205 = arith.select %gt3A_204, %select_n3A_199, %select_n3A_196 : vector<16xi1>, vector<16xf32>
      %select_n3A_206 = arith.select %gt3A_204, %select_n3A_200, %select_n3A_197 : vector<16xi1>, vector<16xi32>
      %gt3A_207 = arith.cmpf ogt, %select_n3A_205, %select_n3A_202 : vector<16xf32>
      %select_n3A_208 = arith.select %gt3A_207, %select_n3A_205, %select_n3A_202 : vector<16xi1>, vector<16xf32>
      %select_n3A_209 = arith.select %gt3A_207, %select_n3A_206, %select_n3A_203 : vector<16xi1>, vector<16xi32>
      %broadcast_in_dim3A_210 = arith.constant 16 : i32
      %broadcast_in_dim3A_211 = vector.broadcast %broadcast_in_dim3A_210 : i32 to vector<16xi32>
      %gather3A_212 = tpu.vector_load_idx %arg7[%add3A_12, %broadcast_in_dim3A_211] : memref<1024x64xf32, #tpu.memory_space<vmem>>[vector<16xi32>, vector<16xi32>], vector<16xf32>,
      %get3A_213 = arith.constant 256 : index
      %get3A_214 = tpu.vector_load %arg8[%get3A_213] {strides = array<i32>} : memref<1024xf32, #tpu.memory_space<vmem>>, vector<16xf32>,
      %mul3A_215 = arith.mulf %gather3A_212, %get3A_214 : vector<16xf32>
      %swap3A_216 = arith.constant 256 : index
      %swap3A_217 = tpu.vector_load %arg9[%swap3A_216] {strides = array<i32>} : memref<1024xf32, #tpu.memory_space<vmem>>, vector<16xf32>,
      tpu.vector_store %arg9[%swap3A_216], %mul3A_215 {strides = array<i32>} : memref<1024xf32, #tpu.memory_space<vmem>>, vector<16xf32>,
      %broadcast_in_dim3A_218 = arith.constant 16 : i32
      %broadcast_in_dim3A_219 = vector.broadcast %broadcast_in_dim3A_218 : i32 to vector<16xi32>
      %broadcast_in_dim3A_220 = arith.constant 17 : i32
      %broadcast_in_dim3A_221 = vector.broadcast %broadcast_in_dim3A_220 : i32 to vector<16xi32>
      %gather3A_222 = tpu.vector_load_idx %arg7[%add3A_12, %broadcast_in_dim3A_221] : memref<1024x64xf32, #tpu.memory_space<vmem>>[vector<16xi32>, vector<16xi32>], vector<16xf32>,
      %get3A_223 = arith.constant 272 : index
      %get3A_224 = tpu.vector_load %arg8[%get3A_223] {strides = array<i32>} : memref<1024xf32, #tpu.memory_space<vmem>>, vector<16xf32>,
      %mul3A_225 = arith.mulf %gather3A_222, %get3A_224 : vector<16xf32>
      %swap3A_226 = arith.constant 272 : index
      %swap3A_227 = tpu.vector_load %arg9[%swap3A_226] {strides = array<i32>} : memref<1024xf32, #tpu.memory_space<vmem>>, vector<16xf32>,
      tpu.vector_store %arg9[%swap3A_226], %mul3A_225 {strides = array<i32>} : memref<1024xf32, #tpu.memory_space<vmem>>, vector<16xf32>,
      %broadcast_in_dim3A_228 = arith.constant 17 : i32
      %broadcast_in_dim3A_229 = vector.broadcast %broadcast_in_dim3A_228 : i32 to vector<16xi32>
      %broadcast_in_dim3A_230 = arith.constant 18 : i32
      %broadcast_in_dim3A_231 = vector.broadcast %broadcast_in_dim3A_230 : i32 to vector<16xi32>
      %gather3A_232 = tpu.vector_load_idx %arg7[%add3A_12, %broadcast_in_dim3A_231] : memref<1024x64xf32, #tpu.memory_space<vmem>>[vector<16xi32>, vector<16xi32>], vector<16xf32>,
      %get3A_233 = arith.constant 288 : index
      %get3A_234 = tpu.vector_load %arg8[%get3A_233] {strides = array<i32>} : memref<1024xf32, #tpu.memory_space<vmem>>, vector<16xf32>,
      %mul3A_235 = arith.mulf %gather3A_232, %get3A_234 : vector<16xf32>
      %swap3A_236 = arith.constant 288 : index
      %swap3A_237 = tpu.vector_load %arg9[%swap3A_236] {strides = array<i32>} : memref<1024xf32, #tpu.memory_space<vmem>>, vector<16xf32>,
      tpu.vector_store %arg9[%swap3A_236], %mul3A_235 {strides = array<i32>} : memref<1024xf32, #tpu.memory_space<vmem>>, vector<16xf32>,
      %broadcast_in_dim3A_238 = arith.constant 18 : i32
      %broadcast_in_dim3A_239 = vector.broadcast %broadcast_in_dim3A_238 : i32 to vector<16xi32>
      %broadcast_in_dim3A_240 = arith.constant 19 : i32
      %broadcast_in_dim3A_241 = vector.broadcast %broadcast_in_dim3A_240 : i32 to vector<16xi32>
      %gather3A_242 = tpu.vector_load_idx %arg7[%add3A_12, %broadcast_in_dim3A_241] : memref<1024x64xf32, #tpu.memory_space<vmem>>[vector<16xi32>, vector<16xi32>], vector<16xf32>,
      %get3A_243 = arith.constant 304 : index
      %get3A_244 = tpu.vector_load %arg8[%get3A_243] {strides = array<i32>} : memref<1024xf32, #tpu.memory_space<vmem>>, vector<16xf32>,
      %mul3A_245 = arith.mulf %gather3A_242, %get3A_244 : vector<16xf32>
      %swap3A_246 = arith.constant 304 : index
      %swap3A_247 = tpu.vector_load %arg9[%swap3A_246] {strides = array<i32>} : memref<1024xf32, #tpu.memory_space<vmem>>, vector<16xf32>,
      tpu.vector_store %arg9[%swap3A_246], %mul3A_245 {strides = array<i32>} : memref<1024xf32, #tpu.memory_space<vmem>>, vector<16xf32>,
      %broadcast_in_dim3A_248 = arith.constant 19 : i32
      %broadcast_in_dim3A_249 = vector.broadcast %broadcast_in_dim3A_248 : i32 to vector<16xi32>
      %broadcast_in_dim3A_250 = arith.constant 20 : i32
      %broadcast_in_dim3A_251 = vector.broadcast %broadcast_in_dim3A_250 : i32 to vector<16xi32>
      %gather3A_252 = tpu.vector_load_idx %arg7[%add3A_12, %broadcast_in_dim3A_251] : memref<1024x64xf32, #tpu.memory_space<vmem>>[vector<16xi32>, vector<16xi32>], vector<16xf32>,
      %get3A_253 = arith.constant 320 : index
      %get3A_254 = tpu.vector_load %arg8[%get3A_253] {strides = array<i32>} : memref<1024xf32, #tpu.memory_space<vmem>>, vector<16xf32>,
      %mul3A_255 = arith.mulf %gather3A_252, %get3A_254 : vector<16xf32>
      %swap3A_256 = arith.constant 320 : index
      %swap3A_257 = tpu.vector_load %arg9[%swap3A_256] {strides = array<i32>} : memref<1024xf32, #tpu.memory_space<vmem>>, vector<16xf32>,
      tpu.vector_store %arg9[%swap3A_256], %mul3A_255 {strides = array<i32>} : memref<1024xf32, #tpu.memory_space<vmem>>, vector<16xf32>,
      %broadcast_in_dim3A_258 = arith.constant 20 : i32
      %broadcast_in_dim3A_259 = vector.broadcast %broadcast_in_dim3A_258 : i32 to vector<16xi32>
      %broadcast_in_dim3A_260 = arith.constant 21 : i32
      %broadcast_in_dim3A_261 = vector.broadcast %broadcast_in_dim3A_260 : i32 to vector<16xi32>
      %gather3A_262 = tpu.vector_load_idx %arg7[%add3A_12, %broadcast_in_dim3A_261] : memref<1024x64xf32, #tpu.memory_space<vmem>>[vector<16xi32>, vector<16xi32>], vector<16xf32>,
      %get3A_263 = arith.constant 336 : index
      %get3A_264 = tpu.vector_load %arg8[%get3A_263] {strides = array<i32>} : memref<1024xf32, #tpu.memory_space<vmem>>, vector<16xf32>,
      %mul3A_265 = arith.mulf %gather3A_262, %get3A_264 : vector<16xf32>
      %swap3A_266 = arith.constant 336 : index
      %swap3A_267 = tpu.vector_load %arg9[%swap3A_266] {strides = array<i32>} : memref<1024xf32, #tpu.memory_space<vmem>>, vector<16xf32>,
      tpu.vector_store %arg9[%swap3A_266], %mul3A_265 {strides = array<i32>} : memref<1024xf32, #tpu.memory_space<vmem>>, vector<16xf32>,
      %broadcast_in_dim3A_268 = arith.constant 21 : i32
      %broadcast_in_dim3A_269 = vector.broadcast %broadcast_in_dim3A_268 : i32 to vector<16xi32>
      %broadcast_in_dim3A_270 = arith.constant 22 : i32
      %broadcast_in_dim3A_271 = vector.broadcast %broadcast_in_dim3A_270 : i32 to vector<16xi32>
      %gather3A_272 = tpu.vector_load_idx %arg7[%add3A_12, %broadcast_in_dim3A_271] : memref<1024x64xf32, #tpu.memory_space<vmem>>[vector<16xi32>, vector<16xi32>], vector<16xf32>,
      %get3A_273 = arith.constant 352 : index
      %get3A_274 = tpu.vector_load %arg8[%get3A_273] {strides = array<i32>} : memref<1024xf32, #tpu.memory_space<vmem>>, vector<16xf32>,
      %mul3A_275 = arith.mulf %gather3A_272, %get3A_274 : vector<16xf32>
      %swap3A_276 = arith.constant 352 : index
      %swap3A_277 = tpu.vector_load %arg9[%swap3A_276] {strides = array<i32>} : memref<1024xf32, #tpu.memory_space<vmem>>, vector<16xf32>,
      tpu.vector_store %arg9[%swap3A_276], %mul3A_275 {strides = array<i32>} : memref<1024xf32, #tpu.memory_space<vmem>>, vector<16xf32>,
      %broadcast_in_dim3A_278 = arith.constant 22 : i32
      %broadcast_in_dim3A_279 = vector.broadcast %broadcast_in_dim3A_278 : i32 to vector<16xi32>
      %broadcast_in_dim3A_280 = arith.constant 23 : i32
      %broadcast_in_dim3A_281 = vector.broadcast %broadcast_in_dim3A_280 : i32 to vector<16xi32>
      %gather3A_282 = tpu.vector_load_idx %arg7[%add3A_12, %broadcast_in_dim3A_281] : memref<1024x64xf32, #tpu.memory_space<vmem>>[vector<16xi32>, vector<16xi32>], vector<16xf32>,
      %get3A_283 = arith.constant 368 : index
      %get3A_284 = tpu.vector_load %arg8[%get3A_283] {strides = array<i32>} : memref<1024xf32, #tpu.memory_space<vmem>>, vector<16xf32>,
      %mul3A_285 = arith.mulf %gather3A_282, %get3A_284 : vector<16xf32>
      %swap3A_286 = arith.constant 368 : index
      %swap3A_287 = tpu.vector_load %arg9[%swap3A_286] {strides = array<i32>} : memref<1024xf32, #tpu.memory_space<vmem>>, vector<16xf32>,
      tpu.vector_store %arg9[%swap3A_286], %mul3A_285 {strides = array<i32>} : memref<1024xf32, #tpu.memory_space<vmem>>, vector<16xf32>,
      %broadcast_in_dim3A_288 = arith.constant 23 : i32
      %broadcast_in_dim3A_289 = vector.broadcast %broadcast_in_dim3A_288 : i32 to vector<16xi32>
      %gt3A_290 = arith.cmpf ogt, %mul3A_225, %mul3A_215 : vector<16xf32>
      %select_n3A_291 = arith.select %gt3A_290, %mul3A_225, %mul3A_215 : vector<16xi1>, vector<16xf32>
      %select_n3A_292 = arith.select %gt3A_290, %broadcast_in_dim3A_229, %broadcast_in_dim3A_219 : vector<16xi1>, vector<16xi32>
      %gt3A_293 = arith.cmpf ogt, %mul3A_245, %mul3A_235 : vector<16xf32>
      %select_n3A_294 = arith.select %gt3A_293, %mul3A_245, %mul3A_235 : vector<16xi1>, vector<16xf32>
      %select_n3A_295 = arith.select %gt3A_293, %broadcast_in_dim3A_249, %broadcast_in_dim3A_239 : vector<16xi1>, vector<16xi32>
      %gt3A_296 = arith.cmpf ogt, %mul3A_265, %mul3A_255 : vector<16xf32>
      %select_n3A_297 = arith.select %gt3A_296, %mul3A_265, %mul3A_255 : vector<16xi1>, vector<16xf32>
      %select_n3A_298 = arith.select %gt3A_296, %broadcast_in_dim3A_269, %broadcast_in_dim3A_259 : vector<16xi1>, vector<16xi32>
      %gt3A_299 = arith.cmpf ogt, %mul3A_285, %mul3A_275 : vector<16xf32>
      %select_n3A_300 = arith.select %gt3A_299, %mul3A_285, %mul3A_275 : vector<16xi1>, vector<16xf32>
      %select_n3A_301 = arith.select %gt3A_299, %broadcast_in_dim3A_289, %broadcast_in_dim3A_279 : vector<16xi1>, vector<16xi32>
      %gt3A_302 = arith.cmpf ogt, %select_n3A_294, %select_n3A_291 : vector<16xf32>
      %select_n3A_303 = arith.select %gt3A_302, %select_n3A_294, %select_n3A_291 : vector<16xi1>, vector<16xf32>
      %select_n3A_304 = arith.select %gt3A_302, %select_n3A_295, %select_n3A_292 : vector<16xi1>, vector<16xi32>
      %gt3A_305 = arith.cmpf ogt, %select_n3A_300, %select_n3A_297 : vector<16xf32>
      %select_n3A_306 = arith.select %gt3A_305, %select_n3A_300, %select_n3A_297 : vector<16xi1>, vector<16xf32>
      %select_n3A_307 = arith.select %gt3A_305, %select_n3A_301, %select_n3A_298 : vector<16xi1>, vector<16xi32>
      %gt3A_308 = arith.cmpf ogt, %select_n3A_306, %select_n3A_303 : vector<16xf32>
      %select_n3A_309 = arith.select %gt3A_308, %select_n3A_306, %select_n3A_303 : vector<16xi1>, vector<16xf32>
      %select_n3A_310 = arith.select %gt3A_308, %select_n3A_307, %select_n3A_304 : vector<16xi1>, vector<16xi32>
      %broadcast_in_dim3A_311 = arith.constant 24 : i32
      %broadcast_in_dim3A_312 = vector.broadcast %broadcast_in_dim3A_311 : i32 to vector<16xi32>
      %gather3A_313 = tpu.vector_load_idx %arg7[%add3A_12, %broadcast_in_dim3A_312] : memref<1024x64xf32, #tpu.memory_space<vmem>>[vector<16xi32>, vector<16xi32>], vector<16xf32>,
      %get3A_314 = arith.constant 384 : index
      %get3A_315 = tpu.vector_load %arg8[%get3A_314] {strides = array<i32>} : memref<1024xf32, #tpu.memory_space<vmem>>, vector<16xf32>,
      %mul3A_316 = arith.mulf %gather3A_313, %get3A_315 : vector<16xf32>
      %swap3A_317 = arith.constant 384 : index
      %swap3A_318 = tpu.vector_load %arg9[%swap3A_317] {strides = array<i32>} : memref<1024xf32, #tpu.memory_space<vmem>>, vector<16xf32>,
      tpu.vector_store %arg9[%swap3A_317], %mul3A_316 {strides = array<i32>} : memref<1024xf32, #tpu.memory_space<vmem>>, vector<16xf32>,
      %broadcast_in_dim3A_319 = arith.constant 24 : i32
      %broadcast_in_dim3A_320 = vector.broadcast %broadcast_in_dim3A_319 : i32 to vector<16xi32>
      %broadcast_in_dim3A_321 = arith.constant 25 : i32
      %broadcast_in_dim3A_322 = vector.broadcast %broadcast_in_dim3A_321 : i32 to vector<16xi32>
      %gather3A_323 = tpu.vector_load_idx %arg7[%add3A_12, %broadcast_in_dim3A_322] : memref<1024x64xf32, #tpu.memory_space<vmem>>[vector<16xi32>, vector<16xi32>], vector<16xf32>,
      %get3A_324 = arith.constant 400 : index
      %get3A_325 = tpu.vector_load %arg8[%get3A_324] {strides = array<i32>} : memref<1024xf32, #tpu.memory_space<vmem>>, vector<16xf32>,
      %mul3A_326 = arith.mulf %gather3A_323, %get3A_325 : vector<16xf32>
      %swap3A_327 = arith.constant 400 : index
      %swap3A_328 = tpu.vector_load %arg9[%swap3A_327] {strides = array<i32>} : memref<1024xf32, #tpu.memory_space<vmem>>, vector<16xf32>,
      tpu.vector_store %arg9[%swap3A_327], %mul3A_326 {strides = array<i32>} : memref<1024xf32, #tpu.memory_space<vmem>>, vector<16xf32>,
      %broadcast_in_dim3A_329 = arith.constant 25 : i32
      %broadcast_in_dim3A_330 = vector.broadcast %broadcast_in_dim3A_329 : i32 to vector<16xi32>
      %broadcast_in_dim3A_331 = arith.constant 26 : i32
      %broadcast_in_dim3A_332 = vector.broadcast %broadcast_in_dim3A_331 : i32 to vector<16xi32>
      %gather3A_333 = tpu.vector_load_idx %arg7[%add3A_12, %broadcast_in_dim3A_332] : memref<1024x64xf32, #tpu.memory_space<vmem>>[vector<16xi32>, vector<16xi32>], vector<16xf32>,
      %get3A_334 = arith.constant 416 : index
      %get3A_335 = tpu.vector_load %arg8[%get3A_334] {strides = array<i32>} : memref<1024xf32, #tpu.memory_space<vmem>>, vector<16xf32>,
      %mul3A_336 = arith.mulf %gather3A_333, %get3A_335 : vector<16xf32>
      %swap3A_337 = arith.constant 416 : index
      %swap3A_338 = tpu.vector_load %arg9[%swap3A_337] {strides = array<i32>} : memref<1024xf32, #tpu.memory_space<vmem>>, vector<16xf32>,
      tpu.vector_store %arg9[%swap3A_337], %mul3A_336 {strides = array<i32>} : memref<1024xf32, #tpu.memory_space<vmem>>, vector<16xf32>,
      %broadcast_in_dim3A_339 = arith.constant 26 : i32
      %broadcast_in_dim3A_340 = vector.broadcast %broadcast_in_dim3A_339 : i32 to vector<16xi32>
      %broadcast_in_dim3A_341 = arith.constant 27 : i32
      %broadcast_in_dim3A_342 = vector.broadcast %broadcast_in_dim3A_341 : i32 to vector<16xi32>
      %gather3A_343 = tpu.vector_load_idx %arg7[%add3A_12, %broadcast_in_dim3A_342] : memref<1024x64xf32, #tpu.memory_space<vmem>>[vector<16xi32>, vector<16xi32>], vector<16xf32>,
      %get3A_344 = arith.constant 432 : index
      %get3A_345 = tpu.vector_load %arg8[%get3A_344] {strides = array<i32>} : memref<1024xf32, #tpu.memory_space<vmem>>, vector<16xf32>,
      %mul3A_346 = arith.mulf %gather3A_343, %get3A_345 : vector<16xf32>
      %swap3A_347 = arith.constant 432 : index
      %swap3A_348 = tpu.vector_load %arg9[%swap3A_347] {strides = array<i32>} : memref<1024xf32, #tpu.memory_space<vmem>>, vector<16xf32>,
      tpu.vector_store %arg9[%swap3A_347], %mul3A_346 {strides = array<i32>} : memref<1024xf32, #tpu.memory_space<vmem>>, vector<16xf32>,
      %broadcast_in_dim3A_349 = arith.constant 27 : i32
      %broadcast_in_dim3A_350 = vector.broadcast %broadcast_in_dim3A_349 : i32 to vector<16xi32>
      %broadcast_in_dim3A_351 = arith.constant 28 : i32
      %broadcast_in_dim3A_352 = vector.broadcast %broadcast_in_dim3A_351 : i32 to vector<16xi32>
      %gather3A_353 = tpu.vector_load_idx %arg7[%add3A_12, %broadcast_in_dim3A_352] : memref<1024x64xf32, #tpu.memory_space<vmem>>[vector<16xi32>, vector<16xi32>], vector<16xf32>,
      %get3A_354 = arith.constant 448 : index
      %get3A_355 = tpu.vector_load %arg8[%get3A_354] {strides = array<i32>} : memref<1024xf32, #tpu.memory_space<vmem>>, vector<16xf32>,
      %mul3A_356 = arith.mulf %gather3A_353, %get3A_355 : vector<16xf32>
      %swap3A_357 = arith.constant 448 : index
      %swap3A_358 = tpu.vector_load %arg9[%swap3A_357] {strides = array<i32>} : memref<1024xf32, #tpu.memory_space<vmem>>, vector<16xf32>,
      tpu.vector_store %arg9[%swap3A_357], %mul3A_356 {strides = array<i32>} : memref<1024xf32, #tpu.memory_space<vmem>>, vector<16xf32>,
      %broadcast_in_dim3A_359 = arith.constant 28 : i32
      %broadcast_in_dim3A_360 = vector.broadcast %broadcast_in_dim3A_359 : i32 to vector<16xi32>
      %broadcast_in_dim3A_361 = arith.constant 29 : i32
      %broadcast_in_dim3A_362 = vector.broadcast %broadcast_in_dim3A_361 : i32 to vector<16xi32>
      %gather3A_363 = tpu.vector_load_idx %arg7[%add3A_12, %broadcast_in_dim3A_362] : memref<1024x64xf32, #tpu.memory_space<vmem>>[vector<16xi32>, vector<16xi32>], vector<16xf32>,
      %get3A_364 = arith.constant 464 : index
      %get3A_365 = tpu.vector_load %arg8[%get3A_364] {strides = array<i32>} : memref<1024xf32, #tpu.memory_space<vmem>>, vector<16xf32>,
      %mul3A_366 = arith.mulf %gather3A_363, %get3A_365 : vector<16xf32>
      %swap3A_367 = arith.constant 464 : index
      %swap3A_368 = tpu.vector_load %arg9[%swap3A_367] {strides = array<i32>} : memref<1024xf32, #tpu.memory_space<vmem>>, vector<16xf32>,
      tpu.vector_store %arg9[%swap3A_367], %mul3A_366 {strides = array<i32>} : memref<1024xf32, #tpu.memory_space<vmem>>, vector<16xf32>,
      %broadcast_in_dim3A_369 = arith.constant 29 : i32
      %broadcast_in_dim3A_370 = vector.broadcast %broadcast_in_dim3A_369 : i32 to vector<16xi32>
      %broadcast_in_dim3A_371 = arith.constant 30 : i32
      %broadcast_in_dim3A_372 = vector.broadcast %broadcast_in_dim3A_371 : i32 to vector<16xi32>
      %gather3A_373 = tpu.vector_load_idx %arg7[%add3A_12, %broadcast_in_dim3A_372] : memref<1024x64xf32, #tpu.memory_space<vmem>>[vector<16xi32>, vector<16xi32>], vector<16xf32>,
      %get3A_374 = arith.constant 480 : index
      %get3A_375 = tpu.vector_load %arg8[%get3A_374] {strides = array<i32>} : memref<1024xf32, #tpu.memory_space<vmem>>, vector<16xf32>,
      %mul3A_376 = arith.mulf %gather3A_373, %get3A_375 : vector<16xf32>
      %swap3A_377 = arith.constant 480 : index
      %swap3A_378 = tpu.vector_load %arg9[%swap3A_377] {strides = array<i32>} : memref<1024xf32, #tpu.memory_space<vmem>>, vector<16xf32>,
      tpu.vector_store %arg9[%swap3A_377], %mul3A_376 {strides = array<i32>} : memref<1024xf32, #tpu.memory_space<vmem>>, vector<16xf32>,
      %broadcast_in_dim3A_379 = arith.constant 30 : i32
      %broadcast_in_dim3A_380 = vector.broadcast %broadcast_in_dim3A_379 : i32 to vector<16xi32>
      %broadcast_in_dim3A_381 = arith.constant 31 : i32
      %broadcast_in_dim3A_382 = vector.broadcast %broadcast_in_dim3A_381 : i32 to vector<16xi32>
      %gather3A_383 = tpu.vector_load_idx %arg7[%add3A_12, %broadcast_in_dim3A_382] : memref<1024x64xf32, #tpu.memory_space<vmem>>[vector<16xi32>, vector<16xi32>], vector<16xf32>,
      %get3A_384 = arith.constant 496 : index
      %get3A_385 = tpu.vector_load %arg8[%get3A_384] {strides = array<i32>} : memref<1024xf32, #tpu.memory_space<vmem>>, vector<16xf32>,
      %mul3A_386 = arith.mulf %gather3A_383, %get3A_385 : vector<16xf32>
      %swap3A_387 = arith.constant 496 : index
      %swap3A_388 = tpu.vector_load %arg9[%swap3A_387] {strides = array<i32>} : memref<1024xf32, #tpu.memory_space<vmem>>, vector<16xf32>,
      tpu.vector_store %arg9[%swap3A_387], %mul3A_386 {strides = array<i32>} : memref<1024xf32, #tpu.memory_space<vmem>>, vector<16xf32>,
      %broadcast_in_dim3A_389 = arith.constant 31 : i32
      %broadcast_in_dim3A_390 = vector.broadcast %broadcast_in_dim3A_389 : i32 to vector<16xi32>
      %gt3A_391 = arith.cmpf ogt, %mul3A_326, %mul3A_316 : vector<16xf32>
      %select_n3A_392 = arith.select %gt3A_391, %mul3A_326, %mul3A_316 : vector<16xi1>, vector<16xf32>
      %select_n3A_393 = arith.select %gt3A_391, %broadcast_in_dim3A_330, %broadcast_in_dim3A_320 : vector<16xi1>, vector<16xi32>
      %gt3A_394 = arith.cmpf ogt, %mul3A_346, %mul3A_336 : vector<16xf32>
      %select_n3A_395 = arith.select %gt3A_394, %mul3A_346, %mul3A_336 : vector<16xi1>, vector<16xf32>
      %select_n3A_396 = arith.select %gt3A_394, %broadcast_in_dim3A_350, %broadcast_in_dim3A_340 : vector<16xi1>, vector<16xi32>
      %gt3A_397 = arith.cmpf ogt, %mul3A_366, %mul3A_356 : vector<16xf32>
      %select_n3A_398 = arith.select %gt3A_397, %mul3A_366, %mul3A_356 : vector<16xi1>, vector<16xf32>
      %select_n3A_399 = arith.select %gt3A_397, %broadcast_in_dim3A_370, %broadcast_in_dim3A_360 : vector<16xi1>, vector<16xi32>
      %gt3A_400 = arith.cmpf ogt, %mul3A_386, %mul3A_376 : vector<16xf32>
      %select_n3A_401 = arith.select %gt3A_400, %mul3A_386, %mul3A_376 : vector<16xi1>, vector<16xf32>
      %select_n3A_402 = arith.select %gt3A_400, %broadcast_in_dim3A_390, %broadcast_in_dim3A_380 : vector<16xi1>, vector<16xi32>
      %gt3A_403 = arith.cmpf ogt, %select_n3A_395, %select_n3A_392 : vector<16xf32>
      %select_n3A_404 = arith.select %gt3A_403, %select_n3A_395, %select_n3A_392 : vector<16xi1>, vector<16xf32>
      %select_n3A_405 = arith.select %gt3A_403, %select_n3A_396, %select_n3A_393 : vector<16xi1>, vector<16xi32>
      %gt3A_406 = arith.cmpf ogt, %select_n3A_401, %select_n3A_398 : vector<16xf32>
      %select_n3A_407 = arith.select %gt3A_406, %select_n3A_401, %select_n3A_398 : vector<16xi1>, vector<16xf32>
      %select_n3A_408 = arith.select %gt3A_406, %select_n3A_402, %select_n3A_399 : vector<16xi1>, vector<16xi32>
      %gt3A_409 = arith.cmpf ogt, %select_n3A_407, %select_n3A_404 : vector<16xf32>
      %select_n3A_410 = arith.select %gt3A_409, %select_n3A_407, %select_n3A_404 : vector<16xi1>, vector<16xf32>
      %select_n3A_411 = arith.select %gt3A_409, %select_n3A_408, %select_n3A_405 : vector<16xi1>, vector<16xi32>
      %broadcast_in_dim3A_412 = arith.constant 32 : i32
      %broadcast_in_dim3A_413 = vector.broadcast %broadcast_in_dim3A_412 : i32 to vector<16xi32>
      %gather3A_414 = tpu.vector_load_idx %arg7[%add3A_12, %broadcast_in_dim3A_413] : memref<1024x64xf32, #tpu.memory_space<vmem>>[vector<16xi32>, vector<16xi32>], vector<16xf32>,
      %get3A_415 = arith.constant 512 : index
      %get3A_416 = tpu.vector_load %arg8[%get3A_415] {strides = array<i32>} : memref<1024xf32, #tpu.memory_space<vmem>>, vector<16xf32>,
      %mul3A_417 = arith.mulf %gather3A_414, %get3A_416 : vector<16xf32>
      %swap3A_418 = arith.constant 512 : index
      %swap3A_419 = tpu.vector_load %arg9[%swap3A_418] {strides = array<i32>} : memref<1024xf32, #tpu.memory_space<vmem>>, vector<16xf32>,
      tpu.vector_store %arg9[%swap3A_418], %mul3A_417 {strides = array<i32>} : memref<1024xf32, #tpu.memory_space<vmem>>, vector<16xf32>,
      %broadcast_in_dim3A_420 = arith.constant 32 : i32
      %broadcast_in_dim3A_421 = vector.broadcast %broadcast_in_dim3A_420 : i32 to vector<16xi32>
      %broadcast_in_dim3A_422 = arith.constant 33 : i32
      %broadcast_in_dim3A_423 = vector.broadcast %broadcast_in_dim3A_422 : i32 to vector<16xi32>
      %gather3A_424 = tpu.vector_load_idx %arg7[%add3A_12, %broadcast_in_dim3A_423] : memref<1024x64xf32, #tpu.memory_space<vmem>>[vector<16xi32>, vector<16xi32>], vector<16xf32>,
      %get3A_425 = arith.constant 528 : index
      %get3A_426 = tpu.vector_load %arg8[%get3A_425] {strides = array<i32>} : memref<1024xf32, #tpu.memory_space<vmem>>, vector<16xf32>,
      %mul3A_427 = arith.mulf %gather3A_424, %get3A_426 : vector<16xf32>
      %swap3A_428 = arith.constant 528 : index
      %swap3A_429 = tpu.vector_load %arg9[%swap3A_428] {strides = array<i32>} : memref<1024xf32, #tpu.memory_space<vmem>>, vector<16xf32>,
      tpu.vector_store %arg9[%swap3A_428], %mul3A_427 {strides = array<i32>} : memref<1024xf32, #tpu.memory_space<vmem>>, vector<16xf32>,
      %broadcast_in_dim3A_430 = arith.constant 33 : i32
      %broadcast_in_dim3A_431 = vector.broadcast %broadcast_in_dim3A_430 : i32 to vector<16xi32>
      %broadcast_in_dim3A_432 = arith.constant 34 : i32
      %broadcast_in_dim3A_433 = vector.broadcast %broadcast_in_dim3A_432 : i32 to vector<16xi32>
      %gather3A_434 = tpu.vector_load_idx %arg7[%add3A_12, %broadcast_in_dim3A_433] : memref<1024x64xf32, #tpu.memory_space<vmem>>[vector<16xi32>, vector<16xi32>], vector<16xf32>,
      %get3A_435 = arith.constant 544 : index
      %get3A_436 = tpu.vector_load %arg8[%get3A_435] {strides = array<i32>} : memref<1024xf32, #tpu.memory_space<vmem>>, vector<16xf32>,
      %mul3A_437 = arith.mulf %gather3A_434, %get3A_436 : vector<16xf32>
      %swap3A_438 = arith.constant 544 : index
      %swap3A_439 = tpu.vector_load %arg9[%swap3A_438] {strides = array<i32>} : memref<1024xf32, #tpu.memory_space<vmem>>, vector<16xf32>,
      tpu.vector_store %arg9[%swap3A_438], %mul3A_437 {strides = array<i32>} : memref<1024xf32, #tpu.memory_space<vmem>>, vector<16xf32>,
      %broadcast_in_dim3A_440 = arith.constant 34 : i32
      %broadcast_in_dim3A_441 = vector.broadcast %broadcast_in_dim3A_440 : i32 to vector<16xi32>
      %broadcast_in_dim3A_442 = arith.constant 35 : i32
      %broadcast_in_dim3A_443 = vector.broadcast %broadcast_in_dim3A_442 : i32 to vector<16xi32>
      %gather3A_444 = tpu.vector_load_idx %arg7[%add3A_12, %broadcast_in_dim3A_443] : memref<1024x64xf32, #tpu.memory_space<vmem>>[vector<16xi32>, vector<16xi32>], vector<16xf32>,
      %get3A_445 = arith.constant 560 : index
      %get3A_446 = tpu.vector_load %arg8[%get3A_445] {strides = array<i32>} : memref<1024xf32, #tpu.memory_space<vmem>>, vector<16xf32>,
      %mul3A_447 = arith.mulf %gather3A_444, %get3A_446 : vector<16xf32>
      %swap3A_448 = arith.constant 560 : index
      %swap3A_449 = tpu.vector_load %arg9[%swap3A_448] {strides = array<i32>} : memref<1024xf32, #tpu.memory_space<vmem>>, vector<16xf32>,
      tpu.vector_store %arg9[%swap3A_448], %mul3A_447 {strides = array<i32>} : memref<1024xf32, #tpu.memory_space<vmem>>, vector<16xf32>,
      %broadcast_in_dim3A_450 = arith.constant 35 : i32
      %broadcast_in_dim3A_451 = vector.broadcast %broadcast_in_dim3A_450 : i32 to vector<16xi32>
      %broadcast_in_dim3A_452 = arith.constant 36 : i32
      %broadcast_in_dim3A_453 = vector.broadcast %broadcast_in_dim3A_452 : i32 to vector<16xi32>
      %gather3A_454 = tpu.vector_load_idx %arg7[%add3A_12, %broadcast_in_dim3A_453] : memref<1024x64xf32, #tpu.memory_space<vmem>>[vector<16xi32>, vector<16xi32>], vector<16xf32>,
      %get3A_455 = arith.constant 576 : index
      %get3A_456 = tpu.vector_load %arg8[%get3A_455] {strides = array<i32>} : memref<1024xf32, #tpu.memory_space<vmem>>, vector<16xf32>,
      %mul3A_457 = arith.mulf %gather3A_454, %get3A_456 : vector<16xf32>
      %swap3A_458 = arith.constant 576 : index
      %swap3A_459 = tpu.vector_load %arg9[%swap3A_458] {strides = array<i32>} : memref<1024xf32, #tpu.memory_space<vmem>>, vector<16xf32>,
      tpu.vector_store %arg9[%swap3A_458], %mul3A_457 {strides = array<i32>} : memref<1024xf32, #tpu.memory_space<vmem>>, vector<16xf32>,
      %broadcast_in_dim3A_460 = arith.constant 36 : i32
      %broadcast_in_dim3A_461 = vector.broadcast %broadcast_in_dim3A_460 : i32 to vector<16xi32>
      %broadcast_in_dim3A_462 = arith.constant 37 : i32
      %broadcast_in_dim3A_463 = vector.broadcast %broadcast_in_dim3A_462 : i32 to vector<16xi32>
      %gather3A_464 = tpu.vector_load_idx %arg7[%add3A_12, %broadcast_in_dim3A_463] : memref<1024x64xf32, #tpu.memory_space<vmem>>[vector<16xi32>, vector<16xi32>], vector<16xf32>,
      %get3A_465 = arith.constant 592 : index
      %get3A_466 = tpu.vector_load %arg8[%get3A_465] {strides = array<i32>} : memref<1024xf32, #tpu.memory_space<vmem>>, vector<16xf32>,
      %mul3A_467 = arith.mulf %gather3A_464, %get3A_466 : vector<16xf32>
      %swap3A_468 = arith.constant 592 : index
      %swap3A_469 = tpu.vector_load %arg9[%swap3A_468] {strides = array<i32>} : memref<1024xf32, #tpu.memory_space<vmem>>, vector<16xf32>,
      tpu.vector_store %arg9[%swap3A_468], %mul3A_467 {strides = array<i32>} : memref<1024xf32, #tpu.memory_space<vmem>>, vector<16xf32>,
      %broadcast_in_dim3A_470 = arith.constant 37 : i32
      %broadcast_in_dim3A_471 = vector.broadcast %broadcast_in_dim3A_470 : i32 to vector<16xi32>
      %broadcast_in_dim3A_472 = arith.constant 38 : i32
      %broadcast_in_dim3A_473 = vector.broadcast %broadcast_in_dim3A_472 : i32 to vector<16xi32>
      %gather3A_474 = tpu.vector_load_idx %arg7[%add3A_12, %broadcast_in_dim3A_473] : memref<1024x64xf32, #tpu.memory_space<vmem>>[vector<16xi32>, vector<16xi32>], vector<16xf32>,
      %get3A_475 = arith.constant 608 : index
      %get3A_476 = tpu.vector_load %arg8[%get3A_475] {strides = array<i32>} : memref<1024xf32, #tpu.memory_space<vmem>>, vector<16xf32>,
      %mul3A_477 = arith.mulf %gather3A_474, %get3A_476 : vector<16xf32>
      %swap3A_478 = arith.constant 608 : index
      %swap3A_479 = tpu.vector_load %arg9[%swap3A_478] {strides = array<i32>} : memref<1024xf32, #tpu.memory_space<vmem>>, vector<16xf32>,
      tpu.vector_store %arg9[%swap3A_478], %mul3A_477 {strides = array<i32>} : memref<1024xf32, #tpu.memory_space<vmem>>, vector<16xf32>,
      %broadcast_in_dim3A_480 = arith.constant 38 : i32
      %broadcast_in_dim3A_481 = vector.broadcast %broadcast_in_dim3A_480 : i32 to vector<16xi32>
      %broadcast_in_dim3A_482 = arith.constant 39 : i32
      %broadcast_in_dim3A_483 = vector.broadcast %broadcast_in_dim3A_482 : i32 to vector<16xi32>
      %gather3A_484 = tpu.vector_load_idx %arg7[%add3A_12, %broadcast_in_dim3A_483] : memref<1024x64xf32, #tpu.memory_space<vmem>>[vector<16xi32>, vector<16xi32>], vector<16xf32>,
      %get3A_485 = arith.constant 624 : index
      %get3A_486 = tpu.vector_load %arg8[%get3A_485] {strides = array<i32>} : memref<1024xf32, #tpu.memory_space<vmem>>, vector<16xf32>,
      %mul3A_487 = arith.mulf %gather3A_484, %get3A_486 : vector<16xf32>
      %swap3A_488 = arith.constant 624 : index
      %swap3A_489 = tpu.vector_load %arg9[%swap3A_488] {strides = array<i32>} : memref<1024xf32, #tpu.memory_space<vmem>>, vector<16xf32>,
      tpu.vector_store %arg9[%swap3A_488], %mul3A_487 {strides = array<i32>} : memref<1024xf32, #tpu.memory_space<vmem>>, vector<16xf32>,
      %broadcast_in_dim3A_490 = arith.constant 39 : i32
      %broadcast_in_dim3A_491 = vector.broadcast %broadcast_in_dim3A_490 : i32 to vector<16xi32>
      %gt3A_492 = arith.cmpf ogt, %mul3A_427, %mul3A_417 : vector<16xf32>
      %select_n3A_493 = arith.select %gt3A_492, %mul3A_427, %mul3A_417 : vector<16xi1>, vector<16xf32>
      %select_n3A_494 = arith.select %gt3A_492, %broadcast_in_dim3A_431, %broadcast_in_dim3A_421 : vector<16xi1>, vector<16xi32>
      %gt3A_495 = arith.cmpf ogt, %mul3A_447, %mul3A_437 : vector<16xf32>
      %select_n3A_496 = arith.select %gt3A_495, %mul3A_447, %mul3A_437 : vector<16xi1>, vector<16xf32>
      %select_n3A_497 = arith.select %gt3A_495, %broadcast_in_dim3A_451, %broadcast_in_dim3A_441 : vector<16xi1>, vector<16xi32>
      %gt3A_498 = arith.cmpf ogt, %mul3A_467, %mul3A_457 : vector<16xf32>
      %select_n3A_499 = arith.select %gt3A_498, %mul3A_467, %mul3A_457 : vector<16xi1>, vector<16xf32>
      %select_n3A_500 = arith.select %gt3A_498, %broadcast_in_dim3A_471, %broadcast_in_dim3A_461 : vector<16xi1>, vector<16xi32>
      %gt3A_501 = arith.cmpf ogt, %mul3A_487, %mul3A_477 : vector<16xf32>
      %select_n3A_502 = arith.select %gt3A_501, %mul3A_487, %mul3A_477 : vector<16xi1>, vector<16xf32>
      %select_n3A_503 = arith.select %gt3A_501, %broadcast_in_dim3A_491, %broadcast_in_dim3A_481 : vector<16xi1>, vector<16xi32>
      %gt3A_504 = arith.cmpf ogt, %select_n3A_496, %select_n3A_493 : vector<16xf32>
      %select_n3A_505 = arith.select %gt3A_504, %select_n3A_496, %select_n3A_493 : vector<16xi1>, vector<16xf32>
      %select_n3A_506 = arith.select %gt3A_504, %select_n3A_497, %select_n3A_494 : vector<16xi1>, vector<16xi32>
      %gt3A_507 = arith.cmpf ogt, %select_n3A_502, %select_n3A_499 : vector<16xf32>
      %select_n3A_508 = arith.select %gt3A_507, %select_n3A_502, %select_n3A_499 : vector<16xi1>, vector<16xf32>
      %select_n3A_509 = arith.select %gt3A_507, %select_n3A_503, %select_n3A_500 : vector<16xi1>, vector<16xi32>
      %gt3A_510 = arith.cmpf ogt, %select_n3A_508, %select_n3A_505 : vector<16xf32>
      %select_n3A_511 = arith.select %gt3A_510, %select_n3A_508, %select_n3A_505 : vector<16xi1>, vector<16xf32>
      %select_n3A_512 = arith.select %gt3A_510, %select_n3A_509, %select_n3A_506 : vector<16xi1>, vector<16xi32>
      %broadcast_in_dim3A_513 = arith.constant 40 : i32
      %broadcast_in_dim3A_514 = vector.broadcast %broadcast_in_dim3A_513 : i32 to vector<16xi32>
      %gather3A_515 = tpu.vector_load_idx %arg7[%add3A_12, %broadcast_in_dim3A_514] : memref<1024x64xf32, #tpu.memory_space<vmem>>[vector<16xi32>, vector<16xi32>], vector<16xf32>,
      %get3A_516 = arith.constant 640 : index
      %get3A_517 = tpu.vector_load %arg8[%get3A_516] {strides = array<i32>} : memref<1024xf32, #tpu.memory_space<vmem>>, vector<16xf32>,
      %mul3A_518 = arith.mulf %gather3A_515, %get3A_517 : vector<16xf32>
      %swap3A_519 = arith.constant 640 : index
      %swap3A_520 = tpu.vector_load %arg9[%swap3A_519] {strides = array<i32>} : memref<1024xf32, #tpu.memory_space<vmem>>, vector<16xf32>,
      tpu.vector_store %arg9[%swap3A_519], %mul3A_518 {strides = array<i32>} : memref<1024xf32, #tpu.memory_space<vmem>>, vector<16xf32>,
      %broadcast_in_dim3A_521 = arith.constant 40 : i32
      %broadcast_in_dim3A_522 = vector.broadcast %broadcast_in_dim3A_521 : i32 to vector<16xi32>
      %broadcast_in_dim3A_523 = arith.constant 41 : i32
      %broadcast_in_dim3A_524 = vector.broadcast %broadcast_in_dim3A_523 : i32 to vector<16xi32>
      %gather3A_525 = tpu.vector_load_idx %arg7[%add3A_12, %broadcast_in_dim3A_524] : memref<1024x64xf32, #tpu.memory_space<vmem>>[vector<16xi32>, vector<16xi32>], vector<16xf32>,
      %get3A_526 = arith.constant 656 : index
      %get3A_527 = tpu.vector_load %arg8[%get3A_526] {strides = array<i32>} : memref<1024xf32, #tpu.memory_space<vmem>>, vector<16xf32>,
      %mul3A_528 = arith.mulf %gather3A_525, %get3A_527 : vector<16xf32>
      %swap3A_529 = arith.constant 656 : index
      %swap3A_530 = tpu.vector_load %arg9[%swap3A_529] {strides = array<i32>} : memref<1024xf32, #tpu.memory_space<vmem>>, vector<16xf32>,
      tpu.vector_store %arg9[%swap3A_529], %mul3A_528 {strides = array<i32>} : memref<1024xf32, #tpu.memory_space<vmem>>, vector<16xf32>,
      %broadcast_in_dim3A_531 = arith.constant 41 : i32
      %broadcast_in_dim3A_532 = vector.broadcast %broadcast_in_dim3A_531 : i32 to vector<16xi32>
      %broadcast_in_dim3A_533 = arith.constant 42 : i32
      %broadcast_in_dim3A_534 = vector.broadcast %broadcast_in_dim3A_533 : i32 to vector<16xi32>
      %gather3A_535 = tpu.vector_load_idx %arg7[%add3A_12, %broadcast_in_dim3A_534] : memref<1024x64xf32, #tpu.memory_space<vmem>>[vector<16xi32>, vector<16xi32>], vector<16xf32>,
      %get3A_536 = arith.constant 672 : index
      %get3A_537 = tpu.vector_load %arg8[%get3A_536] {strides = array<i32>} : memref<1024xf32, #tpu.memory_space<vmem>>, vector<16xf32>,
      %mul3A_538 = arith.mulf %gather3A_535, %get3A_537 : vector<16xf32>
      %swap3A_539 = arith.constant 672 : index
      %swap3A_540 = tpu.vector_load %arg9[%swap3A_539] {strides = array<i32>} : memref<1024xf32, #tpu.memory_space<vmem>>, vector<16xf32>,
      tpu.vector_store %arg9[%swap3A_539], %mul3A_538 {strides = array<i32>} : memref<1024xf32, #tpu.memory_space<vmem>>, vector<16xf32>,
      %broadcast_in_dim3A_541 = arith.constant 42 : i32
      %broadcast_in_dim3A_542 = vector.broadcast %broadcast_in_dim3A_541 : i32 to vector<16xi32>
      %broadcast_in_dim3A_543 = arith.constant 43 : i32
      %broadcast_in_dim3A_544 = vector.broadcast %broadcast_in_dim3A_543 : i32 to vector<16xi32>
      %gather3A_545 = tpu.vector_load_idx %arg7[%add3A_12, %broadcast_in_dim3A_544] : memref<1024x64xf32, #tpu.memory_space<vmem>>[vector<16xi32>, vector<16xi32>], vector<16xf32>,
      %get3A_546 = arith.constant 688 : index
      %get3A_547 = tpu.vector_load %arg8[%get3A_546] {strides = array<i32>} : memref<1024xf32, #tpu.memory_space<vmem>>, vector<16xf32>,
      %mul3A_548 = arith.mulf %gather3A_545, %get3A_547 : vector<16xf32>
      %swap3A_549 = arith.constant 688 : index
      %swap3A_550 = tpu.vector_load %arg9[%swap3A_549] {strides = array<i32>} : memref<1024xf32, #tpu.memory_space<vmem>>, vector<16xf32>,
      tpu.vector_store %arg9[%swap3A_549], %mul3A_548 {strides = array<i32>} : memref<1024xf32, #tpu.memory_space<vmem>>, vector<16xf32>,
      %broadcast_in_dim3A_551 = arith.constant 43 : i32
      %broadcast_in_dim3A_552 = vector.broadcast %broadcast_in_dim3A_551 : i32 to vector<16xi32>
      %broadcast_in_dim3A_553 = arith.constant 44 : i32
      %broadcast_in_dim3A_554 = vector.broadcast %broadcast_in_dim3A_553 : i32 to vector<16xi32>
      %gather3A_555 = tpu.vector_load_idx %arg7[%add3A_12, %broadcast_in_dim3A_554] : memref<1024x64xf32, #tpu.memory_space<vmem>>[vector<16xi32>, vector<16xi32>], vector<16xf32>,
      %get3A_556 = arith.constant 704 : index
      %get3A_557 = tpu.vector_load %arg8[%get3A_556] {strides = array<i32>} : memref<1024xf32, #tpu.memory_space<vmem>>, vector<16xf32>,
      %mul3A_558 = arith.mulf %gather3A_555, %get3A_557 : vector<16xf32>
      %swap3A_559 = arith.constant 704 : index
      %swap3A_560 = tpu.vector_load %arg9[%swap3A_559] {strides = array<i32>} : memref<1024xf32, #tpu.memory_space<vmem>>, vector<16xf32>,
      tpu.vector_store %arg9[%swap3A_559], %mul3A_558 {strides = array<i32>} : memref<1024xf32, #tpu.memory_space<vmem>>, vector<16xf32>,
      %broadcast_in_dim3A_561 = arith.constant 44 : i32
      %broadcast_in_dim3A_562 = vector.broadcast %broadcast_in_dim3A_561 : i32 to vector<16xi32>
      %broadcast_in_dim3A_563 = arith.constant 45 : i32
      %broadcast_in_dim3A_564 = vector.broadcast %broadcast_in_dim3A_563 : i32 to vector<16xi32>
      %gather3A_565 = tpu.vector_load_idx %arg7[%add3A_12, %broadcast_in_dim3A_564] : memref<1024x64xf32, #tpu.memory_space<vmem>>[vector<16xi32>, vector<16xi32>], vector<16xf32>,
      %get3A_566 = arith.constant 720 : index
      %get3A_567 = tpu.vector_load %arg8[%get3A_566] {strides = array<i32>} : memref<1024xf32, #tpu.memory_space<vmem>>, vector<16xf32>,
      %mul3A_568 = arith.mulf %gather3A_565, %get3A_567 : vector<16xf32>
      %swap3A_569 = arith.constant 720 : index
      %swap3A_570 = tpu.vector_load %arg9[%swap3A_569] {strides = array<i32>} : memref<1024xf32, #tpu.memory_space<vmem>>, vector<16xf32>,
      tpu.vector_store %arg9[%swap3A_569], %mul3A_568 {strides = array<i32>} : memref<1024xf32, #tpu.memory_space<vmem>>, vector<16xf32>,
      %broadcast_in_dim3A_571 = arith.constant 45 : i32
      %broadcast_in_dim3A_572 = vector.broadcast %broadcast_in_dim3A_571 : i32 to vector<16xi32>
      %broadcast_in_dim3A_573 = arith.constant 46 : i32
      %broadcast_in_dim3A_574 = vector.broadcast %broadcast_in_dim3A_573 : i32 to vector<16xi32>
      %gather3A_575 = tpu.vector_load_idx %arg7[%add3A_12, %broadcast_in_dim3A_574] : memref<1024x64xf32, #tpu.memory_space<vmem>>[vector<16xi32>, vector<16xi32>], vector<16xf32>,
      %get3A_576 = arith.constant 736 : index
      %get3A_577 = tpu.vector_load %arg8[%get3A_576] {strides = array<i32>} : memref<1024xf32, #tpu.memory_space<vmem>>, vector<16xf32>,
      %mul3A_578 = arith.mulf %gather3A_575, %get3A_577 : vector<16xf32>
      %swap3A_579 = arith.constant 736 : index
      %swap3A_580 = tpu.vector_load %arg9[%swap3A_579] {strides = array<i32>} : memref<1024xf32, #tpu.memory_space<vmem>>, vector<16xf32>,
      tpu.vector_store %arg9[%swap3A_579], %mul3A_578 {strides = array<i32>} : memref<1024xf32, #tpu.memory_space<vmem>>, vector<16xf32>,
      %broadcast_in_dim3A_581 = arith.constant 46 : i32
      %broadcast_in_dim3A_582 = vector.broadcast %broadcast_in_dim3A_581 : i32 to vector<16xi32>
      %broadcast_in_dim3A_583 = arith.constant 47 : i32
      %broadcast_in_dim3A_584 = vector.broadcast %broadcast_in_dim3A_583 : i32 to vector<16xi32>
      %gather3A_585 = tpu.vector_load_idx %arg7[%add3A_12, %broadcast_in_dim3A_584] : memref<1024x64xf32, #tpu.memory_space<vmem>>[vector<16xi32>, vector<16xi32>], vector<16xf32>,
      %get3A_586 = arith.constant 752 : index
      %get3A_587 = tpu.vector_load %arg8[%get3A_586] {strides = array<i32>} : memref<1024xf32, #tpu.memory_space<vmem>>, vector<16xf32>,
      %mul3A_588 = arith.mulf %gather3A_585, %get3A_587 : vector<16xf32>
      %swap3A_589 = arith.constant 752 : index
      %swap3A_590 = tpu.vector_load %arg9[%swap3A_589] {strides = array<i32>} : memref<1024xf32, #tpu.memory_space<vmem>>, vector<16xf32>,
      tpu.vector_store %arg9[%swap3A_589], %mul3A_588 {strides = array<i32>} : memref<1024xf32, #tpu.memory_space<vmem>>, vector<16xf32>,
      %broadcast_in_dim3A_591 = arith.constant 47 : i32
      %broadcast_in_dim3A_592 = vector.broadcast %broadcast_in_dim3A_591 : i32 to vector<16xi32>
      %gt3A_593 = arith.cmpf ogt, %mul3A_528, %mul3A_518 : vector<16xf32>
      %select_n3A_594 = arith.select %gt3A_593, %mul3A_528, %mul3A_518 : vector<16xi1>, vector<16xf32>
      %select_n3A_595 = arith.select %gt3A_593, %broadcast_in_dim3A_532, %broadcast_in_dim3A_522 : vector<16xi1>, vector<16xi32>
      %gt3A_596 = arith.cmpf ogt, %mul3A_548, %mul3A_538 : vector<16xf32>
      %select_n3A_597 = arith.select %gt3A_596, %mul3A_548, %mul3A_538 : vector<16xi1>, vector<16xf32>
      %select_n3A_598 = arith.select %gt3A_596, %broadcast_in_dim3A_552, %broadcast_in_dim3A_542 : vector<16xi1>, vector<16xi32>
      %gt3A_599 = arith.cmpf ogt, %mul3A_568, %mul3A_558 : vector<16xf32>
      %select_n3A_600 = arith.select %gt3A_599, %mul3A_568, %mul3A_558 : vector<16xi1>, vector<16xf32>
      %select_n3A_601 = arith.select %gt3A_599, %broadcast_in_dim3A_572, %broadcast_in_dim3A_562 : vector<16xi1>, vector<16xi32>
      %gt3A_602 = arith.cmpf ogt, %mul3A_588, %mul3A_578 : vector<16xf32>
      %select_n3A_603 = arith.select %gt3A_602, %mul3A_588, %mul3A_578 : vector<16xi1>, vector<16xf32>
      %select_n3A_604 = arith.select %gt3A_602, %broadcast_in_dim3A_592, %broadcast_in_dim3A_582 : vector<16xi1>, vector<16xi32>
      %gt3A_605 = arith.cmpf ogt, %select_n3A_597, %select_n3A_594 : vector<16xf32>
      %select_n3A_606 = arith.select %gt3A_605, %select_n3A_597, %select_n3A_594 : vector<16xi1>, vector<16xf32>
      %select_n3A_607 = arith.select %gt3A_605, %select_n3A_598, %select_n3A_595 : vector<16xi1>, vector<16xi32>
      %gt3A_608 = arith.cmpf ogt, %select_n3A_603, %select_n3A_600 : vector<16xf32>
      %select_n3A_609 = arith.select %gt3A_608, %select_n3A_603, %select_n3A_600 : vector<16xi1>, vector<16xf32>
      %select_n3A_610 = arith.select %gt3A_608, %select_n3A_604, %select_n3A_601 : vector<16xi1>, vector<16xi32>
      %gt3A_611 = arith.cmpf ogt, %select_n3A_609, %select_n3A_606 : vector<16xf32>
      %select_n3A_612 = arith.select %gt3A_611, %select_n3A_609, %select_n3A_606 : vector<16xi1>, vector<16xf32>
      %select_n3A_613 = arith.select %gt3A_611, %select_n3A_610, %select_n3A_607 : vector<16xi1>, vector<16xi32>
      %broadcast_in_dim3A_614 = arith.constant 48 : i32
      %broadcast_in_dim3A_615 = vector.broadcast %broadcast_in_dim3A_614 : i32 to vector<16xi32>
      %gather3A_616 = tpu.vector_load_idx %arg7[%add3A_12, %broadcast_in_dim3A_615] : memref<1024x64xf32, #tpu.memory_space<vmem>>[vector<16xi32>, vector<16xi32>], vector<16xf32>,
      %get3A_617 = arith.constant 768 : index
      %get3A_618 = tpu.vector_load %arg8[%get3A_617] {strides = array<i32>} : memref<1024xf32, #tpu.memory_space<vmem>>, vector<16xf32>,
      %mul3A_619 = arith.mulf %gather3A_616, %get3A_618 : vector<16xf32>
      %swap3A_620 = arith.constant 768 : index
      %swap3A_621 = tpu.vector_load %arg9[%swap3A_620] {strides = array<i32>} : memref<1024xf32, #tpu.memory_space<vmem>>, vector<16xf32>,
      tpu.vector_store %arg9[%swap3A_620], %mul3A_619 {strides = array<i32>} : memref<1024xf32, #tpu.memory_space<vmem>>, vector<16xf32>,
      %broadcast_in_dim3A_622 = arith.constant 48 : i32
      %broadcast_in_dim3A_623 = vector.broadcast %broadcast_in_dim3A_622 : i32 to vector<16xi32>
      %broadcast_in_dim3A_624 = arith.constant 49 : i32
      %broadcast_in_dim3A_625 = vector.broadcast %broadcast_in_dim3A_624 : i32 to vector<16xi32>
      %gather3A_626 = tpu.vector_load_idx %arg7[%add3A_12, %broadcast_in_dim3A_625] : memref<1024x64xf32, #tpu.memory_space<vmem>>[vector<16xi32>, vector<16xi32>], vector<16xf32>,
      %get3A_627 = arith.constant 784 : index
      %get3A_628 = tpu.vector_load %arg8[%get3A_627] {strides = array<i32>} : memref<1024xf32, #tpu.memory_space<vmem>>, vector<16xf32>,
      %mul3A_629 = arith.mulf %gather3A_626, %get3A_628 : vector<16xf32>
      %swap3A_630 = arith.constant 784 : index
      %swap3A_631 = tpu.vector_load %arg9[%swap3A_630] {strides = array<i32>} : memref<1024xf32, #tpu.memory_space<vmem>>, vector<16xf32>,
      tpu.vector_store %arg9[%swap3A_630], %mul3A_629 {strides = array<i32>} : memref<1024xf32, #tpu.memory_space<vmem>>, vector<16xf32>,
      %broadcast_in_dim3A_632 = arith.constant 49 : i32
      %broadcast_in_dim3A_633 = vector.broadcast %broadcast_in_dim3A_632 : i32 to vector<16xi32>
      %broadcast_in_dim3A_634 = arith.constant 50 : i32
      %broadcast_in_dim3A_635 = vector.broadcast %broadcast_in_dim3A_634 : i32 to vector<16xi32>
      %gather3A_636 = tpu.vector_load_idx %arg7[%add3A_12, %broadcast_in_dim3A_635] : memref<1024x64xf32, #tpu.memory_space<vmem>>[vector<16xi32>, vector<16xi32>], vector<16xf32>,
      %get3A_637 = arith.constant 800 : index
      %get3A_638 = tpu.vector_load %arg8[%get3A_637] {strides = array<i32>} : memref<1024xf32, #tpu.memory_space<vmem>>, vector<16xf32>,
      %mul3A_639 = arith.mulf %gather3A_636, %get3A_638 : vector<16xf32>
      %swap3A_640 = arith.constant 800 : index
      %swap3A_641 = tpu.vector_load %arg9[%swap3A_640] {strides = array<i32>} : memref<1024xf32, #tpu.memory_space<vmem>>, vector<16xf32>,
      tpu.vector_store %arg9[%swap3A_640], %mul3A_639 {strides = array<i32>} : memref<1024xf32, #tpu.memory_space<vmem>>, vector<16xf32>,
      %broadcast_in_dim3A_642 = arith.constant 50 : i32
      %broadcast_in_dim3A_643 = vector.broadcast %broadcast_in_dim3A_642 : i32 to vector<16xi32>
      %broadcast_in_dim3A_644 = arith.constant 51 : i32
      %broadcast_in_dim3A_645 = vector.broadcast %broadcast_in_dim3A_644 : i32 to vector<16xi32>
      %gather3A_646 = tpu.vector_load_idx %arg7[%add3A_12, %broadcast_in_dim3A_645] : memref<1024x64xf32, #tpu.memory_space<vmem>>[vector<16xi32>, vector<16xi32>], vector<16xf32>,
      %get3A_647 = arith.constant 816 : index
      %get3A_648 = tpu.vector_load %arg8[%get3A_647] {strides = array<i32>} : memref<1024xf32, #tpu.memory_space<vmem>>, vector<16xf32>,
      %mul3A_649 = arith.mulf %gather3A_646, %get3A_648 : vector<16xf32>
      %swap3A_650 = arith.constant 816 : index
      %swap3A_651 = tpu.vector_load %arg9[%swap3A_650] {strides = array<i32>} : memref<1024xf32, #tpu.memory_space<vmem>>, vector<16xf32>,
      tpu.vector_store %arg9[%swap3A_650], %mul3A_649 {strides = array<i32>} : memref<1024xf32, #tpu.memory_space<vmem>>, vector<16xf32>,
      %broadcast_in_dim3A_652 = arith.constant 51 : i32
      %broadcast_in_dim3A_653 = vector.broadcast %broadcast_in_dim3A_652 : i32 to vector<16xi32>
      %broadcast_in_dim3A_654 = arith.constant 52 : i32
      %broadcast_in_dim3A_655 = vector.broadcast %broadcast_in_dim3A_654 : i32 to vector<16xi32>
      %gather3A_656 = tpu.vector_load_idx %arg7[%add3A_12, %broadcast_in_dim3A_655] : memref<1024x64xf32, #tpu.memory_space<vmem>>[vector<16xi32>, vector<16xi32>], vector<16xf32>,
      %get3A_657 = arith.constant 832 : index
      %get3A_658 = tpu.vector_load %arg8[%get3A_657] {strides = array<i32>} : memref<1024xf32, #tpu.memory_space<vmem>>, vector<16xf32>,
      %mul3A_659 = arith.mulf %gather3A_656, %get3A_658 : vector<16xf32>
      %swap3A_660 = arith.constant 832 : index
      %swap3A_661 = tpu.vector_load %arg9[%swap3A_660] {strides = array<i32>} : memref<1024xf32, #tpu.memory_space<vmem>>, vector<16xf32>,
      tpu.vector_store %arg9[%swap3A_660], %mul3A_659 {strides = array<i32>} : memref<1024xf32, #tpu.memory_space<vmem>>, vector<16xf32>,
      %broadcast_in_dim3A_662 = arith.constant 52 : i32
      %broadcast_in_dim3A_663 = vector.broadcast %broadcast_in_dim3A_662 : i32 to vector<16xi32>
      %broadcast_in_dim3A_664 = arith.constant 53 : i32
      %broadcast_in_dim3A_665 = vector.broadcast %broadcast_in_dim3A_664 : i32 to vector<16xi32>
      %gather3A_666 = tpu.vector_load_idx %arg7[%add3A_12, %broadcast_in_dim3A_665] : memref<1024x64xf32, #tpu.memory_space<vmem>>[vector<16xi32>, vector<16xi32>], vector<16xf32>,
      %get3A_667 = arith.constant 848 : index
      %get3A_668 = tpu.vector_load %arg8[%get3A_667] {strides = array<i32>} : memref<1024xf32, #tpu.memory_space<vmem>>, vector<16xf32>,
      %mul3A_669 = arith.mulf %gather3A_666, %get3A_668 : vector<16xf32>
      %swap3A_670 = arith.constant 848 : index
      %swap3A_671 = tpu.vector_load %arg9[%swap3A_670] {strides = array<i32>} : memref<1024xf32, #tpu.memory_space<vmem>>, vector<16xf32>,
      tpu.vector_store %arg9[%swap3A_670], %mul3A_669 {strides = array<i32>} : memref<1024xf32, #tpu.memory_space<vmem>>, vector<16xf32>,
      %broadcast_in_dim3A_672 = arith.constant 53 : i32
      %broadcast_in_dim3A_673 = vector.broadcast %broadcast_in_dim3A_672 : i32 to vector<16xi32>
      %broadcast_in_dim3A_674 = arith.constant 54 : i32
      %broadcast_in_dim3A_675 = vector.broadcast %broadcast_in_dim3A_674 : i32 to vector<16xi32>
      %gather3A_676 = tpu.vector_load_idx %arg7[%add3A_12, %broadcast_in_dim3A_675] : memref<1024x64xf32, #tpu.memory_space<vmem>>[vector<16xi32>, vector<16xi32>], vector<16xf32>,
      %get3A_677 = arith.constant 864 : index
      %get3A_678 = tpu.vector_load %arg8[%get3A_677] {strides = array<i32>} : memref<1024xf32, #tpu.memory_space<vmem>>, vector<16xf32>,
      %mul3A_679 = arith.mulf %gather3A_676, %get3A_678 : vector<16xf32>
      %swap3A_680 = arith.constant 864 : index
      %swap3A_681 = tpu.vector_load %arg9[%swap3A_680] {strides = array<i32>} : memref<1024xf32, #tpu.memory_space<vmem>>, vector<16xf32>,
      tpu.vector_store %arg9[%swap3A_680], %mul3A_679 {strides = array<i32>} : memref<1024xf32, #tpu.memory_space<vmem>>, vector<16xf32>,
      %broadcast_in_dim3A_682 = arith.constant 54 : i32
      %broadcast_in_dim3A_683 = vector.broadcast %broadcast_in_dim3A_682 : i32 to vector<16xi32>
      %broadcast_in_dim3A_684 = arith.constant 55 : i32
      %broadcast_in_dim3A_685 = vector.broadcast %broadcast_in_dim3A_684 : i32 to vector<16xi32>
      %gather3A_686 = tpu.vector_load_idx %arg7[%add3A_12, %broadcast_in_dim3A_685] : memref<1024x64xf32, #tpu.memory_space<vmem>>[vector<16xi32>, vector<16xi32>], vector<16xf32>,
      %get3A_687 = arith.constant 880 : index
      %get3A_688 = tpu.vector_load %arg8[%get3A_687] {strides = array<i32>} : memref<1024xf32, #tpu.memory_space<vmem>>, vector<16xf32>,
      %mul3A_689 = arith.mulf %gather3A_686, %get3A_688 : vector<16xf32>
      %swap3A_690 = arith.constant 880 : index
      %swap3A_691 = tpu.vector_load %arg9[%swap3A_690] {strides = array<i32>} : memref<1024xf32, #tpu.memory_space<vmem>>, vector<16xf32>,
      tpu.vector_store %arg9[%swap3A_690], %mul3A_689 {strides = array<i32>} : memref<1024xf32, #tpu.memory_space<vmem>>, vector<16xf32>,
      %broadcast_in_dim3A_692 = arith.constant 55 : i32
      %broadcast_in_dim3A_693 = vector.broadcast %broadcast_in_dim3A_692 : i32 to vector<16xi32>
      %gt3A_694 = arith.cmpf ogt, %mul3A_629, %mul3A_619 : vector<16xf32>
      %select_n3A_695 = arith.select %gt3A_694, %mul3A_629, %mul3A_619 : vector<16xi1>, vector<16xf32>
      %select_n3A_696 = arith.select %gt3A_694, %broadcast_in_dim3A_633, %broadcast_in_dim3A_623 : vector<16xi1>, vector<16xi32>
      %gt3A_697 = arith.cmpf ogt, %mul3A_649, %mul3A_639 : vector<16xf32>
      %select_n3A_698 = arith.select %gt3A_697, %mul3A_649, %mul3A_639 : vector<16xi1>, vector<16xf32>
      %select_n3A_699 = arith.select %gt3A_697, %broadcast_in_dim3A_653, %broadcast_in_dim3A_643 : vector<16xi1>, vector<16xi32>
      %gt3A_700 = arith.cmpf ogt, %mul3A_669, %mul3A_659 : vector<16xf32>
      %select_n3A_701 = arith.select %gt3A_700, %mul3A_669, %mul3A_659 : vector<16xi1>, vector<16xf32>
      %select_n3A_702 = arith.select %gt3A_700, %broadcast_in_dim3A_673, %broadcast_in_dim3A_663 : vector<16xi1>, vector<16xi32>
      %gt3A_703 = arith.cmpf ogt, %mul3A_689, %mul3A_679 : vector<16xf32>
      %select_n3A_704 = arith.select %gt3A_703, %mul3A_689, %mul3A_679 : vector<16xi1>, vector<16xf32>
      %select_n3A_705 = arith.select %gt3A_703, %broadcast_in_dim3A_693, %broadcast_in_dim3A_683 : vector<16xi1>, vector<16xi32>
      %gt3A_706 = arith.cmpf ogt, %select_n3A_698, %select_n3A_695 : vector<16xf32>
      %select_n3A_707 = arith.select %gt3A_706, %select_n3A_698, %select_n3A_695 : vector<16xi1>, vector<16xf32>
      %select_n3A_708 = arith.select %gt3A_706, %select_n3A_699, %select_n3A_696 : vector<16xi1>, vector<16xi32>
      %gt3A_709 = arith.cmpf ogt, %select_n3A_704, %select_n3A_701 : vector<16xf32>
      %select_n3A_710 = arith.select %gt3A_709, %select_n3A_704, %select_n3A_701 : vector<16xi1>, vector<16xf32>
      %select_n3A_711 = arith.select %gt3A_709, %select_n3A_705, %select_n3A_702 : vector<16xi1>, vector<16xi32>
      %gt3A_712 = arith.cmpf ogt, %select_n3A_710, %select_n3A_707 : vector<16xf32>
      %select_n3A_713 = arith.select %gt3A_712, %select_n3A_710, %select_n3A_707 : vector<16xi1>, vector<16xf32>
      %select_n3A_714 = arith.select %gt3A_712, %select_n3A_711, %select_n3A_708 : vector<16xi1>, vector<16xi32>
      %broadcast_in_dim3A_715 = arith.constant 56 : i32
      %broadcast_in_dim3A_716 = vector.broadcast %broadcast_in_dim3A_715 : i32 to vector<16xi32>
      %gather3A_717 = tpu.vector_load_idx %arg7[%add3A_12, %broadcast_in_dim3A_716] : memref<1024x64xf32, #tpu.memory_space<vmem>>[vector<16xi32>, vector<16xi32>], vector<16xf32>,
      %get3A_718 = arith.constant 896 : index
      %get3A_719 = tpu.vector_load %arg8[%get3A_718] {strides = array<i32>} : memref<1024xf32, #tpu.memory_space<vmem>>, vector<16xf32>,
      %mul3A_720 = arith.mulf %gather3A_717, %get3A_719 : vector<16xf32>
      %swap3A_721 = arith.constant 896 : index
      %swap3A_722 = tpu.vector_load %arg9[%swap3A_721] {strides = array<i32>} : memref<1024xf32, #tpu.memory_space<vmem>>, vector<16xf32>,
      tpu.vector_store %arg9[%swap3A_721], %mul3A_720 {strides = array<i32>} : memref<1024xf32, #tpu.memory_space<vmem>>, vector<16xf32>,
      %broadcast_in_dim3A_723 = arith.constant 56 : i32
      %broadcast_in_dim3A_724 = vector.broadcast %broadcast_in_dim3A_723 : i32 to vector<16xi32>
      %broadcast_in_dim3A_725 = arith.constant 57 : i32
      %broadcast_in_dim3A_726 = vector.broadcast %broadcast_in_dim3A_725 : i32 to vector<16xi32>
      %gather3A_727 = tpu.vector_load_idx %arg7[%add3A_12, %broadcast_in_dim3A_726] : memref<1024x64xf32, #tpu.memory_space<vmem>>[vector<16xi32>, vector<16xi32>], vector<16xf32>,
      %get3A_728 = arith.constant 912 : index
      %get3A_729 = tpu.vector_load %arg8[%get3A_728] {strides = array<i32>} : memref<1024xf32, #tpu.memory_space<vmem>>, vector<16xf32>,
      %mul3A_730 = arith.mulf %gather3A_727, %get3A_729 : vector<16xf32>
      %swap3A_731 = arith.constant 912 : index
      %swap3A_732 = tpu.vector_load %arg9[%swap3A_731] {strides = array<i32>} : memref<1024xf32, #tpu.memory_space<vmem>>, vector<16xf32>,
      tpu.vector_store %arg9[%swap3A_731], %mul3A_730 {strides = array<i32>} : memref<1024xf32, #tpu.memory_space<vmem>>, vector<16xf32>,
      %broadcast_in_dim3A_733 = arith.constant 57 : i32
      %broadcast_in_dim3A_734 = vector.broadcast %broadcast_in_dim3A_733 : i32 to vector<16xi32>
      %broadcast_in_dim3A_735 = arith.constant 58 : i32
      %broadcast_in_dim3A_736 = vector.broadcast %broadcast_in_dim3A_735 : i32 to vector<16xi32>
      %gather3A_737 = tpu.vector_load_idx %arg7[%add3A_12, %broadcast_in_dim3A_736] : memref<1024x64xf32, #tpu.memory_space<vmem>>[vector<16xi32>, vector<16xi32>], vector<16xf32>,
      %get3A_738 = arith.constant 928 : index
      %get3A_739 = tpu.vector_load %arg8[%get3A_738] {strides = array<i32>} : memref<1024xf32, #tpu.memory_space<vmem>>, vector<16xf32>,
      %mul3A_740 = arith.mulf %gather3A_737, %get3A_739 : vector<16xf32>
      %swap3A_741 = arith.constant 928 : index
      %swap3A_742 = tpu.vector_load %arg9[%swap3A_741] {strides = array<i32>} : memref<1024xf32, #tpu.memory_space<vmem>>, vector<16xf32>,
      tpu.vector_store %arg9[%swap3A_741], %mul3A_740 {strides = array<i32>} : memref<1024xf32, #tpu.memory_space<vmem>>, vector<16xf32>,
      %broadcast_in_dim3A_743 = arith.constant 58 : i32
      %broadcast_in_dim3A_744 = vector.broadcast %broadcast_in_dim3A_743 : i32 to vector<16xi32>
      %broadcast_in_dim3A_745 = arith.constant 59 : i32
      %broadcast_in_dim3A_746 = vector.broadcast %broadcast_in_dim3A_745 : i32 to vector<16xi32>
      %gather3A_747 = tpu.vector_load_idx %arg7[%add3A_12, %broadcast_in_dim3A_746] : memref<1024x64xf32, #tpu.memory_space<vmem>>[vector<16xi32>, vector<16xi32>], vector<16xf32>,
      %get3A_748 = arith.constant 944 : index
      %get3A_749 = tpu.vector_load %arg8[%get3A_748] {strides = array<i32>} : memref<1024xf32, #tpu.memory_space<vmem>>, vector<16xf32>,
      %mul3A_750 = arith.mulf %gather3A_747, %get3A_749 : vector<16xf32>
      %swap3A_751 = arith.constant 944 : index
      %swap3A_752 = tpu.vector_load %arg9[%swap3A_751] {strides = array<i32>} : memref<1024xf32, #tpu.memory_space<vmem>>, vector<16xf32>,
      tpu.vector_store %arg9[%swap3A_751], %mul3A_750 {strides = array<i32>} : memref<1024xf32, #tpu.memory_space<vmem>>, vector<16xf32>,
      %broadcast_in_dim3A_753 = arith.constant 59 : i32
      %broadcast_in_dim3A_754 = vector.broadcast %broadcast_in_dim3A_753 : i32 to vector<16xi32>
      %broadcast_in_dim3A_755 = arith.constant 60 : i32
      %broadcast_in_dim3A_756 = vector.broadcast %broadcast_in_dim3A_755 : i32 to vector<16xi32>
      %gather3A_757 = tpu.vector_load_idx %arg7[%add3A_12, %broadcast_in_dim3A_756] : memref<1024x64xf32, #tpu.memory_space<vmem>>[vector<16xi32>, vector<16xi32>], vector<16xf32>,
      %get3A_758 = arith.constant 960 : index
      %get3A_759 = tpu.vector_load %arg8[%get3A_758] {strides = array<i32>} : memref<1024xf32, #tpu.memory_space<vmem>>, vector<16xf32>,
      %mul3A_760 = arith.mulf %gather3A_757, %get3A_759 : vector<16xf32>
      %swap3A_761 = arith.constant 960 : index
      %swap3A_762 = tpu.vector_load %arg9[%swap3A_761] {strides = array<i32>} : memref<1024xf32, #tpu.memory_space<vmem>>, vector<16xf32>,
      tpu.vector_store %arg9[%swap3A_761], %mul3A_760 {strides = array<i32>} : memref<1024xf32, #tpu.memory_space<vmem>>, vector<16xf32>,
      %broadcast_in_dim3A_763 = arith.constant 60 : i32
      %broadcast_in_dim3A_764 = vector.broadcast %broadcast_in_dim3A_763 : i32 to vector<16xi32>
      %broadcast_in_dim3A_765 = arith.constant 61 : i32
      %broadcast_in_dim3A_766 = vector.broadcast %broadcast_in_dim3A_765 : i32 to vector<16xi32>
      %gather3A_767 = tpu.vector_load_idx %arg7[%add3A_12, %broadcast_in_dim3A_766] : memref<1024x64xf32, #tpu.memory_space<vmem>>[vector<16xi32>, vector<16xi32>], vector<16xf32>,
      %get3A_768 = arith.constant 976 : index
      %get3A_769 = tpu.vector_load %arg8[%get3A_768] {strides = array<i32>} : memref<1024xf32, #tpu.memory_space<vmem>>, vector<16xf32>,
      %mul3A_770 = arith.mulf %gather3A_767, %get3A_769 : vector<16xf32>
      %swap3A_771 = arith.constant 976 : index
      %swap3A_772 = tpu.vector_load %arg9[%swap3A_771] {strides = array<i32>} : memref<1024xf32, #tpu.memory_space<vmem>>, vector<16xf32>,
      tpu.vector_store %arg9[%swap3A_771], %mul3A_770 {strides = array<i32>} : memref<1024xf32, #tpu.memory_space<vmem>>, vector<16xf32>,
      %broadcast_in_dim3A_773 = arith.constant 61 : i32
      %broadcast_in_dim3A_774 = vector.broadcast %broadcast_in_dim3A_773 : i32 to vector<16xi32>
      %broadcast_in_dim3A_775 = arith.constant 62 : i32
      %broadcast_in_dim3A_776 = vector.broadcast %broadcast_in_dim3A_775 : i32 to vector<16xi32>
      %gather3A_777 = tpu.vector_load_idx %arg7[%add3A_12, %broadcast_in_dim3A_776] : memref<1024x64xf32, #tpu.memory_space<vmem>>[vector<16xi32>, vector<16xi32>], vector<16xf32>,
      %get3A_778 = arith.constant 992 : index
      %get3A_779 = tpu.vector_load %arg8[%get3A_778] {strides = array<i32>} : memref<1024xf32, #tpu.memory_space<vmem>>, vector<16xf32>,
      %mul3A_780 = arith.mulf %gather3A_777, %get3A_779 : vector<16xf32>
      %swap3A_781 = arith.constant 992 : index
      %swap3A_782 = tpu.vector_load %arg9[%swap3A_781] {strides = array<i32>} : memref<1024xf32, #tpu.memory_space<vmem>>, vector<16xf32>,
      tpu.vector_store %arg9[%swap3A_781], %mul3A_780 {strides = array<i32>} : memref<1024xf32, #tpu.memory_space<vmem>>, vector<16xf32>,
      %broadcast_in_dim3A_783 = arith.constant 62 : i32
      %broadcast_in_dim3A_784 = vector.broadcast %broadcast_in_dim3A_783 : i32 to vector<16xi32>
      %broadcast_in_dim3A_785 = arith.constant 63 : i32
      %broadcast_in_dim3A_786 = vector.broadcast %broadcast_in_dim3A_785 : i32 to vector<16xi32>
      %gather3A_787 = tpu.vector_load_idx %arg7[%add3A_12, %broadcast_in_dim3A_786] : memref<1024x64xf32, #tpu.memory_space<vmem>>[vector<16xi32>, vector<16xi32>], vector<16xf32>,
      %get3A_788 = arith.constant 1008 : index
      %get3A_789 = tpu.vector_load %arg8[%get3A_788] {strides = array<i32>} : memref<1024xf32, #tpu.memory_space<vmem>>, vector<16xf32>,
      %mul3A_790 = arith.mulf %gather3A_787, %get3A_789 : vector<16xf32>
      %swap3A_791 = arith.constant 1008 : index
      %swap3A_792 = tpu.vector_load %arg9[%swap3A_791] {strides = array<i32>} : memref<1024xf32, #tpu.memory_space<vmem>>, vector<16xf32>,
      tpu.vector_store %arg9[%swap3A_791], %mul3A_790 {strides = array<i32>} : memref<1024xf32, #tpu.memory_space<vmem>>, vector<16xf32>,
      %broadcast_in_dim3A_793 = arith.constant 63 : i32
      %broadcast_in_dim3A_794 = vector.broadcast %broadcast_in_dim3A_793 : i32 to vector<16xi32>
      %gt3A_795 = arith.cmpf ogt, %mul3A_730, %mul3A_720 : vector<16xf32>
      %select_n3A_796 = arith.select %gt3A_795, %mul3A_730, %mul3A_720 : vector<16xi1>, vector<16xf32>
      %select_n3A_797 = arith.select %gt3A_795, %broadcast_in_dim3A_734, %broadcast_in_dim3A_724 : vector<16xi1>, vector<16xi32>
      %gt3A_798 = arith.cmpf ogt, %mul3A_750, %mul3A_740 : vector<16xf32>
      %select_n3A_799 = arith.select %gt3A_798, %mul3A_750, %mul3A_740 : vector<16xi1>, vector<16xf32>
      %select_n3A_800 = arith.select %gt3A_798, %broadcast_in_dim3A_754, %broadcast_in_dim3A_744 : vector<16xi1>, vector<16xi32>
      %gt3A_801 = arith.cmpf ogt, %mul3A_770, %mul3A_760 : vector<16xf32>
      %select_n3A_802 = arith.select %gt3A_801, %mul3A_770, %mul3A_760 : vector<16xi1>, vector<16xf32>
      %select_n3A_803 = arith.select %gt3A_801, %broadcast_in_dim3A_774, %broadcast_in_dim3A_764 : vector<16xi1>, vector<16xi32>
      %gt3A_804 = arith.cmpf ogt, %mul3A_790, %mul3A_780 : vector<16xf32>
      %select_n3A_805 = arith.select %gt3A_804, %mul3A_790, %mul3A_780 : vector<16xi1>, vector<16xf32>
      %select_n3A_806 = arith.select %gt3A_804, %broadcast_in_dim3A_794, %broadcast_in_dim3A_784 : vector<16xi1>, vector<16xi32>
      %gt3A_807 = arith.cmpf ogt, %select_n3A_799, %select_n3A_796 : vector<16xf32>
      %select_n3A_808 = arith.select %gt3A_807, %select_n3A_799, %select_n3A_796 : vector<16xi1>, vector<16xf32>
      %select_n3A_809 = arith.select %gt3A_807, %select_n3A_800, %select_n3A_797 : vector<16xi1>, vector<16xi32>
      %gt3A_810 = arith.cmpf ogt, %select_n3A_805, %select_n3A_802 : vector<16xf32>
      %select_n3A_811 = arith.select %gt3A_810, %select_n3A_805, %select_n3A_802 : vector<16xi1>, vector<16xf32>
      %select_n3A_812 = arith.select %gt3A_810, %select_n3A_806, %select_n3A_803 : vector<16xi1>, vector<16xi32>
      %gt3A_813 = arith.cmpf ogt, %select_n3A_811, %select_n3A_808 : vector<16xf32>
      %select_n3A_814 = arith.select %gt3A_813, %select_n3A_811, %select_n3A_808 : vector<16xi1>, vector<16xf32>
      %select_n3A_815 = arith.select %gt3A_813, %select_n3A_812, %select_n3A_809 : vector<16xi1>, vector<16xi32>
      %gt3A_816 = arith.cmpf ogt, %select_n3A_208, %select_n3A_107 : vector<16xf32>
      %select_n3A_817 = arith.select %gt3A_816, %select_n3A_208, %select_n3A_107 : vector<16xi1>, vector<16xf32>
      %select_n3A_818 = arith.select %gt3A_816, %select_n3A_209, %select_n3A_108 : vector<16xi1>, vector<16xi32>
      %gt3A_819 = arith.cmpf ogt, %select_n3A_410, %select_n3A_309 : vector<16xf32>
      %select_n3A_820 = arith.select %gt3A_819, %select_n3A_410, %select_n3A_309 : vector<16xi1>, vector<16xf32>
      %select_n3A_821 = arith.select %gt3A_819, %select_n3A_411, %select_n3A_310 : vector<16xi1>, vector<16xi32>
      %gt3A_822 = arith.cmpf ogt, %select_n3A_612, %select_n3A_511 : vector<16xf32>
      %select_n3A_823 = arith.select %gt3A_822, %select_n3A_612, %select_n3A_511 : vector<16xi1>, vector<16xf32>
      %select_n3A_824 = arith.select %gt3A_822, %select_n3A_613, %select_n3A_512 : vector<16xi1>, vector<16xi32>
      %gt3A_825 = arith.cmpf ogt, %select_n3A_814, %select_n3A_713 : vector<16xf32>
      %select_n3A_826 = arith.select %gt3A_825, %select_n3A_814, %select_n3A_713 : vector<16xi1>, vector<16xf32>
      %select_n3A_827 = arith.select %gt3A_825, %select_n3A_815, %select_n3A_714 : vector<16xi1>, vector<16xi32>
      %gt3A_828 = arith.cmpf ogt, %select_n3A_820, %select_n3A_817 : vector<16xf32>
      %select_n3A_829 = arith.select %gt3A_828, %select_n3A_820, %select_n3A_817 : vector<16xi1>, vector<16xf32>
      %select_n3A_830 = arith.select %gt3A_828, %select_n3A_821, %select_n3A_818 : vector<16xi1>, vector<16xi32>
      %gt3A_831 = arith.cmpf ogt, %select_n3A_826, %select_n3A_823 : vector<16xf32>
      %select_n3A_832 = arith.select %gt3A_831, %select_n3A_826, %select_n3A_823 : vector<16xi1>, vector<16xf32>
      %select_n3A_833 = arith.select %gt3A_831, %select_n3A_827, %select_n3A_824 : vector<16xi1>, vector<16xi32>
      %gt3A_834 = arith.cmpf ogt, %select_n3A_832, %select_n3A_829 : vector<16xf32>
      %select_n3A_835 = arith.select %gt3A_834, %select_n3A_832, %select_n3A_829 : vector<16xi1>, vector<16xf32>
      %select_n3A_836 = arith.select %gt3A_834, %select_n3A_833, %select_n3A_830 : vector<16xi1>, vector<16xi32>
      %mul3A_837 = arith.constant 16 : i32
      %mul3A_838 = vector.broadcast %mul3A_837 : i32 to vector<16xi32>
      %mul3A_839 = arith.muli %select_n3A_836, %mul3A_838 : vector<16xi32>
      %add3A_840 = arith.addi %mul3A_839, %iota3A : vector<16xi32>
      tpu.vector_store_idx %arg9[%add3A_840], %broadcast_in_dim3A_3 : memref<1024xf32, #tpu.memory_space<vmem>>[vector<16xi32>], vector<16xf32>,
      %shift_right_arithmetic3A = arith.constant 3 : i32
      %shift_right_arithmetic3A_841 = vector.broadcast %shift_right_arithmetic3A : i32 to vector<16xi32>
      %shift_right_arithmetic3A_842 = arith.shrsi %select_n3A_836, %shift_right_arithmetic3A_841 : vector<16xi32>
      %shift_left3A = arith.constant 3 : i32
      %shift_left3A_843 = vector.broadcast %shift_left3A : i32 to vector<16xi32>
      %shift_left3A_844 = arith.shli %shift_right_arithmetic3A_842, %shift_left3A_843 : vector<16xi32>
      %add3A_845 = arith.constant 0 : i32
      %add3A_846 = vector.broadcast %add3A_845 : i32 to vector<16xi32>
      %add3A_847 = arith.addi %shift_left3A_844, %add3A_846 : vector<16xi32>
      %shift_left3A_848 = arith.constant 4 : i32
      %shift_left3A_849 = vector.broadcast %shift_left3A_848 : i32 to vector<16xi32>
      %shift_left3A_850 = arith.shli %add3A_847, %shift_left3A_849 : vector<16xi32>
      %add3A_851 = arith.addi %shift_left3A_850, %iota3A : vector<16xi32>
      %gather3A_852 = tpu.vector_load_idx %arg9[%add3A_851] : memref<1024xf32, #tpu.memory_space<vmem>>[vector<16xi32>], vector<16xf32>,
      %add3A_853 = arith.constant 1 : i32
      %add3A_854 = vector.broadcast %add3A_853 : i32 to vector<16xi32>
      %add3A_855 = arith.addi %shift_left3A_844, %add3A_854 : vector<16xi32>
      %shift_left3A_856 = arith.constant 4 : i32
      %shift_left3A_857 = vector.broadcast %shift_left3A_856 : i32 to vector<16xi32>
      %shift_left3A_858 = arith.shli %add3A_855, %shift_left3A_857 : vector<16xi32>
      %add3A_859 = arith.addi %shift_left3A_858, %iota3A : vector<16xi32>
      %gather3A_860 = tpu.vector_load_idx %arg9[%add3A_859] : memref<1024xf32, #tpu.memory_space<vmem>>[vector<16xi32>], vector<16xf32>,
      %add3A_861 = arith.constant 2 : i32
      %add3A_862 = vector.broadcast %add3A_861 : i32 to vector<16xi32>
      %add3A_863 = arith.addi %shift_left3A_844, %add3A_862 : vector<16xi32>
      %shift_left3A_864 = arith.constant 4 : i32
      %shift_left3A_865 = vector.broadcast %shift_left3A_864 : i32 to vector<16xi32>
      %shift_left3A_866 = arith.shli %add3A_863, %shift_left3A_865 : vector<16xi32>
      %add3A_867 = arith.addi %shift_left3A_866, %iota3A : vector<16xi32>
      %gather3A_868 = tpu.vector_load_idx %arg9[%add3A_867] : memref<1024xf32, #tpu.memory_space<vmem>>[vector<16xi32>], vector<16xf32>,
      %add3A_869 = arith.constant 3 : i32
      %add3A_870 = vector.broadcast %add3A_869 : i32 to vector<16xi32>
      %add3A_871 = arith.addi %shift_left3A_844, %add3A_870 : vector<16xi32>
      %shift_left3A_872 = arith.constant 4 : i32
      %shift_left3A_873 = vector.broadcast %shift_left3A_872 : i32 to vector<16xi32>
      %shift_left3A_874 = arith.shli %add3A_871, %shift_left3A_873 : vector<16xi32>
      %add3A_875 = arith.addi %shift_left3A_874, %iota3A : vector<16xi32>
      %gather3A_876 = tpu.vector_load_idx %arg9[%add3A_875] : memref<1024xf32, #tpu.memory_space<vmem>>[vector<16xi32>], vector<16xf32>,
      %add3A_877 = arith.constant 4 : i32
      %add3A_878 = vector.broadcast %add3A_877 : i32 to vector<16xi32>
      %add3A_879 = arith.addi %shift_left3A_844, %add3A_878 : vector<16xi32>
      %shift_left3A_880 = arith.constant 4 : i32
      %shift_left3A_881 = vector.broadcast %shift_left3A_880 : i32 to vector<16xi32>
      %shift_left3A_882 = arith.shli %add3A_879, %shift_left3A_881 : vector<16xi32>
      %add3A_883 = arith.addi %shift_left3A_882, %iota3A : vector<16xi32>
      %gather3A_884 = tpu.vector_load_idx %arg9[%add3A_883] : memref<1024xf32, #tpu.memory_space<vmem>>[vector<16xi32>], vector<16xf32>,
      %add3A_885 = arith.constant 5 : i32
      %add3A_886 = vector.broadcast %add3A_885 : i32 to vector<16xi32>
      %add3A_887 = arith.addi %shift_left3A_844, %add3A_886 : vector<16xi32>
      %shift_left3A_888 = arith.constant 4 : i32
      %shift_left3A_889 = vector.broadcast %shift_left3A_888 : i32 to vector<16xi32>
      %shift_left3A_890 = arith.shli %add3A_887, %shift_left3A_889 : vector<16xi32>
      %add3A_891 = arith.addi %shift_left3A_890, %iota3A : vector<16xi32>
      %gather3A_892 = tpu.vector_load_idx %arg9[%add3A_891] : memref<1024xf32, #tpu.memory_space<vmem>>[vector<16xi32>], vector<16xf32>,
      %add3A_893 = arith.constant 6 : i32
      %add3A_894 = vector.broadcast %add3A_893 : i32 to vector<16xi32>
      %add3A_895 = arith.addi %shift_left3A_844, %add3A_894 : vector<16xi32>
      %shift_left3A_896 = arith.constant 4 : i32
      %shift_left3A_897 = vector.broadcast %shift_left3A_896 : i32 to vector<16xi32>
      %shift_left3A_898 = arith.shli %add3A_895, %shift_left3A_897 : vector<16xi32>
      %add3A_899 = arith.addi %shift_left3A_898, %iota3A : vector<16xi32>
      %gather3A_900 = tpu.vector_load_idx %arg9[%add3A_899] : memref<1024xf32, #tpu.memory_space<vmem>>[vector<16xi32>], vector<16xf32>,
      %add3A_901 = arith.constant 7 : i32
      %add3A_902 = vector.broadcast %add3A_901 : i32 to vector<16xi32>
      %add3A_903 = arith.addi %shift_left3A_844, %add3A_902 : vector<16xi32>
      %shift_left3A_904 = arith.constant 4 : i32
      %shift_left3A_905 = vector.broadcast %shift_left3A_904 : i32 to vector<16xi32>
      %shift_left3A_906 = arith.shli %add3A_903, %shift_left3A_905 : vector<16xi32>
      %add3A_907 = arith.addi %shift_left3A_906, %iota3A : vector<16xi32>
      %gather3A_908 = tpu.vector_load_idx %arg9[%add3A_907] : memref<1024xf32, #tpu.memory_space<vmem>>[vector<16xi32>], vector<16xf32>,
      %gt3A_909 = arith.cmpf ogt, %gather3A_860, %gather3A_852 : vector<16xf32>
      %select_n3A_910 = arith.select %gt3A_909, %gather3A_860, %gather3A_852 : vector<16xi1>, vector<16xf32>
      %select_n3A_911 = arith.select %gt3A_909, %add3A_855, %add3A_847 : vector<16xi1>, vector<16xi32>
      %gt3A_912 = arith.cmpf ogt, %gather3A_876, %gather3A_868 : vector<16xf32>
      %select_n3A_913 = arith.select %gt3A_912, %gather3A_876, %gather3A_868 : vector<16xi1>, vector<16xf32>
      %select_n3A_914 = arith.select %gt3A_912, %add3A_871, %add3A_863 : vector<16xi1>, vector<16xi32>
      %gt3A_915 = arith.cmpf ogt, %gather3A_892, %gather3A_884 : vector<16xf32>
      %select_n3A_916 = arith.select %gt3A_915, %gather3A_892, %gather3A_884 : vector<16xi1>, vector<16xf32>
      %select_n3A_917 = arith.select %gt3A_915, %add3A_887, %add3A_879 : vector<16xi1>, vector<16xi32>
      %gt3A_918 = arith.cmpf ogt, %gather3A_908, %gather3A_900 : vector<16xf32>
      %select_n3A_919 = arith.select %gt3A_918, %gather3A_908, %gather3A_900 : vector<16xi1>, vector<16xf32>
      %select_n3A_920 = arith.select %gt3A_918, %add3A_903, %add3A_895 : vector<16xi1>, vector<16xi32>
      %gt3A_921 = arith.cmpf ogt, %select_n3A_913, %select_n3A_910 : vector<16xf32>
      %select_n3A_922 = arith.select %gt3A_921, %select_n3A_913, %select_n3A_910 : vector<16xi1>, vector<16xf32>
      %select_n3A_923 = arith.select %gt3A_921, %select_n3A_914, %select_n3A_911 : vector<16xi1>, vector<16xi32>
      %gt3A_924 = arith.cmpf ogt, %select_n3A_919, %select_n3A_916 : vector<16xf32>
      %select_n3A_925 = arith.select %gt3A_924, %select_n3A_919, %select_n3A_916 : vector<16xi1>, vector<16xf32>
      %select_n3A_926 = arith.select %gt3A_924, %select_n3A_920, %select_n3A_917 : vector<16xi1>, vector<16xi32>
      %gt3A_927 = arith.cmpf ogt, %select_n3A_925, %select_n3A_922 : vector<16xf32>
      %select_n3A_928 = arith.select %gt3A_927, %select_n3A_925, %select_n3A_922 : vector<16xi1>, vector<16xf32>
      %select_n3A_929 = arith.select %gt3A_927, %select_n3A_926, %select_n3A_923 : vector<16xi1>, vector<16xi32>
      %eq3A = arith.constant 0 : i32
      %eq3A_930 = vector.broadcast %eq3A : i32 to vector<16xi32>
      %eq3A_931 = arith.cmpi eq, %shift_right_arithmetic3A_842, %eq3A_930 : vector<16xi32>
      %select_n3A_932 = arith.select %eq3A_931, %select_n3A_928, %select_n3A_107 : vector<16xi1>, vector<16xf32>
      %select_n3A_933 = arith.select %eq3A_931, %select_n3A_929, %select_n3A_108 : vector<16xi1>, vector<16xi32>
      %eq3A_934 = arith.constant 1 : i32
      %eq3A_935 = vector.broadcast %eq3A_934 : i32 to vector<16xi32>
      %eq3A_936 = arith.cmpi eq, %shift_right_arithmetic3A_842, %eq3A_935 : vector<16xi32>
      %select_n3A_937 = arith.select %eq3A_936, %select_n3A_928, %select_n3A_208 : vector<16xi1>, vector<16xf32>
      %select_n3A_938 = arith.select %eq3A_936, %select_n3A_929, %select_n3A_209 : vector<16xi1>, vector<16xi32>
      %eq3A_939 = arith.constant 2 : i32
      %eq3A_940 = vector.broadcast %eq3A_939 : i32 to vector<16xi32>
      %eq3A_941 = arith.cmpi eq, %shift_right_arithmetic3A_842, %eq3A_940 : vector<16xi32>
      %select_n3A_942 = arith.select %eq3A_941, %select_n3A_928, %select_n3A_309 : vector<16xi1>, vector<16xf32>
      %select_n3A_943 = arith.select %eq3A_941, %select_n3A_929, %select_n3A_310 : vector<16xi1>, vector<16xi32>
      %eq3A_944 = arith.constant 3 : i32
      %eq3A_945 = vector.broadcast %eq3A_944 : i32 to vector<16xi32>
      %eq3A_946 = arith.cmpi eq, %shift_right_arithmetic3A_842, %eq3A_945 : vector<16xi32>
      %select_n3A_947 = arith.select %eq3A_946, %select_n3A_928, %select_n3A_410 : vector<16xi1>, vector<16xf32>
      %select_n3A_948 = arith.select %eq3A_946, %select_n3A_929, %select_n3A_411 : vector<16xi1>, vector<16xi32>
      %eq3A_949 = arith.constant 4 : i32
      %eq3A_950 = vector.broadcast %eq3A_949 : i32 to vector<16xi32>
      %eq3A_951 = arith.cmpi eq, %shift_right_arithmetic3A_842, %eq3A_950 : vector<16xi32>
      %select_n3A_952 = arith.select %eq3A_951, %select_n3A_928, %select_n3A_511 : vector<16xi1>, vector<16xf32>
      %select_n3A_953 = arith.select %eq3A_951, %select_n3A_929, %select_n3A_512 : vector<16xi1>, vector<16xi32>
      %eq3A_954 = arith.constant 5 : i32
      %eq3A_955 = vector.broadcast %eq3A_954 : i32 to vector<16xi32>
      %eq3A_956 = arith.cmpi eq, %shift_right_arithmetic3A_842, %eq3A_955 : vector<16xi32>
      %select_n3A_957 = arith.select %eq3A_956, %select_n3A_928, %select_n3A_612 : vector<16xi1>, vector<16xf32>
      %select_n3A_958 = arith.select %eq3A_956, %select_n3A_929, %select_n3A_613 : vector<16xi1>, vector<16xi32>
      %eq3A_959 = arith.constant 6 : i32
      %eq3A_960 = vector.broadcast %eq3A_959 : i32 to vector<16xi32>
      %eq3A_961 = arith.cmpi eq, %shift_right_arithmetic3A_842, %eq3A_960 : vector<16xi32>
      %select_n3A_962 = arith.select %eq3A_961, %select_n3A_928, %select_n3A_713 : vector<16xi1>, vector<16xf32>
      %select_n3A_963 = arith.select %eq3A_961, %select_n3A_929, %select_n3A_714 : vector<16xi1>, vector<16xi32>
      %eq3A_964 = arith.constant 7 : i32
      %eq3A_965 = vector.broadcast %eq3A_964 : i32 to vector<16xi32>
      %eq3A_966 = arith.cmpi eq, %shift_right_arithmetic3A_842, %eq3A_965 : vector<16xi32>
      %select_n3A_967 = arith.select %eq3A_966, %select_n3A_928, %select_n3A_814 : vector<16xi1>, vector<16xf32>
      %select_n3A_968 = arith.select %eq3A_966, %select_n3A_929, %select_n3A_815 : vector<16xi1>, vector<16xi32>
      %gt3A_969 = arith.cmpf ogt, %select_n3A_937, %select_n3A_932 : vector<16xf32>
      %select_n3A_970 = arith.select %gt3A_969, %select_n3A_937, %select_n3A_932 : vector<16xi1>, vector<16xf32>
      %select_n3A_971 = arith.select %gt3A_969, %select_n3A_938, %select_n3A_933 : vector<16xi1>, vector<16xi32>
      %gt3A_972 = arith.cmpf ogt, %select_n3A_947, %select_n3A_942 : vector<16xf32>
      %select_n3A_973 = arith.select %gt3A_972, %select_n3A_947, %select_n3A_942 : vector<16xi1>, vector<16xf32>
      %select_n3A_974 = arith.select %gt3A_972, %select_n3A_948, %select_n3A_943 : vector<16xi1>, vector<16xi32>
      %gt3A_975 = arith.cmpf ogt, %select_n3A_957, %select_n3A_952 : vector<16xf32>
      %select_n3A_976 = arith.select %gt3A_975, %select_n3A_957, %select_n3A_952 : vector<16xi1>, vector<16xf32>
      %select_n3A_977 = arith.select %gt3A_975, %select_n3A_958, %select_n3A_953 : vector<16xi1>, vector<16xi32>
      %gt3A_978 = arith.cmpf ogt, %select_n3A_967, %select_n3A_962 : vector<16xf32>
      %select_n3A_979 = arith.select %gt3A_978, %select_n3A_967, %select_n3A_962 : vector<16xi1>, vector<16xf32>
      %select_n3A_980 = arith.select %gt3A_978, %select_n3A_968, %select_n3A_963 : vector<16xi1>, vector<16xi32>
      %gt3A_981 = arith.cmpf ogt, %select_n3A_973, %select_n3A_970 : vector<16xf32>
      %select_n3A_982 = arith.select %gt3A_981, %select_n3A_973, %select_n3A_970 : vector<16xi1>, vector<16xf32>
      %select_n3A_983 = arith.select %gt3A_981, %select_n3A_974, %select_n3A_971 : vector<16xi1>, vector<16xi32>
      %gt3A_984 = arith.cmpf ogt, %select_n3A_979, %select_n3A_976 : vector<16xf32>
      %select_n3A_985 = arith.select %gt3A_984, %select_n3A_979, %select_n3A_976 : vector<16xi1>, vector<16xf32>
      %select_n3A_986 = arith.select %gt3A_984, %select_n3A_980, %select_n3A_977 : vector<16xi1>, vector<16xi32>
      %gt3A_987 = arith.cmpf ogt, %select_n3A_985, %select_n3A_982 : vector<16xf32>
      %select_n3A_988 = arith.select %gt3A_987, %select_n3A_985, %select_n3A_982 : vector<16xi1>, vector<16xf32>
      %select_n3A_989 = arith.select %gt3A_987, %select_n3A_986, %select_n3A_983 : vector<16xi1>, vector<16xi32>
      %mul3A_990 = arith.constant 16 : i32
      %mul3A_991 = vector.broadcast %mul3A_990 : i32 to vector<16xi32>
      %mul3A_992 = arith.muli %select_n3A_989, %mul3A_991 : vector<16xi32>
      %add3A_993 = arith.addi %mul3A_992, %iota3A : vector<16xi32>
      tpu.vector_store_idx %arg9[%add3A_993], %broadcast_in_dim3A_3 : memref<1024xf32, #tpu.memory_space<vmem>>[vector<16xi32>], vector<16xf32>,
      %shift_right_arithmetic3A_994 = arith.constant 3 : i32
      %shift_right_arithmetic3A_995 = vector.broadcast %shift_right_arithmetic3A_994 : i32 to vector<16xi32>
      %shift_right_arithmetic3A_996 = arith.shrsi %select_n3A_989, %shift_right_arithmetic3A_995 : vector<16xi32>
      %shift_left3A_997 = arith.constant 3 : i32
      %shift_left3A_998 = vector.broadcast %shift_left3A_997 : i32 to vector<16xi32>
      %shift_left3A_999 = arith.shli %shift_right_arithmetic3A_996, %shift_left3A_998 : vector<16xi32>
      %add3A_1000 = arith.constant 0 : i32
      %add3A_1001 = vector.broadcast %add3A_1000 : i32 to vector<16xi32>
      %add3A_1002 = arith.addi %shift_left3A_999, %add3A_1001 : vector<16xi32>
      %shift_left3A_1003 = arith.constant 4 : i32
      %shift_left3A_1004 = vector.broadcast %shift_left3A_1003 : i32 to vector<16xi32>
      %shift_left3A_1005 = arith.shli %add3A_1002, %shift_left3A_1004 : vector<16xi32>
      %add3A_1006 = arith.addi %shift_left3A_1005, %iota3A : vector<16xi32>
      %gather3A_1007 = tpu.vector_load_idx %arg9[%add3A_1006] : memref<1024xf32, #tpu.memory_space<vmem>>[vector<16xi32>], vector<16xf32>,
      %add3A_1008 = arith.constant 1 : i32
      %add3A_1009 = vector.broadcast %add3A_1008 : i32 to vector<16xi32>
      %add3A_1010 = arith.addi %shift_left3A_999, %add3A_1009 : vector<16xi32>
      %shift_left3A_1011 = arith.constant 4 : i32
      %shift_left3A_1012 = vector.broadcast %shift_left3A_1011 : i32 to vector<16xi32>
      %shift_left3A_1013 = arith.shli %add3A_1010, %shift_left3A_1012 : vector<16xi32>
      %add3A_1014 = arith.addi %shift_left3A_1013, %iota3A : vector<16xi32>
      %gather3A_1015 = tpu.vector_load_idx %arg9[%add3A_1014] : memref<1024xf32, #tpu.memory_space<vmem>>[vector<16xi32>], vector<16xf32>,
      %add3A_1016 = arith.constant 2 : i32
      %add3A_1017 = vector.broadcast %add3A_1016 : i32 to vector<16xi32>
      %add3A_1018 = arith.addi %shift_left3A_999, %add3A_1017 : vector<16xi32>
      %shift_left3A_1019 = arith.constant 4 : i32
      %shift_left3A_1020 = vector.broadcast %shift_left3A_1019 : i32 to vector<16xi32>
      %shift_left3A_1021 = arith.shli %add3A_1018, %shift_left3A_1020 : vector<16xi32>
      %add3A_1022 = arith.addi %shift_left3A_1021, %iota3A : vector<16xi32>
      %gather3A_1023 = tpu.vector_load_idx %arg9[%add3A_1022] : memref<1024xf32, #tpu.memory_space<vmem>>[vector<16xi32>], vector<16xf32>,
      %add3A_1024 = arith.constant 3 : i32
      %add3A_1025 = vector.broadcast %add3A_1024 : i32 to vector<16xi32>
      %add3A_1026 = arith.addi %shift_left3A_999, %add3A_1025 : vector<16xi32>
      %shift_left3A_1027 = arith.constant 4 : i32
      %shift_left3A_1028 = vector.broadcast %shift_left3A_1027 : i32 to vector<16xi32>
      %shift_left3A_1029 = arith.shli %add3A_1026, %shift_left3A_1028 : vector<16xi32>
      %add3A_1030 = arith.addi %shift_left3A_1029, %iota3A : vector<16xi32>
      %gather3A_1031 = tpu.vector_load_idx %arg9[%add3A_1030] : memref<1024xf32, #tpu.memory_space<vmem>>[vector<16xi32>], vector<16xf32>,
      %add3A_1032 = arith.constant 4 : i32
      %add3A_1033 = vector.broadcast %add3A_1032 : i32 to vector<16xi32>
      %add3A_1034 = arith.addi %shift_left3A_999, %add3A_1033 : vector<16xi32>
      %shift_left3A_1035 = arith.constant 4 : i32
      %shift_left3A_1036 = vector.broadcast %shift_left3A_1035 : i32 to vector<16xi32>
      %shift_left3A_1037 = arith.shli %add3A_1034, %shift_left3A_1036 : vector<16xi32>
      %add3A_1038 = arith.addi %shift_left3A_1037, %iota3A : vector<16xi32>
      %gather3A_1039 = tpu.vector_load_idx %arg9[%add3A_1038] : memref<1024xf32, #tpu.memory_space<vmem>>[vector<16xi32>], vector<16xf32>,
      %add3A_1040 = arith.constant 5 : i32
      %add3A_1041 = vector.broadcast %add3A_1040 : i32 to vector<16xi32>
      %add3A_1042 = arith.addi %shift_left3A_999, %add3A_1041 : vector<16xi32>
      %shift_left3A_1043 = arith.constant 4 : i32
      %shift_left3A_1044 = vector.broadcast %shift_left3A_1043 : i32 to vector<16xi32>
      %shift_left3A_1045 = arith.shli %add3A_1042, %shift_left3A_1044 : vector<16xi32>
      %add3A_1046 = arith.addi %shift_left3A_1045, %iota3A : vector<16xi32>
      %gather3A_1047 = tpu.vector_load_idx %arg9[%add3A_1046] : memref<1024xf32, #tpu.memory_space<vmem>>[vector<16xi32>], vector<16xf32>,
      %add3A_1048 = arith.constant 6 : i32
      %add3A_1049 = vector.broadcast %add3A_1048 : i32 to vector<16xi32>
      %add3A_1050 = arith.addi %shift_left3A_999, %add3A_1049 : vector<16xi32>
      %shift_left3A_1051 = arith.constant 4 : i32
      %shift_left3A_1052 = vector.broadcast %shift_left3A_1051 : i32 to vector<16xi32>
      %shift_left3A_1053 = arith.shli %add3A_1050, %shift_left3A_1052 : vector<16xi32>
      %add3A_1054 = arith.addi %shift_left3A_1053, %iota3A : vector<16xi32>
      %gather3A_1055 = tpu.vector_load_idx %arg9[%add3A_1054] : memref<1024xf32, #tpu.memory_space<vmem>>[vector<16xi32>], vector<16xf32>,
      %add3A_1056 = arith.constant 7 : i32
      %add3A_1057 = vector.broadcast %add3A_1056 : i32 to vector<16xi32>
      %add3A_1058 = arith.addi %shift_left3A_999, %add3A_1057 : vector<16xi32>
      %shift_left3A_1059 = arith.constant 4 : i32
      %shift_left3A_1060 = vector.broadcast %shift_left3A_1059 : i32 to vector<16xi32>
      %shift_left3A_1061 = arith.shli %add3A_1058, %shift_left3A_1060 : vector<16xi32>
      %add3A_1062 = arith.addi %shift_left3A_1061, %iota3A : vector<16xi32>
      %gather3A_1063 = tpu.vector_load_idx %arg9[%add3A_1062] : memref<1024xf32, #tpu.memory_space<vmem>>[vector<16xi32>], vector<16xf32>,
      %gt3A_1064 = arith.cmpf ogt, %gather3A_1015, %gather3A_1007 : vector<16xf32>
      %select_n3A_1065 = arith.select %gt3A_1064, %gather3A_1015, %gather3A_1007 : vector<16xi1>, vector<16xf32>
      %select_n3A_1066 = arith.select %gt3A_1064, %add3A_1010, %add3A_1002 : vector<16xi1>, vector<16xi32>
      %gt3A_1067 = arith.cmpf ogt, %gather3A_1031, %gather3A_1023 : vector<16xf32>
      %select_n3A_1068 = arith.select %gt3A_1067, %gather3A_1031, %gather3A_1023 : vector<16xi1>, vector<16xf32>
      %select_n3A_1069 = arith.select %gt3A_1067, %add3A_1026, %add3A_1018 : vector<16xi1>, vector<16xi32>
      %gt3A_1070 = arith.cmpf ogt, %gather3A_1047, %gather3A_1039 : vector<16xf32>
      %select_n3A_1071 = arith.select %gt3A_1070, %gather3A_1047, %gather3A_1039 : vector<16xi1>, vector<16xf32>
      %select_n3A_1072 = arith.select %gt3A_1070, %add3A_1042, %add3A_1034 : vector<16xi1>, vector<16xi32>
      %gt3A_1073 = arith.cmpf ogt, %gather3A_1063, %gather3A_1055 : vector<16xf32>
      %select_n3A_1074 = arith.select %gt3A_1073, %gather3A_1063, %gather3A_1055 : vector<16xi1>, vector<16xf32>
      %select_n3A_1075 = arith.select %gt3A_1073, %add3A_1058, %add3A_1050 : vector<16xi1>, vector<16xi32>
      %gt3A_1076 = arith.cmpf ogt, %select_n3A_1068, %select_n3A_1065 : vector<16xf32>
      %select_n3A_1077 = arith.select %gt3A_1076, %select_n3A_1068, %select_n3A_1065 : vector<16xi1>, vector<16xf32>
      %select_n3A_1078 = arith.select %gt3A_1076, %select_n3A_1069, %select_n3A_1066 : vector<16xi1>, vector<16xi32>
      %gt3A_1079 = arith.cmpf ogt, %select_n3A_1074, %select_n3A_1071 : vector<16xf32>
      %select_n3A_1080 = arith.select %gt3A_1079, %select_n3A_1074, %select_n3A_1071 : vector<16xi1>, vector<16xf32>
      %select_n3A_1081 = arith.select %gt3A_1079, %select_n3A_1075, %select_n3A_1072 : vector<16xi1>, vector<16xi32>
      %gt3A_1082 = arith.cmpf ogt, %select_n3A_1080, %select_n3A_1077 : vector<16xf32>
      %select_n3A_1083 = arith.select %gt3A_1082, %select_n3A_1080, %select_n3A_1077 : vector<16xi1>, vector<16xf32>
      %select_n3A_1084 = arith.select %gt3A_1082, %select_n3A_1081, %select_n3A_1078 : vector<16xi1>, vector<16xi32>
      %eq3A_1085 = arith.constant 0 : i32
      %eq3A_1086 = vector.broadcast %eq3A_1085 : i32 to vector<16xi32>
      %eq3A_1087 = arith.cmpi eq, %shift_right_arithmetic3A_996, %eq3A_1086 : vector<16xi32>
      %select_n3A_1088 = arith.select %eq3A_1087, %select_n3A_1083, %select_n3A_932 : vector<16xi1>, vector<16xf32>
      %select_n3A_1089 = arith.select %eq3A_1087, %select_n3A_1084, %select_n3A_933 : vector<16xi1>, vector<16xi32>
      %eq3A_1090 = arith.constant 1 : i32
      %eq3A_1091 = vector.broadcast %eq3A_1090 : i32 to vector<16xi32>
      %eq3A_1092 = arith.cmpi eq, %shift_right_arithmetic3A_996, %eq3A_1091 : vector<16xi32>
      %select_n3A_1093 = arith.select %eq3A_1092, %select_n3A_1083, %select_n3A_937 : vector<16xi1>, vector<16xf32>
      %select_n3A_1094 = arith.select %eq3A_1092, %select_n3A_1084, %select_n3A_938 : vector<16xi1>, vector<16xi32>
      %eq3A_1095 = arith.constant 2 : i32
      %eq3A_1096 = vector.broadcast %eq3A_1095 : i32 to vector<16xi32>
      %eq3A_1097 = arith.cmpi eq, %shift_right_arithmetic3A_996, %eq3A_1096 : vector<16xi32>
      %select_n3A_1098 = arith.select %eq3A_1097, %select_n3A_1083, %select_n3A_942 : vector<16xi1>, vector<16xf32>
      %select_n3A_1099 = arith.select %eq3A_1097, %select_n3A_1084, %select_n3A_943 : vector<16xi1>, vector<16xi32>
      %eq3A_1100 = arith.constant 3 : i32
      %eq3A_1101 = vector.broadcast %eq3A_1100 : i32 to vector<16xi32>
      %eq3A_1102 = arith.cmpi eq, %shift_right_arithmetic3A_996, %eq3A_1101 : vector<16xi32>
      %select_n3A_1103 = arith.select %eq3A_1102, %select_n3A_1083, %select_n3A_947 : vector<16xi1>, vector<16xf32>
      %select_n3A_1104 = arith.select %eq3A_1102, %select_n3A_1084, %select_n3A_948 : vector<16xi1>, vector<16xi32>
      %eq3A_1105 = arith.constant 4 : i32
      %eq3A_1106 = vector.broadcast %eq3A_1105 : i32 to vector<16xi32>
      %eq3A_1107 = arith.cmpi eq, %shift_right_arithmetic3A_996, %eq3A_1106 : vector<16xi32>
      %select_n3A_1108 = arith.select %eq3A_1107, %select_n3A_1083, %select_n3A_952 : vector<16xi1>, vector<16xf32>
      %select_n3A_1109 = arith.select %eq3A_1107, %select_n3A_1084, %select_n3A_953 : vector<16xi1>, vector<16xi32>
      %eq3A_1110 = arith.constant 5 : i32
      %eq3A_1111 = vector.broadcast %eq3A_1110 : i32 to vector<16xi32>
      %eq3A_1112 = arith.cmpi eq, %shift_right_arithmetic3A_996, %eq3A_1111 : vector<16xi32>
      %select_n3A_1113 = arith.select %eq3A_1112, %select_n3A_1083, %select_n3A_957 : vector<16xi1>, vector<16xf32>
      %select_n3A_1114 = arith.select %eq3A_1112, %select_n3A_1084, %select_n3A_958 : vector<16xi1>, vector<16xi32>
      %eq3A_1115 = arith.constant 6 : i32
      %eq3A_1116 = vector.broadcast %eq3A_1115 : i32 to vector<16xi32>
      %eq3A_1117 = arith.cmpi eq, %shift_right_arithmetic3A_996, %eq3A_1116 : vector<16xi32>
      %select_n3A_1118 = arith.select %eq3A_1117, %select_n3A_1083, %select_n3A_962 : vector<16xi1>, vector<16xf32>
      %select_n3A_1119 = arith.select %eq3A_1117, %select_n3A_1084, %select_n3A_963 : vector<16xi1>, vector<16xi32>
      %eq3A_1120 = arith.constant 7 : i32
      %eq3A_1121 = vector.broadcast %eq3A_1120 : i32 to vector<16xi32>
      %eq3A_1122 = arith.cmpi eq, %shift_right_arithmetic3A_996, %eq3A_1121 : vector<16xi32>
      %select_n3A_1123 = arith.select %eq3A_1122, %select_n3A_1083, %select_n3A_967 : vector<16xi1>, vector<16xf32>
      %select_n3A_1124 = arith.select %eq3A_1122, %select_n3A_1084, %select_n3A_968 : vector<16xi1>, vector<16xi32>
      %gt3A_1125 = arith.cmpf ogt, %select_n3A_1093, %select_n3A_1088 : vector<16xf32>
      %select_n3A_1126 = arith.select %gt3A_1125, %select_n3A_1093, %select_n3A_1088 : vector<16xi1>, vector<16xf32>
      %select_n3A_1127 = arith.select %gt3A_1125, %select_n3A_1094, %select_n3A_1089 : vector<16xi1>, vector<16xi32>
      %gt3A_1128 = arith.cmpf ogt, %select_n3A_1103, %select_n3A_1098 : vector<16xf32>
      %select_n3A_1129 = arith.select %gt3A_1128, %select_n3A_1103, %select_n3A_1098 : vector<16xi1>, vector<16xf32>
      %select_n3A_1130 = arith.select %gt3A_1128, %select_n3A_1104, %select_n3A_1099 : vector<16xi1>, vector<16xi32>
      %gt3A_1131 = arith.cmpf ogt, %select_n3A_1113, %select_n3A_1108 : vector<16xf32>
      %select_n3A_1132 = arith.select %gt3A_1131, %select_n3A_1113, %select_n3A_1108 : vector<16xi1>, vector<16xf32>
      %select_n3A_1133 = arith.select %gt3A_1131, %select_n3A_1114, %select_n3A_1109 : vector<16xi1>, vector<16xi32>
      %gt3A_1134 = arith.cmpf ogt, %select_n3A_1123, %select_n3A_1118 : vector<16xf32>
      %select_n3A_1135 = arith.select %gt3A_1134, %select_n3A_1123, %select_n3A_1118 : vector<16xi1>, vector<16xf32>
      %select_n3A_1136 = arith.select %gt3A_1134, %select_n3A_1124, %select_n3A_1119 : vector<16xi1>, vector<16xi32>
      %gt3A_1137 = arith.cmpf ogt, %select_n3A_1129, %select_n3A_1126 : vector<16xf32>
      %select_n3A_1138 = arith.select %gt3A_1137, %select_n3A_1129, %select_n3A_1126 : vector<16xi1>, vector<16xf32>
      %select_n3A_1139 = arith.select %gt3A_1137, %select_n3A_1130, %select_n3A_1127 : vector<16xi1>, vector<16xi32>
      %gt3A_1140 = arith.cmpf ogt, %select_n3A_1135, %select_n3A_1132 : vector<16xf32>
      %select_n3A_1141 = arith.select %gt3A_1140, %select_n3A_1135, %select_n3A_1132 : vector<16xi1>, vector<16xf32>
      %select_n3A_1142 = arith.select %gt3A_1140, %select_n3A_1136, %select_n3A_1133 : vector<16xi1>, vector<16xi32>
      %gt3A_1143 = arith.cmpf ogt, %select_n3A_1141, %select_n3A_1138 : vector<16xf32>
      %select_n3A_1144 = arith.select %gt3A_1143, %select_n3A_1141, %select_n3A_1138 : vector<16xi1>, vector<16xf32>
      %select_n3A_1145 = arith.select %gt3A_1143, %select_n3A_1142, %select_n3A_1139 : vector<16xi1>, vector<16xi32>
      %mul3A_1146 = arith.constant 16 : i32
      %mul3A_1147 = vector.broadcast %mul3A_1146 : i32 to vector<16xi32>
      %mul3A_1148 = arith.muli %select_n3A_1145, %mul3A_1147 : vector<16xi32>
      %add3A_1149 = arith.addi %mul3A_1148, %iota3A : vector<16xi32>
      tpu.vector_store_idx %arg9[%add3A_1149], %broadcast_in_dim3A_3 : memref<1024xf32, #tpu.memory_space<vmem>>[vector<16xi32>], vector<16xf32>,
      %shift_right_arithmetic3A_1150 = arith.constant 3 : i32
      %shift_right_arithmetic3A_1151 = vector.broadcast %shift_right_arithmetic3A_1150 : i32 to vector<16xi32>
      %shift_right_arithmetic3A_1152 = arith.shrsi %select_n3A_1145, %shift_right_arithmetic3A_1151 : vector<16xi32>
      %shift_left3A_1153 = arith.constant 3 : i32
      %shift_left3A_1154 = vector.broadcast %shift_left3A_1153 : i32 to vector<16xi32>
      %shift_left3A_1155 = arith.shli %shift_right_arithmetic3A_1152, %shift_left3A_1154 : vector<16xi32>
      %add3A_1156 = arith.constant 0 : i32
      %add3A_1157 = vector.broadcast %add3A_1156 : i32 to vector<16xi32>
      %add3A_1158 = arith.addi %shift_left3A_1155, %add3A_1157 : vector<16xi32>
      %shift_left3A_1159 = arith.constant 4 : i32
      %shift_left3A_1160 = vector.broadcast %shift_left3A_1159 : i32 to vector<16xi32>
      %shift_left3A_1161 = arith.shli %add3A_1158, %shift_left3A_1160 : vector<16xi32>
      %add3A_1162 = arith.addi %shift_left3A_1161, %iota3A : vector<16xi32>
      %gather3A_1163 = tpu.vector_load_idx %arg9[%add3A_1162] : memref<1024xf32, #tpu.memory_space<vmem>>[vector<16xi32>], vector<16xf32>,
      %add3A_1164 = arith.constant 1 : i32
      %add3A_1165 = vector.broadcast %add3A_1164 : i32 to vector<16xi32>
      %add3A_1166 = arith.addi %shift_left3A_1155, %add3A_1165 : vector<16xi32>
      %shift_left3A_1167 = arith.constant 4 : i32
      %shift_left3A_1168 = vector.broadcast %shift_left3A_1167 : i32 to vector<16xi32>
      %shift_left3A_1169 = arith.shli %add3A_1166, %shift_left3A_1168 : vector<16xi32>
      %add3A_1170 = arith.addi %shift_left3A_1169, %iota3A : vector<16xi32>
      %gather3A_1171 = tpu.vector_load_idx %arg9[%add3A_1170] : memref<1024xf32, #tpu.memory_space<vmem>>[vector<16xi32>], vector<16xf32>,
      %add3A_1172 = arith.constant 2 : i32
      %add3A_1173 = vector.broadcast %add3A_1172 : i32 to vector<16xi32>
      %add3A_1174 = arith.addi %shift_left3A_1155, %add3A_1173 : vector<16xi32>
      %shift_left3A_1175 = arith.constant 4 : i32
      %shift_left3A_1176 = vector.broadcast %shift_left3A_1175 : i32 to vector<16xi32>
      %shift_left3A_1177 = arith.shli %add3A_1174, %shift_left3A_1176 : vector<16xi32>
      %add3A_1178 = arith.addi %shift_left3A_1177, %iota3A : vector<16xi32>
      %gather3A_1179 = tpu.vector_load_idx %arg9[%add3A_1178] : memref<1024xf32, #tpu.memory_space<vmem>>[vector<16xi32>], vector<16xf32>,
      %add3A_1180 = arith.constant 3 : i32
      %add3A_1181 = vector.broadcast %add3A_1180 : i32 to vector<16xi32>
      %add3A_1182 = arith.addi %shift_left3A_1155, %add3A_1181 : vector<16xi32>
      %shift_left3A_1183 = arith.constant 4 : i32
      %shift_left3A_1184 = vector.broadcast %shift_left3A_1183 : i32 to vector<16xi32>
      %shift_left3A_1185 = arith.shli %add3A_1182, %shift_left3A_1184 : vector<16xi32>
      %add3A_1186 = arith.addi %shift_left3A_1185, %iota3A : vector<16xi32>
      %gather3A_1187 = tpu.vector_load_idx %arg9[%add3A_1186] : memref<1024xf32, #tpu.memory_space<vmem>>[vector<16xi32>], vector<16xf32>,
      %add3A_1188 = arith.constant 4 : i32
      %add3A_1189 = vector.broadcast %add3A_1188 : i32 to vector<16xi32>
      %add3A_1190 = arith.addi %shift_left3A_1155, %add3A_1189 : vector<16xi32>
      %shift_left3A_1191 = arith.constant 4 : i32
      %shift_left3A_1192 = vector.broadcast %shift_left3A_1191 : i32 to vector<16xi32>
      %shift_left3A_1193 = arith.shli %add3A_1190, %shift_left3A_1192 : vector<16xi32>
      %add3A_1194 = arith.addi %shift_left3A_1193, %iota3A : vector<16xi32>
      %gather3A_1195 = tpu.vector_load_idx %arg9[%add3A_1194] : memref<1024xf32, #tpu.memory_space<vmem>>[vector<16xi32>], vector<16xf32>,
      %add3A_1196 = arith.constant 5 : i32
      %add3A_1197 = vector.broadcast %add3A_1196 : i32 to vector<16xi32>
      %add3A_1198 = arith.addi %shift_left3A_1155, %add3A_1197 : vector<16xi32>
      %shift_left3A_1199 = arith.constant 4 : i32
      %shift_left3A_1200 = vector.broadcast %shift_left3A_1199 : i32 to vector<16xi32>
      %shift_left3A_1201 = arith.shli %add3A_1198, %shift_left3A_1200 : vector<16xi32>
      %add3A_1202 = arith.addi %shift_left3A_1201, %iota3A : vector<16xi32>
      %gather3A_1203 = tpu.vector_load_idx %arg9[%add3A_1202] : memref<1024xf32, #tpu.memory_space<vmem>>[vector<16xi32>], vector<16xf32>,
      %add3A_1204 = arith.constant 6 : i32
      %add3A_1205 = vector.broadcast %add3A_1204 : i32 to vector<16xi32>
      %add3A_1206 = arith.addi %shift_left3A_1155, %add3A_1205 : vector<16xi32>
      %shift_left3A_1207 = arith.constant 4 : i32
      %shift_left3A_1208 = vector.broadcast %shift_left3A_1207 : i32 to vector<16xi32>
      %shift_left3A_1209 = arith.shli %add3A_1206, %shift_left3A_1208 : vector<16xi32>
      %add3A_1210 = arith.addi %shift_left3A_1209, %iota3A : vector<16xi32>
      %gather3A_1211 = tpu.vector_load_idx %arg9[%add3A_1210] : memref<1024xf32, #tpu.memory_space<vmem>>[vector<16xi32>], vector<16xf32>,
      %add3A_1212 = arith.constant 7 : i32
      %add3A_1213 = vector.broadcast %add3A_1212 : i32 to vector<16xi32>
      %add3A_1214 = arith.addi %shift_left3A_1155, %add3A_1213 : vector<16xi32>
      %shift_left3A_1215 = arith.constant 4 : i32
      %shift_left3A_1216 = vector.broadcast %shift_left3A_1215 : i32 to vector<16xi32>
      %shift_left3A_1217 = arith.shli %add3A_1214, %shift_left3A_1216 : vector<16xi32>
      %add3A_1218 = arith.addi %shift_left3A_1217, %iota3A : vector<16xi32>
      %gather3A_1219 = tpu.vector_load_idx %arg9[%add3A_1218] : memref<1024xf32, #tpu.memory_space<vmem>>[vector<16xi32>], vector<16xf32>,
      %gt3A_1220 = arith.cmpf ogt, %gather3A_1171, %gather3A_1163 : vector<16xf32>
      %select_n3A_1221 = arith.select %gt3A_1220, %gather3A_1171, %gather3A_1163 : vector<16xi1>, vector<16xf32>
      %select_n3A_1222 = arith.select %gt3A_1220, %add3A_1166, %add3A_1158 : vector<16xi1>, vector<16xi32>
      %gt3A_1223 = arith.cmpf ogt, %gather3A_1187, %gather3A_1179 : vector<16xf32>
      %select_n3A_1224 = arith.select %gt3A_1223, %gather3A_1187, %gather3A_1179 : vector<16xi1>, vector<16xf32>
      %select_n3A_1225 = arith.select %gt3A_1223, %add3A_1182, %add3A_1174 : vector<16xi1>, vector<16xi32>
      %gt3A_1226 = arith.cmpf ogt, %gather3A_1203, %gather3A_1195 : vector<16xf32>
      %select_n3A_1227 = arith.select %gt3A_1226, %gather3A_1203, %gather3A_1195 : vector<16xi1>, vector<16xf32>
      %select_n3A_1228 = arith.select %gt3A_1226, %add3A_1198, %add3A_1190 : vector<16xi1>, vector<16xi32>
      %gt3A_1229 = arith.cmpf ogt, %gather3A_1219, %gather3A_1211 : vector<16xf32>
      %select_n3A_1230 = arith.select %gt3A_1229, %gather3A_1219, %gather3A_1211 : vector<16xi1>, vector<16xf32>
      %select_n3A_1231 = arith.select %gt3A_1229, %add3A_1214, %add3A_1206 : vector<16xi1>, vector<16xi32>
      %gt3A_1232 = arith.cmpf ogt, %select_n3A_1224, %select_n3A_1221 : vector<16xf32>
      %select_n3A_1233 = arith.select %gt3A_1232, %select_n3A_1224, %select_n3A_1221 : vector<16xi1>, vector<16xf32>
      %select_n3A_1234 = arith.select %gt3A_1232, %select_n3A_1225, %select_n3A_1222 : vector<16xi1>, vector<16xi32>
      %gt3A_1235 = arith.cmpf ogt, %select_n3A_1230, %select_n3A_1227 : vector<16xf32>
      %select_n3A_1236 = arith.select %gt3A_1235, %select_n3A_1230, %select_n3A_1227 : vector<16xi1>, vector<16xf32>
      %select_n3A_1237 = arith.select %gt3A_1235, %select_n3A_1231, %select_n3A_1228 : vector<16xi1>, vector<16xi32>
      %gt3A_1238 = arith.cmpf ogt, %select_n3A_1236, %select_n3A_1233 : vector<16xf32>
      %select_n3A_1239 = arith.select %gt3A_1238, %select_n3A_1236, %select_n3A_1233 : vector<16xi1>, vector<16xf32>
      %select_n3A_1240 = arith.select %gt3A_1238, %select_n3A_1237, %select_n3A_1234 : vector<16xi1>, vector<16xi32>
      %eq3A_1241 = arith.constant 0 : i32
      %eq3A_1242 = vector.broadcast %eq3A_1241 : i32 to vector<16xi32>
      %eq3A_1243 = arith.cmpi eq, %shift_right_arithmetic3A_1152, %eq3A_1242 : vector<16xi32>
      %select_n3A_1244 = arith.select %eq3A_1243, %select_n3A_1239, %select_n3A_1088 : vector<16xi1>, vector<16xf32>
      %select_n3A_1245 = arith.select %eq3A_1243, %select_n3A_1240, %select_n3A_1089 : vector<16xi1>, vector<16xi32>
      %eq3A_1246 = arith.constant 1 : i32
      %eq3A_1247 = vector.broadcast %eq3A_1246 : i32 to vector<16xi32>
      %eq3A_1248 = arith.cmpi eq, %shift_right_arithmetic3A_1152, %eq3A_1247 : vector<16xi32>
      %select_n3A_1249 = arith.select %eq3A_1248, %select_n3A_1239, %select_n3A_1093 : vector<16xi1>, vector<16xf32>
      %select_n3A_1250 = arith.select %eq3A_1248, %select_n3A_1240, %select_n3A_1094 : vector<16xi1>, vector<16xi32>
      %eq3A_1251 = arith.constant 2 : i32
      %eq3A_1252 = vector.broadcast %eq3A_1251 : i32 to vector<16xi32>
      %eq3A_1253 = arith.cmpi eq, %shift_right_arithmetic3A_1152, %eq3A_1252 : vector<16xi32>
      %select_n3A_1254 = arith.select %eq3A_1253, %select_n3A_1239, %select_n3A_1098 : vector<16xi1>, vector<16xf32>
      %select_n3A_1255 = arith.select %eq3A_1253, %select_n3A_1240, %select_n3A_1099 : vector<16xi1>, vector<16xi32>
      %eq3A_1256 = arith.constant 3 : i32
      %eq3A_1257 = vector.broadcast %eq3A_1256 : i32 to vector<16xi32>
      %eq3A_1258 = arith.cmpi eq, %shift_right_arithmetic3A_1152, %eq3A_1257 : vector<16xi32>
      %select_n3A_1259 = arith.select %eq3A_1258, %select_n3A_1239, %select_n3A_1103 : vector<16xi1>, vector<16xf32>
      %select_n3A_1260 = arith.select %eq3A_1258, %select_n3A_1240, %select_n3A_1104 : vector<16xi1>, vector<16xi32>
      %eq3A_1261 = arith.constant 4 : i32
      %eq3A_1262 = vector.broadcast %eq3A_1261 : i32 to vector<16xi32>
      %eq3A_1263 = arith.cmpi eq, %shift_right_arithmetic3A_1152, %eq3A_1262 : vector<16xi32>
      %select_n3A_1264 = arith.select %eq3A_1263, %select_n3A_1239, %select_n3A_1108 : vector<16xi1>, vector<16xf32>
      %select_n3A_1265 = arith.select %eq3A_1263, %select_n3A_1240, %select_n3A_1109 : vector<16xi1>, vector<16xi32>
      %eq3A_1266 = arith.constant 5 : i32
      %eq3A_1267 = vector.broadcast %eq3A_1266 : i32 to vector<16xi32>
      %eq3A_1268 = arith.cmpi eq, %shift_right_arithmetic3A_1152, %eq3A_1267 : vector<16xi32>
      %select_n3A_1269 = arith.select %eq3A_1268, %select_n3A_1239, %select_n3A_1113 : vector<16xi1>, vector<16xf32>
      %select_n3A_1270 = arith.select %eq3A_1268, %select_n3A_1240, %select_n3A_1114 : vector<16xi1>, vector<16xi32>
      %eq3A_1271 = arith.constant 6 : i32
      %eq3A_1272 = vector.broadcast %eq3A_1271 : i32 to vector<16xi32>
      %eq3A_1273 = arith.cmpi eq, %shift_right_arithmetic3A_1152, %eq3A_1272 : vector<16xi32>
      %select_n3A_1274 = arith.select %eq3A_1273, %select_n3A_1239, %select_n3A_1118 : vector<16xi1>, vector<16xf32>
      %select_n3A_1275 = arith.select %eq3A_1273, %select_n3A_1240, %select_n3A_1119 : vector<16xi1>, vector<16xi32>
      %eq3A_1276 = arith.constant 7 : i32
      %eq3A_1277 = vector.broadcast %eq3A_1276 : i32 to vector<16xi32>
      %eq3A_1278 = arith.cmpi eq, %shift_right_arithmetic3A_1152, %eq3A_1277 : vector<16xi32>
      %select_n3A_1279 = arith.select %eq3A_1278, %select_n3A_1239, %select_n3A_1123 : vector<16xi1>, vector<16xf32>
      %select_n3A_1280 = arith.select %eq3A_1278, %select_n3A_1240, %select_n3A_1124 : vector<16xi1>, vector<16xi32>
      %gt3A_1281 = arith.cmpf ogt, %select_n3A_1249, %select_n3A_1244 : vector<16xf32>
      %select_n3A_1282 = arith.select %gt3A_1281, %select_n3A_1249, %select_n3A_1244 : vector<16xi1>, vector<16xf32>
      %select_n3A_1283 = arith.select %gt3A_1281, %select_n3A_1250, %select_n3A_1245 : vector<16xi1>, vector<16xi32>
      %gt3A_1284 = arith.cmpf ogt, %select_n3A_1259, %select_n3A_1254 : vector<16xf32>
      %select_n3A_1285 = arith.select %gt3A_1284, %select_n3A_1259, %select_n3A_1254 : vector<16xi1>, vector<16xf32>
      %select_n3A_1286 = arith.select %gt3A_1284, %select_n3A_1260, %select_n3A_1255 : vector<16xi1>, vector<16xi32>
      %gt3A_1287 = arith.cmpf ogt, %select_n3A_1269, %select_n3A_1264 : vector<16xf32>
      %select_n3A_1288 = arith.select %gt3A_1287, %select_n3A_1269, %select_n3A_1264 : vector<16xi1>, vector<16xf32>
      %select_n3A_1289 = arith.select %gt3A_1287, %select_n3A_1270, %select_n3A_1265 : vector<16xi1>, vector<16xi32>
      %gt3A_1290 = arith.cmpf ogt, %select_n3A_1279, %select_n3A_1274 : vector<16xf32>
      %select_n3A_1291 = arith.select %gt3A_1290, %select_n3A_1279, %select_n3A_1274 : vector<16xi1>, vector<16xf32>
      %select_n3A_1292 = arith.select %gt3A_1290, %select_n3A_1280, %select_n3A_1275 : vector<16xi1>, vector<16xi32>
      %gt3A_1293 = arith.cmpf ogt, %select_n3A_1285, %select_n3A_1282 : vector<16xf32>
      %select_n3A_1294 = arith.select %gt3A_1293, %select_n3A_1285, %select_n3A_1282 : vector<16xi1>, vector<16xf32>
      %select_n3A_1295 = arith.select %gt3A_1293, %select_n3A_1286, %select_n3A_1283 : vector<16xi1>, vector<16xi32>
      %gt3A_1296 = arith.cmpf ogt, %select_n3A_1291, %select_n3A_1288 : vector<16xf32>
      %select_n3A_1297 = arith.select %gt3A_1296, %select_n3A_1291, %select_n3A_1288 : vector<16xi1>, vector<16xf32>
      %select_n3A_1298 = arith.select %gt3A_1296, %select_n3A_1292, %select_n3A_1289 : vector<16xi1>, vector<16xi32>
      %gt3A_1299 = arith.cmpf ogt, %select_n3A_1297, %select_n3A_1294 : vector<16xf32>
      %select_n3A_1300 = arith.select %gt3A_1299, %select_n3A_1297, %select_n3A_1294 : vector<16xi1>, vector<16xf32>
      %select_n3A_1301 = arith.select %gt3A_1299, %select_n3A_1298, %select_n3A_1295 : vector<16xi1>, vector<16xi32>
      %mul3A_1302 = arith.constant 16 : i32
      %mul3A_1303 = vector.broadcast %mul3A_1302 : i32 to vector<16xi32>
      %mul3A_1304 = arith.muli %select_n3A_1301, %mul3A_1303 : vector<16xi32>
      %add3A_1305 = arith.addi %mul3A_1304, %iota3A : vector<16xi32>
      tpu.vector_store_idx %arg9[%add3A_1305], %broadcast_in_dim3A_3 : memref<1024xf32, #tpu.memory_space<vmem>>[vector<16xi32>], vector<16xf32>,
      %shift_right_arithmetic3A_1306 = arith.constant 3 : i32
      %shift_right_arithmetic3A_1307 = vector.broadcast %shift_right_arithmetic3A_1306 : i32 to vector<16xi32>
      %shift_right_arithmetic3A_1308 = arith.shrsi %select_n3A_1301, %shift_right_arithmetic3A_1307 : vector<16xi32>
      %shift_left3A_1309 = arith.constant 3 : i32
      %shift_left3A_1310 = vector.broadcast %shift_left3A_1309 : i32 to vector<16xi32>
      %shift_left3A_1311 = arith.shli %shift_right_arithmetic3A_1308, %shift_left3A_1310 : vector<16xi32>
      %add3A_1312 = arith.constant 0 : i32
      %add3A_1313 = vector.broadcast %add3A_1312 : i32 to vector<16xi32>
      %add3A_1314 = arith.addi %shift_left3A_1311, %add3A_1313 : vector<16xi32>
      %shift_left3A_1315 = arith.constant 4 : i32
      %shift_left3A_1316 = vector.broadcast %shift_left3A_1315 : i32 to vector<16xi32>
      %shift_left3A_1317 = arith.shli %add3A_1314, %shift_left3A_1316 : vector<16xi32>
      %add3A_1318 = arith.addi %shift_left3A_1317, %iota3A : vector<16xi32>
      %gather3A_1319 = tpu.vector_load_idx %arg9[%add3A_1318] : memref<1024xf32, #tpu.memory_space<vmem>>[vector<16xi32>], vector<16xf32>,
      %add3A_1320 = arith.constant 1 : i32
      %add3A_1321 = vector.broadcast %add3A_1320 : i32 to vector<16xi32>
      %add3A_1322 = arith.addi %shift_left3A_1311, %add3A_1321 : vector<16xi32>
      %shift_left3A_1323 = arith.constant 4 : i32
      %shift_left3A_1324 = vector.broadcast %shift_left3A_1323 : i32 to vector<16xi32>
      %shift_left3A_1325 = arith.shli %add3A_1322, %shift_left3A_1324 : vector<16xi32>
      %add3A_1326 = arith.addi %shift_left3A_1325, %iota3A : vector<16xi32>
      %gather3A_1327 = tpu.vector_load_idx %arg9[%add3A_1326] : memref<1024xf32, #tpu.memory_space<vmem>>[vector<16xi32>], vector<16xf32>,
      %add3A_1328 = arith.constant 2 : i32
      %add3A_1329 = vector.broadcast %add3A_1328 : i32 to vector<16xi32>
      %add3A_1330 = arith.addi %shift_left3A_1311, %add3A_1329 : vector<16xi32>
      %shift_left3A_1331 = arith.constant 4 : i32
      %shift_left3A_1332 = vector.broadcast %shift_left3A_1331 : i32 to vector<16xi32>
      %shift_left3A_1333 = arith.shli %add3A_1330, %shift_left3A_1332 : vector<16xi32>
      %add3A_1334 = arith.addi %shift_left3A_1333, %iota3A : vector<16xi32>
      %gather3A_1335 = tpu.vector_load_idx %arg9[%add3A_1334] : memref<1024xf32, #tpu.memory_space<vmem>>[vector<16xi32>], vector<16xf32>,
      %add3A_1336 = arith.constant 3 : i32
      %add3A_1337 = vector.broadcast %add3A_1336 : i32 to vector<16xi32>
      %add3A_1338 = arith.addi %shift_left3A_1311, %add3A_1337 : vector<16xi32>
      %shift_left3A_1339 = arith.constant 4 : i32
      %shift_left3A_1340 = vector.broadcast %shift_left3A_1339 : i32 to vector<16xi32>
      %shift_left3A_1341 = arith.shli %add3A_1338, %shift_left3A_1340 : vector<16xi32>
      %add3A_1342 = arith.addi %shift_left3A_1341, %iota3A : vector<16xi32>
      %gather3A_1343 = tpu.vector_load_idx %arg9[%add3A_1342] : memref<1024xf32, #tpu.memory_space<vmem>>[vector<16xi32>], vector<16xf32>,
      %add3A_1344 = arith.constant 4 : i32
      %add3A_1345 = vector.broadcast %add3A_1344 : i32 to vector<16xi32>
      %add3A_1346 = arith.addi %shift_left3A_1311, %add3A_1345 : vector<16xi32>
      %shift_left3A_1347 = arith.constant 4 : i32
      %shift_left3A_1348 = vector.broadcast %shift_left3A_1347 : i32 to vector<16xi32>
      %shift_left3A_1349 = arith.shli %add3A_1346, %shift_left3A_1348 : vector<16xi32>
      %add3A_1350 = arith.addi %shift_left3A_1349, %iota3A : vector<16xi32>
      %gather3A_1351 = tpu.vector_load_idx %arg9[%add3A_1350] : memref<1024xf32, #tpu.memory_space<vmem>>[vector<16xi32>], vector<16xf32>,
      %add3A_1352 = arith.constant 5 : i32
      %add3A_1353 = vector.broadcast %add3A_1352 : i32 to vector<16xi32>
      %add3A_1354 = arith.addi %shift_left3A_1311, %add3A_1353 : vector<16xi32>
      %shift_left3A_1355 = arith.constant 4 : i32
      %shift_left3A_1356 = vector.broadcast %shift_left3A_1355 : i32 to vector<16xi32>
      %shift_left3A_1357 = arith.shli %add3A_1354, %shift_left3A_1356 : vector<16xi32>
      %add3A_1358 = arith.addi %shift_left3A_1357, %iota3A : vector<16xi32>
      %gather3A_1359 = tpu.vector_load_idx %arg9[%add3A_1358] : memref<1024xf32, #tpu.memory_space<vmem>>[vector<16xi32>], vector<16xf32>,
      %add3A_1360 = arith.constant 6 : i32
      %add3A_1361 = vector.broadcast %add3A_1360 : i32 to vector<16xi32>
      %add3A_1362 = arith.addi %shift_left3A_1311, %add3A_1361 : vector<16xi32>
      %shift_left3A_1363 = arith.constant 4 : i32
      %shift_left3A_1364 = vector.broadcast %shift_left3A_1363 : i32 to vector<16xi32>
      %shift_left3A_1365 = arith.shli %add3A_1362, %shift_left3A_1364 : vector<16xi32>
      %add3A_1366 = arith.addi %shift_left3A_1365, %iota3A : vector<16xi32>
      %gather3A_1367 = tpu.vector_load_idx %arg9[%add3A_1366] : memref<1024xf32, #tpu.memory_space<vmem>>[vector<16xi32>], vector<16xf32>,
      %add3A_1368 = arith.constant 7 : i32
      %add3A_1369 = vector.broadcast %add3A_1368 : i32 to vector<16xi32>
      %add3A_1370 = arith.addi %shift_left3A_1311, %add3A_1369 : vector<16xi32>
      %shift_left3A_1371 = arith.constant 4 : i32
      %shift_left3A_1372 = vector.broadcast %shift_left3A_1371 : i32 to vector<16xi32>
      %shift_left3A_1373 = arith.shli %add3A_1370, %shift_left3A_1372 : vector<16xi32>
      %add3A_1374 = arith.addi %shift_left3A_1373, %iota3A : vector<16xi32>
      %gather3A_1375 = tpu.vector_load_idx %arg9[%add3A_1374] : memref<1024xf32, #tpu.memory_space<vmem>>[vector<16xi32>], vector<16xf32>,
      %gt3A_1376 = arith.cmpf ogt, %gather3A_1327, %gather3A_1319 : vector<16xf32>
      %select_n3A_1377 = arith.select %gt3A_1376, %gather3A_1327, %gather3A_1319 : vector<16xi1>, vector<16xf32>
      %select_n3A_1378 = arith.select %gt3A_1376, %add3A_1322, %add3A_1314 : vector<16xi1>, vector<16xi32>
      %gt3A_1379 = arith.cmpf ogt, %gather3A_1343, %gather3A_1335 : vector<16xf32>
      %select_n3A_1380 = arith.select %gt3A_1379, %gather3A_1343, %gather3A_1335 : vector<16xi1>, vector<16xf32>
      %select_n3A_1381 = arith.select %gt3A_1379, %add3A_1338, %add3A_1330 : vector<16xi1>, vector<16xi32>
      %gt3A_1382 = arith.cmpf ogt, %gather3A_1359, %gather3A_1351 : vector<16xf32>
      %select_n3A_1383 = arith.select %gt3A_1382, %gather3A_1359, %gather3A_1351 : vector<16xi1>, vector<16xf32>
      %select_n3A_1384 = arith.select %gt3A_1382, %add3A_1354, %add3A_1346 : vector<16xi1>, vector<16xi32>
      %gt3A_1385 = arith.cmpf ogt, %gather3A_1375, %gather3A_1367 : vector<16xf32>
      %select_n3A_1386 = arith.select %gt3A_1385, %gather3A_1375, %gather3A_1367 : vector<16xi1>, vector<16xf32>
      %select_n3A_1387 = arith.select %gt3A_1385, %add3A_1370, %add3A_1362 : vector<16xi1>, vector<16xi32>
      %gt3A_1388 = arith.cmpf ogt, %select_n3A_1380, %select_n3A_1377 : vector<16xf32>
      %select_n3A_1389 = arith.select %gt3A_1388, %select_n3A_1380, %select_n3A_1377 : vector<16xi1>, vector<16xf32>
      %select_n3A_1390 = arith.select %gt3A_1388, %select_n3A_1381, %select_n3A_1378 : vector<16xi1>, vector<16xi32>
      %gt3A_1391 = arith.cmpf ogt, %select_n3A_1386, %select_n3A_1383 : vector<16xf32>
      %select_n3A_1392 = arith.select %gt3A_1391, %select_n3A_1386, %select_n3A_1383 : vector<16xi1>, vector<16xf32>
      %select_n3A_1393 = arith.select %gt3A_1391, %select_n3A_1387, %select_n3A_1384 : vector<16xi1>, vector<16xi32>
      %gt3A_1394 = arith.cmpf ogt, %select_n3A_1392, %select_n3A_1389 : vector<16xf32>
      %select_n3A_1395 = arith.select %gt3A_1394, %select_n3A_1392, %select_n3A_1389 : vector<16xi1>, vector<16xf32>
      %select_n3A_1396 = arith.select %gt3A_1394, %select_n3A_1393, %select_n3A_1390 : vector<16xi1>, vector<16xi32>
      %eq3A_1397 = arith.constant 0 : i32
      %eq3A_1398 = vector.broadcast %eq3A_1397 : i32 to vector<16xi32>
      %eq3A_1399 = arith.cmpi eq, %shift_right_arithmetic3A_1308, %eq3A_1398 : vector<16xi32>
      %select_n3A_1400 = arith.select %eq3A_1399, %select_n3A_1395, %select_n3A_1244 : vector<16xi1>, vector<16xf32>
      %select_n3A_1401 = arith.select %eq3A_1399, %select_n3A_1396, %select_n3A_1245 : vector<16xi1>, vector<16xi32>
      %eq3A_1402 = arith.constant 1 : i32
      %eq3A_1403 = vector.broadcast %eq3A_1402 : i32 to vector<16xi32>
      %eq3A_1404 = arith.cmpi eq, %shift_right_arithmetic3A_1308, %eq3A_1403 : vector<16xi32>
      %select_n3A_1405 = arith.select %eq3A_1404, %select_n3A_1395, %select_n3A_1249 : vector<16xi1>, vector<16xf32>
      %select_n3A_1406 = arith.select %eq3A_1404, %select_n3A_1396, %select_n3A_1250 : vector<16xi1>, vector<16xi32>
      %eq3A_1407 = arith.constant 2 : i32
      %eq3A_1408 = vector.broadcast %eq3A_1407 : i32 to vector<16xi32>
      %eq3A_1409 = arith.cmpi eq, %shift_right_arithmetic3A_1308, %eq3A_1408 : vector<16xi32>
      %select_n3A_1410 = arith.select %eq3A_1409, %select_n3A_1395, %select_n3A_1254 : vector<16xi1>, vector<16xf32>
      %select_n3A_1411 = arith.select %eq3A_1409, %select_n3A_1396, %select_n3A_1255 : vector<16xi1>, vector<16xi32>
      %eq3A_1412 = arith.constant 3 : i32
      %eq3A_1413 = vector.broadcast %eq3A_1412 : i32 to vector<16xi32>
      %eq3A_1414 = arith.cmpi eq, %shift_right_arithmetic3A_1308, %eq3A_1413 : vector<16xi32>
      %select_n3A_1415 = arith.select %eq3A_1414, %select_n3A_1395, %select_n3A_1259 : vector<16xi1>, vector<16xf32>
      %select_n3A_1416 = arith.select %eq3A_1414, %select_n3A_1396, %select_n3A_1260 : vector<16xi1>, vector<16xi32>
      %eq3A_1417 = arith.constant 4 : i32
      %eq3A_1418 = vector.broadcast %eq3A_1417 : i32 to vector<16xi32>
      %eq3A_1419 = arith.cmpi eq, %shift_right_arithmetic3A_1308, %eq3A_1418 : vector<16xi32>
      %select_n3A_1420 = arith.select %eq3A_1419, %select_n3A_1395, %select_n3A_1264 : vector<16xi1>, vector<16xf32>
      %select_n3A_1421 = arith.select %eq3A_1419, %select_n3A_1396, %select_n3A_1265 : vector<16xi1>, vector<16xi32>
      %eq3A_1422 = arith.constant 5 : i32
      %eq3A_1423 = vector.broadcast %eq3A_1422 : i32 to vector<16xi32>
      %eq3A_1424 = arith.cmpi eq, %shift_right_arithmetic3A_1308, %eq3A_1423 : vector<16xi32>
      %select_n3A_1425 = arith.select %eq3A_1424, %select_n3A_1395, %select_n3A_1269 : vector<16xi1>, vector<16xf32>
      %select_n3A_1426 = arith.select %eq3A_1424, %select_n3A_1396, %select_n3A_1270 : vector<16xi1>, vector<16xi32>
      %eq3A_1427 = arith.constant 6 : i32
      %eq3A_1428 = vector.broadcast %eq3A_1427 : i32 to vector<16xi32>
      %eq3A_1429 = arith.cmpi eq, %shift_right_arithmetic3A_1308, %eq3A_1428 : vector<16xi32>
      %select_n3A_1430 = arith.select %eq3A_1429, %select_n3A_1395, %select_n3A_1274 : vector<16xi1>, vector<16xf32>
      %select_n3A_1431 = arith.select %eq3A_1429, %select_n3A_1396, %select_n3A_1275 : vector<16xi1>, vector<16xi32>
      %eq3A_1432 = arith.constant 7 : i32
      %eq3A_1433 = vector.broadcast %eq3A_1432 : i32 to vector<16xi32>
      %eq3A_1434 = arith.cmpi eq, %shift_right_arithmetic3A_1308, %eq3A_1433 : vector<16xi32>
      %select_n3A_1435 = arith.select %eq3A_1434, %select_n3A_1395, %select_n3A_1279 : vector<16xi1>, vector<16xf32>
      %select_n3A_1436 = arith.select %eq3A_1434, %select_n3A_1396, %select_n3A_1280 : vector<16xi1>, vector<16xi32>
      %gt3A_1437 = arith.cmpf ogt, %select_n3A_1405, %select_n3A_1400 : vector<16xf32>
      %select_n3A_1438 = arith.select %gt3A_1437, %select_n3A_1405, %select_n3A_1400 : vector<16xi1>, vector<16xf32>
      %select_n3A_1439 = arith.select %gt3A_1437, %select_n3A_1406, %select_n3A_1401 : vector<16xi1>, vector<16xi32>
      %gt3A_1440 = arith.cmpf ogt, %select_n3A_1415, %select_n3A_1410 : vector<16xf32>
      %select_n3A_1441 = arith.select %gt3A_1440, %select_n3A_1415, %select_n3A_1410 : vector<16xi1>, vector<16xf32>
      %select_n3A_1442 = arith.select %gt3A_1440, %select_n3A_1416, %select_n3A_1411 : vector<16xi1>, vector<16xi32>
      %gt3A_1443 = arith.cmpf ogt, %select_n3A_1425, %select_n3A_1420 : vector<16xf32>
      %select_n3A_1444 = arith.select %gt3A_1443, %select_n3A_1425, %select_n3A_1420 : vector<16xi1>, vector<16xf32>
      %select_n3A_1445 = arith.select %gt3A_1443, %select_n3A_1426, %select_n3A_1421 : vector<16xi1>, vector<16xi32>
      %gt3A_1446 = arith.cmpf ogt, %select_n3A_1435, %select_n3A_1430 : vector<16xf32>
      %select_n3A_1447 = arith.select %gt3A_1446, %select_n3A_1435, %select_n3A_1430 : vector<16xi1>, vector<16xf32>
      %select_n3A_1448 = arith.select %gt3A_1446, %select_n3A_1436, %select_n3A_1431 : vector<16xi1>, vector<16xi32>
      %gt3A_1449 = arith.cmpf ogt, %select_n3A_1441, %select_n3A_1438 : vector<16xf32>
      %select_n3A_1450 = arith.select %gt3A_1449, %select_n3A_1441, %select_n3A_1438 : vector<16xi1>, vector<16xf32>
      %select_n3A_1451 = arith.select %gt3A_1449, %select_n3A_1442, %select_n3A_1439 : vector<16xi1>, vector<16xi32>
      %gt3A_1452 = arith.cmpf ogt, %select_n3A_1447, %select_n3A_1444 : vector<16xf32>
      %select_n3A_1453 = arith.select %gt3A_1452, %select_n3A_1447, %select_n3A_1444 : vector<16xi1>, vector<16xf32>
      %select_n3A_1454 = arith.select %gt3A_1452, %select_n3A_1448, %select_n3A_1445 : vector<16xi1>, vector<16xi32>
      %gt3A_1455 = arith.cmpf ogt, %select_n3A_1453, %select_n3A_1450 : vector<16xf32>
      %select_n3A_1456 = arith.select %gt3A_1455, %select_n3A_1453, %select_n3A_1450 : vector<16xi1>, vector<16xf32>
      %select_n3A_1457 = arith.select %gt3A_1455, %select_n3A_1454, %select_n3A_1451 : vector<16xi1>, vector<16xi32>
      %mul3A_1458 = arith.constant 16 : i32
      %mul3A_1459 = vector.broadcast %mul3A_1458 : i32 to vector<16xi32>
      %mul3A_1460 = arith.muli %select_n3A_1457, %mul3A_1459 : vector<16xi32>
      %add3A_1461 = arith.addi %mul3A_1460, %iota3A : vector<16xi32>
      tpu.vector_store_idx %arg9[%add3A_1461], %broadcast_in_dim3A_3 : memref<1024xf32, #tpu.memory_space<vmem>>[vector<16xi32>], vector<16xf32>,
      %shift_right_arithmetic3A_1462 = arith.constant 3 : i32
      %shift_right_arithmetic3A_1463 = vector.broadcast %shift_right_arithmetic3A_1462 : i32 to vector<16xi32>
      %shift_right_arithmetic3A_1464 = arith.shrsi %select_n3A_1457, %shift_right_arithmetic3A_1463 : vector<16xi32>
      %shift_left3A_1465 = arith.constant 3 : i32
      %shift_left3A_1466 = vector.broadcast %shift_left3A_1465 : i32 to vector<16xi32>
      %shift_left3A_1467 = arith.shli %shift_right_arithmetic3A_1464, %shift_left3A_1466 : vector<16xi32>
      %add3A_1468 = arith.constant 0 : i32
      %add3A_1469 = vector.broadcast %add3A_1468 : i32 to vector<16xi32>
      %add3A_1470 = arith.addi %shift_left3A_1467, %add3A_1469 : vector<16xi32>
      %shift_left3A_1471 = arith.constant 4 : i32
      %shift_left3A_1472 = vector.broadcast %shift_left3A_1471 : i32 to vector<16xi32>
      %shift_left3A_1473 = arith.shli %add3A_1470, %shift_left3A_1472 : vector<16xi32>
      %add3A_1474 = arith.addi %shift_left3A_1473, %iota3A : vector<16xi32>
      %gather3A_1475 = tpu.vector_load_idx %arg9[%add3A_1474] : memref<1024xf32, #tpu.memory_space<vmem>>[vector<16xi32>], vector<16xf32>,
      %add3A_1476 = arith.constant 1 : i32
      %add3A_1477 = vector.broadcast %add3A_1476 : i32 to vector<16xi32>
      %add3A_1478 = arith.addi %shift_left3A_1467, %add3A_1477 : vector<16xi32>
      %shift_left3A_1479 = arith.constant 4 : i32
      %shift_left3A_1480 = vector.broadcast %shift_left3A_1479 : i32 to vector<16xi32>
      %shift_left3A_1481 = arith.shli %add3A_1478, %shift_left3A_1480 : vector<16xi32>
      %add3A_1482 = arith.addi %shift_left3A_1481, %iota3A : vector<16xi32>
      %gather3A_1483 = tpu.vector_load_idx %arg9[%add3A_1482] : memref<1024xf32, #tpu.memory_space<vmem>>[vector<16xi32>], vector<16xf32>,
      %add3A_1484 = arith.constant 2 : i32
      %add3A_1485 = vector.broadcast %add3A_1484 : i32 to vector<16xi32>
      %add3A_1486 = arith.addi %shift_left3A_1467, %add3A_1485 : vector<16xi32>
      %shift_left3A_1487 = arith.constant 4 : i32
      %shift_left3A_1488 = vector.broadcast %shift_left3A_1487 : i32 to vector<16xi32>
      %shift_left3A_1489 = arith.shli %add3A_1486, %shift_left3A_1488 : vector<16xi32>
      %add3A_1490 = arith.addi %shift_left3A_1489, %iota3A : vector<16xi32>
      %gather3A_1491 = tpu.vector_load_idx %arg9[%add3A_1490] : memref<1024xf32, #tpu.memory_space<vmem>>[vector<16xi32>], vector<16xf32>,
      %add3A_1492 = arith.constant 3 : i32
      %add3A_1493 = vector.broadcast %add3A_1492 : i32 to vector<16xi32>
      %add3A_1494 = arith.addi %shift_left3A_1467, %add3A_1493 : vector<16xi32>
      %shift_left3A_1495 = arith.constant 4 : i32
      %shift_left3A_1496 = vector.broadcast %shift_left3A_1495 : i32 to vector<16xi32>
      %shift_left3A_1497 = arith.shli %add3A_1494, %shift_left3A_1496 : vector<16xi32>
      %add3A_1498 = arith.addi %shift_left3A_1497, %iota3A : vector<16xi32>
      %gather3A_1499 = tpu.vector_load_idx %arg9[%add3A_1498] : memref<1024xf32, #tpu.memory_space<vmem>>[vector<16xi32>], vector<16xf32>,
      %add3A_1500 = arith.constant 4 : i32
      %add3A_1501 = vector.broadcast %add3A_1500 : i32 to vector<16xi32>
      %add3A_1502 = arith.addi %shift_left3A_1467, %add3A_1501 : vector<16xi32>
      %shift_left3A_1503 = arith.constant 4 : i32
      %shift_left3A_1504 = vector.broadcast %shift_left3A_1503 : i32 to vector<16xi32>
      %shift_left3A_1505 = arith.shli %add3A_1502, %shift_left3A_1504 : vector<16xi32>
      %add3A_1506 = arith.addi %shift_left3A_1505, %iota3A : vector<16xi32>
      %gather3A_1507 = tpu.vector_load_idx %arg9[%add3A_1506] : memref<1024xf32, #tpu.memory_space<vmem>>[vector<16xi32>], vector<16xf32>,
      %add3A_1508 = arith.constant 5 : i32
      %add3A_1509 = vector.broadcast %add3A_1508 : i32 to vector<16xi32>
      %add3A_1510 = arith.addi %shift_left3A_1467, %add3A_1509 : vector<16xi32>
      %shift_left3A_1511 = arith.constant 4 : i32
      %shift_left3A_1512 = vector.broadcast %shift_left3A_1511 : i32 to vector<16xi32>
      %shift_left3A_1513 = arith.shli %add3A_1510, %shift_left3A_1512 : vector<16xi32>
      %add3A_1514 = arith.addi %shift_left3A_1513, %iota3A : vector<16xi32>
      %gather3A_1515 = tpu.vector_load_idx %arg9[%add3A_1514] : memref<1024xf32, #tpu.memory_space<vmem>>[vector<16xi32>], vector<16xf32>,
      %add3A_1516 = arith.constant 6 : i32
      %add3A_1517 = vector.broadcast %add3A_1516 : i32 to vector<16xi32>
      %add3A_1518 = arith.addi %shift_left3A_1467, %add3A_1517 : vector<16xi32>
      %shift_left3A_1519 = arith.constant 4 : i32
      %shift_left3A_1520 = vector.broadcast %shift_left3A_1519 : i32 to vector<16xi32>
      %shift_left3A_1521 = arith.shli %add3A_1518, %shift_left3A_1520 : vector<16xi32>
      %add3A_1522 = arith.addi %shift_left3A_1521, %iota3A : vector<16xi32>
      %gather3A_1523 = tpu.vector_load_idx %arg9[%add3A_1522] : memref<1024xf32, #tpu.memory_space<vmem>>[vector<16xi32>], vector<16xf32>,
      %add3A_1524 = arith.constant 7 : i32
      %add3A_1525 = vector.broadcast %add3A_1524 : i32 to vector<16xi32>
      %add3A_1526 = arith.addi %shift_left3A_1467, %add3A_1525 : vector<16xi32>
      %shift_left3A_1527 = arith.constant 4 : i32
      %shift_left3A_1528 = vector.broadcast %shift_left3A_1527 : i32 to vector<16xi32>
      %shift_left3A_1529 = arith.shli %add3A_1526, %shift_left3A_1528 : vector<16xi32>
      %add3A_1530 = arith.addi %shift_left3A_1529, %iota3A : vector<16xi32>
      %gather3A_1531 = tpu.vector_load_idx %arg9[%add3A_1530] : memref<1024xf32, #tpu.memory_space<vmem>>[vector<16xi32>], vector<16xf32>,
      %gt3A_1532 = arith.cmpf ogt, %gather3A_1483, %gather3A_1475 : vector<16xf32>
      %select_n3A_1533 = arith.select %gt3A_1532, %gather3A_1483, %gather3A_1475 : vector<16xi1>, vector<16xf32>
      %select_n3A_1534 = arith.select %gt3A_1532, %add3A_1478, %add3A_1470 : vector<16xi1>, vector<16xi32>
      %gt3A_1535 = arith.cmpf ogt, %gather3A_1499, %gather3A_1491 : vector<16xf32>
      %select_n3A_1536 = arith.select %gt3A_1535, %gather3A_1499, %gather3A_1491 : vector<16xi1>, vector<16xf32>
      %select_n3A_1537 = arith.select %gt3A_1535, %add3A_1494, %add3A_1486 : vector<16xi1>, vector<16xi32>
      %gt3A_1538 = arith.cmpf ogt, %gather3A_1515, %gather3A_1507 : vector<16xf32>
      %select_n3A_1539 = arith.select %gt3A_1538, %gather3A_1515, %gather3A_1507 : vector<16xi1>, vector<16xf32>
      %select_n3A_1540 = arith.select %gt3A_1538, %add3A_1510, %add3A_1502 : vector<16xi1>, vector<16xi32>
      %gt3A_1541 = arith.cmpf ogt, %gather3A_1531, %gather3A_1523 : vector<16xf32>
      %select_n3A_1542 = arith.select %gt3A_1541, %gather3A_1531, %gather3A_1523 : vector<16xi1>, vector<16xf32>
      %select_n3A_1543 = arith.select %gt3A_1541, %add3A_1526, %add3A_1518 : vector<16xi1>, vector<16xi32>
      %gt3A_1544 = arith.cmpf ogt, %select_n3A_1536, %select_n3A_1533 : vector<16xf32>
      %select_n3A_1545 = arith.select %gt3A_1544, %select_n3A_1536, %select_n3A_1533 : vector<16xi1>, vector<16xf32>
      %select_n3A_1546 = arith.select %gt3A_1544, %select_n3A_1537, %select_n3A_1534 : vector<16xi1>, vector<16xi32>
      %gt3A_1547 = arith.cmpf ogt, %select_n3A_1542, %select_n3A_1539 : vector<16xf32>
      %select_n3A_1548 = arith.select %gt3A_1547, %select_n3A_1542, %select_n3A_1539 : vector<16xi1>, vector<16xf32>
      %select_n3A_1549 = arith.select %gt3A_1547, %select_n3A_1543, %select_n3A_1540 : vector<16xi1>, vector<16xi32>
      %gt3A_1550 = arith.cmpf ogt, %select_n3A_1548, %select_n3A_1545 : vector<16xf32>
      %select_n3A_1551 = arith.select %gt3A_1550, %select_n3A_1548, %select_n3A_1545 : vector<16xi1>, vector<16xf32>
      %select_n3A_1552 = arith.select %gt3A_1550, %select_n3A_1549, %select_n3A_1546 : vector<16xi1>, vector<16xi32>
      %eq3A_1553 = arith.constant 0 : i32
      %eq3A_1554 = vector.broadcast %eq3A_1553 : i32 to vector<16xi32>
      %eq3A_1555 = arith.cmpi eq, %shift_right_arithmetic3A_1464, %eq3A_1554 : vector<16xi32>
      %select_n3A_1556 = arith.select %eq3A_1555, %select_n3A_1551, %select_n3A_1400 : vector<16xi1>, vector<16xf32>
      %select_n3A_1557 = arith.select %eq3A_1555, %select_n3A_1552, %select_n3A_1401 : vector<16xi1>, vector<16xi32>
      %eq3A_1558 = arith.constant 1 : i32
      %eq3A_1559 = vector.broadcast %eq3A_1558 : i32 to vector<16xi32>
      %eq3A_1560 = arith.cmpi eq, %shift_right_arithmetic3A_1464, %eq3A_1559 : vector<16xi32>
      %select_n3A_1561 = arith.select %eq3A_1560, %select_n3A_1551, %select_n3A_1405 : vector<16xi1>, vector<16xf32>
      %select_n3A_1562 = arith.select %eq3A_1560, %select_n3A_1552, %select_n3A_1406 : vector<16xi1>, vector<16xi32>
      %eq3A_1563 = arith.constant 2 : i32
      %eq3A_1564 = vector.broadcast %eq3A_1563 : i32 to vector<16xi32>
      %eq3A_1565 = arith.cmpi eq, %shift_right_arithmetic3A_1464, %eq3A_1564 : vector<16xi32>
      %select_n3A_1566 = arith.select %eq3A_1565, %select_n3A_1551, %select_n3A_1410 : vector<16xi1>, vector<16xf32>
      %select_n3A_1567 = arith.select %eq3A_1565, %select_n3A_1552, %select_n3A_1411 : vector<16xi1>, vector<16xi32>
      %eq3A_1568 = arith.constant 3 : i32
      %eq3A_1569 = vector.broadcast %eq3A_1568 : i32 to vector<16xi32>
      %eq3A_1570 = arith.cmpi eq, %shift_right_arithmetic3A_1464, %eq3A_1569 : vector<16xi32>
      %select_n3A_1571 = arith.select %eq3A_1570, %select_n3A_1551, %select_n3A_1415 : vector<16xi1>, vector<16xf32>
      %select_n3A_1572 = arith.select %eq3A_1570, %select_n3A_1552, %select_n3A_1416 : vector<16xi1>, vector<16xi32>
      %eq3A_1573 = arith.constant 4 : i32
      %eq3A_1574 = vector.broadcast %eq3A_1573 : i32 to vector<16xi32>
      %eq3A_1575 = arith.cmpi eq, %shift_right_arithmetic3A_1464, %eq3A_1574 : vector<16xi32>
      %select_n3A_1576 = arith.select %eq3A_1575, %select_n3A_1551, %select_n3A_1420 : vector<16xi1>, vector<16xf32>
      %select_n3A_1577 = arith.select %eq3A_1575, %select_n3A_1552, %select_n3A_1421 : vector<16xi1>, vector<16xi32>
      %eq3A_1578 = arith.constant 5 : i32
      %eq3A_1579 = vector.broadcast %eq3A_1578 : i32 to vector<16xi32>
      %eq3A_1580 = arith.cmpi eq, %shift_right_arithmetic3A_1464, %eq3A_1579 : vector<16xi32>
      %select_n3A_1581 = arith.select %eq3A_1580, %select_n3A_1551, %select_n3A_1425 : vector<16xi1>, vector<16xf32>
      %select_n3A_1582 = arith.select %eq3A_1580, %select_n3A_1552, %select_n3A_1426 : vector<16xi1>, vector<16xi32>
      %eq3A_1583 = arith.constant 6 : i32
      %eq3A_1584 = vector.broadcast %eq3A_1583 : i32 to vector<16xi32>
      %eq3A_1585 = arith.cmpi eq, %shift_right_arithmetic3A_1464, %eq3A_1584 : vector<16xi32>
      %select_n3A_1586 = arith.select %eq3A_1585, %select_n3A_1551, %select_n3A_1430 : vector<16xi1>, vector<16xf32>
      %select_n3A_1587 = arith.select %eq3A_1585, %select_n3A_1552, %select_n3A_1431 : vector<16xi1>, vector<16xi32>
      %eq3A_1588 = arith.constant 7 : i32
      %eq3A_1589 = vector.broadcast %eq3A_1588 : i32 to vector<16xi32>
      %eq3A_1590 = arith.cmpi eq, %shift_right_arithmetic3A_1464, %eq3A_1589 : vector<16xi32>
      %select_n3A_1591 = arith.select %eq3A_1590, %select_n3A_1551, %select_n3A_1435 : vector<16xi1>, vector<16xf32>
      %select_n3A_1592 = arith.select %eq3A_1590, %select_n3A_1552, %select_n3A_1436 : vector<16xi1>, vector<16xi32>
      %gt3A_1593 = arith.cmpf ogt, %select_n3A_1561, %select_n3A_1556 : vector<16xf32>
      %select_n3A_1594 = arith.select %gt3A_1593, %select_n3A_1561, %select_n3A_1556 : vector<16xi1>, vector<16xf32>
      %select_n3A_1595 = arith.select %gt3A_1593, %select_n3A_1562, %select_n3A_1557 : vector<16xi1>, vector<16xi32>
      %gt3A_1596 = arith.cmpf ogt, %select_n3A_1571, %select_n3A_1566 : vector<16xf32>
      %select_n3A_1597 = arith.select %gt3A_1596, %select_n3A_1571, %select_n3A_1566 : vector<16xi1>, vector<16xf32>
      %select_n3A_1598 = arith.select %gt3A_1596, %select_n3A_1572, %select_n3A_1567 : vector<16xi1>, vector<16xi32>
      %gt3A_1599 = arith.cmpf ogt, %select_n3A_1581, %select_n3A_1576 : vector<16xf32>
      %select_n3A_1600 = arith.select %gt3A_1599, %select_n3A_1581, %select_n3A_1576 : vector<16xi1>, vector<16xf32>
      %select_n3A_1601 = arith.select %gt3A_1599, %select_n3A_1582, %select_n3A_1577 : vector<16xi1>, vector<16xi32>
      %gt3A_1602 = arith.cmpf ogt, %select_n3A_1591, %select_n3A_1586 : vector<16xf32>
      %select_n3A_1603 = arith.select %gt3A_1602, %select_n3A_1591, %select_n3A_1586 : vector<16xi1>, vector<16xf32>
      %select_n3A_1604 = arith.select %gt3A_1602, %select_n3A_1592, %select_n3A_1587 : vector<16xi1>, vector<16xi32>
      %gt3A_1605 = arith.cmpf ogt, %select_n3A_1597, %select_n3A_1594 : vector<16xf32>
      %select_n3A_1606 = arith.select %gt3A_1605, %select_n3A_1597, %select_n3A_1594 : vector<16xi1>, vector<16xf32>
      %select_n3A_1607 = arith.select %gt3A_1605, %select_n3A_1598, %select_n3A_1595 : vector<16xi1>, vector<16xi32>
      %gt3A_1608 = arith.cmpf ogt, %select_n3A_1603, %select_n3A_1600 : vector<16xf32>
      %select_n3A_1609 = arith.select %gt3A_1608, %select_n3A_1603, %select_n3A_1600 : vector<16xi1>, vector<16xf32>
      %select_n3A_1610 = arith.select %gt3A_1608, %select_n3A_1604, %select_n3A_1601 : vector<16xi1>, vector<16xi32>
      %gt3A_1611 = arith.cmpf ogt, %select_n3A_1609, %select_n3A_1606 : vector<16xf32>
      %select_n3A_1612 = arith.select %gt3A_1611, %select_n3A_1609, %select_n3A_1606 : vector<16xi1>, vector<16xf32>
      %select_n3A_1613 = arith.select %gt3A_1611, %select_n3A_1610, %select_n3A_1607 : vector<16xi1>, vector<16xi32>
      %mul3A_1614 = arith.constant 16 : i32
      %mul3A_1615 = vector.broadcast %mul3A_1614 : i32 to vector<16xi32>
      %mul3A_1616 = arith.muli %select_n3A_1613, %mul3A_1615 : vector<16xi32>
      %add3A_1617 = arith.addi %mul3A_1616, %iota3A : vector<16xi32>
      tpu.vector_store_idx %arg9[%add3A_1617], %broadcast_in_dim3A_3 : memref<1024xf32, #tpu.memory_space<vmem>>[vector<16xi32>], vector<16xf32>,
      %shift_right_arithmetic3A_1618 = arith.constant 3 : i32
      %shift_right_arithmetic3A_1619 = vector.broadcast %shift_right_arithmetic3A_1618 : i32 to vector<16xi32>
      %shift_right_arithmetic3A_1620 = arith.shrsi %select_n3A_1613, %shift_right_arithmetic3A_1619 : vector<16xi32>
      %shift_left3A_1621 = arith.constant 3 : i32
      %shift_left3A_1622 = vector.broadcast %shift_left3A_1621 : i32 to vector<16xi32>
      %shift_left3A_1623 = arith.shli %shift_right_arithmetic3A_1620, %shift_left3A_1622 : vector<16xi32>
      %add3A_1624 = arith.constant 0 : i32
      %add3A_1625 = vector.broadcast %add3A_1624 : i32 to vector<16xi32>
      %add3A_1626 = arith.addi %shift_left3A_1623, %add3A_1625 : vector<16xi32>
      %shift_left3A_1627 = arith.constant 4 : i32
      %shift_left3A_1628 = vector.broadcast %shift_left3A_1627 : i32 to vector<16xi32>
      %shift_left3A_1629 = arith.shli %add3A_1626, %shift_left3A_1628 : vector<16xi32>
      %add3A_1630 = arith.addi %shift_left3A_1629, %iota3A : vector<16xi32>
      %gather3A_1631 = tpu.vector_load_idx %arg9[%add3A_1630] : memref<1024xf32, #tpu.memory_space<vmem>>[vector<16xi32>], vector<16xf32>,
      %add3A_1632 = arith.constant 1 : i32
      %add3A_1633 = vector.broadcast %add3A_1632 : i32 to vector<16xi32>
      %add3A_1634 = arith.addi %shift_left3A_1623, %add3A_1633 : vector<16xi32>
      %shift_left3A_1635 = arith.constant 4 : i32
      %shift_left3A_1636 = vector.broadcast %shift_left3A_1635 : i32 to vector<16xi32>
      %shift_left3A_1637 = arith.shli %add3A_1634, %shift_left3A_1636 : vector<16xi32>
      %add3A_1638 = arith.addi %shift_left3A_1637, %iota3A : vector<16xi32>
      %gather3A_1639 = tpu.vector_load_idx %arg9[%add3A_1638] : memref<1024xf32, #tpu.memory_space<vmem>>[vector<16xi32>], vector<16xf32>,
      %add3A_1640 = arith.constant 2 : i32
      %add3A_1641 = vector.broadcast %add3A_1640 : i32 to vector<16xi32>
      %add3A_1642 = arith.addi %shift_left3A_1623, %add3A_1641 : vector<16xi32>
      %shift_left3A_1643 = arith.constant 4 : i32
      %shift_left3A_1644 = vector.broadcast %shift_left3A_1643 : i32 to vector<16xi32>
      %shift_left3A_1645 = arith.shli %add3A_1642, %shift_left3A_1644 : vector<16xi32>
      %add3A_1646 = arith.addi %shift_left3A_1645, %iota3A : vector<16xi32>
      %gather3A_1647 = tpu.vector_load_idx %arg9[%add3A_1646] : memref<1024xf32, #tpu.memory_space<vmem>>[vector<16xi32>], vector<16xf32>,
      %add3A_1648 = arith.constant 3 : i32
      %add3A_1649 = vector.broadcast %add3A_1648 : i32 to vector<16xi32>
      %add3A_1650 = arith.addi %shift_left3A_1623, %add3A_1649 : vector<16xi32>
      %shift_left3A_1651 = arith.constant 4 : i32
      %shift_left3A_1652 = vector.broadcast %shift_left3A_1651 : i32 to vector<16xi32>
      %shift_left3A_1653 = arith.shli %add3A_1650, %shift_left3A_1652 : vector<16xi32>
      %add3A_1654 = arith.addi %shift_left3A_1653, %iota3A : vector<16xi32>
      %gather3A_1655 = tpu.vector_load_idx %arg9[%add3A_1654] : memref<1024xf32, #tpu.memory_space<vmem>>[vector<16xi32>], vector<16xf32>,
      %add3A_1656 = arith.constant 4 : i32
      %add3A_1657 = vector.broadcast %add3A_1656 : i32 to vector<16xi32>
      %add3A_1658 = arith.addi %shift_left3A_1623, %add3A_1657 : vector<16xi32>
      %shift_left3A_1659 = arith.constant 4 : i32
      %shift_left3A_1660 = vector.broadcast %shift_left3A_1659 : i32 to vector<16xi32>
      %shift_left3A_1661 = arith.shli %add3A_1658, %shift_left3A_1660 : vector<16xi32>
      %add3A_1662 = arith.addi %shift_left3A_1661, %iota3A : vector<16xi32>
      %gather3A_1663 = tpu.vector_load_idx %arg9[%add3A_1662] : memref<1024xf32, #tpu.memory_space<vmem>>[vector<16xi32>], vector<16xf32>,
      %add3A_1664 = arith.constant 5 : i32
      %add3A_1665 = vector.broadcast %add3A_1664 : i32 to vector<16xi32>
      %add3A_1666 = arith.addi %shift_left3A_1623, %add3A_1665 : vector<16xi32>
      %shift_left3A_1667 = arith.constant 4 : i32
      %shift_left3A_1668 = vector.broadcast %shift_left3A_1667 : i32 to vector<16xi32>
      %shift_left3A_1669 = arith.shli %add3A_1666, %shift_left3A_1668 : vector<16xi32>
      %add3A_1670 = arith.addi %shift_left3A_1669, %iota3A : vector<16xi32>
      %gather3A_1671 = tpu.vector_load_idx %arg9[%add3A_1670] : memref<1024xf32, #tpu.memory_space<vmem>>[vector<16xi32>], vector<16xf32>,
      %add3A_1672 = arith.constant 6 : i32
      %add3A_1673 = vector.broadcast %add3A_1672 : i32 to vector<16xi32>
      %add3A_1674 = arith.addi %shift_left3A_1623, %add3A_1673 : vector<16xi32>
      %shift_left3A_1675 = arith.constant 4 : i32
      %shift_left3A_1676 = vector.broadcast %shift_left3A_1675 : i32 to vector<16xi32>
      %shift_left3A_1677 = arith.shli %add3A_1674, %shift_left3A_1676 : vector<16xi32>
      %add3A_1678 = arith.addi %shift_left3A_1677, %iota3A : vector<16xi32>
      %gather3A_1679 = tpu.vector_load_idx %arg9[%add3A_1678] : memref<1024xf32, #tpu.memory_space<vmem>>[vector<16xi32>], vector<16xf32>,
      %add3A_1680 = arith.constant 7 : i32
      %add3A_1681 = vector.broadcast %add3A_1680 : i32 to vector<16xi32>
      %add3A_1682 = arith.addi %shift_left3A_1623, %add3A_1681 : vector<16xi32>
      %shift_left3A_1683 = arith.constant 4 : i32
      %shift_left3A_1684 = vector.broadcast %shift_left3A_1683 : i32 to vector<16xi32>
      %shift_left3A_1685 = arith.shli %add3A_1682, %shift_left3A_1684 : vector<16xi32>
      %add3A_1686 = arith.addi %shift_left3A_1685, %iota3A : vector<16xi32>
      %gather3A_1687 = tpu.vector_load_idx %arg9[%add3A_1686] : memref<1024xf32, #tpu.memory_space<vmem>>[vector<16xi32>], vector<16xf32>,
      %gt3A_1688 = arith.cmpf ogt, %gather3A_1639, %gather3A_1631 : vector<16xf32>
      %select_n3A_1689 = arith.select %gt3A_1688, %gather3A_1639, %gather3A_1631 : vector<16xi1>, vector<16xf32>
      %select_n3A_1690 = arith.select %gt3A_1688, %add3A_1634, %add3A_1626 : vector<16xi1>, vector<16xi32>
      %gt3A_1691 = arith.cmpf ogt, %gather3A_1655, %gather3A_1647 : vector<16xf32>
      %select_n3A_1692 = arith.select %gt3A_1691, %gather3A_1655, %gather3A_1647 : vector<16xi1>, vector<16xf32>
      %select_n3A_1693 = arith.select %gt3A_1691, %add3A_1650, %add3A_1642 : vector<16xi1>, vector<16xi32>
      %gt3A_1694 = arith.cmpf ogt, %gather3A_1671, %gather3A_1663 : vector<16xf32>
      %select_n3A_1695 = arith.select %gt3A_1694, %gather3A_1671, %gather3A_1663 : vector<16xi1>, vector<16xf32>
      %select_n3A_1696 = arith.select %gt3A_1694, %add3A_1666, %add3A_1658 : vector<16xi1>, vector<16xi32>
      %gt3A_1697 = arith.cmpf ogt, %gather3A_1687, %gather3A_1679 : vector<16xf32>
      %select_n3A_1698 = arith.select %gt3A_1697, %gather3A_1687, %gather3A_1679 : vector<16xi1>, vector<16xf32>
      %select_n3A_1699 = arith.select %gt3A_1697, %add3A_1682, %add3A_1674 : vector<16xi1>, vector<16xi32>
      %gt3A_1700 = arith.cmpf ogt, %select_n3A_1692, %select_n3A_1689 : vector<16xf32>
      %select_n3A_1701 = arith.select %gt3A_1700, %select_n3A_1692, %select_n3A_1689 : vector<16xi1>, vector<16xf32>
      %select_n3A_1702 = arith.select %gt3A_1700, %select_n3A_1693, %select_n3A_1690 : vector<16xi1>, vector<16xi32>
      %gt3A_1703 = arith.cmpf ogt, %select_n3A_1698, %select_n3A_1695 : vector<16xf32>
      %select_n3A_1704 = arith.select %gt3A_1703, %select_n3A_1698, %select_n3A_1695 : vector<16xi1>, vector<16xf32>
      %select_n3A_1705 = arith.select %gt3A_1703, %select_n3A_1699, %select_n3A_1696 : vector<16xi1>, vector<16xi32>
      %gt3A_1706 = arith.cmpf ogt, %select_n3A_1704, %select_n3A_1701 : vector<16xf32>
      %select_n3A_1707 = arith.select %gt3A_1706, %select_n3A_1704, %select_n3A_1701 : vector<16xi1>, vector<16xf32>
      %select_n3A_1708 = arith.select %gt3A_1706, %select_n3A_1705, %select_n3A_1702 : vector<16xi1>, vector<16xi32>
      %eq3A_1709 = arith.constant 0 : i32
      %eq3A_1710 = vector.broadcast %eq3A_1709 : i32 to vector<16xi32>
      %eq3A_1711 = arith.cmpi eq, %shift_right_arithmetic3A_1620, %eq3A_1710 : vector<16xi32>
      %select_n3A_1712 = arith.select %eq3A_1711, %select_n3A_1707, %select_n3A_1556 : vector<16xi1>, vector<16xf32>
      %select_n3A_1713 = arith.select %eq3A_1711, %select_n3A_1708, %select_n3A_1557 : vector<16xi1>, vector<16xi32>
      %eq3A_1714 = arith.constant 1 : i32
      %eq3A_1715 = vector.broadcast %eq3A_1714 : i32 to vector<16xi32>
      %eq3A_1716 = arith.cmpi eq, %shift_right_arithmetic3A_1620, %eq3A_1715 : vector<16xi32>
      %select_n3A_1717 = arith.select %eq3A_1716, %select_n3A_1707, %select_n3A_1561 : vector<16xi1>, vector<16xf32>
      %select_n3A_1718 = arith.select %eq3A_1716, %select_n3A_1708, %select_n3A_1562 : vector<16xi1>, vector<16xi32>
      %eq3A_1719 = arith.constant 2 : i32
      %eq3A_1720 = vector.broadcast %eq3A_1719 : i32 to vector<16xi32>
      %eq3A_1721 = arith.cmpi eq, %shift_right_arithmetic3A_1620, %eq3A_1720 : vector<16xi32>
      %select_n3A_1722 = arith.select %eq3A_1721, %select_n3A_1707, %select_n3A_1566 : vector<16xi1>, vector<16xf32>
      %select_n3A_1723 = arith.select %eq3A_1721, %select_n3A_1708, %select_n3A_1567 : vector<16xi1>, vector<16xi32>
      %eq3A_1724 = arith.constant 3 : i32
      %eq3A_1725 = vector.broadcast %eq3A_1724 : i32 to vector<16xi32>
      %eq3A_1726 = arith.cmpi eq, %shift_right_arithmetic3A_1620, %eq3A_1725 : vector<16xi32>
      %select_n3A_1727 = arith.select %eq3A_1726, %select_n3A_1707, %select_n3A_1571 : vector<16xi1>, vector<16xf32>
      %select_n3A_1728 = arith.select %eq3A_1726, %select_n3A_1708, %select_n3A_1572 : vector<16xi1>, vector<16xi32>
      %eq3A_1729 = arith.constant 4 : i32
      %eq3A_1730 = vector.broadcast %eq3A_1729 : i32 to vector<16xi32>
      %eq3A_1731 = arith.cmpi eq, %shift_right_arithmetic3A_1620, %eq3A_1730 : vector<16xi32>
      %select_n3A_1732 = arith.select %eq3A_1731, %select_n3A_1707, %select_n3A_1576 : vector<16xi1>, vector<16xf32>
      %select_n3A_1733 = arith.select %eq3A_1731, %select_n3A_1708, %select_n3A_1577 : vector<16xi1>, vector<16xi32>
      %eq3A_1734 = arith.constant 5 : i32
      %eq3A_1735 = vector.broadcast %eq3A_1734 : i32 to vector<16xi32>
      %eq3A_1736 = arith.cmpi eq, %shift_right_arithmetic3A_1620, %eq3A_1735 : vector<16xi32>
      %select_n3A_1737 = arith.select %eq3A_1736, %select_n3A_1707, %select_n3A_1581 : vector<16xi1>, vector<16xf32>
      %select_n3A_1738 = arith.select %eq3A_1736, %select_n3A_1708, %select_n3A_1582 : vector<16xi1>, vector<16xi32>
      %eq3A_1739 = arith.constant 6 : i32
      %eq3A_1740 = vector.broadcast %eq3A_1739 : i32 to vector<16xi32>
      %eq3A_1741 = arith.cmpi eq, %shift_right_arithmetic3A_1620, %eq3A_1740 : vector<16xi32>
      %select_n3A_1742 = arith.select %eq3A_1741, %select_n3A_1707, %select_n3A_1586 : vector<16xi1>, vector<16xf32>
      %select_n3A_1743 = arith.select %eq3A_1741, %select_n3A_1708, %select_n3A_1587 : vector<16xi1>, vector<16xi32>
      %eq3A_1744 = arith.constant 7 : i32
      %eq3A_1745 = vector.broadcast %eq3A_1744 : i32 to vector<16xi32>
      %eq3A_1746 = arith.cmpi eq, %shift_right_arithmetic3A_1620, %eq3A_1745 : vector<16xi32>
      %select_n3A_1747 = arith.select %eq3A_1746, %select_n3A_1707, %select_n3A_1591 : vector<16xi1>, vector<16xf32>
      %select_n3A_1748 = arith.select %eq3A_1746, %select_n3A_1708, %select_n3A_1592 : vector<16xi1>, vector<16xi32>
      %gt3A_1749 = arith.cmpf ogt, %select_n3A_1717, %select_n3A_1712 : vector<16xf32>
      %select_n3A_1750 = arith.select %gt3A_1749, %select_n3A_1717, %select_n3A_1712 : vector<16xi1>, vector<16xf32>
      %select_n3A_1751 = arith.select %gt3A_1749, %select_n3A_1718, %select_n3A_1713 : vector<16xi1>, vector<16xi32>
      %gt3A_1752 = arith.cmpf ogt, %select_n3A_1727, %select_n3A_1722 : vector<16xf32>
      %select_n3A_1753 = arith.select %gt3A_1752, %select_n3A_1727, %select_n3A_1722 : vector<16xi1>, vector<16xf32>
      %select_n3A_1754 = arith.select %gt3A_1752, %select_n3A_1728, %select_n3A_1723 : vector<16xi1>, vector<16xi32>
      %gt3A_1755 = arith.cmpf ogt, %select_n3A_1737, %select_n3A_1732 : vector<16xf32>
      %select_n3A_1756 = arith.select %gt3A_1755, %select_n3A_1737, %select_n3A_1732 : vector<16xi1>, vector<16xf32>
      %select_n3A_1757 = arith.select %gt3A_1755, %select_n3A_1738, %select_n3A_1733 : vector<16xi1>, vector<16xi32>
      %gt3A_1758 = arith.cmpf ogt, %select_n3A_1747, %select_n3A_1742 : vector<16xf32>
      %select_n3A_1759 = arith.select %gt3A_1758, %select_n3A_1747, %select_n3A_1742 : vector<16xi1>, vector<16xf32>
      %select_n3A_1760 = arith.select %gt3A_1758, %select_n3A_1748, %select_n3A_1743 : vector<16xi1>, vector<16xi32>
      %gt3A_1761 = arith.cmpf ogt, %select_n3A_1753, %select_n3A_1750 : vector<16xf32>
      %select_n3A_1762 = arith.select %gt3A_1761, %select_n3A_1753, %select_n3A_1750 : vector<16xi1>, vector<16xf32>
      %select_n3A_1763 = arith.select %gt3A_1761, %select_n3A_1754, %select_n3A_1751 : vector<16xi1>, vector<16xi32>
      %gt3A_1764 = arith.cmpf ogt, %select_n3A_1759, %select_n3A_1756 : vector<16xf32>
      %select_n3A_1765 = arith.select %gt3A_1764, %select_n3A_1759, %select_n3A_1756 : vector<16xi1>, vector<16xf32>
      %select_n3A_1766 = arith.select %gt3A_1764, %select_n3A_1760, %select_n3A_1757 : vector<16xi1>, vector<16xi32>
      %gt3A_1767 = arith.cmpf ogt, %select_n3A_1765, %select_n3A_1762 : vector<16xf32>
      %select_n3A_1768 = arith.select %gt3A_1767, %select_n3A_1765, %select_n3A_1762 : vector<16xi1>, vector<16xf32>
      %select_n3A_1769 = arith.select %gt3A_1767, %select_n3A_1766, %select_n3A_1763 : vector<16xi1>, vector<16xi32>
      %mul3A_1770 = arith.constant 16 : i32
      %mul3A_1771 = vector.broadcast %mul3A_1770 : i32 to vector<16xi32>
      %mul3A_1772 = arith.muli %select_n3A_1769, %mul3A_1771 : vector<16xi32>
      %add3A_1773 = arith.addi %mul3A_1772, %iota3A : vector<16xi32>
      tpu.vector_store_idx %arg9[%add3A_1773], %broadcast_in_dim3A_3 : memref<1024xf32, #tpu.memory_space<vmem>>[vector<16xi32>], vector<16xf32>,
      %shift_right_arithmetic3A_1774 = arith.constant 3 : i32
      %shift_right_arithmetic3A_1775 = vector.broadcast %shift_right_arithmetic3A_1774 : i32 to vector<16xi32>
      %shift_right_arithmetic3A_1776 = arith.shrsi %select_n3A_1769, %shift_right_arithmetic3A_1775 : vector<16xi32>
      %shift_left3A_1777 = arith.constant 3 : i32
      %shift_left3A_1778 = vector.broadcast %shift_left3A_1777 : i32 to vector<16xi32>
      %shift_left3A_1779 = arith.shli %shift_right_arithmetic3A_1776, %shift_left3A_1778 : vector<16xi32>
      %add3A_1780 = arith.constant 0 : i32
      %add3A_1781 = vector.broadcast %add3A_1780 : i32 to vector<16xi32>
      %add3A_1782 = arith.addi %shift_left3A_1779, %add3A_1781 : vector<16xi32>
      %shift_left3A_1783 = arith.constant 4 : i32
      %shift_left3A_1784 = vector.broadcast %shift_left3A_1783 : i32 to vector<16xi32>
      %shift_left3A_1785 = arith.shli %add3A_1782, %shift_left3A_1784 : vector<16xi32>
      %add3A_1786 = arith.addi %shift_left3A_1785, %iota3A : vector<16xi32>
      %gather3A_1787 = tpu.vector_load_idx %arg9[%add3A_1786] : memref<1024xf32, #tpu.memory_space<vmem>>[vector<16xi32>], vector<16xf32>,
      %add3A_1788 = arith.constant 1 : i32
      %add3A_1789 = vector.broadcast %add3A_1788 : i32 to vector<16xi32>
      %add3A_1790 = arith.addi %shift_left3A_1779, %add3A_1789 : vector<16xi32>
      %shift_left3A_1791 = arith.constant 4 : i32
      %shift_left3A_1792 = vector.broadcast %shift_left3A_1791 : i32 to vector<16xi32>
      %shift_left3A_1793 = arith.shli %add3A_1790, %shift_left3A_1792 : vector<16xi32>
      %add3A_1794 = arith.addi %shift_left3A_1793, %iota3A : vector<16xi32>
      %gather3A_1795 = tpu.vector_load_idx %arg9[%add3A_1794] : memref<1024xf32, #tpu.memory_space<vmem>>[vector<16xi32>], vector<16xf32>,
      %add3A_1796 = arith.constant 2 : i32
      %add3A_1797 = vector.broadcast %add3A_1796 : i32 to vector<16xi32>
      %add3A_1798 = arith.addi %shift_left3A_1779, %add3A_1797 : vector<16xi32>
      %shift_left3A_1799 = arith.constant 4 : i32
      %shift_left3A_1800 = vector.broadcast %shift_left3A_1799 : i32 to vector<16xi32>
      %shift_left3A_1801 = arith.shli %add3A_1798, %shift_left3A_1800 : vector<16xi32>
      %add3A_1802 = arith.addi %shift_left3A_1801, %iota3A : vector<16xi32>
      %gather3A_1803 = tpu.vector_load_idx %arg9[%add3A_1802] : memref<1024xf32, #tpu.memory_space<vmem>>[vector<16xi32>], vector<16xf32>,
      %add3A_1804 = arith.constant 3 : i32
      %add3A_1805 = vector.broadcast %add3A_1804 : i32 to vector<16xi32>
      %add3A_1806 = arith.addi %shift_left3A_1779, %add3A_1805 : vector<16xi32>
      %shift_left3A_1807 = arith.constant 4 : i32
      %shift_left3A_1808 = vector.broadcast %shift_left3A_1807 : i32 to vector<16xi32>
      %shift_left3A_1809 = arith.shli %add3A_1806, %shift_left3A_1808 : vector<16xi32>
      %add3A_1810 = arith.addi %shift_left3A_1809, %iota3A : vector<16xi32>
      %gather3A_1811 = tpu.vector_load_idx %arg9[%add3A_1810] : memref<1024xf32, #tpu.memory_space<vmem>>[vector<16xi32>], vector<16xf32>,
      %add3A_1812 = arith.constant 4 : i32
      %add3A_1813 = vector.broadcast %add3A_1812 : i32 to vector<16xi32>
      %add3A_1814 = arith.addi %shift_left3A_1779, %add3A_1813 : vector<16xi32>
      %shift_left3A_1815 = arith.constant 4 : i32
      %shift_left3A_1816 = vector.broadcast %shift_left3A_1815 : i32 to vector<16xi32>
      %shift_left3A_1817 = arith.shli %add3A_1814, %shift_left3A_1816 : vector<16xi32>
      %add3A_1818 = arith.addi %shift_left3A_1817, %iota3A : vector<16xi32>
      %gather3A_1819 = tpu.vector_load_idx %arg9[%add3A_1818] : memref<1024xf32, #tpu.memory_space<vmem>>[vector<16xi32>], vector<16xf32>,
      %add3A_1820 = arith.constant 5 : i32
      %add3A_1821 = vector.broadcast %add3A_1820 : i32 to vector<16xi32>
      %add3A_1822 = arith.addi %shift_left3A_1779, %add3A_1821 : vector<16xi32>
      %shift_left3A_1823 = arith.constant 4 : i32
      %shift_left3A_1824 = vector.broadcast %shift_left3A_1823 : i32 to vector<16xi32>
      %shift_left3A_1825 = arith.shli %add3A_1822, %shift_left3A_1824 : vector<16xi32>
      %add3A_1826 = arith.addi %shift_left3A_1825, %iota3A : vector<16xi32>
      %gather3A_1827 = tpu.vector_load_idx %arg9[%add3A_1826] : memref<1024xf32, #tpu.memory_space<vmem>>[vector<16xi32>], vector<16xf32>,
      %add3A_1828 = arith.constant 6 : i32
      %add3A_1829 = vector.broadcast %add3A_1828 : i32 to vector<16xi32>
      %add3A_1830 = arith.addi %shift_left3A_1779, %add3A_1829 : vector<16xi32>
      %shift_left3A_1831 = arith.constant 4 : i32
      %shift_left3A_1832 = vector.broadcast %shift_left3A_1831 : i32 to vector<16xi32>
      %shift_left3A_1833 = arith.shli %add3A_1830, %shift_left3A_1832 : vector<16xi32>
      %add3A_1834 = arith.addi %shift_left3A_1833, %iota3A : vector<16xi32>
      %gather3A_1835 = tpu.vector_load_idx %arg9[%add3A_1834] : memref<1024xf32, #tpu.memory_space<vmem>>[vector<16xi32>], vector<16xf32>,
      %add3A_1836 = arith.constant 7 : i32
      %add3A_1837 = vector.broadcast %add3A_1836 : i32 to vector<16xi32>
      %add3A_1838 = arith.addi %shift_left3A_1779, %add3A_1837 : vector<16xi32>
      %shift_left3A_1839 = arith.constant 4 : i32
      %shift_left3A_1840 = vector.broadcast %shift_left3A_1839 : i32 to vector<16xi32>
      %shift_left3A_1841 = arith.shli %add3A_1838, %shift_left3A_1840 : vector<16xi32>
      %add3A_1842 = arith.addi %shift_left3A_1841, %iota3A : vector<16xi32>
      %gather3A_1843 = tpu.vector_load_idx %arg9[%add3A_1842] : memref<1024xf32, #tpu.memory_space<vmem>>[vector<16xi32>], vector<16xf32>,
      %gt3A_1844 = arith.cmpf ogt, %gather3A_1795, %gather3A_1787 : vector<16xf32>
      %select_n3A_1845 = arith.select %gt3A_1844, %gather3A_1795, %gather3A_1787 : vector<16xi1>, vector<16xf32>
      %select_n3A_1846 = arith.select %gt3A_1844, %add3A_1790, %add3A_1782 : vector<16xi1>, vector<16xi32>
      %gt3A_1847 = arith.cmpf ogt, %gather3A_1811, %gather3A_1803 : vector<16xf32>
      %select_n3A_1848 = arith.select %gt3A_1847, %gather3A_1811, %gather3A_1803 : vector<16xi1>, vector<16xf32>
      %select_n3A_1849 = arith.select %gt3A_1847, %add3A_1806, %add3A_1798 : vector<16xi1>, vector<16xi32>
      %gt3A_1850 = arith.cmpf ogt, %gather3A_1827, %gather3A_1819 : vector<16xf32>
      %select_n3A_1851 = arith.select %gt3A_1850, %gather3A_1827, %gather3A_1819 : vector<16xi1>, vector<16xf32>
      %select_n3A_1852 = arith.select %gt3A_1850, %add3A_1822, %add3A_1814 : vector<16xi1>, vector<16xi32>
      %gt3A_1853 = arith.cmpf ogt, %gather3A_1843, %gather3A_1835 : vector<16xf32>
      %select_n3A_1854 = arith.select %gt3A_1853, %gather3A_1843, %gather3A_1835 : vector<16xi1>, vector<16xf32>
      %select_n3A_1855 = arith.select %gt3A_1853, %add3A_1838, %add3A_1830 : vector<16xi1>, vector<16xi32>
      %gt3A_1856 = arith.cmpf ogt, %select_n3A_1848, %select_n3A_1845 : vector<16xf32>
      %select_n3A_1857 = arith.select %gt3A_1856, %select_n3A_1848, %select_n3A_1845 : vector<16xi1>, vector<16xf32>
      %select_n3A_1858 = arith.select %gt3A_1856, %select_n3A_1849, %select_n3A_1846 : vector<16xi1>, vector<16xi32>
      %gt3A_1859 = arith.cmpf ogt, %select_n3A_1854, %select_n3A_1851 : vector<16xf32>
      %select_n3A_1860 = arith.select %gt3A_1859, %select_n3A_1854, %select_n3A_1851 : vector<16xi1>, vector<16xf32>
      %select_n3A_1861 = arith.select %gt3A_1859, %select_n3A_1855, %select_n3A_1852 : vector<16xi1>, vector<16xi32>
      %gt3A_1862 = arith.cmpf ogt, %select_n3A_1860, %select_n3A_1857 : vector<16xf32>
      %select_n3A_1863 = arith.select %gt3A_1862, %select_n3A_1860, %select_n3A_1857 : vector<16xi1>, vector<16xf32>
      %select_n3A_1864 = arith.select %gt3A_1862, %select_n3A_1861, %select_n3A_1858 : vector<16xi1>, vector<16xi32>
      %eq3A_1865 = arith.constant 0 : i32
      %eq3A_1866 = vector.broadcast %eq3A_1865 : i32 to vector<16xi32>
      %eq3A_1867 = arith.cmpi eq, %shift_right_arithmetic3A_1776, %eq3A_1866 : vector<16xi32>
      %select_n3A_1868 = arith.select %eq3A_1867, %select_n3A_1863, %select_n3A_1712 : vector<16xi1>, vector<16xf32>
      %select_n3A_1869 = arith.select %eq3A_1867, %select_n3A_1864, %select_n3A_1713 : vector<16xi1>, vector<16xi32>
      %eq3A_1870 = arith.constant 1 : i32
      %eq3A_1871 = vector.broadcast %eq3A_1870 : i32 to vector<16xi32>
      %eq3A_1872 = arith.cmpi eq, %shift_right_arithmetic3A_1776, %eq3A_1871 : vector<16xi32>
      %select_n3A_1873 = arith.select %eq3A_1872, %select_n3A_1863, %select_n3A_1717 : vector<16xi1>, vector<16xf32>
      %select_n3A_1874 = arith.select %eq3A_1872, %select_n3A_1864, %select_n3A_1718 : vector<16xi1>, vector<16xi32>
      %eq3A_1875 = arith.constant 2 : i32
      %eq3A_1876 = vector.broadcast %eq3A_1875 : i32 to vector<16xi32>
      %eq3A_1877 = arith.cmpi eq, %shift_right_arithmetic3A_1776, %eq3A_1876 : vector<16xi32>
      %select_n3A_1878 = arith.select %eq3A_1877, %select_n3A_1863, %select_n3A_1722 : vector<16xi1>, vector<16xf32>
      %select_n3A_1879 = arith.select %eq3A_1877, %select_n3A_1864, %select_n3A_1723 : vector<16xi1>, vector<16xi32>
      %eq3A_1880 = arith.constant 3 : i32
      %eq3A_1881 = vector.broadcast %eq3A_1880 : i32 to vector<16xi32>
      %eq3A_1882 = arith.cmpi eq, %shift_right_arithmetic3A_1776, %eq3A_1881 : vector<16xi32>
      %select_n3A_1883 = arith.select %eq3A_1882, %select_n3A_1863, %select_n3A_1727 : vector<16xi1>, vector<16xf32>
      %select_n3A_1884 = arith.select %eq3A_1882, %select_n3A_1864, %select_n3A_1728 : vector<16xi1>, vector<16xi32>
      %eq3A_1885 = arith.constant 4 : i32
      %eq3A_1886 = vector.broadcast %eq3A_1885 : i32 to vector<16xi32>
      %eq3A_1887 = arith.cmpi eq, %shift_right_arithmetic3A_1776, %eq3A_1886 : vector<16xi32>
      %select_n3A_1888 = arith.select %eq3A_1887, %select_n3A_1863, %select_n3A_1732 : vector<16xi1>, vector<16xf32>
      %select_n3A_1889 = arith.select %eq3A_1887, %select_n3A_1864, %select_n3A_1733 : vector<16xi1>, vector<16xi32>
      %eq3A_1890 = arith.constant 5 : i32
      %eq3A_1891 = vector.broadcast %eq3A_1890 : i32 to vector<16xi32>
      %eq3A_1892 = arith.cmpi eq, %shift_right_arithmetic3A_1776, %eq3A_1891 : vector<16xi32>
      %select_n3A_1893 = arith.select %eq3A_1892, %select_n3A_1863, %select_n3A_1737 : vector<16xi1>, vector<16xf32>
      %select_n3A_1894 = arith.select %eq3A_1892, %select_n3A_1864, %select_n3A_1738 : vector<16xi1>, vector<16xi32>
      %eq3A_1895 = arith.constant 6 : i32
      %eq3A_1896 = vector.broadcast %eq3A_1895 : i32 to vector<16xi32>
      %eq3A_1897 = arith.cmpi eq, %shift_right_arithmetic3A_1776, %eq3A_1896 : vector<16xi32>
      %select_n3A_1898 = arith.select %eq3A_1897, %select_n3A_1863, %select_n3A_1742 : vector<16xi1>, vector<16xf32>
      %select_n3A_1899 = arith.select %eq3A_1897, %select_n3A_1864, %select_n3A_1743 : vector<16xi1>, vector<16xi32>
      %eq3A_1900 = arith.constant 7 : i32
      %eq3A_1901 = vector.broadcast %eq3A_1900 : i32 to vector<16xi32>
      %eq3A_1902 = arith.cmpi eq, %shift_right_arithmetic3A_1776, %eq3A_1901 : vector<16xi32>
      %select_n3A_1903 = arith.select %eq3A_1902, %select_n3A_1863, %select_n3A_1747 : vector<16xi1>, vector<16xf32>
      %select_n3A_1904 = arith.select %eq3A_1902, %select_n3A_1864, %select_n3A_1748 : vector<16xi1>, vector<16xi32>
      %gt3A_1905 = arith.cmpf ogt, %select_n3A_1873, %select_n3A_1868 : vector<16xf32>
      %select_n3A_1906 = arith.select %gt3A_1905, %select_n3A_1873, %select_n3A_1868 : vector<16xi1>, vector<16xf32>
      %select_n3A_1907 = arith.select %gt3A_1905, %select_n3A_1874, %select_n3A_1869 : vector<16xi1>, vector<16xi32>
      %gt3A_1908 = arith.cmpf ogt, %select_n3A_1883, %select_n3A_1878 : vector<16xf32>
      %select_n3A_1909 = arith.select %gt3A_1908, %select_n3A_1883, %select_n3A_1878 : vector<16xi1>, vector<16xf32>
      %select_n3A_1910 = arith.select %gt3A_1908, %select_n3A_1884, %select_n3A_1879 : vector<16xi1>, vector<16xi32>
      %gt3A_1911 = arith.cmpf ogt, %select_n3A_1893, %select_n3A_1888 : vector<16xf32>
      %select_n3A_1912 = arith.select %gt3A_1911, %select_n3A_1893, %select_n3A_1888 : vector<16xi1>, vector<16xf32>
      %select_n3A_1913 = arith.select %gt3A_1911, %select_n3A_1894, %select_n3A_1889 : vector<16xi1>, vector<16xi32>
      %gt3A_1914 = arith.cmpf ogt, %select_n3A_1903, %select_n3A_1898 : vector<16xf32>
      %select_n3A_1915 = arith.select %gt3A_1914, %select_n3A_1903, %select_n3A_1898 : vector<16xi1>, vector<16xf32>
      %select_n3A_1916 = arith.select %gt3A_1914, %select_n3A_1904, %select_n3A_1899 : vector<16xi1>, vector<16xi32>
      %gt3A_1917 = arith.cmpf ogt, %select_n3A_1909, %select_n3A_1906 : vector<16xf32>
      %select_n3A_1918 = arith.select %gt3A_1917, %select_n3A_1909, %select_n3A_1906 : vector<16xi1>, vector<16xf32>
      %select_n3A_1919 = arith.select %gt3A_1917, %select_n3A_1910, %select_n3A_1907 : vector<16xi1>, vector<16xi32>
      %gt3A_1920 = arith.cmpf ogt, %select_n3A_1915, %select_n3A_1912 : vector<16xf32>
      %select_n3A_1921 = arith.select %gt3A_1920, %select_n3A_1915, %select_n3A_1912 : vector<16xi1>, vector<16xf32>
      %select_n3A_1922 = arith.select %gt3A_1920, %select_n3A_1916, %select_n3A_1913 : vector<16xi1>, vector<16xi32>
      %gt3A_1923 = arith.cmpf ogt, %select_n3A_1921, %select_n3A_1918 : vector<16xf32>
      %select_n3A_1924 = arith.select %gt3A_1923, %select_n3A_1921, %select_n3A_1918 : vector<16xi1>, vector<16xf32>
      %select_n3A_1925 = arith.select %gt3A_1923, %select_n3A_1922, %select_n3A_1919 : vector<16xi1>, vector<16xi32>
      %broadcast_in_dim3A_1926 = arith.constant 0.000000e+00 : f32
      %broadcast_in_dim3A_1927 = vector.broadcast %broadcast_in_dim3A_1926 : f32 to vector<16xf32>
      %broadcast_in_dim3A_1928 = arith.constant 0.000000e+00 : f32
      %broadcast_in_dim3A_1929 = vector.broadcast %broadcast_in_dim3A_1928 : f32 to vector<16xf32>
      %broadcast_in_dim3A_1930 = arith.constant 0.000000e+00 : f32
      %broadcast_in_dim3A_1931 = vector.broadcast %broadcast_in_dim3A_1930 : f32 to vector<16xf32>
      %broadcast_in_dim3A_1932 = arith.constant 0.000000e+00 : f32
      %broadcast_in_dim3A_1933 = vector.broadcast %broadcast_in_dim3A_1932 : f32 to vector<16xf32>
      %get3A_1934 = arith.constant 0 : index
      %get3A_1935 = tpu.vector_load %arg9[%get3A_1934] {strides = array<i32>} : memref<1024xf32, #tpu.memory_space<vmem>>, vector<16xf32>,
      %sub3A = arith.subf %get3A_1935, %select_n3A_835 : vector<16xf32>
      %exp3A = math.exp %sub3A : vector<16xf32>
      %add3A_1936 = arith.addf %broadcast_in_dim3A_1927, %exp3A : vector<16xf32>
      %get3A_1937 = arith.constant 16 : index
      %get3A_1938 = tpu.vector_load %arg9[%get3A_1937] {strides = array<i32>} : memref<1024xf32, #tpu.memory_space<vmem>>, vector<16xf32>,
      %sub3A_1939 = arith.subf %get3A_1938, %select_n3A_835 : vector<16xf32>
      %exp3A_1940 = math.exp %sub3A_1939 : vector<16xf32>
      %add3A_1941 = arith.addf %broadcast_in_dim3A_1929, %exp3A_1940 : vector<16xf32>
      %get3A_1942 = arith.constant 32 : index
      %get3A_1943 = tpu.vector_load %arg9[%get3A_1942] {strides = array<i32>} : memref<1024xf32, #tpu.memory_space<vmem>>, vector<16xf32>,
      %sub3A_1944 = arith.subf %get3A_1943, %select_n3A_835 : vector<16xf32>
      %exp3A_1945 = math.exp %sub3A_1944 : vector<16xf32>
      %add3A_1946 = arith.addf %broadcast_in_dim3A_1931, %exp3A_1945 : vector<16xf32>
      %get3A_1947 = arith.constant 48 : index
      %get3A_1948 = tpu.vector_load %arg9[%get3A_1947] {strides = array<i32>} : memref<1024xf32, #tpu.memory_space<vmem>>, vector<16xf32>,
      %sub3A_1949 = arith.subf %get3A_1948, %select_n3A_835 : vector<16xf32>
      %exp3A_1950 = math.exp %sub3A_1949 : vector<16xf32>
      %add3A_1951 = arith.addf %broadcast_in_dim3A_1933, %exp3A_1950 : vector<16xf32>
      %get3A_1952 = arith.constant 64 : index
      %get3A_1953 = tpu.vector_load %arg9[%get3A_1952] {strides = array<i32>} : memref<1024xf32, #tpu.memory_space<vmem>>, vector<16xf32>,
      %sub3A_1954 = arith.subf %get3A_1953, %select_n3A_835 : vector<16xf32>
      %exp3A_1955 = math.exp %sub3A_1954 : vector<16xf32>
      %add3A_1956 = arith.addf %add3A_1936, %exp3A_1955 : vector<16xf32>
      %get3A_1957 = arith.constant 80 : index
      %get3A_1958 = tpu.vector_load %arg9[%get3A_1957] {strides = array<i32>} : memref<1024xf32, #tpu.memory_space<vmem>>, vector<16xf32>,
      %sub3A_1959 = arith.subf %get3A_1958, %select_n3A_835 : vector<16xf32>
      %exp3A_1960 = math.exp %sub3A_1959 : vector<16xf32>
      %add3A_1961 = arith.addf %add3A_1941, %exp3A_1960 : vector<16xf32>
      %get3A_1962 = arith.constant 96 : index
      %get3A_1963 = tpu.vector_load %arg9[%get3A_1962] {strides = array<i32>} : memref<1024xf32, #tpu.memory_space<vmem>>, vector<16xf32>,
      %sub3A_1964 = arith.subf %get3A_1963, %select_n3A_835 : vector<16xf32>
      %exp3A_1965 = math.exp %sub3A_1964 : vector<16xf32>
      %add3A_1966 = arith.addf %add3A_1946, %exp3A_1965 : vector<16xf32>
      %get3A_1967 = arith.constant 112 : index
      %get3A_1968 = tpu.vector_load %arg9[%get3A_1967] {strides = array<i32>} : memref<1024xf32, #tpu.memory_space<vmem>>, vector<16xf32>,
      %sub3A_1969 = arith.subf %get3A_1968, %select_n3A_835 : vector<16xf32>
      %exp3A_1970 = math.exp %sub3A_1969 : vector<16xf32>
      %add3A_1971 = arith.addf %add3A_1951, %exp3A_1970 : vector<16xf32>
      %get3A_1972 = arith.constant 128 : index
      %get3A_1973 = tpu.vector_load %arg9[%get3A_1972] {strides = array<i32>} : memref<1024xf32, #tpu.memory_space<vmem>>, vector<16xf32>,
      %sub3A_1974 = arith.subf %get3A_1973, %select_n3A_835 : vector<16xf32>
      %exp3A_1975 = math.exp %sub3A_1974 : vector<16xf32>
      %add3A_1976 = arith.addf %add3A_1956, %exp3A_1975 : vector<16xf32>
      %get3A_1977 = arith.constant 144 : index
      %get3A_1978 = tpu.vector_load %arg9[%get3A_1977] {strides = array<i32>} : memref<1024xf32, #tpu.memory_space<vmem>>, vector<16xf32>,
      %sub3A_1979 = arith.subf %get3A_1978, %select_n3A_835 : vector<16xf32>
      %exp3A_1980 = math.exp %sub3A_1979 : vector<16xf32>
      %add3A_1981 = arith.addf %add3A_1961, %exp3A_1980 : vector<16xf32>
      %get3A_1982 = arith.constant 160 : index
      %get3A_1983 = tpu.vector_load %arg9[%get3A_1982] {strides = array<i32>} : memref<1024xf32, #tpu.memory_space<vmem>>, vector<16xf32>,
      %sub3A_1984 = arith.subf %get3A_1983, %select_n3A_835 : vector<16xf32>
      %exp3A_1985 = math.exp %sub3A_1984 : vector<16xf32>
      %add3A_1986 = arith.addf %add3A_1966, %exp3A_1985 : vector<16xf32>
      %get3A_1987 = arith.constant 176 : index
      %get3A_1988 = tpu.vector_load %arg9[%get3A_1987] {strides = array<i32>} : memref<1024xf32, #tpu.memory_space<vmem>>, vector<16xf32>,
      %sub3A_1989 = arith.subf %get3A_1988, %select_n3A_835 : vector<16xf32>
      %exp3A_1990 = math.exp %sub3A_1989 : vector<16xf32>
      %add3A_1991 = arith.addf %add3A_1971, %exp3A_1990 : vector<16xf32>
      %get3A_1992 = arith.constant 192 : index
      %get3A_1993 = tpu.vector_load %arg9[%get3A_1992] {strides = array<i32>} : memref<1024xf32, #tpu.memory_space<vmem>>, vector<16xf32>,
      %sub3A_1994 = arith.subf %get3A_1993, %select_n3A_835 : vector<16xf32>
      %exp3A_1995 = math.exp %sub3A_1994 : vector<16xf32>
      %add3A_1996 = arith.addf %add3A_1976, %exp3A_1995 : vector<16xf32>
      %get3A_1997 = arith.constant 208 : index
      %get3A_1998 = tpu.vector_load %arg9[%get3A_1997] {strides = array<i32>} : memref<1024xf32, #tpu.memory_space<vmem>>, vector<16xf32>,
      %sub3A_1999 = arith.subf %get3A_1998, %select_n3A_835 : vector<16xf32>
      %exp3A_2000 = math.exp %sub3A_1999 : vector<16xf32>
      %add3A_2001 = arith.addf %add3A_1981, %exp3A_2000 : vector<16xf32>
      %get3A_2002 = arith.constant 224 : index
      %get3A_2003 = tpu.vector_load %arg9[%get3A_2002] {strides = array<i32>} : memref<1024xf32, #tpu.memory_space<vmem>>, vector<16xf32>,
      %sub3A_2004 = arith.subf %get3A_2003, %select_n3A_835 : vector<16xf32>
      %exp3A_2005 = math.exp %sub3A_2004 : vector<16xf32>
      %add3A_2006 = arith.addf %add3A_1986, %exp3A_2005 : vector<16xf32>
      %get3A_2007 = arith.constant 240 : index
      %get3A_2008 = tpu.vector_load %arg9[%get3A_2007] {strides = array<i32>} : memref<1024xf32, #tpu.memory_space<vmem>>, vector<16xf32>,
      %sub3A_2009 = arith.subf %get3A_2008, %select_n3A_835 : vector<16xf32>
      %exp3A_2010 = math.exp %sub3A_2009 : vector<16xf32>
      %add3A_2011 = arith.addf %add3A_1991, %exp3A_2010 : vector<16xf32>
      %get3A_2012 = arith.constant 256 : index
      %get3A_2013 = tpu.vector_load %arg9[%get3A_2012] {strides = array<i32>} : memref<1024xf32, #tpu.memory_space<vmem>>, vector<16xf32>,
      %sub3A_2014 = arith.subf %get3A_2013, %select_n3A_835 : vector<16xf32>
      %exp3A_2015 = math.exp %sub3A_2014 : vector<16xf32>
      %add3A_2016 = arith.addf %add3A_1996, %exp3A_2015 : vector<16xf32>
      %get3A_2017 = arith.constant 272 : index
      %get3A_2018 = tpu.vector_load %arg9[%get3A_2017] {strides = array<i32>} : memref<1024xf32, #tpu.memory_space<vmem>>, vector<16xf32>,
      %sub3A_2019 = arith.subf %get3A_2018, %select_n3A_835 : vector<16xf32>
      %exp3A_2020 = math.exp %sub3A_2019 : vector<16xf32>
      %add3A_2021 = arith.addf %add3A_2001, %exp3A_2020 : vector<16xf32>
      %get3A_2022 = arith.constant 288 : index
      %get3A_2023 = tpu.vector_load %arg9[%get3A_2022] {strides = array<i32>} : memref<1024xf32, #tpu.memory_space<vmem>>, vector<16xf32>,
      %sub3A_2024 = arith.subf %get3A_2023, %select_n3A_835 : vector<16xf32>
      %exp3A_2025 = math.exp %sub3A_2024 : vector<16xf32>
      %add3A_2026 = arith.addf %add3A_2006, %exp3A_2025 : vector<16xf32>
      %get3A_2027 = arith.constant 304 : index
      %get3A_2028 = tpu.vector_load %arg9[%get3A_2027] {strides = array<i32>} : memref<1024xf32, #tpu.memory_space<vmem>>, vector<16xf32>,
      %sub3A_2029 = arith.subf %get3A_2028, %select_n3A_835 : vector<16xf32>
      %exp3A_2030 = math.exp %sub3A_2029 : vector<16xf32>
      %add3A_2031 = arith.addf %add3A_2011, %exp3A_2030 : vector<16xf32>
      %get3A_2032 = arith.constant 320 : index
      %get3A_2033 = tpu.vector_load %arg9[%get3A_2032] {strides = array<i32>} : memref<1024xf32, #tpu.memory_space<vmem>>, vector<16xf32>,
      %sub3A_2034 = arith.subf %get3A_2033, %select_n3A_835 : vector<16xf32>
      %exp3A_2035 = math.exp %sub3A_2034 : vector<16xf32>
      %add3A_2036 = arith.addf %add3A_2016, %exp3A_2035 : vector<16xf32>
      %get3A_2037 = arith.constant 336 : index
      %get3A_2038 = tpu.vector_load %arg9[%get3A_2037] {strides = array<i32>} : memref<1024xf32, #tpu.memory_space<vmem>>, vector<16xf32>,
      %sub3A_2039 = arith.subf %get3A_2038, %select_n3A_835 : vector<16xf32>
      %exp3A_2040 = math.exp %sub3A_2039 : vector<16xf32>
      %add3A_2041 = arith.addf %add3A_2021, %exp3A_2040 : vector<16xf32>
      %get3A_2042 = arith.constant 352 : index
      %get3A_2043 = tpu.vector_load %arg9[%get3A_2042] {strides = array<i32>} : memref<1024xf32, #tpu.memory_space<vmem>>, vector<16xf32>,
      %sub3A_2044 = arith.subf %get3A_2043, %select_n3A_835 : vector<16xf32>
      %exp3A_2045 = math.exp %sub3A_2044 : vector<16xf32>
      %add3A_2046 = arith.addf %add3A_2026, %exp3A_2045 : vector<16xf32>
      %get3A_2047 = arith.constant 368 : index
      %get3A_2048 = tpu.vector_load %arg9[%get3A_2047] {strides = array<i32>} : memref<1024xf32, #tpu.memory_space<vmem>>, vector<16xf32>,
      %sub3A_2049 = arith.subf %get3A_2048, %select_n3A_835 : vector<16xf32>
      %exp3A_2050 = math.exp %sub3A_2049 : vector<16xf32>
      %add3A_2051 = arith.addf %add3A_2031, %exp3A_2050 : vector<16xf32>
      %get3A_2052 = arith.constant 384 : index
      %get3A_2053 = tpu.vector_load %arg9[%get3A_2052] {strides = array<i32>} : memref<1024xf32, #tpu.memory_space<vmem>>, vector<16xf32>,
      %sub3A_2054 = arith.subf %get3A_2053, %select_n3A_835 : vector<16xf32>
      %exp3A_2055 = math.exp %sub3A_2054 : vector<16xf32>
      %add3A_2056 = arith.addf %add3A_2036, %exp3A_2055 : vector<16xf32>
      %get3A_2057 = arith.constant 400 : index
      %get3A_2058 = tpu.vector_load %arg9[%get3A_2057] {strides = array<i32>} : memref<1024xf32, #tpu.memory_space<vmem>>, vector<16xf32>,
      %sub3A_2059 = arith.subf %get3A_2058, %select_n3A_835 : vector<16xf32>
      %exp3A_2060 = math.exp %sub3A_2059 : vector<16xf32>
      %add3A_2061 = arith.addf %add3A_2041, %exp3A_2060 : vector<16xf32>
      %get3A_2062 = arith.constant 416 : index
      %get3A_2063 = tpu.vector_load %arg9[%get3A_2062] {strides = array<i32>} : memref<1024xf32, #tpu.memory_space<vmem>>, vector<16xf32>,
      %sub3A_2064 = arith.subf %get3A_2063, %select_n3A_835 : vector<16xf32>
      %exp3A_2065 = math.exp %sub3A_2064 : vector<16xf32>
      %add3A_2066 = arith.addf %add3A_2046, %exp3A_2065 : vector<16xf32>
      %get3A_2067 = arith.constant 432 : index
      %get3A_2068 = tpu.vector_load %arg9[%get3A_2067] {strides = array<i32>} : memref<1024xf32, #tpu.memory_space<vmem>>, vector<16xf32>,
      %sub3A_2069 = arith.subf %get3A_2068, %select_n3A_835 : vector<16xf32>
      %exp3A_2070 = math.exp %sub3A_2069 : vector<16xf32>
      %add3A_2071 = arith.addf %add3A_2051, %exp3A_2070 : vector<16xf32>
      %get3A_2072 = arith.constant 448 : index
      %get3A_2073 = tpu.vector_load %arg9[%get3A_2072] {strides = array<i32>} : memref<1024xf32, #tpu.memory_space<vmem>>, vector<16xf32>,
      %sub3A_2074 = arith.subf %get3A_2073, %select_n3A_835 : vector<16xf32>
      %exp3A_2075 = math.exp %sub3A_2074 : vector<16xf32>
      %add3A_2076 = arith.addf %add3A_2056, %exp3A_2075 : vector<16xf32>
      %get3A_2077 = arith.constant 464 : index
      %get3A_2078 = tpu.vector_load %arg9[%get3A_2077] {strides = array<i32>} : memref<1024xf32, #tpu.memory_space<vmem>>, vector<16xf32>,
      %sub3A_2079 = arith.subf %get3A_2078, %select_n3A_835 : vector<16xf32>
      %exp3A_2080 = math.exp %sub3A_2079 : vector<16xf32>
      %add3A_2081 = arith.addf %add3A_2061, %exp3A_2080 : vector<16xf32>
      %get3A_2082 = arith.constant 480 : index
      %get3A_2083 = tpu.vector_load %arg9[%get3A_2082] {strides = array<i32>} : memref<1024xf32, #tpu.memory_space<vmem>>, vector<16xf32>,
      %sub3A_2084 = arith.subf %get3A_2083, %select_n3A_835 : vector<16xf32>
      %exp3A_2085 = math.exp %sub3A_2084 : vector<16xf32>
      %add3A_2086 = arith.addf %add3A_2066, %exp3A_2085 : vector<16xf32>
      %get3A_2087 = arith.constant 496 : index
      %get3A_2088 = tpu.vector_load %arg9[%get3A_2087] {strides = array<i32>} : memref<1024xf32, #tpu.memory_space<vmem>>, vector<16xf32>,
      %sub3A_2089 = arith.subf %get3A_2088, %select_n3A_835 : vector<16xf32>
      %exp3A_2090 = math.exp %sub3A_2089 : vector<16xf32>
      %add3A_2091 = arith.addf %add3A_2071, %exp3A_2090 : vector<16xf32>
      %get3A_2092 = arith.constant 512 : index
      %get3A_2093 = tpu.vector_load %arg9[%get3A_2092] {strides = array<i32>} : memref<1024xf32, #tpu.memory_space<vmem>>, vector<16xf32>,
      %sub3A_2094 = arith.subf %get3A_2093, %select_n3A_835 : vector<16xf32>
      %exp3A_2095 = math.exp %sub3A_2094 : vector<16xf32>
      %add3A_2096 = arith.addf %add3A_2076, %exp3A_2095 : vector<16xf32>
      %get3A_2097 = arith.constant 528 : index
      %get3A_2098 = tpu.vector_load %arg9[%get3A_2097] {strides = array<i32>} : memref<1024xf32, #tpu.memory_space<vmem>>, vector<16xf32>,
      %sub3A_2099 = arith.subf %get3A_2098, %select_n3A_835 : vector<16xf32>
      %exp3A_2100 = math.exp %sub3A_2099 : vector<16xf32>
      %add3A_2101 = arith.addf %add3A_2081, %exp3A_2100 : vector<16xf32>
      %get3A_2102 = arith.constant 544 : index
      %get3A_2103 = tpu.vector_load %arg9[%get3A_2102] {strides = array<i32>} : memref<1024xf32, #tpu.memory_space<vmem>>, vector<16xf32>,
      %sub3A_2104 = arith.subf %get3A_2103, %select_n3A_835 : vector<16xf32>
      %exp3A_2105 = math.exp %sub3A_2104 : vector<16xf32>
      %add3A_2106 = arith.addf %add3A_2086, %exp3A_2105 : vector<16xf32>
      %get3A_2107 = arith.constant 560 : index
      %get3A_2108 = tpu.vector_load %arg9[%get3A_2107] {strides = array<i32>} : memref<1024xf32, #tpu.memory_space<vmem>>, vector<16xf32>,
      %sub3A_2109 = arith.subf %get3A_2108, %select_n3A_835 : vector<16xf32>
      %exp3A_2110 = math.exp %sub3A_2109 : vector<16xf32>
      %add3A_2111 = arith.addf %add3A_2091, %exp3A_2110 : vector<16xf32>
      %get3A_2112 = arith.constant 576 : index
      %get3A_2113 = tpu.vector_load %arg9[%get3A_2112] {strides = array<i32>} : memref<1024xf32, #tpu.memory_space<vmem>>, vector<16xf32>,
      %sub3A_2114 = arith.subf %get3A_2113, %select_n3A_835 : vector<16xf32>
      %exp3A_2115 = math.exp %sub3A_2114 : vector<16xf32>
      %add3A_2116 = arith.addf %add3A_2096, %exp3A_2115 : vector<16xf32>
      %get3A_2117 = arith.constant 592 : index
      %get3A_2118 = tpu.vector_load %arg9[%get3A_2117] {strides = array<i32>} : memref<1024xf32, #tpu.memory_space<vmem>>, vector<16xf32>,
      %sub3A_2119 = arith.subf %get3A_2118, %select_n3A_835 : vector<16xf32>
      %exp3A_2120 = math.exp %sub3A_2119 : vector<16xf32>
      %add3A_2121 = arith.addf %add3A_2101, %exp3A_2120 : vector<16xf32>
      %get3A_2122 = arith.constant 608 : index
      %get3A_2123 = tpu.vector_load %arg9[%get3A_2122] {strides = array<i32>} : memref<1024xf32, #tpu.memory_space<vmem>>, vector<16xf32>,
      %sub3A_2124 = arith.subf %get3A_2123, %select_n3A_835 : vector<16xf32>
      %exp3A_2125 = math.exp %sub3A_2124 : vector<16xf32>
      %add3A_2126 = arith.addf %add3A_2106, %exp3A_2125 : vector<16xf32>
      %get3A_2127 = arith.constant 624 : index
      %get3A_2128 = tpu.vector_load %arg9[%get3A_2127] {strides = array<i32>} : memref<1024xf32, #tpu.memory_space<vmem>>, vector<16xf32>,
      %sub3A_2129 = arith.subf %get3A_2128, %select_n3A_835 : vector<16xf32>
      %exp3A_2130 = math.exp %sub3A_2129 : vector<16xf32>
      %add3A_2131 = arith.addf %add3A_2111, %exp3A_2130 : vector<16xf32>
      %get3A_2132 = arith.constant 640 : index
      %get3A_2133 = tpu.vector_load %arg9[%get3A_2132] {strides = array<i32>} : memref<1024xf32, #tpu.memory_space<vmem>>, vector<16xf32>,
      %sub3A_2134 = arith.subf %get3A_2133, %select_n3A_835 : vector<16xf32>
      %exp3A_2135 = math.exp %sub3A_2134 : vector<16xf32>
      %add3A_2136 = arith.addf %add3A_2116, %exp3A_2135 : vector<16xf32>
      %get3A_2137 = arith.constant 656 : index
      %get3A_2138 = tpu.vector_load %arg9[%get3A_2137] {strides = array<i32>} : memref<1024xf32, #tpu.memory_space<vmem>>, vector<16xf32>,
      %sub3A_2139 = arith.subf %get3A_2138, %select_n3A_835 : vector<16xf32>
      %exp3A_2140 = math.exp %sub3A_2139 : vector<16xf32>
      %add3A_2141 = arith.addf %add3A_2121, %exp3A_2140 : vector<16xf32>
      %get3A_2142 = arith.constant 672 : index
      %get3A_2143 = tpu.vector_load %arg9[%get3A_2142] {strides = array<i32>} : memref<1024xf32, #tpu.memory_space<vmem>>, vector<16xf32>,
      %sub3A_2144 = arith.subf %get3A_2143, %select_n3A_835 : vector<16xf32>
      %exp3A_2145 = math.exp %sub3A_2144 : vector<16xf32>
      %add3A_2146 = arith.addf %add3A_2126, %exp3A_2145 : vector<16xf32>
      %get3A_2147 = arith.constant 688 : index
      %get3A_2148 = tpu.vector_load %arg9[%get3A_2147] {strides = array<i32>} : memref<1024xf32, #tpu.memory_space<vmem>>, vector<16xf32>,
      %sub3A_2149 = arith.subf %get3A_2148, %select_n3A_835 : vector<16xf32>
      %exp3A_2150 = math.exp %sub3A_2149 : vector<16xf32>
      %add3A_2151 = arith.addf %add3A_2131, %exp3A_2150 : vector<16xf32>
      %get3A_2152 = arith.constant 704 : index
      %get3A_2153 = tpu.vector_load %arg9[%get3A_2152] {strides = array<i32>} : memref<1024xf32, #tpu.memory_space<vmem>>, vector<16xf32>,
      %sub3A_2154 = arith.subf %get3A_2153, %select_n3A_835 : vector<16xf32>
      %exp3A_2155 = math.exp %sub3A_2154 : vector<16xf32>
      %add3A_2156 = arith.addf %add3A_2136, %exp3A_2155 : vector<16xf32>
      %get3A_2157 = arith.constant 720 : index
      %get3A_2158 = tpu.vector_load %arg9[%get3A_2157] {strides = array<i32>} : memref<1024xf32, #tpu.memory_space<vmem>>, vector<16xf32>,
      %sub3A_2159 = arith.subf %get3A_2158, %select_n3A_835 : vector<16xf32>
      %exp3A_2160 = math.exp %sub3A_2159 : vector<16xf32>
      %add3A_2161 = arith.addf %add3A_2141, %exp3A_2160 : vector<16xf32>
      %get3A_2162 = arith.constant 736 : index
      %get3A_2163 = tpu.vector_load %arg9[%get3A_2162] {strides = array<i32>} : memref<1024xf32, #tpu.memory_space<vmem>>, vector<16xf32>,
      %sub3A_2164 = arith.subf %get3A_2163, %select_n3A_835 : vector<16xf32>
      %exp3A_2165 = math.exp %sub3A_2164 : vector<16xf32>
      %add3A_2166 = arith.addf %add3A_2146, %exp3A_2165 : vector<16xf32>
      %get3A_2167 = arith.constant 752 : index
      %get3A_2168 = tpu.vector_load %arg9[%get3A_2167] {strides = array<i32>} : memref<1024xf32, #tpu.memory_space<vmem>>, vector<16xf32>,
      %sub3A_2169 = arith.subf %get3A_2168, %select_n3A_835 : vector<16xf32>
      %exp3A_2170 = math.exp %sub3A_2169 : vector<16xf32>
      %add3A_2171 = arith.addf %add3A_2151, %exp3A_2170 : vector<16xf32>
      %get3A_2172 = arith.constant 768 : index
      %get3A_2173 = tpu.vector_load %arg9[%get3A_2172] {strides = array<i32>} : memref<1024xf32, #tpu.memory_space<vmem>>, vector<16xf32>,
      %sub3A_2174 = arith.subf %get3A_2173, %select_n3A_835 : vector<16xf32>
      %exp3A_2175 = math.exp %sub3A_2174 : vector<16xf32>
      %add3A_2176 = arith.addf %add3A_2156, %exp3A_2175 : vector<16xf32>
      %get3A_2177 = arith.constant 784 : index
      %get3A_2178 = tpu.vector_load %arg9[%get3A_2177] {strides = array<i32>} : memref<1024xf32, #tpu.memory_space<vmem>>, vector<16xf32>,
      %sub3A_2179 = arith.subf %get3A_2178, %select_n3A_835 : vector<16xf32>
      %exp3A_2180 = math.exp %sub3A_2179 : vector<16xf32>
      %add3A_2181 = arith.addf %add3A_2161, %exp3A_2180 : vector<16xf32>
      %get3A_2182 = arith.constant 800 : index
      %get3A_2183 = tpu.vector_load %arg9[%get3A_2182] {strides = array<i32>} : memref<1024xf32, #tpu.memory_space<vmem>>, vector<16xf32>,
      %sub3A_2184 = arith.subf %get3A_2183, %select_n3A_835 : vector<16xf32>
      %exp3A_2185 = math.exp %sub3A_2184 : vector<16xf32>
      %add3A_2186 = arith.addf %add3A_2166, %exp3A_2185 : vector<16xf32>
      %get3A_2187 = arith.constant 816 : index
      %get3A_2188 = tpu.vector_load %arg9[%get3A_2187] {strides = array<i32>} : memref<1024xf32, #tpu.memory_space<vmem>>, vector<16xf32>,
      %sub3A_2189 = arith.subf %get3A_2188, %select_n3A_835 : vector<16xf32>
      %exp3A_2190 = math.exp %sub3A_2189 : vector<16xf32>
      %add3A_2191 = arith.addf %add3A_2171, %exp3A_2190 : vector<16xf32>
      %get3A_2192 = arith.constant 832 : index
      %get3A_2193 = tpu.vector_load %arg9[%get3A_2192] {strides = array<i32>} : memref<1024xf32, #tpu.memory_space<vmem>>, vector<16xf32>,
      %sub3A_2194 = arith.subf %get3A_2193, %select_n3A_835 : vector<16xf32>
      %exp3A_2195 = math.exp %sub3A_2194 : vector<16xf32>
      %add3A_2196 = arith.addf %add3A_2176, %exp3A_2195 : vector<16xf32>
      %get3A_2197 = arith.constant 848 : index
      %get3A_2198 = tpu.vector_load %arg9[%get3A_2197] {strides = array<i32>} : memref<1024xf32, #tpu.memory_space<vmem>>, vector<16xf32>,
      %sub3A_2199 = arith.subf %get3A_2198, %select_n3A_835 : vector<16xf32>
      %exp3A_2200 = math.exp %sub3A_2199 : vector<16xf32>
      %add3A_2201 = arith.addf %add3A_2181, %exp3A_2200 : vector<16xf32>
      %get3A_2202 = arith.constant 864 : index
      %get3A_2203 = tpu.vector_load %arg9[%get3A_2202] {strides = array<i32>} : memref<1024xf32, #tpu.memory_space<vmem>>, vector<16xf32>,
      %sub3A_2204 = arith.subf %get3A_2203, %select_n3A_835 : vector<16xf32>
      %exp3A_2205 = math.exp %sub3A_2204 : vector<16xf32>
      %add3A_2206 = arith.addf %add3A_2186, %exp3A_2205 : vector<16xf32>
      %get3A_2207 = arith.constant 880 : index
      %get3A_2208 = tpu.vector_load %arg9[%get3A_2207] {strides = array<i32>} : memref<1024xf32, #tpu.memory_space<vmem>>, vector<16xf32>,
      %sub3A_2209 = arith.subf %get3A_2208, %select_n3A_835 : vector<16xf32>
      %exp3A_2210 = math.exp %sub3A_2209 : vector<16xf32>
      %add3A_2211 = arith.addf %add3A_2191, %exp3A_2210 : vector<16xf32>
      %get3A_2212 = arith.constant 896 : index
      %get3A_2213 = tpu.vector_load %arg9[%get3A_2212] {strides = array<i32>} : memref<1024xf32, #tpu.memory_space<vmem>>, vector<16xf32>,
      %sub3A_2214 = arith.subf %get3A_2213, %select_n3A_835 : vector<16xf32>
      %exp3A_2215 = math.exp %sub3A_2214 : vector<16xf32>
      %add3A_2216 = arith.addf %add3A_2196, %exp3A_2215 : vector<16xf32>
      %get3A_2217 = arith.constant 912 : index
      %get3A_2218 = tpu.vector_load %arg9[%get3A_2217] {strides = array<i32>} : memref<1024xf32, #tpu.memory_space<vmem>>, vector<16xf32>,
      %sub3A_2219 = arith.subf %get3A_2218, %select_n3A_835 : vector<16xf32>
      %exp3A_2220 = math.exp %sub3A_2219 : vector<16xf32>
      %add3A_2221 = arith.addf %add3A_2201, %exp3A_2220 : vector<16xf32>
      %get3A_2222 = arith.constant 928 : index
      %get3A_2223 = tpu.vector_load %arg9[%get3A_2222] {strides = array<i32>} : memref<1024xf32, #tpu.memory_space<vmem>>, vector<16xf32>,
      %sub3A_2224 = arith.subf %get3A_2223, %select_n3A_835 : vector<16xf32>
      %exp3A_2225 = math.exp %sub3A_2224 : vector<16xf32>
      %add3A_2226 = arith.addf %add3A_2206, %exp3A_2225 : vector<16xf32>
      %get3A_2227 = arith.constant 944 : index
      %get3A_2228 = tpu.vector_load %arg9[%get3A_2227] {strides = array<i32>} : memref<1024xf32, #tpu.memory_space<vmem>>, vector<16xf32>,
      %sub3A_2229 = arith.subf %get3A_2228, %select_n3A_835 : vector<16xf32>
      %exp3A_2230 = math.exp %sub3A_2229 : vector<16xf32>
      %add3A_2231 = arith.addf %add3A_2211, %exp3A_2230 : vector<16xf32>
      %get3A_2232 = arith.constant 960 : index
      %get3A_2233 = tpu.vector_load %arg9[%get3A_2232] {strides = array<i32>} : memref<1024xf32, #tpu.memory_space<vmem>>, vector<16xf32>,
      %sub3A_2234 = arith.subf %get3A_2233, %select_n3A_835 : vector<16xf32>
      %exp3A_2235 = math.exp %sub3A_2234 : vector<16xf32>
      %add3A_2236 = arith.addf %add3A_2216, %exp3A_2235 : vector<16xf32>
      %get3A_2237 = arith.constant 976 : index
      %get3A_2238 = tpu.vector_load %arg9[%get3A_2237] {strides = array<i32>} : memref<1024xf32, #tpu.memory_space<vmem>>, vector<16xf32>,
      %sub3A_2239 = arith.subf %get3A_2238, %select_n3A_835 : vector<16xf32>
      %exp3A_2240 = math.exp %sub3A_2239 : vector<16xf32>
      %add3A_2241 = arith.addf %add3A_2221, %exp3A_2240 : vector<16xf32>
      %get3A_2242 = arith.constant 992 : index
      %get3A_2243 = tpu.vector_load %arg9[%get3A_2242] {strides = array<i32>} : memref<1024xf32, #tpu.memory_space<vmem>>, vector<16xf32>,
      %sub3A_2244 = arith.subf %get3A_2243, %select_n3A_835 : vector<16xf32>
      %exp3A_2245 = math.exp %sub3A_2244 : vector<16xf32>
      %add3A_2246 = arith.addf %add3A_2226, %exp3A_2245 : vector<16xf32>
      %get3A_2247 = arith.constant 1008 : index
      %get3A_2248 = tpu.vector_load %arg9[%get3A_2247] {strides = array<i32>} : memref<1024xf32, #tpu.memory_space<vmem>>, vector<16xf32>,
      %sub3A_2249 = arith.subf %get3A_2248, %select_n3A_835 : vector<16xf32>
      %exp3A_2250 = math.exp %sub3A_2249 : vector<16xf32>
      %add3A_2251 = arith.addf %add3A_2231, %exp3A_2250 : vector<16xf32>
      %add3A_2252 = arith.addf %add3A_2236, %add3A_2241 : vector<16xf32>
      %add3A_2253 = arith.addf %add3A_2246, %add3A_2251 : vector<16xf32>
      %add3A_2254 = arith.addf %add3A_2252, %add3A_2253 : vector<16xf32>
      %sub3A_2255 = arith.subf %select_n3A_835, %select_n3A_835 : vector<16xf32>
      %exp3A_2256 = math.exp %sub3A_2255 : vector<16xf32>
      %sub3A_2257 = arith.subf %select_n3A_988, %select_n3A_835 : vector<16xf32>
      %exp3A_2258 = math.exp %sub3A_2257 : vector<16xf32>
      %sub3A_2259 = arith.subf %select_n3A_1144, %select_n3A_835 : vector<16xf32>
      %exp3A_2260 = math.exp %sub3A_2259 : vector<16xf32>
      %sub3A_2261 = arith.subf %select_n3A_1300, %select_n3A_835 : vector<16xf32>
      %exp3A_2262 = math.exp %sub3A_2261 : vector<16xf32>
      %sub3A_2263 = arith.subf %select_n3A_1456, %select_n3A_835 : vector<16xf32>
      %exp3A_2264 = math.exp %sub3A_2263 : vector<16xf32>
      %sub3A_2265 = arith.subf %select_n3A_1612, %select_n3A_835 : vector<16xf32>
      %exp3A_2266 = math.exp %sub3A_2265 : vector<16xf32>
      %sub3A_2267 = arith.subf %select_n3A_1768, %select_n3A_835 : vector<16xf32>
      %exp3A_2268 = math.exp %sub3A_2267 : vector<16xf32>
      %sub3A_2269 = arith.subf %select_n3A_1924, %select_n3A_835 : vector<16xf32>
      %exp3A_2270 = math.exp %sub3A_2269 : vector<16xf32>
      %add3A_2271 = arith.addf %exp3A_2256, %exp3A_2258 : vector<16xf32>
      %add3A_2272 = arith.addf %exp3A_2260, %exp3A_2262 : vector<16xf32>
      %add3A_2273 = arith.addf %add3A_2271, %add3A_2272 : vector<16xf32>
      %add3A_2274 = arith.addf %add3A_2254, %add3A_2273 : vector<16xf32>
      %add3A_2275 = arith.addf %exp3A_2264, %exp3A_2266 : vector<16xf32>
      %add3A_2276 = arith.addf %exp3A_2268, %exp3A_2270 : vector<16xf32>
      %add3A_2277 = arith.addf %add3A_2275, %add3A_2276 : vector<16xf32>
      %add3A_2278 = arith.addf %add3A_2274, %add3A_2277 : vector<16xf32>
      %div3A = arith.divf %exp3A_2256, %add3A_2278 : vector<16xf32>
      %div3A_2279 = arith.divf %exp3A_2258, %add3A_2278 : vector<16xf32>
      %div3A_2280 = arith.divf %exp3A_2260, %add3A_2278 : vector<16xf32>
      %div3A_2281 = arith.divf %exp3A_2262, %add3A_2278 : vector<16xf32>
      %div3A_2282 = arith.divf %exp3A_2264, %add3A_2278 : vector<16xf32>
      %div3A_2283 = arith.divf %exp3A_2266, %add3A_2278 : vector<16xf32>
      %div3A_2284 = arith.divf %exp3A_2268, %add3A_2278 : vector<16xf32>
      %div3A_2285 = arith.divf %exp3A_2270, %add3A_2278 : vector<16xf32>
      %add3A_2286 = arith.addf %div3A, %div3A_2282 : vector<16xf32>
      %add3A_2287 = arith.addf %div3A_2279, %div3A_2283 : vector<16xf32>
      %add3A_2288 = arith.addf %div3A_2280, %div3A_2284 : vector<16xf32>
      %add3A_2289 = arith.addf %div3A_2281, %div3A_2285 : vector<16xf32>
      %add3A_2290 = arith.addf %add3A_2286, %add3A_2288 : vector<16xf32>
      %add3A_2291 = arith.addf %add3A_2287, %add3A_2289 : vector<16xf32>
      %add3A_2292 = arith.addf %add3A_2290, %add3A_2291 : vector<16xf32>
      %add3A_2293 = arith.constant 9.99999993E-9 : f32
      %add3A_2294 = vector.broadcast %add3A_2293 : f32 to vector<16xf32>
      %add3A_2295 = arith.addf %add3A_2292, %add3A_2294 : vector<16xf32>
      %div3A_2296 = arith.divf %div3A, %add3A_2295 : vector<16xf32>
      %div3A_2297 = arith.divf %div3A_2279, %add3A_2295 : vector<16xf32>
      %div3A_2298 = arith.divf %div3A_2280, %add3A_2295 : vector<16xf32>
      %div3A_2299 = arith.divf %div3A_2281, %add3A_2295 : vector<16xf32>
      %div3A_2300 = arith.divf %div3A_2282, %add3A_2295 : vector<16xf32>
      %div3A_2301 = arith.divf %div3A_2283, %add3A_2295 : vector<16xf32>
      %div3A_2302 = arith.divf %div3A_2284, %add3A_2295 : vector<16xf32>
      %div3A_2303 = arith.divf %div3A_2285, %add3A_2295 : vector<16xf32>
      %add3A_2304 = arith.addf %select_n3A_835, %select_n3A_988 : vector<16xf32>
      %add3A_2305 = arith.addf %add3A_2304, %select_n3A_1144 : vector<16xf32>
      %add3A_2306 = arith.addf %add3A_2305, %select_n3A_1300 : vector<16xf32>
      %add3A_2307 = arith.addf %add3A_2306, %select_n3A_1456 : vector<16xf32>
      %add3A_2308 = arith.addf %add3A_2307, %select_n3A_1612 : vector<16xf32>
      %add3A_2309 = arith.addf %add3A_2308, %select_n3A_1768 : vector<16xf32>
      %add3A_2310 = arith.addf %add3A_2309, %select_n3A_1924 : vector<16xf32>
      %add3A_2311 = arith.addf %select_n3A_988, %select_n3A_1612 : vector<16xf32>
      %add3A_2312 = arith.addf %select_n3A_1144, %select_n3A_1768 : vector<16xf32>
      %add3A_2313 = arith.addf %select_n3A_1300, %select_n3A_1924 : vector<16xf32>
      %add3A_2314 = arith.addf %add3A_2311, %add3A_2313 : vector<16xf32>
      %add3A_2315 = arith.addf %add3A_2312, %select_n3A_1456 : vector<16xf32>
      %add3A_2316 = arith.addf %add3A_2314, %add3A_2315 : vector<16xf32>
      %sub3A_2317 = arith.subf %add3A_2310, %select_n3A_835 : vector<16xf32>
      %sub3A_2318 = arith.subf %add3A_2316, %sub3A_2317 : vector<16xf32>
      %max3A = arith.constant 0.000000e+00 : f32
      %max3A_2319 = vector.broadcast %max3A : f32 to vector<16xf32>
      %max3A_2320 = arith.maximumf %sub3A_2318, %max3A_2319 : vector<16xf32>
      %add3A_2321 = arith.addf %select_n3A_835, %select_n3A_1612 : vector<16xf32>
      %add3A_2322 = arith.addf %select_n3A_1144, %select_n3A_1768 : vector<16xf32>
      %add3A_2323 = arith.addf %select_n3A_1300, %select_n3A_1924 : vector<16xf32>
      %add3A_2324 = arith.addf %add3A_2321, %add3A_2323 : vector<16xf32>
      %add3A_2325 = arith.addf %add3A_2322, %select_n3A_1456 : vector<16xf32>
      %add3A_2326 = arith.addf %add3A_2324, %add3A_2325 : vector<16xf32>
      %sub3A_2327 = arith.subf %add3A_2310, %select_n3A_988 : vector<16xf32>
      %sub3A_2328 = arith.subf %add3A_2326, %sub3A_2327 : vector<16xf32>
      %max3A_2329 = arith.constant 0.000000e+00 : f32
      %max3A_2330 = vector.broadcast %max3A_2329 : f32 to vector<16xf32>
      %max3A_2331 = arith.maximumf %sub3A_2328, %max3A_2330 : vector<16xf32>
      %add3A_2332 = arith.addf %select_n3A_835, %select_n3A_1612 : vector<16xf32>
      %add3A_2333 = arith.addf %select_n3A_988, %select_n3A_1768 : vector<16xf32>
      %add3A_2334 = arith.addf %select_n3A_1300, %select_n3A_1924 : vector<16xf32>
      %add3A_2335 = arith.addf %add3A_2332, %add3A_2334 : vector<16xf32>
      %add3A_2336 = arith.addf %add3A_2333, %select_n3A_1456 : vector<16xf32>
      %add3A_2337 = arith.addf %add3A_2335, %add3A_2336 : vector<16xf32>
      %sub3A_2338 = arith.subf %add3A_2310, %select_n3A_1144 : vector<16xf32>
      %sub3A_2339 = arith.subf %add3A_2337, %sub3A_2338 : vector<16xf32>
      %max3A_2340 = arith.constant 0.000000e+00 : f32
      %max3A_2341 = vector.broadcast %max3A_2340 : f32 to vector<16xf32>
      %max3A_2342 = arith.maximumf %sub3A_2339, %max3A_2341 : vector<16xf32>
      %add3A_2343 = arith.addf %select_n3A_835, %select_n3A_1612 : vector<16xf32>
      %add3A_2344 = arith.addf %select_n3A_988, %select_n3A_1768 : vector<16xf32>
      %add3A_2345 = arith.addf %select_n3A_1144, %select_n3A_1924 : vector<16xf32>
      %add3A_2346 = arith.addf %add3A_2343, %add3A_2345 : vector<16xf32>
      %add3A_2347 = arith.addf %add3A_2344, %select_n3A_1456 : vector<16xf32>
      %add3A_2348 = arith.addf %add3A_2346, %add3A_2347 : vector<16xf32>
      %sub3A_2349 = arith.subf %add3A_2310, %select_n3A_1300 : vector<16xf32>
      %sub3A_2350 = arith.subf %add3A_2348, %sub3A_2349 : vector<16xf32>
      %max3A_2351 = arith.constant 0.000000e+00 : f32
      %max3A_2352 = vector.broadcast %max3A_2351 : f32 to vector<16xf32>
      %max3A_2353 = arith.maximumf %sub3A_2350, %max3A_2352 : vector<16xf32>
      %add3A_2354 = arith.addf %select_n3A_835, %select_n3A_1612 : vector<16xf32>
      %add3A_2355 = arith.addf %select_n3A_988, %select_n3A_1768 : vector<16xf32>
      %add3A_2356 = arith.addf %select_n3A_1144, %select_n3A_1924 : vector<16xf32>
      %add3A_2357 = arith.addf %add3A_2354, %add3A_2356 : vector<16xf32>
      %add3A_2358 = arith.addf %add3A_2355, %select_n3A_1300 : vector<16xf32>
      %add3A_2359 = arith.addf %add3A_2357, %add3A_2358 : vector<16xf32>
      %sub3A_2360 = arith.subf %add3A_2310, %select_n3A_1456 : vector<16xf32>
      %sub3A_2361 = arith.subf %add3A_2359, %sub3A_2360 : vector<16xf32>
      %max3A_2362 = arith.constant 0.000000e+00 : f32
      %max3A_2363 = vector.broadcast %max3A_2362 : f32 to vector<16xf32>
      %max3A_2364 = arith.maximumf %sub3A_2361, %max3A_2363 : vector<16xf32>
      %add3A_2365 = arith.addf %select_n3A_835, %select_n3A_1456 : vector<16xf32>
      %add3A_2366 = arith.addf %select_n3A_988, %select_n3A_1768 : vector<16xf32>
      %add3A_2367 = arith.addf %select_n3A_1144, %select_n3A_1924 : vector<16xf32>
      %add3A_2368 = arith.addf %add3A_2365, %add3A_2367 : vector<16xf32>
      %add3A_2369 = arith.addf %add3A_2366, %select_n3A_1300 : vector<16xf32>
      %add3A_2370 = arith.addf %add3A_2368, %add3A_2369 : vector<16xf32>
      %sub3A_2371 = arith.subf %add3A_2310, %select_n3A_1612 : vector<16xf32>
      %sub3A_2372 = arith.subf %add3A_2370, %sub3A_2371 : vector<16xf32>
      %max3A_2373 = arith.constant 0.000000e+00 : f32
      %max3A_2374 = vector.broadcast %max3A_2373 : f32 to vector<16xf32>
      %max3A_2375 = arith.maximumf %sub3A_2372, %max3A_2374 : vector<16xf32>
      %add3A_2376 = arith.addf %select_n3A_835, %select_n3A_1456 : vector<16xf32>
      %add3A_2377 = arith.addf %select_n3A_988, %select_n3A_1612 : vector<16xf32>
      %add3A_2378 = arith.addf %select_n3A_1144, %select_n3A_1924 : vector<16xf32>
      %add3A_2379 = arith.addf %add3A_2376, %add3A_2378 : vector<16xf32>
      %add3A_2380 = arith.addf %add3A_2377, %select_n3A_1300 : vector<16xf32>
      %add3A_2381 = arith.addf %add3A_2379, %add3A_2380 : vector<16xf32>
      %sub3A_2382 = arith.subf %add3A_2310, %select_n3A_1768 : vector<16xf32>
      %sub3A_2383 = arith.subf %add3A_2381, %sub3A_2382 : vector<16xf32>
      %max3A_2384 = arith.constant 0.000000e+00 : f32
      %max3A_2385 = vector.broadcast %max3A_2384 : f32 to vector<16xf32>
      %max3A_2386 = arith.maximumf %sub3A_2383, %max3A_2385 : vector<16xf32>
      %add3A_2387 = arith.addf %select_n3A_835, %select_n3A_1456 : vector<16xf32>
      %add3A_2388 = arith.addf %select_n3A_988, %select_n3A_1612 : vector<16xf32>
      %add3A_2389 = arith.addf %select_n3A_1144, %select_n3A_1768 : vector<16xf32>
      %add3A_2390 = arith.addf %add3A_2387, %add3A_2389 : vector<16xf32>
      %add3A_2391 = arith.addf %add3A_2388, %select_n3A_1300 : vector<16xf32>
      %add3A_2392 = arith.addf %add3A_2390, %add3A_2391 : vector<16xf32>
      %sub3A_2393 = arith.subf %add3A_2310, %select_n3A_1924 : vector<16xf32>
      %sub3A_2394 = arith.subf %add3A_2392, %sub3A_2393 : vector<16xf32>
      %max3A_2395 = arith.constant 0.000000e+00 : f32
      %max3A_2396 = vector.broadcast %max3A_2395 : f32 to vector<16xf32>
      %max3A_2397 = arith.maximumf %sub3A_2394, %max3A_2396 : vector<16xf32>
      %broadcast_in_dim3A_2398 = arith.constant 0 : i32
      %broadcast_in_dim3A_2399 = vector.broadcast %broadcast_in_dim3A_2398 : i32 to vector<16xi32>
      tpu.vector_store_idx %arg10[%add3A_12, %broadcast_in_dim3A_2399], %select_n3A_836 : memref<1024x8xi32, #tpu.memory_space<vmem>>[vector<16xi32>, vector<16xi32>], vector<16xi32>,
      tpu.vector_store_idx %arg11[%add3A_12, %broadcast_in_dim3A_2399], %div3A_2296 : memref<1024x8xf32, #tpu.memory_space<vmem>>[vector<16xi32>, vector<16xi32>], vector<16xf32>,
      tpu.vector_store_idx %arg12[%add3A_12, %broadcast_in_dim3A_2399], %max3A_2320 : memref<1024x8xf32, #tpu.memory_space<vmem>>[vector<16xi32>, vector<16xi32>], vector<16xf32>,
      %broadcast_in_dim3A_2400 = arith.constant 1 : i32
      %broadcast_in_dim3A_2401 = vector.broadcast %broadcast_in_dim3A_2400 : i32 to vector<16xi32>
      tpu.vector_store_idx %arg10[%add3A_12, %broadcast_in_dim3A_2401], %select_n3A_989 : memref<1024x8xi32, #tpu.memory_space<vmem>>[vector<16xi32>, vector<16xi32>], vector<16xi32>,
      tpu.vector_store_idx %arg11[%add3A_12, %broadcast_in_dim3A_2401], %div3A_2297 : memref<1024x8xf32, #tpu.memory_space<vmem>>[vector<16xi32>, vector<16xi32>], vector<16xf32>,
      tpu.vector_store_idx %arg12[%add3A_12, %broadcast_in_dim3A_2401], %max3A_2331 : memref<1024x8xf32, #tpu.memory_space<vmem>>[vector<16xi32>, vector<16xi32>], vector<16xf32>,
      %broadcast_in_dim3A_2402 = arith.constant 2 : i32
      %broadcast_in_dim3A_2403 = vector.broadcast %broadcast_in_dim3A_2402 : i32 to vector<16xi32>
      tpu.vector_store_idx %arg10[%add3A_12, %broadcast_in_dim3A_2403], %select_n3A_1145 : memref<1024x8xi32, #tpu.memory_space<vmem>>[vector<16xi32>, vector<16xi32>], vector<16xi32>,
      tpu.vector_store_idx %arg11[%add3A_12, %broadcast_in_dim3A_2403], %div3A_2298 : memref<1024x8xf32, #tpu.memory_space<vmem>>[vector<16xi32>, vector<16xi32>], vector<16xf32>,
      tpu.vector_store_idx %arg12[%add3A_12, %broadcast_in_dim3A_2403], %max3A_2342 : memref<1024x8xf32, #tpu.memory_space<vmem>>[vector<16xi32>, vector<16xi32>], vector<16xf32>,
      %broadcast_in_dim3A_2404 = arith.constant 3 : i32
      %broadcast_in_dim3A_2405 = vector.broadcast %broadcast_in_dim3A_2404 : i32 to vector<16xi32>
      tpu.vector_store_idx %arg10[%add3A_12, %broadcast_in_dim3A_2405], %select_n3A_1301 : memref<1024x8xi32, #tpu.memory_space<vmem>>[vector<16xi32>, vector<16xi32>], vector<16xi32>,
      tpu.vector_store_idx %arg11[%add3A_12, %broadcast_in_dim3A_2405], %div3A_2299 : memref<1024x8xf32, #tpu.memory_space<vmem>>[vector<16xi32>, vector<16xi32>], vector<16xf32>,
      tpu.vector_store_idx %arg12[%add3A_12, %broadcast_in_dim3A_2405], %max3A_2353 : memref<1024x8xf32, #tpu.memory_space<vmem>>[vector<16xi32>, vector<16xi32>], vector<16xf32>,
      %broadcast_in_dim3A_2406 = arith.constant 4 : i32
      %broadcast_in_dim3A_2407 = vector.broadcast %broadcast_in_dim3A_2406 : i32 to vector<16xi32>
      tpu.vector_store_idx %arg10[%add3A_12, %broadcast_in_dim3A_2407], %select_n3A_1457 : memref<1024x8xi32, #tpu.memory_space<vmem>>[vector<16xi32>, vector<16xi32>], vector<16xi32>,
      tpu.vector_store_idx %arg11[%add3A_12, %broadcast_in_dim3A_2407], %div3A_2300 : memref<1024x8xf32, #tpu.memory_space<vmem>>[vector<16xi32>, vector<16xi32>], vector<16xf32>,
      tpu.vector_store_idx %arg12[%add3A_12, %broadcast_in_dim3A_2407], %max3A_2364 : memref<1024x8xf32, #tpu.memory_space<vmem>>[vector<16xi32>, vector<16xi32>], vector<16xf32>,
      %broadcast_in_dim3A_2408 = arith.constant 5 : i32
      %broadcast_in_dim3A_2409 = vector.broadcast %broadcast_in_dim3A_2408 : i32 to vector<16xi32>
      tpu.vector_store_idx %arg10[%add3A_12, %broadcast_in_dim3A_2409], %select_n3A_1613 : memref<1024x8xi32, #tpu.memory_space<vmem>>[vector<16xi32>, vector<16xi32>], vector<16xi32>,
      tpu.vector_store_idx %arg11[%add3A_12, %broadcast_in_dim3A_2409], %div3A_2301 : memref<1024x8xf32, #tpu.memory_space<vmem>>[vector<16xi32>, vector<16xi32>], vector<16xf32>,
      tpu.vector_store_idx %arg12[%add3A_12, %broadcast_in_dim3A_2409], %max3A_2375 : memref<1024x8xf32, #tpu.memory_space<vmem>>[vector<16xi32>, vector<16xi32>], vector<16xf32>,
      %broadcast_in_dim3A_2410 = arith.constant 6 : i32
      %broadcast_in_dim3A_2411 = vector.broadcast %broadcast_in_dim3A_2410 : i32 to vector<16xi32>
      tpu.vector_store_idx %arg10[%add3A_12, %broadcast_in_dim3A_2411], %select_n3A_1769 : memref<1024x8xi32, #tpu.memory_space<vmem>>[vector<16xi32>, vector<16xi32>], vector<16xi32>,
      tpu.vector_store_idx %arg11[%add3A_12, %broadcast_in_dim3A_2411], %div3A_2302 : memref<1024x8xf32, #tpu.memory_space<vmem>>[vector<16xi32>, vector<16xi32>], vector<16xf32>,
      tpu.vector_store_idx %arg12[%add3A_12, %broadcast_in_dim3A_2411], %max3A_2386 : memref<1024x8xf32, #tpu.memory_space<vmem>>[vector<16xi32>, vector<16xi32>], vector<16xf32>,
      %broadcast_in_dim3A_2412 = arith.constant 7 : i32
      %broadcast_in_dim3A_2413 = vector.broadcast %broadcast_in_dim3A_2412 : i32 to vector<16xi32>
      tpu.vector_store_idx %arg10[%add3A_12, %broadcast_in_dim3A_2413], %select_n3A_1925 : memref<1024x8xi32, #tpu.memory_space<vmem>>[vector<16xi32>, vector<16xi32>], vector<16xi32>,
      tpu.vector_store_idx %arg11[%add3A_12, %broadcast_in_dim3A_2413], %div3A_2303 : memref<1024x8xf32, #tpu.memory_space<vmem>>[vector<16xi32>, vector<16xi32>], vector<16xf32>,
      tpu.vector_store_idx %arg12[%add3A_12, %broadcast_in_dim3A_2413], %max3A_2397 : memref<1024x8xf32, #tpu.memory_space<vmem>>[vector<16xi32>, vector<16xi32>], vector<16xf32>,
    }
    %scan3A_7 = arith.constant 64 : i32
    "tpu.region"() ({
      %run_scoped3A = tpu.sem_alloc : memref<!tpu.dma_semaphore, #tpu.memory_space<semaphore_mem>>
      %dma_start3A = arith.constant 0 : i32
      %dma_start3A_8 = tpu.memref_slice %arg4[%mul3A_2, %dma_start3A] : memref<32768x8xi32, #tpu.memory_space<hbm>> -> memref<1024x8xi32, #tpu.memory_space<hbm>>
      %dma_start3A_9 = arith.constant 0 : i32
      %dma_start3A_10 = tpu.memref_slice %arg4[%mul3A_2, %dma_start3A_9] : memref<32768x8xi32, #tpu.memory_space<hbm>> -> memref<1024x8xi32, #tpu.memory_space<hbm>>
      tpu.enqueue_dma source(%arg10 : memref<1024x8xi32, #tpu.memory_space<vmem>>) target(%dma_start3A_10 : memref<1024x8xi32, #tpu.memory_space<hbm>>) target_semaphore(%run_scoped3A : memref<!tpu.dma_semaphore, #tpu.memory_space<semaphore_mem>>)
      %dma_wait3A = arith.constant 0 : i32
      %dma_wait3A_11 = tpu.memref_slice %arg4[%mul3A_2, %dma_wait3A] : memref<32768x8xi32, #tpu.memory_space<hbm>> -> memref<1024x8xi32, #tpu.memory_space<hbm>>
      %dma_wait3A_12 = arith.constant 0 : i32
      %dma_wait3A_13 = tpu.memref_slice %arg4[%mul3A_2, %dma_wait3A_12] : memref<32768x8xi32, #tpu.memory_space<hbm>> -> memref<1024x8xi32, #tpu.memory_space<hbm>>
      tpu.wait_dma2 semaphore(%run_scoped3A : memref<!tpu.dma_semaphore, #tpu.memory_space<semaphore_mem>>) src(%arg10 : memref<1024x8xi32, #tpu.memory_space<vmem>>) dst(%dma_wait3A_13 : memref<1024x8xi32, #tpu.memory_space<hbm>>)
      tpu.yield
    }) : () -> ()
    "tpu.region"() ({
      %run_scoped3A = tpu.sem_alloc : memref<!tpu.dma_semaphore, #tpu.memory_space<semaphore_mem>>
      %dma_start3A = arith.constant 0 : i32
      %dma_start3A_8 = tpu.memref_slice %arg5[%mul3A_2, %dma_start3A] : memref<32768x8xf32, #tpu.memory_space<hbm>> -> memref<1024x8xf32, #tpu.memory_space<hbm>>
      %dma_start3A_9 = arith.constant 0 : i32
      %dma_start3A_10 = tpu.memref_slice %arg5[%mul3A_2, %dma_start3A_9] : memref<32768x8xf32, #tpu.memory_space<hbm>> -> memref<1024x8xf32, #tpu.memory_space<hbm>>
      tpu.enqueue_dma source(%arg11 : memref<1024x8xf32, #tpu.memory_space<vmem>>) target(%dma_start3A_10 : memref<1024x8xf32, #tpu.memory_space<hbm>>) target_semaphore(%run_scoped3A : memref<!tpu.dma_semaphore, #tpu.memory_space<semaphore_mem>>)
      %dma_wait3A = arith.constant 0 : i32
      %dma_wait3A_11 = tpu.memref_slice %arg5[%mul3A_2, %dma_wait3A] : memref<32768x8xf32, #tpu.memory_space<hbm>> -> memref<1024x8xf32, #tpu.memory_space<hbm>>
      %dma_wait3A_12 = arith.constant 0 : i32
      %dma_wait3A_13 = tpu.memref_slice %arg5[%mul3A_2, %dma_wait3A_12] : memref<32768x8xf32, #tpu.memory_space<hbm>> -> memref<1024x8xf32, #tpu.memory_space<hbm>>
      tpu.wait_dma2 semaphore(%run_scoped3A : memref<!tpu.dma_semaphore, #tpu.memory_space<semaphore_mem>>) src(%arg11 : memref<1024x8xf32, #tpu.memory_space<vmem>>) dst(%dma_wait3A_13 : memref<1024x8xf32, #tpu.memory_space<hbm>>)
      tpu.yield
    }) : () -> ()
    "tpu.region"() ({
      %run_scoped3A = tpu.sem_alloc : memref<!tpu.dma_semaphore, #tpu.memory_space<semaphore_mem>>
      %dma_start3A = arith.constant 0 : i32
      %dma_start3A_8 = tpu.memref_slice %arg6[%mul3A_2, %dma_start3A] : memref<32768x8xf32, #tpu.memory_space<hbm>> -> memref<1024x8xf32, #tpu.memory_space<hbm>>
      %dma_start3A_9 = arith.constant 0 : i32
      %dma_start3A_10 = tpu.memref_slice %arg6[%mul3A_2, %dma_start3A_9] : memref<32768x8xf32, #tpu.memory_space<hbm>> -> memref<1024x8xf32, #tpu.memory_space<hbm>>
      tpu.enqueue_dma source(%arg12 : memref<1024x8xf32, #tpu.memory_space<vmem>>) target(%dma_start3A_10 : memref<1024x8xf32, #tpu.memory_space<hbm>>) target_semaphore(%run_scoped3A : memref<!tpu.dma_semaphore, #tpu.memory_space<semaphore_mem>>)
      %dma_wait3A = arith.constant 0 : i32
      %dma_wait3A_11 = tpu.memref_slice %arg6[%mul3A_2, %dma_wait3A] : memref<32768x8xf32, #tpu.memory_space<hbm>> -> memref<1024x8xf32, #tpu.memory_space<hbm>>
      %dma_wait3A_12 = arith.constant 0 : i32
      %dma_wait3A_13 = tpu.memref_slice %arg6[%mul3A_2, %dma_wait3A_12] : memref<32768x8xf32, #tpu.memory_space<hbm>> -> memref<1024x8xf32, #tpu.memory_space<hbm>>
      tpu.wait_dma2 semaphore(%run_scoped3A : memref<!tpu.dma_semaphore, #tpu.memory_space<semaphore_mem>>) src(%arg12 : memref<1024x8xf32, #tpu.memory_space<vmem>>) dst(%dma_wait3A_13 : memref<1024x8xf32, #tpu.memory_space<hbm>>)
      tpu.yield
    }) : () -> ()
    return
  }
}

</mosaic_0001>

<sc_bundles>
// kernel: _run.3.cloned.1.call-start
scs
__scs_entry_jumppad:
0x0: {  	(pc) =	sbr.rel $0x88, $3  }
0x1: {  	(tag) =	ssettag $0x0;
	lr =	simm.s32 $0x1  }
0x2: {  	[smem:$0x3F9F] =	sst lr;
	_ =	strace $0xD0000000  }
0x3: {  	_ = 	snop  }
0x4: {  	_ = 	snop  }
0x5: {  	_ = 	snop  }
0x6: {  	_ = 	snop  }
0x7: {  	_ = 	snop  }
__scs_overlays_trampoline_lowered:
0x8: {  	[smem:$0x3FAE] =	sst s0  }
0x9: {  	[smem:$0x3FAF] =	sst s1  }
0xa: {  	[smem:$0x3FB0] =	sst s2  }
0xb: {  	[smem:$0x3FB1] =	sst s3  }
0xc: {  	[smem:$0x3FB2] =	sst s4  }
0xd: {  	[smem:$0x3FB3] =	sst s5  }
0xe: {  	[smem:$0x3FB4] =	sst s6  }
0xf: {  	[smem:$0x3FB5] =	sst s7  }
0x10: {  	[smem:$0x3FB6] =	sst s8  }
0x11: {  	[smem:$0x3FB7] =	sst s9;
	s0 =	simm.s32 @!p0 $0x0  }
0x12: {  	s1 =	sld [smem:$0x3F9D];
	s0 =	simm.s32 @p0 $0x1  }
0x13: {  	[smem:$0x3FB8] =	sst s0;
	s0 =	simm.s32 @!p1 $0x0  }
0x14: {  	s2 =	sld [smem:$0x3F9C];
	s0 =	simm.s32 @p1 $0x1  }
0x15: {  	[smem:$0x3FB9] =	sst s0;
	s0 =	simm.s32 @!p2 $0x0  }
0x16: {  	s3 =	sld [smem:$0x3FDB];
	s0 =	simm.s32 @p2 $0x1  }
0x17: {  	s4 =	simm.s32 $0x1BF5;
	[smem:$0x3FBB] =	sst s0  }
0x18: {  	s0 =	sld [smem:$0x3F9E];
	_ =	swait.ge [sflag:s4], $0x0  }
0x19: {  	s7 =	sld [smem:$0x3F9F]  }
0x1a: {  	s8 =	sadd.s32 $0xFFFFE003, lr  }
0x1b: {  	s9 =	sadd.s32 $0xFFFFFEF7, lr;
	s5 =	simm.s32 $0xFFFFFFFF;
	p2 =	slt.u32 s8, $0xFFFFF086  }
0x1c: {  	p1 =	slt.u32 s9, $0xF7A;
	s5 =	simm.s32 @!p2 $0x0  }
0x1d: {  	s5 =	simm.s32 @p1 $0x1;
	p0 =	seq.s32 s7, s2  }
0x1e: {  	s7 =	smul.u32 @!p0 $0xF7A, s2;
	p2 =	seq.s32 @!p0 s5, $0x0  }
0x1f: {  	s9 =	smul.u32 $0xF7A, s1;
	s8 =	simm.s32 @!p0 $0x1BF5;
	p2 =	por !p2, p0  }
0x20: {  	[sflag:s8] =	ssyncset.s32 @!p0 $0xFFFFF086;
	s6 =	sadd.s32 @!p0 s3, s7;
	s7 =	simm.s32 @!p0 $0x108  }
0x21: {  	s3 =	sadd.s32 s3, s9;
	s6 =	sadd.s32 @!p0 $0x88, s6;
	s7 =	simm.s32 @p2 $0x1082  }
0x22: {  	[simem:s7], [sflag:s8] =	dma.local @!p0 [hbm:s6], $0xF7A  }
0x23: {  	s9 =	sor.u32 $0xD0000000, s2;
	s6 =	simm.s32 $0x108;
	_ =	swait.ge @!p0 [sflag:s8], $0x0  }
0x24: {  	s3 =	sadd.s32 $0x88, s3;
	s6 =	simm.s32 @!p1 $0x1082;
	[sflag:s4] =	ssyncset.s32 $0xFFFFF086  }
0x25: {  	[simem:s6], [sflag:s4] =	dma.local [hbm:s3], $0xF7A  }
0x26: {  	[smem:$0x3F9F] =	sst s1;
	(tag) =	ssettag s2;
	_ =	strace s9  }
0x27: {  	s1 =	sld [smem:$0x3FAF]  }
0x28: {  	s2 =	sld [smem:$0x3FB0]  }
0x29: {  	s4 =	sld [smem:$0x3FB2]  }
0x2a: {  	p0 =	seq.s32 s5, $0x0;
	s5 =	sld [smem:$0x3FB3]  }
0x2b: {  	s6 =	sld [smem:$0x3FB4]  }
0x2c: {  	s7 =	sld [smem:$0x3FB5]  }
0x2d: {  	s3 =	simm.s32 $0x108;
	s8 =	sld [smem:$0x3FB6]  }
0x2e: {  	s3 =	simm.s32 @!p0 $0x1082;
	s9 =	sld [smem:$0x3FB7]  }
0x2f: {  	lr =	sadd.s32 s0, s3;
	s0 =	sld [smem:$0x3FAE]  }
0x30: {  	s3 =	sld [smem:$0x3FB1]  }
0x31: {  	[smem:$0x3FBA] =	sst s10  }
0x32: {  	s10 =	sld [smem:$0x3FB8];
	_ =	sdelay $0x3  }
0x33: {  	p0 =	seq.s32 s10, $0x1;
	s10 =	sld [smem:$0x3FBA];
	_ =	sdelay $0x3  }
0x34: {  	[smem:$0x3FBA] =	sst s10  }
0x35: {  	s10 =	sld [smem:$0x3FB9];
	_ =	sdelay $0x3  }
0x36: {  	p1 =	seq.s32 s10, $0x1;
	s10 =	sld [smem:$0x3FBA];
	_ =	sdelay $0x3  }
0x37: {  	[smem:$0x3FBA] =	sst s10  }
0x38: {  	s10 =	sld [smem:$0x3FBB]  }
0x39: {  	_ = 	snop;
	(pc) =	sbr.ind lr, $3  }
0x3a: {  	_ = 	snop  }
0x3b: {  	_ = 	snop  }
0x3c: {  	p2 =	seq.s32 s10, $0x1;
	s10 =	sld [smem:$0x3FBA]  }
0x3d: {  	_ =	shalt  }
0x3e: {  	_ =	shalt  }
0x3f: {  	_ =	shalt  }
0x40: {  	_ =	shalt  }
0x41: {  	_ =	shalt  }
0x42: {  	_ =	shalt  }
0x43: {  	_ =	shalt  }
0x44: {  	_ =	shalt  }
0x45: {  	_ =	shalt  }
0x46: {  	_ =	shalt  }
0x47: {  	_ =	shalt  }
0x48: {  	_ =	shalt  }
0x49: {  	_ =	shalt  }
0x4a: {  	_ =	shalt  }
0x4b: {  	_ =	shalt  }
0x4c: {  	_ =	shalt  }
0x4d: {  	_ =	shalt  }
0x4e: {  	_ =	shalt  }
0x4f: {  	_ =	shalt  }
0x50: {  	_ =	shalt  }
0x51: {  	_ =	shalt  }
0x52: {  	_ =	shalt  }
0x53: {  	_ =	shalt  }
0x54: {  	_ =	shalt  }
0x55: {  	_ =	shalt  }
0x56: {  	_ =	shalt  }
0x57: {  	_ =	shalt  }
0x58: {  	_ =	shalt  }
0x59: {  	_ =	shalt  }
0x5a: {  	_ =	shalt  }
0x5b: {  	_ =	shalt  }
0x5c: {  	_ =	shalt  }
0x5d: {  	_ =	shalt  }
0x5e: {  	_ =	shalt  }
0x5f: {  	_ =	shalt  }
0x60: {  	_ =	shalt  }
0x61: {  	_ =	shalt  }
0x62: {  	_ =	shalt  }
0x63: {  	_ =	shalt  }
0x64: {  	_ =	shalt  }
0x65: {  	_ =	shalt  }
0x66: {  	_ =	shalt  }
0x67: {  	_ =	shalt  }
0x68: {  	_ =	shalt  }
0x69: {  	_ =	shalt  }
0x6a: {  	_ =	shalt  }
0x6b: {  	_ =	shalt  }
0x6c: {  	_ =	shalt  }
0x6d: {  	_ =	shalt  }
0x6e: {  	_ =	shalt  }
0x6f: {  	_ =	shalt  }
0x70: {  	_ =	shalt  }
0x71: {  	_ =	shalt  }
0x72: {  	_ =	shalt  }
0x73: {  	_ =	shalt  }
0x74: {  	_ =	shalt  }
0x75: {  	_ =	shalt  }
0x76: {  	_ =	shalt  }
0x77: {  	_ =	shalt  }
0x78: {  	_ =	shalt  }
0x79: {  	_ =	shalt  }
0x7a: {  	_ =	shalt  }
0x7b: {  	_ =	shalt  }
0x7c: {  	_ =	shalt  }
0x7d: {  	_ =	shalt  }
0x7e: {  	_ =	shalt  }
0x7f: {  	_ =	shalt  }
0x80: {  	_ =	shalt  }
0x81: {  	_ =	shalt  }
0x82: {  	_ =	shalt  }
0x83: {  	_ =	shalt  }
0x84: {  	_ =	shalt  }
0x85: {  	_ =	shalt  }
0x86: {  	_ =	shalt  }
0x87: {  	_ =	shalt  }
.Lfunc_end0:
.L_simem_size_0:
called_computation_lowered:
.L_overlay_start_0:
0x88: {  	s2 =	sld [smem:$0x3FD9]  }
0x89: {  	s3 =	sld [smem:$0x3FFE];
	_ =	sdelay $0x1  }
0x8a: {  	s1 =	srdreg.scid  }
0x8b: {  	s0 =	sand.u32 $0x1, s1  }
0x8c: {  	s14 =	sshll.u32 s0, $0xA;
	s2 =	sadd.s32 s3, s2  }
0x8d: {  	s2 =	sadd.s32 s2, s14  }
0x8e: {  	[smem:$0x3FC6] =	sst s2  }
0x8f: {  	_ = 	snop  }
0x90: {  	s2 =	sld [smem:$0x3FD0];
	_ =	sdelay $0x2  }
0x91: {  	s15 =	simm.s32 $0xA;
	s4 =	simm.s32 $0x10  }
0x92: {  	[smem:s4], [sflag:s15] =	dma.local [hbm:s2], $0x1  }
0x93: {  	_ =	swait.eq [sflag:s15], $0x1  }
0x94: {  	s16 =	sld [smem:$0x10];
	[sflag:s15] =	ssyncset.done $0x0  }
0x95: {  	s17 =	sld [smem:$0x11];
	[sflag:s15] =	ssyncadd.s32 $0xFFFFFFFF  }
0x96: {  	s18 =	sld [smem:$0x12];
	(tm) =	ssettm $0x1  }
0x97: {  	s5 =	sld [smem:$0x3FFB];
	_ =	sdelay $0x3  }
0x98: {  	_ =	strace s5  }
0x99: {  	s5 =	sld [smem:$0x3FFC];
	_ =	sdelay $0x3  }
0x9a: {  	_ =	strace s5  }
0x9b: {  	s5 =	sld [smem:$0x3FFD];
	_ =	sdelay $0x3  }
0x9c: {  	_ =	strace s5  }
0x9d: {  	_ =	strace $0x8FFFFFFF  }
0x9e: {  	s19 =	sld [smem:$0x3FDB];
	_ =	sdelay $0x1  }
0x9f: {  	s6 =	simm.s32 $_scs_section_size  }
0xa0: {  	s7 =	simm.s32 $_size__tile_overlayer_lowered;
	s8 =	simm.s32 $_tile_overlayer_lowered  }
0xa1: {  	s22 =	simm.s32 $0x1BFF;
	s21 =	sshll.u32 s8, $0x1;
	s5 =	sadd.s32 s6, s19  }
0xa2: {  	s9 =	simm.s32 $0x0;
	s20 =	sshll.u32 s7, $0x1;
	s7 =	sadd.s32 s21, s5  }
0xa3: {  	[timem:s9], [sflag:s22] =	dma.local [hbm:s7], s20  }
0xa4: {  	_ =	swait.ge [sflag:s22], s20  }
0xa5: {  	s6 =	ssub.s32 $0x0, s20;
	[sflag:s22] =	ssyncset.done $0x0  }
0xa6: {  	[sflag:s22] =	ssyncadd.s32 s6;
	_ =	sdelay $0x1  }
0xa7: {  	s23 =	simm.s32 $0x1B8B  }
0xa8: {  	_ =	swait.ge [sflag:s23], $0x1  }
0xa9: {  	[sflag:s23] =	ssyncset.done $0x0  }
0xaa: {  	s25 =	simm.s32 $0x1B8E;
	s24 =	sld [smem:$0x3FFE];
	[sflag:s23] =	ssyncadd.s32 $0xFFFFFFFF  }
0xab: {  	s26 =	simm.s32 $execute0_lowered;
	[smem:$0x3FD2] =	sst s25  }
0xac: {  	s7 =	sshll.u32 s26, $0x1;
	_ =	strace $0x80000046;
	[dreg:$0x1] =	wrdreg $0xFFFFFFFF  }
0xad: {  	s28 =	simm.s32 $_size_execute0_lowered;
	s5 =	sadd.s32 s5, s7;
	[dreg:$0x0] =	wrdreg $0x0  }
0xae: {  	s7 =	sshll.u32 s28, $0x1;
	[dreg:$0x2] =	wrdreg s5  }
0xaf: {  	[dreg:$0x3] =	wrdreg s7  }
0xb0: {  	[dreg:$0x4] =	wrdreg $0xC0  }
0xb1: {  	_ =	task [dreg:s9], $0x5FFFF  }
0xb2: {  	[dreg:$0x1] =	wrdreg $0xFFFFFFFF  }
0xb3: {  	[dreg:$0x0] =	wrdreg $0x60  }
0xb4: {  	[dreg:$0x2] =	wrdreg s24  }
0xb5: {  	[dreg:$0x3] =	wrdreg s16  }
0xb6: {  	[dreg:$0x4] =	wrdreg s18  }
0xb7: {  	[dreg:$0x5] =	wrdreg s17  }
0xb8: {  	[dreg:$0x6] =	wrdreg $0x9  }
0xb9: {  	_ =	task.clear_ibuf [dreg:s9], $0x7FFFF;
	_ =	strace $0x90000046  }
0xba: {  	s29 =	simm.s32 $0x9;
	_ =	strace $0x80000048  }
0xbb: {  	_ =	swait.ge [sflag:s29], $0x1  }
0xbc: {  	[sflag:s29] =	ssyncadd.s32 $0xFFFFFFFF  }
0xbd: {  	_ =	strace $0x90000048  }
0xbe: {  	_ =	sfence  }
0xbf: {  	s30 =	sld [smem:$0x0];
	_ =	sdelay $0x2  }
0xc0: {  	s31 =	sshll.u32 s1, $0xD;
	s1 =	sshrl.u32 s1, $0x2  }
0xc1: {  	s3 =	sand.u32 $0x4000, s31;
	s1 =	sadd.s32 s1, s30  }
0xc2: {  	s0 =	sor.u32 s3, s0;
	s1 =	sshll.u32 s1, $0x11  }
0xc3: {  	s0 =	sor.u32 s1, s0  }
0xc4: {  	s0 =	sadd.s32 $0x8F2B, s0  }
0xc5: {  	[sflag:s0] =	ssyncadd.remote.s32 $0x1  }
0xc6: {  	_ =	sfence.sel $0xFFFF  }
0xc7: {  	[dreg:$0x0] =	wrdreg $0xFFFFFFFF;
	(pc) =	sbr.abs _section_cstart, $3  }
0xc8: {  	[dreg:$0x1] =	wrdreg $0xFFFFFFFF  }
0xc9: {  	_ =	task.clear_ibuf [dreg:s9], $0x2FFFF;
	_ =	strace $0x9FFFFFFF  }
0xca: {  	(tm) =	ssettm $0x7FFFFFFF  }
0xcb: {  	_ =	shalt  }
tec
execute0_lowered:
.L_overlay_start_1:
0x0: {  	(tag) =	ssettag $0x1  }
0x1: {  	s4 =	rddreg [dreg:$0x0]  }
0x2: {  	s0 =	rddreg [dreg:$0x1]  }
0x3: {  	s5 =	rddreg [dreg:$0x2]  }
0x4: {  	s6 =	rddreg [dreg:$0x3];
	s3 =	srdreg.scid  }
0x5: {  	s1 =	rddreg [dreg:$0x4];
	s2 =	stileid.u32;
	s12 =	simm.s32 $0x10800  }
0x6: {  	s13 =	simm.s32 $0x12800;
	s14 =	simm.s32 $0x14800;
	s15 =	simm.s32 $0x0  }
0x7: {  	s7 =	sand.u32 $0x1, s3;
	s3 =	simm.s32 $0x0;
	s8 =	sshll.u32 s2, $0xB  }
0x8: {  	s9 =	sshll.u32 s7, $0xA;
	[smem:$0x7FF] =	sst s3;
	s7 =	ssub.s32 $0x2, s7  }
0x9: {  	s8 =	sor.u32 s9, s8;
	_ =	strace $0x80000047;
	s10 =	sshrl.u32 s7, $0x1  }
0xa: {  	s9 =	sshll.u32 s8, $0x3;
	s11 =	sadd.s32 s8, s4;
	s10 =	ssub.s32 s7, s10  }
0xb: {  	v0 =	vlaneseq.u32;
	s5 =	sadd.s32 s5, s8;
	s6 =	sadd.s32 s6, s8;
	s9 =	sadd.s32 s9, s4  }
0xc: {  	v1 =	vor.u32 $0x7FFFFF88, v0;
	s7 =	sadd.s32 $0x40E00, s11;
	s8 =	smax.u32 s10, $0x1;
	s10 =	simm.s32 $0x10000  }
0xd: {  	v36 =	vimm.f32 $-Inf;
	v35 =	vor.u32 $0xFFFFFF88, v0;
	[tilespmem:$0x1FFF0] =	vst v1;
	s11 =	simm.s32 $0x10400;
	s4 =	sadd.s32 $0xE00, s9;
	s9 =	simm.s32 $0x1  }
.LBB2_1:
0xe: {  	[tilespmem:s3], [sflag:$0x1] =	stream.linear.gather [hbm4b:s4+s3], $0x10000, $0x38;
	[tilespmem:$0x16800] =	vst v63  }
0xf: {  	_ =	swait.ge [sflag:s9], $0x10000  }
0x10: {  	[sflag:s9] =	ssyncset.done $0x0  }
0x11: {  	[sflag:s9] =	ssyncadd.s32 $0xFFFF0000  }
0x12: {  	[tilespmem:s10], [sflag:$0x1] =	stream.linear.gather [hbm4b:s0+s3], $0x400, $0x38;
	[tilespmem:$0x16800] =	vst v63  }
0x13: {  	_ =	swait.ge [sflag:s9], $0x400  }
0x14: {  	[sflag:s9] =	ssyncset.done $0x0  }
0x15: {  	s16 =	simm.s32 $0x0;
	[sflag:s9] =	ssyncadd.s32 $0xFFFFFC00  }
.LBB2_2:
0x16: {  	v1 =	vor.u32 s16, v0  }
0x17: {  	[tilespmem:$0x1FF70] =	vst v1;
	v1 =	vshll.u32 v1, $0x6;
	_ =	sdelay $0x3  }
0x18: {  	v3 =	vld [tilespmem:$0x10000]  }
0x19: {  	v2 =	vld.idx.msk [tilespmem:v1+s3+$0x0], $0xffff;
	_ =	sdelay $0x2  }
0x1a: {  	v4 =	vor.u32 $0x1, v1;
	_ =	sdelay $0x1  }
0x1b: {  	v2 =	vmul.f32 v3, v2;
	_ =	sdelay $0x1  }
0x1c: {  	v22 =	vld [tilespmem:$0x10010];
	[tilespmem:$0x10400] =	vst v2  }
0x1d: {  	v3 =	vld.idx.msk [tilespmem:v4+s3+$0x0], $0xffff;
	_ =	sdelay $0x2  }
0x1e: {  	v5 =	vor.u32 $0x2, v1;
	_ =	sdelay $0x1  }
0x1f: {  	v4 =	vmul.f32 v22, v3;
	_ =	sdelay $0x1  }
0x20: {  	[tilespmem:$0x10410] =	vst v4  }
0x21: {  	v3 =	vld.idx.msk [tilespmem:v5+s3+$0x0], $0xffff  }
0x22: {  	v5 =	vld [tilespmem:$0x10020];
	_ =	sdelay $0x2  }
0x23: {  	v6 =	vor.u32 $0x3, v1;
	_ =	sdelay $0x1  }
0x24: {  	v3 =	vmul.f32 v5, v3;
	_ =	sdelay $0x1  }
0x25: {  	v24 =	vld [tilespmem:$0x10030];
	[tilespmem:$0x10420] =	vst v3  }
0x26: {  	v23 =	vld.idx.msk [tilespmem:v6+s3+$0x0], $0xffff;
	_ =	sdelay $0x2  }
0x27: {  	v7 =	vor.u32 $0x4, v1;
	_ =	sdelay $0x1  }
0x28: {  	v5 =	vmul.f32 v24, v23;
	_ =	sdelay $0x1  }
0x29: {  	v26 =	vld [tilespmem:$0x10040];
	[tilespmem:$0x10430] =	vst v5  }
0x2a: {  	v25 =	vld.idx.msk [tilespmem:v7+s3+$0x0], $0xffff;
	_ =	sdelay $0x2  }
0x2b: {  	v8 =	vor.u32 $0x5, v1;
	_ =	sdelay $0x1  }
0x2c: {  	v37 =	vmul.f32 v26, v25;
	_ =	sdelay $0x1  }
0x2d: {  	v28 =	vld [tilespmem:$0x10050];
	[tilespmem:$0x10440] =	vst v37  }
0x2e: {  	v27 =	vld.idx.msk [tilespmem:v8+s3+$0x0], $0xffff;
	_ =	sdelay $0x2  }
0x2f: {  	v29 =	vor.u32 $0x6, v1;
	_ =	sdelay $0x1  }
0x30: {  	v39 =	vmul.f32 v28, v27;
	_ =	sdelay $0x1  }
0x31: {  	v31 =	vld [tilespmem:$0x10060];
	[tilespmem:$0x10450] =	vst v39  }
0x32: {  	v30 =	vld.idx.msk [tilespmem:v29+s3+$0x0], $0xffff;
	_ =	sdelay $0x2  }
0x33: {  	v32 =	vor.u32 $0x7, v1;
	_ =	sdelay $0x1  }
0x34: {  	v41 =	vmul.f32 v31, v30;
	_ =	sdelay $0x1  }
0x35: {  	v34 =	vld [tilespmem:$0x10070];
	[tilespmem:$0x10460] =	vst v41  }
0x36: {  	v33 =	vld.idx.msk [tilespmem:v32+s3+$0x0], $0xffff;
	_ =	sdelay $0x2  }
0x37: {  	v38 =	vor.u32 $0x8, v1;
	_ =	sdelay $0x1  }
0x38: {  	v43 =	vmul.f32 v34, v33;
	_ =	sdelay $0x1  }
0x39: {  	v44 =	vld [tilespmem:$0x10080];
	[tilespmem:$0x10470] =	vst v43  }
0x3a: {  	v42 =	vld.idx.msk [tilespmem:v38+s3+$0x0], $0xffff;
	_ =	sdelay $0x2  }
0x3b: {  	v45 =	vor.u32 $0x9, v1;
	_ =	sdelay $0x1  }
0x3c: {  	v38 =	vmul.f32 v44, v42;
	_ =	sdelay $0x1  }
0x3d: {  	v47 =	vld [tilespmem:$0x10090];
	[tilespmem:$0x10480] =	vst v38  }
0x3e: {  	v46 =	vld.idx.msk [tilespmem:v45+s3+$0x0], $0xffff;
	_ =	sdelay $0x2  }
0x3f: {  	v48 =	vor.u32 $0xA, v1;
	_ =	sdelay $0x1  }
0x40: {  	v40 =	vmul.f32 v47, v46;
	_ =	sdelay $0x1  }
0x41: {  	v50 =	vld [tilespmem:$0x100A0];
	[tilespmem:$0x10490] =	vst v40  }
0x42: {  	v49 =	vld.idx.msk [tilespmem:v48+s3+$0x0], $0xffff;
	_ =	sdelay $0x2  }
0x43: {  	v51 =	vor.u32 $0xB, v1;
	_ =	sdelay $0x1  }
0x44: {  	v42 =	vmul.f32 v50, v49;
	_ =	sdelay $0x1  }
0x45: {  	v53 =	vld [tilespmem:$0x100B0];
	[tilespmem:$0x104A0] =	vst v42  }
0x46: {  	v52 =	vld.idx.msk [tilespmem:v51+s3+$0x0], $0xffff;
	_ =	sdelay $0x2  }
0x47: {  	v54 =	vor.u32 $0xC, v1;
	_ =	sdelay $0x1  }
0x48: {  	v44 =	vmul.f32 v53, v52;
	_ =	sdelay $0x1  }
0x49: {  	v56 =	vld [tilespmem:$0x100C0];
	[tilespmem:$0x104B0] =	vst v44  }
0x4a: {  	v55 =	vld.idx.msk [tilespmem:v54+s3+$0x0], $0xffff;
	_ =	sdelay $0x2  }
0x4b: {  	v57 =	vor.u32 $0xD, v1;
	_ =	sdelay $0x1  }
0x4c: {  	v45 =	vmul.f32 v56, v55;
	_ =	sdelay $0x1  }
0x4d: {  	v59 =	vld [tilespmem:$0x100D0];
	[tilespmem:$0x104C0] =	vst v45  }
0x4e: {  	v58 =	vld.idx.msk [tilespmem:v57+s3+$0x0], $0xffff;
	_ =	sdelay $0x2  }
0x4f: {  	v60 =	vor.u32 $0xE, v1;
	_ =	sdelay $0x1  }
0x50: {  	v47 =	vmul.f32 v59, v58;
	_ =	sdelay $0x1  }
0x51: {  	v62 =	vld [tilespmem:$0x100E0];
	[tilespmem:$0x104D0] =	vst v47  }
0x52: {  	v61 =	vld.idx.msk [tilespmem:v60+s3+$0x0], $0xffff;
	_ =	sdelay $0x2  }
0x53: {  	v63 =	vor.u32 $0xF, v1;
	_ =	sdelay $0x1  }
0x54: {  	v49 =	vmul.f32 v62, v61;
	_ =	sdelay $0x1  }
0x55: {  	v13 =	vld [tilespmem:$0x100F0];
	[tilespmem:$0x104E0] =	vst v49  }
0x56: {  	v12 =	vld.idx.msk [tilespmem:v63+s3+$0x0], $0xffff;
	_ =	sdelay $0x2  }
0x57: {  	v14 =	vor.u32 $0x10, v1;
	_ =	sdelay $0x1  }
0x58: {  	v51 =	vmul.f32 v13, v12;
	_ =	sdelay $0x1  }
0x59: {  	v16 =	vld [tilespmem:$0x10100];
	[tilespmem:$0x104F0] =	vst v51  }
0x5a: {  	v15 =	vld.idx.msk [tilespmem:v14+s3+$0x0], $0xffff;
	_ =	sdelay $0x2  }
0x5b: {  	v17 =	vor.u32 $0x11, v1;
	_ =	sdelay $0x1  }
0x5c: {  	v46 =	vmul.f32 v16, v15;
	_ =	sdelay $0x1  }
0x5d: {  	v19 =	vld [tilespmem:$0x10110];
	[tilespmem:$0x10500] =	vst v46  }
0x5e: {  	v18 =	vld.idx.msk [tilespmem:v17+s3+$0x0], $0xffff;
	_ =	sdelay $0x2  }
0x5f: {  	v20 =	vor.u32 $0x12, v1;
	_ =	sdelay $0x1  }
0x60: {  	v48 =	vmul.f32 v19, v18;
	_ =	sdelay $0x1  }
0x61: {  	v22 =	vld [tilespmem:$0x10120];
	[tilespmem:$0x10510] =	vst v48  }
0x62: {  	v21 =	vld.idx.msk [tilespmem:v20+s3+$0x0], $0xffff;
	_ =	sdelay $0x2  }
0x63: {  	v23 =	vor.u32 $0x13, v1;
	_ =	sdelay $0x1  }
0x64: {  	v50 =	vmul.f32 v22, v21;
	_ =	sdelay $0x1  }
0x65: {  	v25 =	vld [tilespmem:$0x10130];
	[tilespmem:$0x10520] =	vst v50  }
0x66: {  	v24 =	vld.idx.msk [tilespmem:v23+s3+$0x0], $0xffff;
	_ =	sdelay $0x2  }
0x67: {  	v26 =	vor.u32 $0x14, v1;
	_ =	sdelay $0x1  }
0x68: {  	v52 =	vmul.f32 v25, v24;
	_ =	sdelay $0x1  }
0x69: {  	v28 =	vld [tilespmem:$0x10140];
	[tilespmem:$0x10530] =	vst v52  }
0x6a: {  	v27 =	vld.idx.msk [tilespmem:v26+s3+$0x0], $0xffff;
	_ =	sdelay $0x2  }
0x6b: {  	v29 =	vor.u32 $0x15, v1;
	_ =	sdelay $0x1  }
0x6c: {  	v53 =	vmul.f32 v28, v27;
	_ =	sdelay $0x1  }
0x6d: {  	v31 =	vld [tilespmem:$0x10150];
	[tilespmem:$0x10540] =	vst v53  }
0x6e: {  	v30 =	vld.idx.msk [tilespmem:v29+s3+$0x0], $0xffff;
	_ =	sdelay $0x2  }
0x6f: {  	v32 =	vor.u32 $0x16, v1;
	_ =	sdelay $0x1  }
0x70: {  	v55 =	vmul.f32 v31, v30;
	_ =	sdelay $0x1  }
0x71: {  	v34 =	vld [tilespmem:$0x10160];
	[tilespmem:$0x10550] =	vst v55  }
0x72: {  	v33 =	vld.idx.msk [tilespmem:v32+s3+$0x0], $0xffff;
	_ =	sdelay $0x2  }
0x73: {  	v54 =	vor.u32 $0x17, v1;
	_ =	sdelay $0x1  }
0x74: {  	v6 =	vmul.f32 v34, v33;
	_ =	sdelay $0x1  }
0x75: {  	v57 =	vld [tilespmem:$0x10170];
	[tilespmem:$0x10560] =	vst v6  }
0x76: {  	v56 =	vld.idx.msk [tilespmem:v54+s3+$0x0], $0xffff;
	_ =	sdelay $0x2  }
0x77: {  	v9 =	vor.u32 $0x18, v1;
	_ =	sdelay $0x1  }
0x78: {  	v7 =	vmul.f32 v57, v56;
	_ =	sdelay $0x1  }
0x79: {  	v59 =	vld [tilespmem:$0x10180];
	[tilespmem:$0x10570] =	vst v7  }
0x7a: {  	v58 =	vld.idx.msk [tilespmem:v9+s3+$0x0], $0xffff;
	_ =	sdelay $0x2  }
0x7b: {  	v10 =	vor.u32 $0x19, v1;
	_ =	sdelay $0x1  }
0x7c: {  	v54 =	vmul.f32 v59, v58;
	_ =	sdelay $0x1  }
0x7d: {  	v61 =	vld [tilespmem:$0x10190];
	[tilespmem:$0x10580] =	vst v54  }
0x7e: {  	v60 =	vld.idx.msk [tilespmem:v10+s3+$0x0], $0xffff;
	_ =	sdelay $0x2  }
0x7f: {  	v62 =	vor.u32 $0x1A, v1;
	_ =	sdelay $0x1  }
0x80: {  	v56 =	vmul.f32 v61, v60;
	_ =	sdelay $0x1  }
0x81: {  	v12 =	vld [tilespmem:$0x101A0];
	[tilespmem:$0x10590] =	vst v56  }
0x82: {  	v63 =	vld.idx.msk [tilespmem:v62+s3+$0x0], $0xffff;
	_ =	sdelay $0x2  }
0x83: {  	v13 =	vor.u32 $0x1B, v1;
	_ =	sdelay $0x1  }
0x84: {  	v57 =	vmul.f32 v12, v63;
	_ =	sdelay $0x1  }
0x85: {  	v15 =	vld [tilespmem:$0x101B0];
	[tilespmem:$0x105A0] =	vst v57  }
0x86: {  	v14 =	vld.idx.msk [tilespmem:v13+s3+$0x0], $0xffff;
	_ =	sdelay $0x2  }
0x87: {  	v16 =	vor.u32 $0x1C, v1;
	_ =	sdelay $0x1  }
0x88: {  	v8 =	vmul.f32 v15, v14;
	_ =	sdelay $0x1  }
0x89: {  	v18 =	vld [tilespmem:$0x101C0];
	[tilespmem:$0x105B0] =	vst v8  }
0x8a: {  	v17 =	vld.idx.msk [tilespmem:v16+s3+$0x0], $0xffff;
	_ =	sdelay $0x2  }
0x8b: {  	v11 =	vor.u32 $0x1D, v1;
	_ =	sdelay $0x1  }
0x8c: {  	v58 =	vmul.f32 v18, v17;
	_ =	sdelay $0x1  }
0x8d: {  	v20 =	vld [tilespmem:$0x101D0];
	[tilespmem:$0x105C0] =	vst v58  }
0x8e: {  	v19 =	vld.idx.msk [tilespmem:v11+s3+$0x0], $0xffff;
	_ =	sdelay $0x2  }
0x8f: {  	v21 =	vor.u32 $0x1E, v1;
	_ =	sdelay $0x1  }
0x90: {  	v9 =	vmul.f32 v20, v19;
	_ =	sdelay $0x1  }
0x91: {  	v23 =	vld [tilespmem:$0x101E0];
	[tilespmem:$0x105D0] =	vst v9  }
0x92: {  	v22 =	vld.idx.msk [tilespmem:v21+s3+$0x0], $0xffff;
	_ =	sdelay $0x2  }
0x93: {  	v12 =	vor.u32 $0x1F, v1;
	_ =	sdelay $0x1  }
0x94: {  	v62 =	vmul.f32 v23, v22;
	_ =	sdelay $0x1  }
0x95: {  	v25 =	vld [tilespmem:$0x101F0];
	[tilespmem:$0x105E0] =	vst v62  }
0x96: {  	v24 =	vld.idx.msk [tilespmem:v12+s3+$0x0], $0xffff;
	_ =	sdelay $0x2  }
0x97: {  	v26 =	vor.u32 $0x20, v1;
	_ =	sdelay $0x1  }
0x98: {  	v11 =	vmul.f32 v25, v24;
	_ =	sdelay $0x1  }
0x99: {  	v28 =	vld [tilespmem:$0x10200];
	[tilespmem:$0x105F0] =	vst v11  }
0x9a: {  	v27 =	vld.idx.msk [tilespmem:v26+s3+$0x0], $0xffff;
	_ =	sdelay $0x2  }
0x9b: {  	v13 =	vor.u32 $0x21, v1;
	_ =	sdelay $0x1  }
0x9c: {  	v59 =	vmul.f32 v28, v27;
	_ =	sdelay $0x1  }
0x9d: {  	v30 =	vld [tilespmem:$0x10210];
	[tilespmem:$0x10600] =	vst v59  }
0x9e: {  	v29 =	vld.idx.msk [tilespmem:v13+s3+$0x0], $0xffff;
	_ =	sdelay $0x2  }
0x9f: {  	v31 =	vor.u32 $0x22, v1;
	_ =	sdelay $0x1  }
0xa0: {  	v60 =	vmul.f32 v30, v29;
	_ =	sdelay $0x1  }
0xa1: {  	v33 =	vld [tilespmem:$0x10220];
	[tilespmem:$0x10610] =	vst v60  }
0xa2: {  	v32 =	vld.idx.msk [tilespmem:v31+s3+$0x0], $0xffff;
	_ =	sdelay $0x2  }
0xa3: {  	v34 =	vor.u32 $0x23, v1;
	_ =	sdelay $0x1  }
0xa4: {  	v61 =	vmul.f32 v33, v32;
	_ =	sdelay $0x1  }
0xa5: {  	v16 =	vld [tilespmem:$0x10230];
	[tilespmem:$0x10620] =	vst v61  }
0xa6: {  	v63 =	vld.idx.msk [tilespmem:v34+s3+$0x0], $0xffff;
	_ =	sdelay $0x2  }
0xa7: {  	v17 =	vor.u32 $0x24, v1;
	_ =	sdelay $0x1  }
0xa8: {  	v63 =	vmul.f32 v16, v63;
	_ =	sdelay $0x1  }
0xa9: {  	v19 =	vld [tilespmem:$0x10240];
	[tilespmem:$0x10630] =	vst v63  }
0xaa: {  	v18 =	vld.idx.msk [tilespmem:v17+s3+$0x0], $0xffff;
	_ =	sdelay $0x2  }
0xab: {  	v20 =	vor.u32 $0x25, v1;
	_ =	sdelay $0x1  }
0xac: {  	v10 =	vmul.f32 v19, v18;
	_ =	sdelay $0x1  }
0xad: {  	v22 =	vld [tilespmem:$0x10250];
	[tilespmem:$0x10640] =	vst v10  }
0xae: {  	v21 =	vld.idx.msk [tilespmem:v20+s3+$0x0], $0xffff;
	_ =	sdelay $0x2  }
0xaf: {  	v14 =	vor.u32 $0x26, v1;
	_ =	sdelay $0x1  }
0xb0: {  	v13 =	vmul.f32 v22, v21;
	_ =	sdelay $0x1  }
0xb1: {  	v24 =	vld [tilespmem:$0x10260];
	[tilespmem:$0x10650] =	vst v13  }
0xb2: {  	v23 =	vld.idx.msk [tilespmem:v14+s3+$0x0], $0xffff;
	_ =	sdelay $0x2  }
0xb3: {  	v15 =	vor.u32 $0x27, v1;
	_ =	sdelay $0x1  }
0xb4: {  	v14 =	vmul.f32 v24, v23;
	_ =	sdelay $0x1  }
0xb5: {  	v26 =	vld [tilespmem:$0x10270];
	[tilespmem:$0x10660] =	vst v14  }
0xb6: {  	v25 =	vld.idx.msk [tilespmem:v15+s3+$0x0], $0xffff;
	_ =	sdelay $0x2  }
0xb7: {  	v16 =	vor.u32 $0x28, v1;
	_ =	sdelay $0x1  }
0xb8: {  	v17 =	vmul.f32 v26, v25;
	_ =	sdelay $0x1  }
0xb9: {  	v28 =	vld [tilespmem:$0x10280];
	[tilespmem:$0x10670] =	vst v17  }
0xba: {  	v27 =	vld.idx.msk [tilespmem:v16+s3+$0x0], $0xffff;
	_ =	sdelay $0x2  }
0xbb: {  	v29 =	vor.u32 $0x29, v1;
	_ =	sdelay $0x1  }
0xbc: {  	v12 =	vmul.f32 v28, v27;
	_ =	sdelay $0x1  }
0xbd: {  	v31 =	vld [tilespmem:$0x10290];
	[tilespmem:$0x10680] =	vst v12  }
0xbe: {  	v30 =	vld.idx.msk [tilespmem:v29+s3+$0x0], $0xffff;
	_ =	sdelay $0x2  }
0xbf: {  	v18 =	vor.u32 $0x2A, v1;
	_ =	sdelay $0x1  }
0xc0: {  	v15 =	vmul.f32 v31, v30;
	_ =	sdelay $0x1  }
0xc1: {  	v33 =	vld [tilespmem:$0x102A0];
	[tilespmem:$0x10690] =	vst v15  }
0xc2: {  	v32 =	vld.idx.msk [tilespmem:v18+s3+$0x0], $0xffff;
	_ =	sdelay $0x2  }
0xc3: {  	v19 =	vor.u32 $0x2B, v1;
	_ =	sdelay $0x1  }
0xc4: {  	v16 =	vmul.f32 v33, v32;
	_ =	sdelay $0x1  }
0xc5: {  	v24 =	vld [tilespmem:$0x102B0];
	[tilespmem:$0x106A0] =	vst v16  }
0xc6: {  	v34 =	vld.idx.msk [tilespmem:v19+s3+$0x0], $0xffff;
	_ =	sdelay $0x2  }
0xc7: {  	v20 =	vor.u32 $0x2C, v1;
	_ =	sdelay $0x1  }
0xc8: {  	v18 =	vmul.f32 v24, v34;
	_ =	sdelay $0x1  }
0xc9: {  	v26 =	vld [tilespmem:$0x102C0];
	[tilespmem:$0x106B0] =	vst v18  }
0xca: {  	v25 =	vld.idx.msk [tilespmem:v20+s3+$0x0], $0xffff;
	_ =	sdelay $0x2  }
0xcb: {  	v21 =	vor.u32 $0x2D, v1;
	_ =	sdelay $0x1  }
0xcc: {  	v19 =	vmul.f32 v26, v25;
	_ =	sdelay $0x1  }
0xcd: {  	v28 =	vld [tilespmem:$0x102D0];
	[tilespmem:$0x106C0] =	vst v19  }
0xce: {  	v27 =	vld.idx.msk [tilespmem:v21+s3+$0x0], $0xffff;
	_ =	sdelay $0x2  }
0xcf: {  	v22 =	vor.u32 $0x2E, v1;
	_ =	sdelay $0x1  }
0xd0: {  	v21 =	vmul.f32 v28, v27;
	_ =	sdelay $0x1  }
0xd1: {  	v30 =	vld [tilespmem:$0x102E0];
	[tilespmem:$0x106D0] =	vst v21  }
0xd2: {  	v29 =	vld.idx.msk [tilespmem:v22+s3+$0x0], $0xffff;
	_ =	sdelay $0x2  }
0xd3: {  	v23 =	vor.u32 $0x2F, v1;
	_ =	sdelay $0x1  }
0xd4: {  	v22 =	vmul.f32 v30, v29;
	_ =	sdelay $0x1  }
0xd5: {  	v32 =	vld [tilespmem:$0x102F0];
	[tilespmem:$0x106E0] =	vst v22  }
0xd6: {  	v31 =	vld.idx.msk [tilespmem:v23+s3+$0x0], $0xffff;
	_ =	sdelay $0x2  }
0xd7: {  	v24 =	vor.u32 $0x30, v1;
	_ =	sdelay $0x1  }
0xd8: {  	v25 =	vmul.f32 v32, v31;
	_ =	sdelay $0x1  }
0xd9: {  	v34 =	vld [tilespmem:$0x10300];
	[tilespmem:$0x106F0] =	vst v25  }
0xda: {  	v33 =	vld.idx.msk [tilespmem:v24+s3+$0x0], $0xffff;
	_ =	sdelay $0x2  }
0xdb: {  	v28 =	vor.u32 $0x31, v1;
	_ =	sdelay $0x1  }
0xdc: {  	v20 =	vmul.f32 v34, v33;
	_ =	sdelay $0x1  }
0xdd: {  	v30 =	vld [tilespmem:$0x10310];
	[tilespmem:$0x10700] =	vst v20  }
0xde: {  	v29 =	vld.idx.msk [tilespmem:v28+s3+$0x0], $0xffff;
	_ =	sdelay $0x2  }
0xdf: {  	v26 =	vor.u32 $0x32, v1;
	_ =	sdelay $0x1  }
0xe0: {  	v24 =	vmul.f32 v30, v29;
	_ =	sdelay $0x1  }
0xe1: {  	v32 =	vld [tilespmem:$0x10320];
	[tilespmem:$0x10710] =	vst v24  }
0xe2: {  	v31 =	vld.idx.msk [tilespmem:v26+s3+$0x0], $0xffff;
	_ =	sdelay $0x2  }
0xe3: {  	v27 =	vor.u32 $0x33, v1;
	_ =	sdelay $0x1  }
0xe4: {  	v23 =	vmul.f32 v32, v31;
	_ =	sdelay $0x1  }
0xe5: {  	v34 =	vld [tilespmem:$0x10330];
	[tilespmem:$0x10720] =	vst v23  }
0xe6: {  	v33 =	vld.idx.msk [tilespmem:v27+s3+$0x0], $0xffff;
	_ =	sdelay $0x2  }
0xe7: {  	v28 =	vor.u32 $0x34, v1;
	_ =	sdelay $0x1  }
0xe8: {  	v26 =	vmul.f32 v34, v33;
	_ =	sdelay $0x1  }
0xe9: {  	v33 =	vld [tilespmem:$0x10340];
	[tilespmem:$0x10730] =	vst v26  }
0xea: {  	v32 =	vld.idx.msk [tilespmem:v28+s3+$0x0], $0xffff;
	_ =	sdelay $0x2  }
0xeb: {  	v29 =	vor.u32 $0x35, v1;
	_ =	sdelay $0x1  }
0xec: {  	v27 =	vmul.f32 v33, v32;
	_ =	sdelay $0x1  }
0xed: {  	v33 =	vld [tilespmem:$0x10350];
	[tilespmem:$0x10740] =	vst v27  }
0xee: {  	v34 =	vld.idx.msk [tilespmem:v29+s3+$0x0], $0xffff;
	_ =	sdelay $0x2  }
0xef: {  	v30 =	vor.u32 $0x36, v1;
	_ =	sdelay $0x1  }
0xf0: {  	v29 =	vmul.f32 v33, v34;
	_ =	sdelay $0x1  }
0xf1: {  	[tilespmem:$0x10750] =	vst v29  }
0xf2: {  	v28 =	vld.idx.msk [tilespmem:v30+s3+$0x0], $0xffff  }
0xf3: {  	v30 =	vld [tilespmem:$0x10360];
	_ =	sdelay $0x2  }
0xf4: {  	v32 =	vor.u32 $0x37, v1;
	_ =	sdelay $0x1  }
0xf5: {  	v31 =	vmul.f32 v30, v28;
	_ =	sdelay $0x1  }
0xf6: {  	v30 =	vld [tilespmem:$0x10370];
	[tilespmem:$0x10760] =	vst v31  }
0xf7: {  	v28 =	vld.idx.msk [tilespmem:v32+s3+$0x0], $0xffff;
	_ =	sdelay $0x2  }
0xf8: {  	v34 =	vor.u32 $0x38, v1;
	_ =	sdelay $0x1  }
0xf9: {  	v32 =	vmul.f32 v30, v28;
	_ =	sdelay $0x1  }
0xfa: {  	v30 =	vld [tilespmem:$0x10380];
	[tilespmem:$0x10770] =	vst v32  }
0xfb: {  	v28 =	vld.idx.msk [tilespmem:v34+s3+$0x0], $0xffff;
	_ =	sdelay $0x2  }
0xfc: {  	v34 =	vor.u32 $0x39, v1;
	_ =	sdelay $0x1  }
0xfd: {  	vm0 =	vgt.f32 v4, v2;
	vm5 =	vgt.f32 v5, v3;
	v28 =	vmul.f32 v30, v28  }
0xfe: {  	v2 =	vsel vm0, v4, v2;
	v3 =	vsel vm5, v5, v3  }
0xff: {  	vm6 =	vgt.f32 v3, v2;
	[tilespmem:$0x10780] =	vst v28  }
0x100: {  	v2 =	vsel vm6, v3, v2;
	vm1 =	vgt.f32 v39, v37;
	v30 =	vld.idx.msk [tilespmem:v34+s3+$0x0], $0xffff  }
0x101: {  	v5 =	vsel vm1, v39, v37;
	vm2 =	vgt.f32 v43, v41;
	vm8 =	vgt.f32 v40, v38;
	v34 =	vld [tilespmem:$0x10390]  }
0x102: {  	vm9 =	vgt.f32 v44, v42;
	vm10 =	vgt.f32 v47, v45;
	vm11 =	vgt.f32 v51, v49  }
0x103: {  	v47 =	vsel vm10, v47, v45;
	v45 =	vimm.s32 $0xE;
	v51 =	vsel vm11, v51, v49  }
0x104: {  	vm13 =	vgt.f32 v51, v47;
	vm15 =	vgt.f32 v48, v46;
	vm4 =	vgt.f32 v52, v50  }
0x105: {  	v47 =	vsel vm13, v51, v47;
	v51 =	vsel vm15, v48, v46;
	v46 =	vsel vm4, v52, v50  }
0x106: {  	v50 =	vimm.s32 $0x16;
	v30 =	vmul.f32 v34, v30;
	v34 =	vimm.s32 $0x0  }
0x107: {  	v4 =	vsel vm0, $0x1, v34;
	v34 =	vsel vm2, v43, v41;
	v43 =	vimm.s32 $0x2  }
0x108: {  	v33 =	vor.u32 $0x3A, v1;
	v41 =	vimm.s32 $0x4;
	v39 =	vsel vm5, $0x3, v43  }
0x109: {  	vm3 =	vgt.f32 v34, v5;
	v41 =	vsel vm1, $0x5, v41;
	v43 =	vimm.s32 $0x8  }
0x10a: {  	vm5 =	vgt.f32 v55, v53;
	v3 =	vsel vm3, v34, v5;
	v34 =	vimm.s32 $0x6  }
0x10b: {  	v4 =	vsel vm6, v39, v4;
	vm6 =	vgt.f32 v7, v6;
	v48 =	vsel vm5, v55, v53  }
0x10c: {  	v53 =	vimm.s32 $0x18;
	v55 =	vimm.s32 $0x1A;
	v5 =	vsel vm2, $0x7, v34  }
0x10d: {  	vm7 =	vgt.f32 v3, v2;
	v34 =	vor.u32 $0x3B, v1;
	v6 =	vsel vm6, v7, v6  }
0x10e: {  	v37 =	vld [tilespmem:$0x103A0];
	[tilespmem:$0x10790] =	vst v30;
	v7 =	vsel vm6, $0x17, v50;
	vm6 =	vgt.f32 v63, v61;
	v5 =	vsel vm3, v5, v41  }
0x10f: {  	v33 =	vld.idx.msk [tilespmem:v33+s3+$0x0], $0xffff;
	v50 =	vor.u32 $0x3E, v1;
	v2 =	vsel vm7, v3, v2;
	v3 =	vsel vm7, v5, v4  }
0x110: {  	v4 =	vsel vm8, v40, v38;
	v5 =	vsel vm8, $0x9, v43;
	v43 =	vsel vm11, $0xF, v45  }
0x111: {  	v45 =	vimm.s32 $0x10;
	vm7 =	vgt.f32 v46, v51;
	vm8 =	vgt.f32 v6, v48  }
0x112: {  	vm11 =	vgt.f32 v8, v57;
	v39 =	vsel vm15, $0x11, v45;
	v6 =	vsel vm8, v6, v48  }
0x113: {  	v8 =	vsel vm11, v8, v57;
	v40 =	vsel vm11, $0x1B, v55;
	v57 =	vimm.s32 $0x1E  }
0x114: {  	v37 =	vmul.f32 v37, v33;
	v33 =	vsel vm9, v44, v42;
	v44 =	vimm.s32 $0xA  }
0x115: {  	v38 =	vsel vm9, $0xB, v44;
	v44 =	vimm.s32 $0xC;
	vm12 =	vgt.f32 v33, v4  }
0x116: {  	v48 =	vsel vm6, v63, v61;
	v41 =	vsel vm10, $0xD, v44;
	v4 =	vsel vm12, v33, v4  }
0x117: {  	v5 =	vsel vm12, v38, v5;
	v33 =	vor.u32 $0x3C, v1;
	v38 =	vsel vm7, v46, v51  }
0x118: {  	vm10 =	vgt.f32 v56, v54;
	vm12 =	vgt.f32 v9, v58;
	v44 =	vimm.s32 $0x3A  }
0x119: {  	v42 =	vld [tilespmem:$0x103B0];
	[tilespmem:$0x107A0] =	vst v37;
	v49 =	vsel vm13, v43, v41;
	vm14 =	vgt.f32 v47, v4;
	vm9 =	vgt.f32 v6, v38  }
0x11a: {  	v34 =	vld.idx.msk [tilespmem:v34+s3+$0x0], $0xffff;
	v52 =	vsel vm10, v56, v54;
	v54 =	vor.u32 $0x3D, v1;
	vm13 =	vgt.f32 v11, v62  }
0x11b: {  	v9 =	vsel vm12, v9, v58;
	v56 =	vimm.s32 $0x1C;
	v4 =	vsel vm14, v47, v4  }
0x11c: {  	v5 =	vsel vm14, v49, v5;
	v47 =	vimm.s32 $0x12;
	v49 =	vimm.s32 $0x14  }
0x11d: {  	v6 =	vsel vm9, v6, v38;
	v11 =	vsel vm13, v11, v62;
	vm14 =	vgt.f32 v8, v52  }
0x11e: {  	v41 =	vsel vm4, $0x13, v47;
	v43 =	vsel vm5, $0x15, v49;
	vm15 =	vgt.f32 v11, v9  }
0x11f: {  	v8 =	vsel vm14, v8, v52;
	vm5 =	vgt.f32 v60, v59;
	v34 =	vmul.f32 v42, v34  }
0x120: {  	v47 =	vimm.s32 $0x20;
	v49 =	vimm.s32 $0x22;
	v39 =	vsel vm7, v41, v39  }
0x121: {  	v51 =	vld [tilespmem:$0x103C0];
	v7 =	vsel vm8, v7, v43;
	v9 =	vsel vm15, v11, v9;
	v11 =	vsel vm13, $0x1F, v57;
	[tilespmem:$0x107B0] =	vst v34  }
0x122: {  	v46 =	vsel vm5, v60, v59;
	v38 =	vsel vm5, $0x21, v47;
	vm7 =	vgt.f32 v13, v10;
	v33 =	vld.idx.msk [tilespmem:v33+s3+$0x0], $0xffff  }
0x123: {  	vm8 =	vgt.f32 v17, v14;
	vm13 =	vgt.f32 v18, v16;
	v59 =	vimm.s32 $0x2C  }
0x124: {  	v60 =	vor.u32 $0x3F, v1;
	v1 =	vimm.s32 $0x2E;
	v7 =	vsel vm9, v7, v39  }
0x125: {  	v39 =	vsel vm10, $0x19, v53;
	vm4 =	vgt.f32 v9, v8;
	v10 =	vsel vm7, v13, v10  }
0x126: {  	v14 =	vsel vm8, v17, v14;
	vm9 =	vgt.f32 v48, v46;
	v53 =	vimm.s32 $0x26  }
0x127: {  	v16 =	vsel vm13, v18, v16;
	v42 =	vsel vm12, $0x1D, v56;
	v33 =	vmul.f32 v51, v33  }
0x128: {  	v58 =	vsel vm14, v40, v39;
	v8 =	vsel vm4, v9, v8;
	vm10 =	vgt.f32 v14, v10  }
0x129: {  	v45 =	vld [tilespmem:$0x103D0];
	v39 =	vsel vm8, $0x27, v53;
	vm12 =	vgt.f32 v15, v12;
	v56 =	vimm.s32 $0x28;
	[tilespmem:$0x107C0] =	vst v33  }
0x12a: {  	vm14 =	vgt.f32 v21, v19;
	vm8 =	vgt.f32 v26, v23;
	v40 =	vimm.s32 $0x36;
	v62 =	vld.idx.msk [tilespmem:v54+s3+$0x0], $0xffff  }
0x12b: {  	v11 =	vsel vm15, v11, v42;
	v42 =	vsel vm6, $0x23, v49;
	v10 =	vsel vm10, v14, v10  }
0x12c: {  	v12 =	vsel vm12, v15, v12;
	v14 =	vsel vm12, $0x29, v56;
	v19 =	vsel vm14, v21, v19  }
0x12d: {  	v21 =	vsel vm14, $0x2D, v59;
	vm15 =	vgt.f32 v25, v22;
	v9 =	vsel vm4, v11, v58  }
0x12e: {  	v11 =	vsel vm9, v48, v46;
	v58 =	vimm.s32 $0x2A;
	v22 =	vsel vm15, v25, v22  }
0x12f: {  	vm4 =	vgt.f32 v16, v12;
	v1 =	vsel vm15, $0x2F, v1;
	v52 =	vmul.f32 v45, v62  }
0x130: {  	v25 =	vsel vm8, v26, v23;
	vm14 =	vgt.f32 v34, v37;
	v46 =	vimm.s32 $0x3E  }
0x131: {  	v57 =	vld [tilespmem:$0x103E0];
	vm11 =	vgt.f32 v10, v11;
	v18 =	vsel vm13, $0x2B, v58;
	v12 =	vsel vm4, v16, v12;
	[tilespmem:$0x107D0] =	vst v52  }
0x132: {  	vm5 =	vgt.f32 v22, v19;
	vm13 =	vgt.f32 v30, v28;
	v43 =	vsel vm14, v34, v37;
	v55 =	vld.idx.msk [tilespmem:v50+s3+$0x0], $0xffff  }
0x133: {  	v10 =	vsel vm11, v10, v11;
	v14 =	vsel vm4, v18, v14;
	v51 =	vimm.s32 $0x24  }
0x134: {  	v61 =	vsel vm5, v22, v19;
	v41 =	vsel vm13, v30, v28;
	v13 =	vsel vm7, $0x25, v51  }
0x135: {  	vm6 =	vgt.f32 v61, v12;
	vm7 =	vgt.f32 v24, v20;
	v13 =	vsel vm10, v39, v13  }
0x136: {  	v63 =	vsel vm7, v24, v20;
	vm10 =	vgt.f32 v32, v31;
	v54 =	vsel vm9, v42, v38  }
0x137: {  	v39 =	vimm.s32 $0x34;
	v11 =	vsel vm11, v13, v54;
	v13 =	vmul.f32 v57, v55  }
0x138: {  	vm9 =	vgt.f32 v29, v27;
	v19 =	vsel vm10, $0x37, v40;
	v42 =	vimm.s32 $0x38  }
0x139: {  	v26 =	vsel vm9, v29, v27;
	v27 =	vsel vm10, v32, v31;
	v29 =	vld [tilespmem:$0x103F0];
	v31 =	vimm.s32 $0x30;
	[tilespmem:$0x107E0] =	vst v13  }
0x13a: {  	vm11 =	vgt.f32 v25, v63;
	v32 =	vimm.s32 $0x32;
	v18 =	vsel vm9, $0x35, v39;
	v24 =	vld.idx.msk [tilespmem:v60+s3+$0x0], $0xffff  }
0x13b: {  	vm9 =	vgt.f32 v8, v6;
	vm4 =	vgt.f32 v27, v26;
	v22 =	vsel vm8, $0x33, v32  }
0x13c: {  	vm8 =	vgt.f32 v4, v2;
	v56 =	vsel vm9, v9, v7;
	v38 =	vsel vm4, v27, v26  }
0x13d: {  	v18 =	vsel vm4, v19, v18;
	v19 =	vsel vm13, $0x39, v42;
	v49 =	vsel vm8, v4, v2  }
0x13e: {  	v62 =	vsel vm5, v1, v21;
	v1 =	vsel vm6, v61, v12;
	v21 =	vsel vm7, $0x31, v31  }
0x13f: {  	v45 =	vimm.s32 $0x3C;
	vm5 =	vgt.f32 v43, v41;
	v15 =	vmul.f32 v29, v24  }
0x140: {  	v12 =	vsel vm6, v62, v14;
	v14 =	vsel vm11, v25, v63;
	v21 =	vsel vm11, v22, v21  }
0x141: {  	vm10 =	vgt.f32 v1, v10;
	vm15 =	vgt.f32 v52, v33;
	vm4 =	vgt.f32 v15, v13  }
0x142: {  	vm12 =	vgt.f32 v38, v14;
	v17 =	vsel vm15, v52, v33;
	v13 =	vsel vm4, v15, v13  }
0x143: {  	v59 =	vsel vm10, v12, v11;
	v14 =	vsel vm12, v38, v14;
	vm6 =	vgt.f32 v13, v17  }
0x144: {  	v16 =	vsel vm12, v18, v21;
	v18 =	vsel vm5, v43, v41;
	v13 =	vsel vm6, v13, v17  }
0x145: {  	v21 =	vsel vm14, $0x3B, v44;
	v22 =	vsel vm15, $0x3D, v45;
	vm7 =	vgt.f32 v13, v18  }
0x146: {  	v50 =	vsel vm8, v5, v3;
	v47 =	vsel vm5, v21, v19;
	v13 =	vsel vm7, v13, v18  }
0x147: {  	v55 =	vsel vm9, v8, v6;
	v23 =	vsel vm4, $0x3F, v46;
	vm11 =	vgt.f32 v13, v14  }
0x148: {  	v57 =	vsel vm10, v1, v10;
	v48 =	vsel vm6, v23, v22;
	v58 =	vsel vm11, v13, v14  }
0x149: {  	vm12 =	vgt.f32 v55, v49;
	v17 =	vsel vm7, v48, v47;
	vm13 =	vgt.f32 v58, v57  }
0x14a: {  	v38 =	vld [tilespmem:$0x1FFF0];
	v52 =	vsel vm12, v55, v49;
	v60 =	vsel vm11, v17, v16;
	v53 =	vsel vm13, v58, v57  }
0x14b: {  	v61 =	vsel vm12, v56, v50;
	v62 =	vsel vm13, v60, v59;
	vm0 =	vgt.f32 v53, v52  }
0x14c: {  	v37 =	vsel vm0, v62, v61  }
0x14d: {  	v18 =	vshll.u32 v37, $0x4  }
0x14e: {  	v19 =	vand.u32 $0xFFFFFFF8, v37;
	v54 =	vor.u32 $0x7, v37;
	v18 =	vor.u32 v0, v18  }
0x14f: {  	v63 =	vor.u32 $0x1, v19;
	v55 =	vshll.u32 v54, $0x4;
	v21 =	vand.u32 v38, v18  }
0x150: {  	v40 =	vor.u32 $0x2, v19;
	v39 =	vshll.u32 v63, $0x4;
	v32 =	vor.u32 v0, v55  }
0x151: {  	v42 =	vor.u32 $0x3, v19;
	v41 =	vshll.u32 v40, $0x4;
	v22 =	vor.u32 v0, v39  }
0x152: {  	[tilespmem:$0x107F0] =	vst v15;
	v44 =	vor.u32 $0x4, v19;
	v43 =	vshll.u32 v42, $0x4;
	v24 =	vor.u32 v0, v41  }
0x153: {  	v47 =	vor.u32 $0x5, v19;
	v46 =	vshll.u32 v44, $0x4;
	v45 =	vor.u32 v0, v43;
	[tilespmem:v18+s11+$0x0] =	vst.idx.msk $0xffff, v36  }
0x154: {  	v50 =	vor.u32 $0x6, v19;
	v49 =	vshll.u32 v47, $0x4;
	v48 =	vor.u32 v0, v46;
	v21 =	vld.idx.msk [tilespmem:v21+s11+$0x0], $0xffff  }
0x155: {  	v51 =	vshll.u32 v50, $0x4;
	v26 =	vor.u32 v0, v49;
	v32 =	vld.idx.msk [tilespmem:v32+s11+$0x0], $0xffff  }
0x156: {  	v30 =	vor.u32 v0, v51;
	v22 =	vld.idx.msk [tilespmem:v22+s11+$0x0], $0xffff  }
0x157: {  	v24 =	vld.idx.msk [tilespmem:v24+s11+$0x0], $0xffff  }
0x158: {  	v15 =	vld.idx.msk [tilespmem:v45+s11+$0x0], $0xffff  }
0x159: {  	v18 =	vld.idx.msk [tilespmem:v48+s11+$0x0], $0xffff  }
0x15a: {  	v26 =	vld.idx.msk [tilespmem:v26+s11+$0x0], $0xffff  }
0x15b: {  	v30 =	vld.idx.msk [tilespmem:v30+s11+$0x0], $0xffff  }
0x15c: {  	v56 =	vshrl.u32 v37, $0x3  }
0x15d: {  	vm11 =	veq.s32 v56, $0x0  }
0x15e: {  	vm12 =	veq.s32 v56, $0x1;
	vm13 =	veq.s32 v56, $0x2;
	vm4 =	veq.s32 v56, $0x5  }
0x15f: {  	vm5 =	veq.s32 v56, $0x6;
	vm14 =	vgt.f32 v22, v21;
	vm15 =	vgt.f32 v15, v24  }
0x160: {  	vm6 =	vgt.f32 v26, v18;
	vm7 =	vgt.f32 v32, v30;
	v21 =	vsel vm14, v22, v21  }
0x161: {  	v19 =	vsel vm14, v63, v19;
	v15 =	vsel vm15, v15, v24;
	v57 =	vsel vm15, v42, v40  }
0x162: {  	v18 =	vsel vm6, v26, v18;
	v58 =	vsel vm7, v32, v30;
	v59 =	vsel vm6, v47, v44  }
0x163: {  	v60 =	vsel vm7, v54, v50;
	vm8 =	vgt.f32 v15, v21;
	vm9 =	vgt.f32 v58, v18  }
0x164: {  	vm14 =	veq.s32 v56, $0x3;
	v15 =	vsel vm8, v15, v21;
	v18 =	vsel vm9, v58, v18  }
0x165: {  	v19 =	vsel vm8, v57, v19;
	v61 =	vsel vm9, v60, v59;
	vm10 =	vgt.f32 v18, v15  }
0x166: {  	vm15 =	veq.s32 v56, $0x4;
	v15 =	vsel vm10, v18, v15;
	v62 =	vsel vm10, v61, v19  }
0x167: {  	vm6 =	veq.s32 v56, $0x7;
	v2 =	vsel vm11, v15, v2;
	v3 =	vsel vm11, v62, v3  }
0x168: {  	v4 =	vsel vm12, v15, v4;
	v5 =	vsel vm12, v62, v5;
	v6 =	vsel vm13, v15, v6  }
0x169: {  	v7 =	vsel vm13, v62, v7;
	v8 =	vsel vm14, v15, v8;
	v9 =	vsel vm14, v62, v9  }
0x16a: {  	v10 =	vsel vm15, v15, v10;
	v11 =	vsel vm15, v62, v11;
	v1 =	vsel vm4, v15, v1  }
0x16b: {  	v12 =	vsel vm4, v62, v12;
	v14 =	vsel vm5, v15, v14;
	v16 =	vsel vm5, v62, v16  }
0x16c: {  	v13 =	vsel vm6, v15, v13;
	v15 =	vsel vm6, v62, v17;
	vm7 =	vgt.f32 v4, v2  }
0x16d: {  	vm8 =	vgt.f32 v8, v6;
	vm9 =	vgt.f32 v1, v10;
	vm10 =	vgt.f32 v13, v14  }
0x16e: {  	v63 =	vsel vm7, v4, v2;
	v28 =	vsel vm7, v5, v3;
	v29 =	vsel vm8, v8, v6  }
0x16f: {  	v30 =	vsel vm8, v9, v7;
	v31 =	vsel vm9, v1, v10;
	v32 =	vsel vm10, v13, v14  }
0x170: {  	v33 =	vsel vm9, v12, v11;
	vm11 =	vgt.f32 v29, v63;
	vm12 =	vgt.f32 v32, v31  }
0x171: {  	v34 =	vsel vm10, v15, v16;
	v59 =	vsel vm11, v29, v63;
	v60 =	vsel vm12, v32, v31  }
0x172: {  	v38 =	vsel vm11, v30, v28;
	v39 =	vsel vm12, v34, v33;
	vm1 =	vgt.f32 v60, v59  }
0x173: {  	v38 =	vsel vm1, v39, v38  }
0x174: {  	v17 =	vshll.u32 v38, $0x4  }
0x175: {  	v18 =	vand.u32 $0xFFFFFFF8, v38;
	v56 =	vor.u32 $0x7, v38;
	v17 =	vor.u32 v0, v17  }
0x176: {  	v40 =	vor.u32 $0x1, v18;
	v57 =	vshll.u32 v56, $0x4;
	v41 =	vand.u32 v35, v17  }
0x177: {  	v43 =	vor.u32 $0x2, v18;
	v42 =	vshll.u32 v40, $0x4;
	v32 =	vor.u32 v0, v57  }
0x178: {  	v45 =	vor.u32 $0x3, v18;
	v44 =	vshll.u32 v43, $0x4;
	v21 =	vor.u32 v0, v42  }
0x179: {  	v47 =	vor.u32 $0x4, v18;
	v46 =	vshll.u32 v45, $0x4;
	v23 =	vor.u32 v0, v44  }
0x17a: {  	v49 =	vor.u32 $0x5, v18;
	v48 =	vshll.u32 v47, $0x4;
	v25 =	vor.u32 v0, v46;
	[tilespmem:v17+s11+$0x0] =	vst.idx.msk $0xffff, v36  }
0x17b: {  	v54 =	vor.u32 $0x6, v18;
	v51 =	vshll.u32 v49, $0x4;
	v50 =	vor.u32 v0, v48;
	v20 =	vld.idx.msk [tilespmem:v41+s11+$0x0], $0xffff  }
0x17c: {  	v55 =	vshll.u32 v54, $0x4;
	v27 =	vor.u32 v0, v51;
	v32 =	vld.idx.msk [tilespmem:v32+s11+$0x0], $0xffff  }
0x17d: {  	v30 =	vor.u32 v0, v55;
	v21 =	vld.idx.msk [tilespmem:v21+s11+$0x0], $0xffff  }
0x17e: {  	v23 =	vld.idx.msk [tilespmem:v23+s11+$0x0], $0xffff  }
0x17f: {  	v25 =	vld.idx.msk [tilespmem:v25+s11+$0x0], $0xffff  }
0x180: {  	v17 =	vld.idx.msk [tilespmem:v50+s11+$0x0], $0xffff  }
0x181: {  	v27 =	vld.idx.msk [tilespmem:v27+s11+$0x0], $0xffff  }
0x182: {  	v30 =	vld.idx.msk [tilespmem:v30+s11+$0x0], $0xffff  }
0x183: {  	v58 =	vshrl.u32 v38, $0x3  }
0x184: {  	vm12 =	veq.s32 v58, $0x0  }
0x185: {  	vm4 =	veq.s32 v58, $0x4;
	vm5 =	veq.s32 v58, $0x5;
	vm6 =	veq.s32 v58, $0x6  }
0x186: {  	vm7 =	veq.s32 v58, $0x7;
	vm13 =	vgt.f32 v21, v20;
	vm14 =	vgt.f32 v25, v23  }
0x187: {  	vm15 =	vgt.f32 v27, v17;
	vm8 =	vgt.f32 v32, v30;
	v20 =	vsel vm13, v21, v20  }
0x188: {  	v18 =	vsel vm13, v40, v18;
	v61 =	vsel vm14, v25, v23;
	v62 =	vsel vm14, v45, v43  }
0x189: {  	v17 =	vsel vm15, v27, v17;
	v63 =	vsel vm8, v32, v30;
	v30 =	vsel vm15, v49, v47  }
0x18a: {  	v31 =	vsel vm8, v56, v54;
	vm9 =	vgt.f32 v61, v20;
	vm10 =	vgt.f32 v63, v17  }
0x18b: {  	vm13 =	veq.s32 v58, $0x1;
	v19 =	vsel vm9, v61, v20;
	v17 =	vsel vm10, v63, v17  }
0x18c: {  	v18 =	vsel vm9, v62, v18;
	v32 =	vsel vm10, v31, v30;
	vm11 =	vgt.f32 v17, v19  }
0x18d: {  	vm14 =	veq.s32 v58, $0x2;
	v17 =	vsel vm11, v17, v19;
	v18 =	vsel vm11, v32, v18  }
0x18e: {  	vm15 =	veq.s32 v58, $0x3;
	v19 =	vsel vm12, v17, v2;
	v3 =	vsel vm12, v18, v3  }
0x18f: {  	v4 =	vsel vm13, v17, v4;
	v5 =	vsel vm13, v18, v5;
	v6 =	vsel vm14, v17, v6  }
0x190: {  	v7 =	vsel vm14, v18, v7;
	v8 =	vsel vm15, v17, v8;
	v9 =	vsel vm15, v18, v9  }
0x191: {  	v10 =	vsel vm4, v17, v10;
	v11 =	vsel vm4, v18, v11;
	v20 =	vsel vm5, v17, v1  }
0x192: {  	v12 =	vsel vm5, v18, v12;
	v14 =	vsel vm6, v17, v14;
	v16 =	vsel vm6, v18, v16  }
0x193: {  	v13 =	vsel vm7, v17, v13;
	v15 =	vsel vm7, v18, v15;
	vm8 =	vgt.f32 v4, v19  }
0x194: {  	vm9 =	vgt.f32 v8, v6;
	vm10 =	vgt.f32 v20, v10;
	vm11 =	vgt.f32 v13, v14  }
0x195: {  	v1 =	vsel vm8, v4, v19;
	v33 =	vsel vm8, v5, v3;
	v2 =	vsel vm9, v8, v6  }
0x196: {  	v34 =	vsel vm9, v9, v7;
	v39 =	vsel vm10, v20, v10;
	v40 =	vsel vm11, v13, v14  }
0x197: {  	v41 =	vsel vm10, v12, v11;
	vm12 =	vgt.f32 v2, v1;
	vm13 =	vgt.f32 v40, v39  }
0x198: {  	v42 =	vsel vm11, v15, v16;
	v1 =	vsel vm12, v2, v1;
	v2 =	vsel vm13, v40, v39  }
0x199: {  	v17 =	vsel vm12, v34, v33;
	v43 =	vsel vm13, v42, v41;
	vm2 =	vgt.f32 v2, v1  }
0x19a: {  	v39 =	vsel vm2, v43, v17  }
0x19b: {  	v17 =	vshll.u32 v39, $0x4  }
0x19c: {  	v18 =	vand.u32 $0xFFFFFFF8, v39;
	v61 =	vor.u32 $0x7, v39;
	v17 =	vor.u32 v0, v17  }
0x19d: {  	v21 =	vor.u32 $0x1, v18;
	v62 =	vshll.u32 v61, $0x4;
	v44 =	vand.u32 v35, v17  }
0x19e: {  	v46 =	vor.u32 $0x2, v18;
	v45 =	vshll.u32 v21, $0x4;
	v34 =	vor.u32 v0, v62  }
0x19f: {  	v48 =	vor.u32 $0x3, v18;
	v47 =	vshll.u32 v46, $0x4;
	v23 =	vor.u32 v0, v45  }
0x1a0: {  	v50 =	vor.u32 $0x4, v18;
	v49 =	vshll.u32 v48, $0x4;
	v25 =	vor.u32 v0, v47  }
0x1a1: {  	v54 =	vor.u32 $0x5, v18;
	v51 =	vshll.u32 v50, $0x4;
	v27 =	vor.u32 v0, v49;
	[tilespmem:v17+s11+$0x0] =	vst.idx.msk $0xffff, v36  }
0x1a2: {  	v57 =	vor.u32 $0x6, v18;
	v56 =	vshll.u32 v54, $0x4;
	v55 =	vor.u32 v0, v51;
	v22 =	vld.idx.msk [tilespmem:v44+s11+$0x0], $0xffff  }
0x1a3: {  	v58 =	vshll.u32 v57, $0x4;
	v29 =	vor.u32 v0, v56;
	v34 =	vld.idx.msk [tilespmem:v34+s11+$0x0], $0xffff  }
0x1a4: {  	v32 =	vor.u32 v0, v58;
	v23 =	vld.idx.msk [tilespmem:v23+s11+$0x0], $0xffff  }
0x1a5: {  	v25 =	vld.idx.msk [tilespmem:v25+s11+$0x0], $0xffff  }
0x1a6: {  	v27 =	vld.idx.msk [tilespmem:v27+s11+$0x0], $0xffff  }
0x1a7: {  	v17 =	vld.idx.msk [tilespmem:v55+s11+$0x0], $0xffff  }
0x1a8: {  	v29 =	vld.idx.msk [tilespmem:v29+s11+$0x0], $0xffff  }
0x1a9: {  	v32 =	vld.idx.msk [tilespmem:v32+s11+$0x0], $0xffff  }
0x1aa: {  	v63 =	vshrl.u32 v39, $0x3  }
0x1ab: {  	vm12 =	veq.s32 v63, $0x0  }
0x1ac: {  	vm13 =	veq.s32 v63, $0x1;
	vm6 =	veq.s32 v63, $0x4;
	vm7 =	veq.s32 v63, $0x5  }
0x1ad: {  	vm14 =	vgt.f32 v23, v22;
	vm15 =	vgt.f32 v27, v25;
	vm8 =	vgt.f32 v29, v17  }
0x1ae: {  	vm5 =	vgt.f32 v34, v32;
	v22 =	vsel vm14, v23, v22;
	v18 =	vsel vm14, v21, v18  }
0x1af: {  	v42 =	vsel vm15, v27, v25;
	v43 =	vsel vm15, v48, v46;
	v17 =	vsel vm8, v29, v17  }
0x1b0: {  	v44 =	vsel vm5, v34, v32;
	v45 =	vsel vm8, v54, v50;
	v46 =	vsel vm5, v61, v57  }
0x1b1: {  	vm14 =	veq.s32 v63, $0x2;
	vm9 =	vgt.f32 v42, v22;
	vm10 =	vgt.f32 v44, v17  }
0x1b2: {  	vm15 =	veq.s32 v63, $0x3;
	v21 =	vsel vm9, v42, v22;
	v17 =	vsel vm10, v44, v17  }
0x1b3: {  	v18 =	vsel vm9, v43, v18;
	v47 =	vsel vm10, v46, v45;
	vm11 =	vgt.f32 v17, v21  }
0x1b4: {  	vm8 =	veq.s32 v63, $0x6;
	v17 =	vsel vm11, v17, v21;
	v18 =	vsel vm11, v47, v18  }
0x1b5: {  	vm9 =	veq.s32 v63, $0x7;
	v19 =	vsel vm12, v17, v19;
	v21 =	vsel vm12, v18, v3  }
0x1b6: {  	v4 =	vsel vm13, v17, v4;
	v5 =	vsel vm13, v18, v5;
	v6 =	vsel vm14, v17, v6  }
0x1b7: {  	v7 =	vsel vm14, v18, v7;
	v8 =	vsel vm15, v17, v8;
	v9 =	vsel vm15, v18, v9  }
0x1b8: {  	v10 =	vsel vm6, v17, v10;
	v11 =	vsel vm6, v18, v11;
	v20 =	vsel vm7, v17, v20  }
0x1b9: {  	v12 =	vsel vm7, v18, v12;
	v14 =	vsel vm8, v17, v14;
	v16 =	vsel vm8, v18, v16  }
0x1ba: {  	v13 =	vsel vm9, v17, v13;
	v15 =	vsel vm9, v18, v15;
	vm10 =	vgt.f32 v4, v19  }
0x1bb: {  	vm11 =	vgt.f32 v8, v6;
	vm12 =	vgt.f32 v20, v10;
	vm13 =	vgt.f32 v13, v14  }
0x1bc: {  	v3 =	vsel vm10, v4, v19;
	v48 =	vsel vm10, v5, v21;
	v49 =	vsel vm11, v8, v6  }
0x1bd: {  	v50 =	vsel vm11, v9, v7;
	v51 =	vsel vm12, v20, v10;
	v54 =	vsel vm13, v13, v14  }
0x1be: {  	v55 =	vsel vm12, v12, v11;
	vm14 =	vgt.f32 v49, v3;
	vm15 =	vgt.f32 v54, v51  }
0x1bf: {  	v56 =	vsel vm13, v15, v16;
	v3 =	vsel vm14, v49, v3;
	v61 =	vsel vm15, v54, v51  }
0x1c0: {  	v17 =	vsel vm14, v50, v48;
	v57 =	vsel vm15, v56, v55;
	vm3 =	vgt.f32 v61, v3  }
0x1c1: {  	v40 =	vsel vm3, v57, v17  }
0x1c2: {  	v17 =	vshll.u32 v40, $0x4  }
0x1c3: {  	v18 =	vand.u32 $0xFFFFFFF8, v40;
	v56 =	vor.u32 $0x7, v40;
	v17 =	vor.u32 v0, v17  }
0x1c4: {  	v22 =	vor.u32 $0x1, v18;
	v57 =	vshll.u32 v56, $0x4;
	v58 =	vand.u32 v35, v17  }
0x1c5: {  	v63 =	vor.u32 $0x2, v18;
	v62 =	vshll.u32 v22, $0x4;
	v41 =	vor.u32 v0, v57  }
0x1c6: {  	v45 =	vor.u32 $0x3, v18;
	v44 =	vshll.u32 v63, $0x4;
	v24 =	vor.u32 v0, v62  }
0x1c7: {  	v47 =	vor.u32 $0x4, v18;
	v46 =	vshll.u32 v45, $0x4;
	v26 =	vor.u32 v0, v44  }
0x1c8: {  	v49 =	vor.u32 $0x5, v18;
	v48 =	vshll.u32 v47, $0x4;
	v28 =	vor.u32 v0, v46;
	[tilespmem:v17+s11+$0x0] =	vst.idx.msk $0xffff, v36  }
0x1c9: {  	v54 =	vor.u32 $0x6, v18;
	v51 =	vshll.u32 v49, $0x4;
	v50 =	vor.u32 v0, v48;
	v23 =	vld.idx.msk [tilespmem:v58+s11+$0x0], $0xffff  }
0x1ca: {  	v55 =	vshll.u32 v54, $0x4;
	v30 =	vor.u32 v0, v51;
	v41 =	vld.idx.msk [tilespmem:v41+s11+$0x0], $0xffff  }
0x1cb: {  	v33 =	vor.u32 v0, v55;
	v24 =	vld.idx.msk [tilespmem:v24+s11+$0x0], $0xffff  }
0x1cc: {  	v26 =	vld.idx.msk [tilespmem:v26+s11+$0x0], $0xffff  }
0x1cd: {  	v28 =	vld.idx.msk [tilespmem:v28+s11+$0x0], $0xffff  }
0x1ce: {  	v17 =	vld.idx.msk [tilespmem:v50+s11+$0x0], $0xffff  }
0x1cf: {  	v30 =	vld.idx.msk [tilespmem:v30+s11+$0x0], $0xffff  }
0x1d0: {  	v33 =	vld.idx.msk [tilespmem:v33+s11+$0x0], $0xffff;
	_ =	sdelay $0x1  }
0x1d1: {  	v58 =	vshrl.u32 v40, $0x3  }
0x1d2: {  	vm14 =	veq.s32 v58, $0x0  }
0x1d3: {  	vm15 =	veq.s32 v58, $0x1;
	vm8 =	vgt.f32 v24, v23;
	vm9 =	vgt.f32 v28, v26  }
0x1d4: {  	vm10 =	vgt.f32 v30, v17;
	vm6 =	vgt.f32 v41, v33;
	v23 =	vsel vm8, v24, v23  }
0x1d5: {  	v18 =	vsel vm8, v22, v18;
	v62 =	vsel vm9, v28, v26;
	v63 =	vsel vm9, v45, v63  }
0x1d6: {  	v17 =	vsel vm10, v30, v17;
	v43 =	vsel vm6, v41, v33;
	v44 =	vsel vm10, v49, v47  }
0x1d7: {  	v45 =	vsel vm6, v56, v54;
	vm8 =	veq.s32 v58, $0x2;
	vm9 =	veq.s32 v58, $0x3  }
0x1d8: {  	vm10 =	veq.s32 v58, $0x4;
	vm11 =	vgt.f32 v62, v23;
	vm12 =	vgt.f32 v43, v17  }
0x1d9: {  	v22 =	vsel vm11, v62, v23;
	v17 =	vsel vm12, v43, v17;
	v18 =	vsel vm11, v63, v18  }
0x1da: {  	v46 =	vsel vm12, v45, v44;
	vm11 =	veq.s32 v58, $0x5;
	vm13 =	vgt.f32 v17, v22  }
0x1db: {  	vm12 =	veq.s32 v58, $0x6;
	v17 =	vsel vm13, v17, v22;
	v18 =	vsel vm13, v46, v18  }
0x1dc: {  	vm13 =	veq.s32 v58, $0x7;
	v19 =	vsel vm14, v17, v19;
	v21 =	vsel vm14, v18, v21  }
0x1dd: {  	v22 =	vsel vm15, v17, v4;
	v23 =	vsel vm15, v18, v5;
	v6 =	vsel vm8, v17, v6  }
0x1de: {  	v7 =	vsel vm8, v18, v7;
	v8 =	vsel vm9, v17, v8;
	v9 =	vsel vm9, v18, v9  }
0x1df: {  	v10 =	vsel vm10, v17, v10;
	v11 =	vsel vm10, v18, v11;
	v20 =	vsel vm11, v17, v20  }
0x1e0: {  	v12 =	vsel vm11, v18, v12;
	v14 =	vsel vm12, v17, v14;
	v16 =	vsel vm12, v18, v16  }
0x1e1: {  	v13 =	vsel vm13, v17, v13;
	v15 =	vsel vm13, v18, v15;
	vm14 =	vgt.f32 v22, v19  }
0x1e2: {  	vm15 =	vgt.f32 v8, v6;
	vm9 =	vgt.f32 v20, v10;
	vm10 =	vgt.f32 v13, v14  }
0x1e3: {  	v4 =	vsel vm14, v22, v19;
	v47 =	vsel vm14, v23, v21;
	v48 =	vsel vm15, v8, v6  }
0x1e4: {  	v49 =	vsel vm15, v9, v7;
	v50 =	vsel vm9, v20, v10;
	v51 =	vsel vm10, v13, v14  }
0x1e5: {  	v54 =	vsel vm9, v12, v11;
	vm11 =	vgt.f32 v48, v4;
	vm12 =	vgt.f32 v51, v50  }
0x1e6: {  	v55 =	vsel vm10, v15, v16;
	v4 =	vsel vm11, v48, v4;
	v5 =	vsel vm12, v51, v50  }
0x1e7: {  	v17 =	vsel vm11, v49, v47;
	v56 =	vsel vm12, v55, v54;
	vm5 =	vgt.f32 v5, v4  }
0x1e8: {  	v41 =	vsel vm5, v56, v17  }
0x1e9: {  	v17 =	vshll.u32 v41, $0x4;
	v18 =	vand.u32 $0xFFFFFFF8, v41  }
0x1ea: {  	v17 =	vor.u32 v0, v17;
	v24 =	vor.u32 $0x1, v18  }
0x1eb: {  	v27 =	vor.u32 $0x2, v18;
	v57 =	vand.u32 v35, v17;
	v58 =	vshll.u32 v24, $0x4  }
0x1ec: {  	v63 =	vor.u32 $0x3, v18;
	v62 =	vshll.u32 v27, $0x4;
	v26 =	vor.u32 v0, v58  }
0x1ed: {  	v31 =	vor.u32 $0x4, v18;
	v47 =	vshll.u32 v63, $0x4;
	v28 =	vor.u32 v0, v62  }
0x1ee: {  	v49 =	vor.u32 $0x5, v18;
	v48 =	vshll.u32 v31, $0x4;
	v30 =	vor.u32 v0, v47  }
0x1ef: {  	v54 =	vor.u32 $0x6, v18;
	v51 =	vshll.u32 v49, $0x4;
	v50 =	vor.u32 v0, v48;
	[tilespmem:v17+s11+$0x0] =	vst.idx.msk $0xffff, v36  }
0x1f0: {  	v56 =	vor.u32 $0x7, v41;
	v55 =	vshll.u32 v54, $0x4;
	v32 =	vor.u32 v0, v51;
	v25 =	vld.idx.msk [tilespmem:v57+s11+$0x0], $0xffff  }
0x1f1: {  	v42 =	vor.u32 v0, v55;
	v57 =	vshll.u32 v56, $0x4;
	v26 =	vld.idx.msk [tilespmem:v26+s11+$0x0], $0xffff  }
0x1f2: {  	v28 =	vld.idx.msk [tilespmem:v28+s11+$0x0], $0xffff;
	v44 =	vor.u32 v0, v57  }
0x1f3: {  	v30 =	vld.idx.msk [tilespmem:v30+s11+$0x0], $0xffff  }
0x1f4: {  	v17 =	vld.idx.msk [tilespmem:v50+s11+$0x0], $0xffff  }
0x1f5: {  	v32 =	vld.idx.msk [tilespmem:v32+s11+$0x0], $0xffff  }
0x1f6: {  	v42 =	vld.idx.msk [tilespmem:v42+s11+$0x0], $0xffff  }
0x1f7: {  	v58 =	vshrl.u32 v41, $0x3;
	v44 =	vld.idx.msk [tilespmem:v44+s11+$0x0], $0xffff  }
0x1f8: {  	vm12 =	veq.s32 v58, $0x0  }
0x1f9: {  	vm8 =	veq.s32 v58, $0x4;
	vm13 =	vgt.f32 v26, v25;
	vm14 =	vgt.f32 v30, v28  }
0x1fa: {  	vm15 =	vgt.f32 v32, v17;
	v25 =	vsel vm13, v26, v25;
	v18 =	vsel vm13, v24, v18  }
0x1fb: {  	v62 =	vsel vm14, v30, v28;
	v63 =	vsel vm14, v63, v27;
	v17 =	vsel vm15, v32, v17  }
0x1fc: {  	vm13 =	veq.s32 v58, $0x1;
	vm9 =	vgt.f32 v62, v25;
	vm7 =	vgt.f32 v44, v42  }
0x1fd: {  	vm14 =	veq.s32 v58, $0x2;
	v24 =	vsel vm9, v62, v25;
	v32 =	vsel vm7, v44, v42  }
0x1fe: {  	v18 =	vsel vm9, v63, v18;
	vm9 =	veq.s32 v58, $0x5;
	vm10 =	vgt.f32 v32, v17  }
0x1ff: {  	v42 =	vsel vm15, v49, v31;
	v43 =	vsel vm7, v56, v54;
	v17 =	vsel vm10, v32, v17  }
0x200: {  	vm15 =	veq.s32 v58, $0x3;
	v44 =	vsel vm10, v43, v42;
	vm11 =	vgt.f32 v17, v24  }
0x201: {  	vm10 =	veq.s32 v58, $0x6;
	v17 =	vsel vm11, v17, v24;
	v18 =	vsel vm11, v44, v18  }
0x202: {  	vm11 =	veq.s32 v58, $0x7;
	v19 =	vsel vm12, v17, v19;
	v21 =	vsel vm12, v18, v21  }
0x203: {  	v22 =	vsel vm13, v17, v22;
	v23 =	vsel vm13, v18, v23;
	v6 =	vsel vm14, v17, v6  }
0x204: {  	v7 =	vsel vm14, v18, v7;
	v8 =	vsel vm15, v17, v8;
	v9 =	vsel vm15, v18, v9  }
0x205: {  	v24 =	vsel vm8, v17, v10;
	v25 =	vsel vm8, v18, v11;
	v20 =	vsel vm9, v17, v20  }
0x206: {  	v26 =	vsel vm9, v18, v12;
	v27 =	vsel vm10, v17, v14;
	v16 =	vsel vm10, v18, v16  }
0x207: {  	v17 =	vsel vm11, v17, v13;
	v18 =	vsel vm11, v18, v15;
	vm12 =	vgt.f32 v22, v19  }
0x208: {  	vm13 =	vgt.f32 v8, v6;
	vm14 =	vgt.f32 v20, v24;
	vm15 =	vgt.f32 v17, v27  }
0x209: {  	v45 =	vsel vm12, v22, v19;
	v46 =	vsel vm12, v23, v21;
	v47 =	vsel vm13, v8, v6  }
0x20a: {  	v48 =	vsel vm13, v9, v7;
	v49 =	vsel vm14, v20, v24;
	v50 =	vsel vm15, v17, v27  }
0x20b: {  	v51 =	vsel vm14, v26, v25;
	vm9 =	vgt.f32 v47, v45;
	vm10 =	vgt.f32 v50, v49  }
0x20c: {  	v54 =	vsel vm15, v18, v16;
	v11 =	vsel vm9, v47, v45;
	v12 =	vsel vm10, v50, v49  }
0x20d: {  	v55 =	vsel vm9, v48, v46;
	v56 =	vsel vm10, v54, v51;
	vm4 =	vgt.f32 v12, v11  }
0x20e: {  	v42 =	vsel vm4, v56, v55  }
0x20f: {  	v10 =	vshll.u32 v42, $0x4;
	v13 =	vand.u32 $0xFFFFFFF8, v42  }
0x210: {  	v10 =	vor.u32 v0, v10;
	v14 =	vor.u32 $0x1, v13  }
0x211: {  	v29 =	vor.u32 $0x2, v13;
	v57 =	vand.u32 v35, v10;
	v58 =	vshll.u32 v14, $0x4  }
0x212: {  	v63 =	vor.u32 $0x3, v13;
	v62 =	vshll.u32 v29, $0x4;
	v28 =	vor.u32 v0, v58  }
0x213: {  	v33 =	vor.u32 $0x4, v13;
	v48 =	vshll.u32 v63, $0x4;
	v30 =	vor.u32 v0, v62  }
0x214: {  	v43 =	vor.u32 $0x5, v13;
	v49 =	vshll.u32 v33, $0x4;
	v32 =	vor.u32 v0, v48  }
0x215: {  	v51 =	vshll.u32 v43, $0x4;
	v50 =	vor.u32 v0, v49;
	[tilespmem:v10+s11+$0x0] =	vst.idx.msk $0xffff, v36  }
0x216: {  	v54 =	vor.u32 $0x6, v13;
	v34 =	vor.u32 v0, v51;
	v15 =	vld.idx.msk [tilespmem:v57+s11+$0x0], $0xffff  }
0x217: {  	v56 =	vor.u32 $0x7, v42;
	v55 =	vshll.u32 v54, $0x4;
	v28 =	vld.idx.msk [tilespmem:v28+s11+$0x0], $0xffff  }
0x218: {  	v45 =	vor.u32 v0, v55;
	v57 =	vshll.u32 v56, $0x4;
	v30 =	vld.idx.msk [tilespmem:v30+s11+$0x0], $0xffff  }
0x219: {  	v47 =	vor.u32 v0, v57;
	v32 =	vld.idx.msk [tilespmem:v32+s11+$0x0], $0xffff  }
0x21a: {  	v10 =	vld.idx.msk [tilespmem:v50+s11+$0x0], $0xffff  }
0x21b: {  	v34 =	vld.idx.msk [tilespmem:v34+s11+$0x0], $0xffff;
	_ =	sdelay $0x1  }
0x21c: {  	v45 =	vld.idx.msk [tilespmem:v45+s11+$0x0], $0xffff  }
0x21d: {  	v58 =	vshrl.u32 v42, $0x3;
	v47 =	vld.idx.msk [tilespmem:v47+s11+$0x0], $0xffff  }
0x21e: {  	vm10 =	veq.s32 v58, $0x0  }
0x21f: {  	vm11 =	vgt.f32 v28, v15;
	vm12 =	vgt.f32 v32, v30;
	vm13 =	vgt.f32 v34, v10  }
0x220: {  	v15 =	vsel vm11, v28, v15;
	v13 =	vsel vm11, v14, v13;
	v62 =	vsel vm12, v32, v30  }
0x221: {  	v63 =	vsel vm12, v63, v29;
	v10 =	vsel vm13, v34, v10;
	v48 =	vsel vm13, v43, v33  }
0x222: {  	vm11 =	veq.s32 v58, $0x1;
	vm12 =	veq.s32 v58, $0x2;
	vm8 =	vgt.f32 v47, v45  }
0x223: {  	vm13 =	veq.s32 v58, $0x3;
	vm14 =	vgt.f32 v62, v15;
	v47 =	vsel vm8, v47, v45  }
0x224: {  	v14 =	vsel vm14, v62, v15;
	v13 =	vsel vm14, v63, v13;
	vm15 =	vgt.f32 v47, v10  }
0x225: {  	vm14 =	veq.s32 v58, $0x4;
	v49 =	vsel vm8, v56, v54;
	v10 =	vsel vm15, v47, v10  }
0x226: {  	v50 =	vsel vm15, v49, v48;
	vm15 =	veq.s32 v58, $0x5;
	vm9 =	vgt.f32 v10, v14  }
0x227: {  	v54 =	vsel vm9, v10, v14;
	v55 =	vsel vm9, v50, v13;
	vm9 =	veq.s32 v58, $0x6  }
0x228: {  	v15 =	vsel vm10, v54, v19;
	v43 =	vsel vm10, v55, v21;
	v14 =	vsel vm11, v54, v22  }
0x229: {  	v46 =	vsel vm11, v55, v23;
	v13 =	vsel vm12, v54, v6;
	v48 =	vsel vm12, v55, v7  }
0x22a: {  	v10 =	vsel vm13, v54, v8;
	v47 =	vsel vm13, v55, v9;
	v9 =	vsel vm14, v54, v24  }
0x22b: {  	v45 =	vsel vm14, v55, v25;
	v8 =	vsel vm15, v54, v20;
	v49 =	vsel vm15, v55, v26  }
0x22c: {  	v7 =	vsel vm9, v54, v27;
	v50 =	vsel vm9, v55, v16;
	vm10 =	veq.s32 v58, $0x7  }
0x22d: {  	v6 =	vsel vm10, v54, v17;
	v44 =	vsel vm10, v55, v18;
	vm11 =	vgt.f32 v14, v15  }
0x22e: {  	vm12 =	vgt.f32 v10, v13;
	vm13 =	vgt.f32 v8, v9;
	v56 =	vsel vm11, v14, v15  }
0x22f: {  	v57 =	vsel vm11, v46, v43;
	v58 =	vsel vm12, v10, v13;
	vm14 =	vgt.f32 v6, v7  }
0x230: {  	v62 =	vsel vm12, v47, v48;
	v20 =	vsel vm13, v8, v9;
	v63 =	vsel vm14, v6, v7  }
0x231: {  	v24 =	vsel vm13, v49, v45;
	vm15 =	vgt.f32 v58, v56;
	vm9 =	vgt.f32 v63, v20  }
0x232: {  	v25 =	vsel vm14, v44, v50;
	v16 =	vsel vm15, v58, v56;
	v18 =	vsel vm9, v63, v20  }
0x233: {  	v17 =	vsel vm15, v62, v57;
	v26 =	vsel vm9, v25, v24;
	vm10 =	vgt.f32 v18, v16  }
0x234: {  	v51 =	vsel vm10, v26, v17  }
0x235: {  	v17 =	vshll.u32 v51, $0x4  }
0x236: {  	v17 =	vor.u32 v0, v17  }
0x237: {  	v27 =	vand.u32 v35, v17;
	_ =	sdelay $0x3  }
0x238: {  	v55 =	vand.u32 $0xFFFFFFF8, v51;
	[tilespmem:v17+s11+$0x0] =	vst.idx.msk $0xffff, v36  }
0x239: {  	v52 =	vsel vm0, v53, v52;
	v62 =	vsel vm2, v2, v1;
	v56 =	vor.u32 $0x1, v55;
	v19 =	vld.idx.msk [tilespmem:v27+s11+$0x0], $0xffff  }
0x23a: {  	v63 =	vsel vm1, v60, v59;
	v54 =	vor.u32 $0x2, v55;
	v28 =	vshll.u32 v56, $0x4;
	v33 =	vld [tilespmem:$0x10400]  }
0x23b: {  	v57 =	vor.u32 $0x3, v55;
	v29 =	vshll.u32 v54, $0x4;
	v20 =	vor.u32 v0, v28;
	v24 =	vld [tilespmem:$0x10410]  }
0x23c: {  	v58 =	vor.u32 $0x4, v55;
	v30 =	vshll.u32 v57, $0x4;
	v21 =	vor.u32 v0, v29;
	v25 =	vld [tilespmem:$0x10420]  }
0x23d: {  	v59 =	vor.u32 $0x5, v55;
	v31 =	vshll.u32 v58, $0x4;
	v22 =	vor.u32 v0, v30;
	v2 =	vld [tilespmem:$0x10430]  }
0x23e: {  	v53 =	vsel vm3, v61, v3;
	v1 =	vshll.u32 v59, $0x4;
	v32 =	vor.u32 v0, v31;
	v3 =	vld [tilespmem:$0x10440]  }
0x23f: {  	v1 =	vor.u32 v0, v1;
	v29 =	vld [tilespmem:$0x10460]  }
0x240: {  	v20 =	vld.idx.msk [tilespmem:v20+s11+$0x0], $0xffff  }
0x241: {  	v21 =	vld.idx.msk [tilespmem:v21+s11+$0x0], $0xffff  }
0x242: {  	v22 =	vld.idx.msk [tilespmem:v22+s11+$0x0], $0xffff  }
0x243: {  	v60 =	vor.u32 $0x6, v55;
	v17 =	vld.idx.msk [tilespmem:v32+s11+$0x0], $0xffff  }
0x244: {  	v61 =	vor.u32 $0x7, v51;
	v34 =	vshll.u32 v60, $0x4;
	v1 =	vld.idx.msk [tilespmem:v1+s11+$0x0], $0xffff  }
0x245: {  	v26 =	vor.u32 v0, v34;
	v34 =	vimm.s32 $0x0;
	v23 =	vsub.f32 v33, v52  }
0x246: {  	v32 =	vshll.u32 v61, $0x4;
	v24 =	vsub.f32 v24, v52;
	v25 =	vsub.f32 v25, v52  }
0x247: {  	v27 =	vor.u32 v0, v32;
	v32 =	vld [tilespmem:$0x10490];
	v2 =	vsub.f32 v2, v52;
	v3 =	vsub.f32 v3, v52  }
0x248: {  	v33 =	vld [tilespmem:$0x10450];
	v29 =	vsub.f32 v29, v52;
	vm11 =	vgt.f32 v20, v19;
	vm12 =	vgt.f32 v22, v21  }
0x249: {  	vm13 =	vgt.f32 v1, v17;
	v23 =	vmul.f32 $1.442695020e+00, v23;
	v31 =	vmul.f32 $1.442695020e+00, v24;
	v24 =	vld [tilespmem:$0x10480]  }
0x24a: {  	v30 =	vsel vm11, $0xFFFFFFFF, v34;
	v2 =	vmul.f32 $1.442695020e+00, v2;
	v34 =	vld [tilespmem:$0x104A0];
	v3 =	vmul.f32 $1.442695020e+00, v3  }
0x24b: {  	v19 =	vsel vm11, v20, v19;
	[tilespmem:$0x1FF80] =	vst v30;
	v30 =	vld [tilespmem:$0x10470];
	(erf) = vpow2.f32 v23;
	v23 =	vmul.f32 $1.442695020e+00, v25  }
0x24c: {  	v21 =	vsel vm12, v22, v21;
	v1 =	vsel vm13, v1, v17;
	(erf) = vpow2.f32 v31  }
0x24d: {  	vm15 =	vgt.f32 v21, v19;
	v25 =	vsub.f32 v32, v52;
	(erf) = vpow2.f32 v23  }
0x24e: {  	v33 =	vsub.f32 v33, v52;
	v23 =	vmul.f32 $1.442695020e+00, v29;
	(erf) = vpow2.f32 v2;
	v2 =	vld.idx.msk [tilespmem:v26+s11+$0x0], $0xffff  }
0x24f: {  	v29 =	vimm.s32 $0x0;
	v24 =	vsub.f32 v24, v52;
	(erf) = vpow2.f32 v3;
	v3 =	vld.idx.msk [tilespmem:v27+s11+$0x0], $0xffff  }
0x250: {  	v20 =	vmul.f32 $1.442695020e+00, v33;
	v33 =	vsub.f32 v34, v52;
	v30 =	vsub.f32 v30, v52  }
0x251: {  	v34 =	vimm.s32 $0x0;
	v32 =	vmul.f32 $1.442695020e+00, v24;
	v24 =	vsel vm15, v21, v19;
	v21 =	vld [tilespmem:$0x104C0]  }
0x252: {  	v26 =	vsel vm12, $0xFFFFFFFF, v34;
	(erf) = vpow2.f32 v20;
	v20 =	vld [tilespmem:$0x104E0];
	v31 =	vmul.f32 $1.442695020e+00, v30  }
0x253: {  	v27 =	vmul.f32 $1.442695020e+00, v25;
	(erf) = vpow2.f32 v23;
	v23 =	vsel vm13, $0xFFFFFFFF, v29  }
0x254: {  	v30 =	vimm.s32 $0x0;
	(erf) = vpow2.f32 v31;
	vm14 =	vgt.f32 v3, v2  }
0x255: {  	v28 =	vmul.f32 $1.442695020e+00, v33;
	[tilespmem:$0x1FFA0] =	vst v23;
	(erf) = vpow2.f32 v32;
	v23 =	vsel vm14, $0xFFFFFFFF, v30  }
0x256: {  	v31 =	vpop (erf);
	(erf) = vpow2.f32 v27;
	v32 =	vsel vm14, v3, v2;
	v3 =	vsel vm5, v5, v4  }
0x257: {  	v2 =	vimm.s32 $0x0;
	v21 =	vsub.f32 v21, v52;
	v20 =	vsub.f32 v20, v52  }
0x258: {  	(erf) = vpow2.f32 v28;
	v2 =	vsel vm15, $0xFFFFFFFF, v2;
	vm0 =	vgt.f32 v32, v1  }
0x259: {  	v28 =	vimm.s32 $0x0;
	v30 =	vadd.f32 $0.0e+00, v31;
	[tilespmem:$0x1FFC0] =	vst v2;
	v2 =	vimm.s32 $0x0  }
0x25a: {  	v33 =	vpop (erf);
	v25 =	vsel vm0, v32, v1;
	v1 =	vsel vm10, v18, v16;
	v16 =	vshrl.u32 v51, $0x3  }
0x25b: {  	v34 =	vpop (erf);
	v31 =	vadd.f32 $0.0e+00, v33;
	v2 =	vsel vm0, $0xFFFFFFFF, v2;
	vm0 =	vgt.f32 v25, v24  }
0x25c: {  	v27 =	vld [tilespmem:$0x104B0];
	vm7 =	veq.s32 v16, $0x0;
	v4 =	vadd.f32 $0.0e+00, v34;
	vm8 =	veq.s32 v16, $0x1  }
0x25d: {  	[tilespmem:$0x1FF90] =	vst v26;
	v26 =	vpop (erf);
	vm9 =	veq.s32 v16, $0x2;
	vm10 =	veq.s32 v16, $0x3;
	vm11 =	veq.s32 v16, $0x4  }
0x25e: {  	[tilespmem:$0x1FFB0] =	vst v23;
	v23 =	vld [tilespmem:$0x104D0];
	vm12 =	veq.s32 v16, $0x5;
	vm13 =	veq.s32 v16, $0x6;
	vm14 =	veq.s32 v16, $0x7;
	v29 =	vpop (erf)  }
0x25f: {  	[tilespmem:$0x1FFD0] =	vst v2;
	v2 =	vsel vm4, v12, v11;
	v18 =	vsel vm0, $0xFFFFFFFF, v28;
	v5 =	vsel vm0, v25, v24;
	v32 =	vpop (erf)  }
0x260: {  	v12 =	vadd.f32 $0.0e+00, v26;
	v15 =	vsel vm7, v5, v15;
	v11 =	vadd.f32 v29, v30;
	v33 =	vpop (erf)  }
0x261: {  	v17 =	vsub.f32 v27, v52;
	v30 =	vld [tilespmem:$0x104F0];
	v14 =	vsel vm8, v5, v14;
	v13 =	vsel vm9, v5, v13;
	v28 =	vpop (erf)  }
0x262: {  	v10 =	vsel vm10, v5, v10;
	v9 =	vsel vm11, v5, v9;
	v34 =	vadd.f32 v32, v31;
	v32 =	vld [tilespmem:$0x10500];
	v29 =	vpop (erf)  }
0x263: {  	v8 =	vsel vm12, v5, v8;
	v27 =	vsub.f32 v23, v52;
	v23 =	vld [tilespmem:$0x10520];
	v17 =	vmul.f32 $1.442695020e+00, v17;
	v31 =	vpop (erf)  }
0x264: {  	[tilespmem:$0x1FFE0] =	vst v18;
	vm15 =	vgt.f32 v14, v15;
	v4 =	vadd.f32 v33, v4;
	v18 =	vadd.f32 v31, v34;
	v34 =	vld [tilespmem:$0x10510]  }
0x265: {  	v12 =	vadd.f32 v28, v12;
	v28 =	vmul.f32 $1.442695020e+00, v21;
	v21 =	vld [tilespmem:$0x10530];
	(erf) = vpow2.f32 v17;
	v33 =	vpop (erf)  }
0x266: {  	v24 =	vsub.f32 v30, v52;
	v19 =	vadd.f32 v33, v4;
	v4 =	vmul.f32 $1.442695020e+00, v27;
	v33 =	vld [tilespmem:$0x10550]  }
0x267: {  	v22 =	vld [tilespmem:$0x10540];
	v11 =	vadd.f32 v29, v11;
	v29 =	vmul.f32 $1.442695020e+00, v20;
	(erf) = vpow2.f32 v28  }
0x268: {  	v30 =	vsub.f32 v32, v52;
	v31 =	vmul.f32 $1.442695020e+00, v24;
	v24 =	vld [tilespmem:$0x10570];
	(erf) = vpow2.f32 v4  }
0x269: {  	v28 =	vsub.f32 v23, v52;
	v23 =	vld [tilespmem:$0x10560];
	(erf) = vpow2.f32 v29;
	v32 =	vsub.f32 v34, v52  }
0x26a: {  	v21 =	vsub.f32 v21, v52;
	v34 =	vmul.f32 $1.442695020e+00, v30;
	(erf) = vpow2.f32 v31  }
0x26b: {  	v20 =	vld [tilespmem:$0x10580];
	v30 =	vmul.f32 $1.442695020e+00, v28;
	v33 =	vsub.f32 v33, v52;
	v29 =	vmul.f32 $1.442695020e+00, v32  }
0x26c: {  	v31 =	vmul.f32 $1.442695020e+00, v21;
	(erf) = vpow2.f32 v34;
	v32 =	vsub.f32 v22, v52;
	v22 =	vld [tilespmem:$0x10590]  }
0x26d: {  	v34 =	vld [tilespmem:$0x105A0];
	v24 =	vsub.f32 v24, v52;
	v17 =	vmul.f32 $1.442695020e+00, v33;
	(erf) = vpow2.f32 v29  }
0x26e: {  	v28 =	vmul.f32 $1.442695020e+00, v32;
	v29 =	vsub.f32 v23, v52;
	(erf) = vpow2.f32 v30;
	v30 =	vld [tilespmem:$0x105B0]  }
0x26f: {  	v4 =	vsel vm13, v5, v7;
	v5 =	vsel vm14, v5, v6;
	(erf) = vpow2.f32 v31  }
0x270: {  	v20 =	vsub.f32 v20, v52;
	v26 =	vpop (erf);
	v31 =	vmul.f32 $1.442695020e+00, v29;
	(erf) = vpow2.f32 v28  }
0x271: {  	v32 =	vmul.f32 $1.442695020e+00, v24;
	v22 =	vsub.f32 v22, v52;
	(erf) = vpow2.f32 v17;
	v17 =	vpop (erf)  }
0x272: {  	v33 =	vmul.f32 $1.442695020e+00, v20;
	v34 =	vsub.f32 v34, v52;
	(erf) = vpow2.f32 v31;
	v24 =	vpop (erf)  }
0x273: {  	v22 =	vmul.f32 $1.442695020e+00, v22;
	(erf) = vpow2.f32 v32;
	v21 =	vpop (erf);
	v23 =	vsub.f32 v30, v52  }
0x274: {  	v6 =	vsel vm15, v14, v15;
	v14 =	vld [tilespmem:$0x10600];
	v27 =	vmul.f32 $1.442695020e+00, v34;
	(erf) = vpow2.f32 v33;
	v25 =	vpop (erf)  }
0x275: {  	v31 =	vadd.f32 v26, v12;
	(erf) = vpow2.f32 v22;
	v28 =	vpop (erf);
	v29 =	vmul.f32 $1.442695020e+00, v23  }
0x276: {  	v33 =	vadd.f32 v24, v18;
	v24 =	vadd.f32 v21, v19;
	v21 =	vld [tilespmem:$0x106D0];
	(erf) = vpow2.f32 v27;
	v30 =	vpop (erf)  }
0x277: {  	v11 =	vadd.f32 v17, v11;
	v26 =	vld [tilespmem:$0x105C0];
	v32 =	vpop (erf);
	(erf) = vpow2.f32 v29  }
0x278: {  	v7 =	vadd.f32 v25, v31;
	v31 =	vld [tilespmem:$0x105E0];
	v34 =	vpop (erf)  }
0x279: {  	v14 =	vsub.f32 v14, v52;
	v11 =	vadd.f32 v28, v11;
	v28 =	vld [tilespmem:$0x105D0];
	v25 =	vpop (erf)  }
0x27a: {  	vm5 =	vgt.f32 v10, v13;
	v16 =	vadd.f32 v30, v33;
	v12 =	vadd.f32 v32, v24;
	v27 =	vpop (erf)  }
0x27b: {  	vm4 =	vgt.f32 v8, v9;
	v29 =	vadd.f32 v34, v7;
	v21 =	vsub.f32 v21, v52;
	v30 =	vpop (erf)  }
0x27c: {  	v8 =	vsel vm4, v8, v9;
	v19 =	vld [tilespmem:$0x105F0];
	v11 =	vadd.f32 v25, v11;
	v25 =	vsub.f32 v26, v52;
	v32 =	vpop (erf)  }
0x27d: {  	v14 =	vmul.f32 $1.442695020e+00, v14;
	v26 =	vld [tilespmem:$0x10610];
	v17 =	vsub.f32 v31, v52;
	v16 =	vadd.f32 v27, v16;
	v23 =	vpop (erf)  }
0x27e: {  	v7 =	vsel vm5, v10, v13;
	v31 =	vld [tilespmem:$0x10630];
	v28 =	vsub.f32 v28, v52;
	v33 =	vadd.f32 v30, v12;
	v24 =	vpop (erf)  }
0x27f: {  	v21 =	vmul.f32 $1.442695020e+00, v21;
	v15 =	vmul.f32 $1.442695020e+00, v25;
	v34 =	vadd.f32 v32, v29;
	v29 =	vld [tilespmem:$0x10620];
	v27 =	vpop (erf)  }
0x280: {  	v11 =	vadd.f32 v23, v11;
	v23 =	vmul.f32 $1.442695020e+00, v17;
	v17 =	vld [tilespmem:$0x106F0];
	v10 =	vadd.f32 v27, v33;
	v30 =	vpop (erf)  }
0x281: {  	v32 =	vmul.f32 $1.442695020e+00, v28;
	v33 =	vsub.f32 v19, v52;
	v12 =	vadd.f32 v30, v34;
	v34 =	vld [tilespmem:$0x10640]  }
0x282: {  	(erf) = vpow2.f32 v15;
	v9 =	vadd.f32 v24, v16;
	v24 =	vld [tilespmem:$0x10650];
	v26 =	vsub.f32 v26, v52  }
0x283: {  	(erf) = vpow2.f32 v32;
	v27 =	vld [tilespmem:$0x10660];
	v30 =	vsub.f32 v31, v52;
	v25 =	vmul.f32 $1.442695020e+00, v33  }
0x284: {  	v20 =	vld [tilespmem:$0x10670];
	(erf) = vpow2.f32 v23;
	v28 =	vsub.f32 v29, v52;
	v29 =	vmul.f32 $1.442695020e+00, v26  }
0x285: {  	vm3 =	vgt.f32 v5, v4;
	v31 =	vld [tilespmem:$0x10680];
	v23 =	vmul.f32 $1.442695020e+00, v30;
	(erf) = vpow2.f32 v25  }
0x286: {  	v19 =	vld [tilespmem:$0x106E0];
	v32 =	vmul.f32 $1.442695020e+00, v28;
	(erf) = vpow2.f32 v14;
	v33 =	vsub.f32 v34, v52  }
0x287: {  	v17 =	vsub.f32 v17, v52;
	v24 =	vsub.f32 v24, v52;
	v34 =	vld [tilespmem:$0x10690];
	(erf) = vpow2.f32 v29  }
0x288: {  	v25 =	vld [tilespmem:$0x106A0];
	v27 =	vsub.f32 v27, v52;
	(erf) = vpow2.f32 v32;
	v26 =	vmul.f32 $1.442695020e+00, v33  }
0x289: {  	v18 =	vld [tilespmem:$0x106B0];
	v28 =	vmul.f32 $1.442695020e+00, v24;
	v29 =	vsub.f32 v20, v52;
	(erf) = vpow2.f32 v23  }
0x28a: {  	v20 =	vld [tilespmem:$0x106C0];
	v31 =	vsub.f32 v31, v52;
	v30 =	vmul.f32 $1.442695020e+00, v27;
	(erf) = vpow2.f32 v26  }
0x28b: {  	v19 =	vsub.f32 v19, v52;
	v32 =	vmul.f32 $1.442695020e+00, v29;
	(erf) = vpow2.f32 v28  }
0x28c: {  	v22 =	vpop (erf);
	v33 =	vsub.f32 v34, v52;
	v34 =	vmul.f32 $1.442695020e+00, v31;
	(erf) = vpow2.f32 v30  }
0x28d: {  	v17 =	vmul.f32 $1.442695020e+00, v17;
	v23 =	vpop (erf);
	v28 =	vsub.f32 v25, v52;
	(erf) = vpow2.f32 v32  }
0x28e: {  	v24 =	vpop (erf);
	v30 =	vsub.f32 v18, v52;
	v29 =	vmul.f32 $1.442695020e+00, v33;
	(erf) = vpow2.f32 v34;
	v34 =	vld [tilespmem:$0x10710]  }
0x28f: {  	v19 =	vmul.f32 $1.442695020e+00, v19;
	v31 =	vld [tilespmem:$0x10700];
	v25 =	vpop (erf);
	v32 =	vmul.f32 $1.442695020e+00, v28;
	v33 =	vsub.f32 v20, v52  }
0x290: {  	v4 =	vsel vm3, v5, v4;
	v26 =	vpop (erf);
	v16 =	vmul.f32 $1.442695020e+00, v30;
	(erf) = vpow2.f32 v29  }
0x291: {  	v11 =	vadd.f32 v22, v11;
	v27 =	vpop (erf);
	v15 =	vmul.f32 $1.442695020e+00, v33;
	(erf) = vpow2.f32 v32  }
0x292: {  	v9 =	vadd.f32 v23, v9;
	v10 =	vadd.f32 v24, v10;
	v28 =	vpop (erf);
	(erf) = vpow2.f32 v16  }
0x293: {  	v12 =	vadd.f32 v25, v12;
	v29 =	vpop (erf);
	(erf) = vpow2.f32 v15;
	v20 =	vsub.f32 v34, v52  }
0x294: {  	v11 =	vadd.f32 v26, v11;
	v18 =	vsub.f32 v31, v52;
	(erf) = vpow2.f32 v21;
	v30 =	vpop (erf)  }
0x295: {  	v24 =	vld [tilespmem:$0x10720];
	v10 =	vadd.f32 v28, v10;
	(erf) = vpow2.f32 v19;
	v31 =	vpop (erf);
	v20 =	vmul.f32 $1.442695020e+00, v20  }
0x296: {  	v18 =	vmul.f32 $1.442695020e+00, v18;
	v12 =	vadd.f32 v29, v12;
	v29 =	vld [tilespmem:$0x10740];
	(erf) = vpow2.f32 v17;
	v32 =	vpop (erf)  }
0x297: {  	vm1 =	vgt.f32 v4, v8;
	v26 =	vld [tilespmem:$0x10730];
	v9 =	vadd.f32 v27, v9;
	v33 =	vpop (erf)  }
0x298: {  	v21 =	vadd.f32 v30, v11;
	(erf) = vpow2.f32 v18;
	v10 =	vadd.f32 v32, v10;
	v32 =	vld [tilespmem:$0x10750];
	v34 =	vpop (erf)  }
0x299: {  	v4 =	vsel vm1, v4, v8;
	v9 =	vadd.f32 v31, v9;
	(erf) = vpow2.f32 v20;
	v20 =	vpop (erf)  }
0x29a: {  	vm2 =	vgt.f32 v7, v6;
	v12 =	vadd.f32 v33, v12;
	v5 =	vadd.f32 v34, v21;
	v34 =	vld [tilespmem:$0x10760];
	v23 =	vpop (erf)  }
0x29b: {  	v6 =	vsel vm2, v7, v6;
	v22 =	vld [tilespmem:$0x10770];
	v13 =	vsub.f32 v29, v52;
	v21 =	vsub.f32 v24, v52;
	v25 =	vpop (erf)  }
0x29c: {  	vm0 =	vgt.f32 v4, v6;
	v24 =	vsub.f32 v26, v52;
	v27 =	vadd.f32 v20, v9;
	v28 =	vpop (erf)  }
0x29d: {  	v4 =	vsel vm0, v4, v6;
	v10 =	vadd.f32 v23, v10;
	v29 =	vsub.f32 v32, v52;
	v31 =	vpop (erf)  }
0x29e: {  	v30 =	vadd.f32 v25, v12;
	v25 =	vld [tilespmem:$0x10780];
	v12 =	vmul.f32 $1.442695020e+00, v21;
	v5 =	vadd.f32 v28, v5;
	v33 =	vpop (erf)  }
0x29f: {  	v28 =	vmul.f32 $1.442695020e+00, v24;
	v9 =	vsub.f32 v34, v52;
	v7 =	vadd.f32 v31, v27;
	v27 =	vld [tilespmem:$0x10790];
	v20 =	vpop (erf)  }
0x2a0: {  	v34 =	vsub.f32 v22, v52;
	v31 =	vmul.f32 $1.442695020e+00, v13;
	v6 =	vadd.f32 v20, v30;
	v30 =	vld [tilespmem:$0x107A0]  }
0x2a1: {  	v32 =	vld [tilespmem:$0x107B0];
	v8 =	vadd.f32 v33, v10;
	(erf) = vpow2.f32 v12;
	v33 =	vmul.f32 $1.442695020e+00, v29;
	v23 =	vpop (erf)  }
0x2a2: {  	v9 =	vmul.f32 $1.442695020e+00, v9;
	(erf) = vpow2.f32 v28;
	v20 =	vld [tilespmem:$0x107C0];
	v5 =	vadd.f32 v23, v5  }
0x2a3: {  	v22 =	vld [tilespmem:$0x107D0];
	v26 =	vpop (erf);
	(erf) = vpow2.f32 v31;
	v21 =	vsub.f32 v25, v52;
	v23 =	vmul.f32 $1.442695020e+00, v34  }
0x2a4: {  	v25 =	vld [tilespmem:$0x107E0];
	v7 =	vadd.f32 v26, v7;
	(erf) = vpow2.f32 v33;
	v24 =	vsub.f32 v27, v52  }
0x2a5: {  	v28 =	vld [tilespmem:$0x107F0];
	(erf) = vpow2.f32 v9;
	v26 =	vmul.f32 $1.442695020e+00, v21;
	v27 =	vsub.f32 v30, v52  }
0x2a6: {  	(erf) = vpow2.f32 v23;
	v29 =	vmul.f32 $1.442695020e+00, v24;
	v30 =	vsub.f32 v32, v52  }
0x2a7: {  	(erf) = vpow2.f32 v26;
	v32 =	vsub.f32 v20, v52;
	v31 =	vmul.f32 $1.442695020e+00, v27  }
0x2a8: {  	v34 =	vsub.f32 v22, v52;
	(erf) = vpow2.f32 v29;
	v33 =	vmul.f32 $1.442695020e+00, v30  }
0x2a9: {  	v18 =	vsub.f32 v25, v52;
	v16 =	vmul.f32 $1.442695020e+00, v32;
	(erf) = vpow2.f32 v31  }
0x2aa: {  	v19 =	vmul.f32 $1.442695020e+00, v34;
	v20 =	vsub.f32 v28, v52;
	v13 =	vpop (erf);
	(erf) = vpow2.f32 v33  }
0x2ab: {  	v22 =	vsub.f32 v52, v52;
	v21 =	vmul.f32 $1.442695020e+00, v18;
	v14 =	vpop (erf);
	(erf) = vpow2.f32 v16  }
0x2ac: {  	v24 =	vsub.f32 v63, v52;
	v23 =	vmul.f32 $1.442695020e+00, v20;
	v15 =	vpop (erf);
	(erf) = vpow2.f32 v19  }
0x2ad: {  	v26 =	vsub.f32 v62, v52;
	v25 =	vmul.f32 $1.442695020e+00, v22;
	v16 =	vpop (erf);
	(erf) = vpow2.f32 v21  }
0x2ae: {  	v28 =	vsub.f32 v53, v52;
	v27 =	vmul.f32 $1.442695020e+00, v24;
	v17 =	vpop (erf);
	(erf) = vpow2.f32 v23  }
0x2af: {  	v29 =	vmul.f32 $1.442695020e+00, v26;
	v30 =	vsub.f32 v3, v52;
	v18 =	vpop (erf);
	(erf) = vpow2.f32 v25  }
0x2b0: {  	v32 =	vsub.f32 v2, v52;
	v31 =	vmul.f32 $1.442695020e+00, v28;
	v19 =	vpop (erf);
	(erf) = vpow2.f32 v27  }
0x2b1: {  	v34 =	vsub.f32 v1, v52;
	v33 =	vmul.f32 $1.442695020e+00, v30;
	v20 =	vpop (erf);
	(erf) = vpow2.f32 v29  }
0x2b2: {  	v26 =	vsub.f32 v4, v52;
	v25 =	vmul.f32 $1.442695020e+00, v32;
	v24 =	vpop (erf);
	(erf) = vpow2.f32 v31  }
0x2b3: {  	v8 =	vadd.f32 v13, v8;
	v28 =	vmul.f32 $1.442695020e+00, v34;
	v27 =	vpop (erf);
	(erf) = vpow2.f32 v33  }
0x2b4: {  	v6 =	vadd.f32 v14, v6;
	v30 =	vmul.f32 $1.442695020e+00, v26;
	v29 =	vpop (erf);
	(erf) = vpow2.f32 v25  }
0x2b5: {  	v5 =	vadd.f32 v15, v5;
	v7 =	vadd.f32 v16, v7;
	v31 =	vpop (erf);
	(erf) = vpow2.f32 v28  }
0x2b6: {  	v8 =	vadd.f32 v17, v8;
	v6 =	vadd.f32 v18, v6;
	v32 =	vpop (erf);
	(erf) = vpow2.f32 v30  }
0x2b7: {  	v5 =	vadd.f32 v19, v5;
	v7 =	vadd.f32 v20, v7;
	v33 =	vpop (erf)  }
0x2b8: {  	v8 =	vadd.f32 v24, v8;
	v6 =	vadd.f32 v27, v6;
	v34 =	vpop (erf)  }
0x2b9: {  	v5 =	vadd.f32 v29, v5;
	v7 =	vadd.f32 v31, v7;
	v20 =	vpop (erf)  }
0x2ba: {  	v8 =	vadd.f32 v32, v8;
	v6 =	vadd.f32 v33, v6;
	v21 =	vpop (erf)  }
0x2bb: {  	v22 =	vpop (erf)  }
0x2bc: {  	v5 =	vadd.f32 v7, v5;
	v6 =	vadd.f32 v6, v8;
	v23 =	vpop (erf)  }
0x2bd: {  	v25 =	vadd.f32 v20, v34;
	v26 =	vadd.f32 v22, v21;
	v24 =	vpop (erf)  }
0x2be: {  	v27 =	vpop (erf)  }
0x2bf: {  	v5 =	vadd.f32 v6, v5;
	v8 =	vadd.f32 v26, v25;
	v28 =	vpop (erf)  }
0x2c0: {  	v29 =	vadd.f32 v24, v23;
	v30 =	vadd.f32 v28, v27;
	_ =	sdelay $0x1  }
0x2c1: {  	v5 =	vadd.f32 v5, v8;
	v31 =	vadd.f32 v30, v29;
	_ =	sdelay $0x1  }
0x2c2: {  	v5 =	vadd.f32 v5, v31;
	_ =	sdelay $0x1  }
0x2c3: {  	(erf) = vrcp.f32 v5;
	_ =	sdelay $0x8  }
0x2c4: {  	v5 =	vpop (erf)  }
0x2c5: {  	v32 =	vmul.f32 v5, v34;
	v12 =	vmul.f32 v5, v20  }
0x2c6: {  	v11 =	vmul.f32 v5, v21;
	v10 =	vmul.f32 v5, v23  }
0x2c7: {  	v7 =	vmul.f32 v5, v24;
	v13 =	vmul.f32 v5, v27  }
0x2c8: {  	v9 =	vmul.f32 v5, v22;
	v5 =	vmul.f32 v5, v28  }
0x2c9: {  	v33 =	vadd.f32 v10, v32;
	v34 =	vadd.f32 v7, v12  }
0x2ca: {  	v15 =	vadd.f32 v13, v11;
	v20 =	vadd.f32 v5, v9  }
0x2cb: {  	v21 =	vadd.f32 v63, v52  }
0x2cc: {  	v6 =	vadd.f32 v15, v33;
	v14 =	vadd.f32 v20, v34;
	_ =	sdelay $0x1  }
0x2cd: {  	v22 =	vadd.f32 v62, v21;
	v6 =	vadd.f32 v14, v6;
	_ =	sdelay $0x1  }
0x2ce: {  	v23 =	vadd.f32 v53, v22;
	v6 =	vadd.f32 $9.999999930e-09, v6;
	_ =	sdelay $0x1  }
0x2cf: {  	v14 =	vadd.f32 v3, v23;
	(erf) = vrcp.f32 v6  }
0x2d0: {  	v28 =	vld [tilespmem:$0x1FF70]  }
0x2d1: {  	v24 =	vadd.f32 v2, v14  }
0x2d2: {  	v25 =	vadd.f32 v4, v53;
	v15 =	vadd.f32 v1, v62  }
0x2d3: {  	v14 =	vadd.f32 v2, v63;
	v6 =	vadd.f32 v1, v24  }
0x2d4: {  	v19 =	vadd.f32 v2, v52;
	v27 =	vadd.f32 v15, v3  }
0x2d5: {  	v20 =	vshll.u32 v28, $0x3;
	v26 =	vadd.f32 v25, v14;
	v6 =	vadd.f32 v4, v6  }
0x2d6: {  	v16 =	vadd.f32 v25, v19;
	v21 =	vadd.f32 v1, v63  }
0x2d7: {  	v17 =	vadd.f32 v26, v27;
	v29 =	vsub.f32 v6, v52  }
0x2d8: {  	v30 =	vor.u32 $0x1, v20;
	v18 =	vadd.f32 v16, v27;
	v24 =	vadd.f32 v4, v62;
	v22 =	vpop (erf)  }
0x2d9: {  	v31 =	vsub.f32 v6, v63;
	v17 =	vsub.f32 v17, v29;
	v8 =	vmul.f32 v22, v32  }
0x2da: {  	v33 =	vor.u32 $0x2, v20;
	[tilespmem:v20+s12+$0x0] =	vst.idx.msk $0xffff, v37;
	v27 =	vld [tilespmem:$0x1FF80];
	v34 =	vsub.f32 v6, v62;
	v62 =	vadd.f32 v24, v19  }
0x2db: {  	v28 =	vsub.f32 v6, v53;
	v17 =	vmax.f32 v17, $0.0e+00;
	v32 =	vadd.f32 v21, v3;
	[tilespmem:v20+s13+$0x0] =	vst.idx.msk $0xffff, v8  }
0x2dc: {  	v18 =	vsub.f32 v18, v31;
	v12 =	vmul.f32 v22, v12;
	[tilespmem:v20+s14+$0x0] =	vst.idx.msk $0xffff, v17  }
0x2dd: {  	v63 =	vor.u32 $0x3, v20;
	v2 =	vsub.f32 v6, v2;
	v16 =	vadd.f32 v16, v32;
	[tilespmem:v30+s12+$0x0] =	vst.idx.msk $0xffff, v38  }
0x2de: {  	v1 =	vsub.f32 v6, v1;
	v4 =	vsub.f32 v6, v4;
	v37 =	vmax.f32 v18, $0.0e+00;
	[tilespmem:v30+s13+$0x0] =	vst.idx.msk $0xffff, v12  }
0x2df: {  	v29 =	vld [tilespmem:$0x1FF90];
	vm6 =	vnez.u8 v27;
	v11 =	vmul.f32 v22, v11;
	v38 =	vsub.f32 v16, v34;
	[tilespmem:v30+s14+$0x0] =	vst.idx.msk $0xffff, v37  }
0x2e0: {  	v18 =	vsel vm6, v56, v55;
	v56 =	vor.u32 $0x5, v20;
	v9 =	vmul.f32 v22, v9;
	[tilespmem:v33+s12+$0x0] =	vst.idx.msk $0xffff, v39  }
0x2e1: {  	v19 =	vadd.f32 v62, v32;
	v32 =	vadd.f32 v21, v53;
	v12 =	vmax.f32 v38, $0.0e+00;
	v30 =	vld [tilespmem:$0x1FFA0];
	[tilespmem:v33+s13+$0x0] =	vst.idx.msk $0xffff, v11  }
0x2e2: {  	v37 =	vor.u32 $0x4, v20;
	v38 =	vsub.f32 v6, v3;
	v3 =	vadd.f32 v3, v52;
	[tilespmem:v33+s14+$0x0] =	vst.idx.msk $0xffff, v12;
	v33 =	vld [tilespmem:$0x1FFB0]  }
0x2e3: {  	v10 =	vmul.f32 v22, v10;
	v7 =	vmul.f32 v22, v7;
	v31 =	vsub.f32 v19, v28;
	v34 =	vld [tilespmem:$0x1FFC0]  }
0x2e4: {  	vm6 =	vnez.u8 v29;
	v16 =	vadd.f32 v62, v32;
	v39 =	vld [tilespmem:$0x1FFD0];
	v55 =	vadd.f32 v24, v3;
	[tilespmem:v63+s12+$0x0] =	vst.idx.msk $0xffff, v40  }
0x2e5: {  	v23 =	vsel vm6, v57, v54;
	v8 =	vmax.f32 v31, $0.0e+00;
	v52 =	vadd.f32 v14, v53;
	v40 =	vld [tilespmem:$0x1FFE0];
	[tilespmem:v63+s13+$0x0] =	vst.idx.msk $0xffff, v9  }
0x2e6: {  	v11 =	vadd.f32 v55, v32;
	vm6 =	vnez.u8 v30;
	v9 =	vsub.f32 v16, v38;
	[tilespmem:v63+s14+$0x0] =	vst.idx.msk $0xffff, v8  }
0x2e7: {  	v17 =	vadd.f32 v55, v52;
	v25 =	vsel vm6, v59, v58;
	[tilespmem:v37+s12+$0x0] =	vst.idx.msk $0xffff, v41;
	vm6 =	vnez.u8 v33  }
0x2e8: {  	v9 =	vmax.f32 v9, $0.0e+00;
	[tilespmem:v37+s13+$0x0] =	vst.idx.msk $0xffff, v10;
	v12 =	vsel vm6, v61, v60;
	vm6 =	vnez.u8 v34  }
0x2e9: {  	v2 =	vsub.f32 v11, v2;
	[tilespmem:v37+s14+$0x0] =	vst.idx.msk $0xffff, v9;
	v18 =	vsel vm6, v23, v18;
	vm6 =	vnez.u8 v39  }
0x2ea: {  	v1 =	vsub.f32 v17, v1;
	[tilespmem:v56+s12+$0x0] =	vst.idx.msk $0xffff, v42;
	v12 =	vsel vm6, v12, v25;
	vm6 =	vnez.u8 v40  }
0x2eb: {  	v2 =	vmax.f32 v2, $0.0e+00;
	v61 =	vor.u32 $0x6, v20;
	[tilespmem:v56+s13+$0x0] =	vst.idx.msk $0xffff, v7;
	v8 =	vsel vm6, v12, v18  }
0x2ec: {  	v63 =	vor.u32 $0x7, v20;
	[tilespmem:v56+s14+$0x0] =	vst.idx.msk $0xffff, v2;
	v2 =	vadd.f32 v15, v3;
	v3 =	vmul.f32 v22, v13  }
0x2ed: {  	v53 =	vsel vm7, v8, v43;
	v54 =	vsel vm8, v8, v46;
	v18 =	vsel vm9, v8, v48  }
0x2ee: {  	v57 =	vsel vm10, v8, v47;
	v58 =	vsel vm11, v8, v45;
	v59 =	vsel vm12, v8, v49  }
0x2ef: {  	v60 =	vsel vm13, v8, v50;
	v8 =	vsel vm14, v8, v44;
	v14 =	vsel vm15, v54, v53  }
0x2f0: {  	v62 =	vsel vm5, v57, v18;
	v10 =	vsel vm4, v59, v58;
	[tilespmem:v61+s12+$0x0] =	vst.idx.msk $0xffff, v51  }
0x2f1: {  	p0 =	sne.s32 s16, $0x3F0;
	v1 =	vmax.f32 v1, $0.0e+00;
	v8 =	vsel vm3, v8, v60;
	v2 =	vadd.f32 v2, v52;
	[tilespmem:v61+s13+$0x0] =	vst.idx.msk $0xffff, v3  }
.Ltmp0:
0x2f2: {  	v3 =	vsel vm1, v8, v10;
	[tilespmem:v61+s14+$0x0] =	vst.idx.msk $0xffff, v1;
	v1 =	vsel vm2, v62, v14;
	(pc) =	sbr.rel @p0 .LBB2_2-.Ltmp0, $4  }
0x2f3: {  	v2 =	vsub.f32 v2, v4;
	v1 =	vsel vm0, v3, v1;
	v3 =	vmul.f32 v22, v5  }
0x2f4: {  	[tilespmem:v63+s12+$0x0] =	vst.idx.msk $0xffff, v1  }
0x2f5: {  	v1 =	vmax.f32 v2, $0.0e+00;
	[tilespmem:v63+s13+$0x0] =	vst.idx.msk $0xffff, v3  }
0x2f6: {  	s16 =	sadd.s32 $0x10, s16;
	[tilespmem:v63+s14+$0x0] =	vst.idx.msk $0xffff, v1  }
0x2f7: {  	[hbm4b:s5+s3] =	stream.linear.scatter [tilespmem:s12], [sflag:$0x1], $0x2000, $0x38;
	[tilespmem:$0x16800] =	vst v63  }
0x2f8: {  	_ =	swait.ge [sflag:s9], $0x2000  }
0x2f9: {  	[sflag:s9] =	ssyncset.done $0x0  }
0x2fa: {  	[sflag:s9] =	ssyncadd.s32 $0xFFFFE000  }
0x2fb: {  	[hbm4b:s6+s3] =	stream.linear.scatter [tilespmem:s13], [sflag:$0x1], $0x2000, $0x38;
	[tilespmem:$0x16800] =	vst v63  }
0x2fc: {  	s15 =	sadd.s32 $0x1, s15;
	_ =	swait.ge [sflag:s9], $0x2000  }
0x2fd: {  	p0 =	sne.s32 s15, s8;
	[sflag:s9] =	ssyncset.done $0x0  }
.Ltmp1:
0x2fe: {  	[sflag:s9] =	ssyncadd.s32 $0xFFFFE000;
	(pc) =	sbr.rel @p0 .LBB2_1-.Ltmp1, $4  }
0x2ff: {  	[hbm4b:s7+s3] =	stream.linear.scatter [tilespmem:s14], [sflag:$0x1], $0x2000, $0x38;
	[tilespmem:$0x16800] =	vst v63  }
0x300: {  	_ =	swait.ge [sflag:s9], $0x2000  }
0x301: {  	[sflag:s9] =	ssyncset.done $0x0  }
0x302: {  	[sflag:s9] =	ssyncadd.s32 $0xFFFFE000  }
0x303: {  	_ =	sfence.sel $0x180000  }
0x304: {  	[bflag:$0x0] =	sbarrier.arrive $0xFFFF  }
0x305: {  	p0 =	sne.s32 s2, $0x0;
	_ =	strace $0x90000047  }
0x306: {  	s0 =	sadd.s32 @!p0 $0x100000, s1;
	[bflag:$0x2] =	sbarrier.arrive $0xFFFF  }
0x307: {  	[sflag:s0] =	ssyncadd.tile.s32 @!p0 $0x1;
	_ =	shalt  }
.Lfunc_end2:
_tile_overlayer_lowered:
.L_overlay_start_2:
0x308: {  	(tag) =	ssettag $0x2  }
0x309: {  	s0 =	rddreg [dreg:$0x0];
	s2 =	stileid.u32  }
0x30a: {  	s1 =	rddreg [dreg:$0x1];
	p0 =	sne.s32 s2, $0x0  }
0x30b: {  	s3 =	rddreg [dreg:$0x2];
	[bflag:$0x3] =	sbarrier.arrive $0xFFFF;
	s2 =	simm.s32 @!p0 $0x1C01  }
0x30c: {  	[timem:s3], [sflag:s2] =	dma.local @!p0 [hbm:s0], s1  }
0x30d: {  	s0 =	simm.s32 @!p0 $0x1  }
0x30e: {  	_ =	swait.ge @!p0 [sflag:s0], s1  }
0x30f: {  	s1 =	ssub.s32 @!p0 $0x0, s1;
	[sflag:s0] =	ssyncset.done @!p0 $0x0  }
0x310: {  	[sflag:s0] =	ssyncadd.s32 @!p0 s1  }
0x311: {  	[bflag:$0x3] =	sbarrier.arrive $0xFFFF  }
0x312: {  	_ =	shalt  }

</sc_bundles>
